<compile_context>
chip_gen: v7x
topology: tpu7x:2x2x1
jax: 0.10.2.dev20260603
libtpu: 0.0.44.dev20260713+nightly
codegen_flags: <defaults>
</compile_context>

<pallas_src>
import functools

import jax
import jax.numpy as jnp
from jax import lax
from jax.experimental import pallas as pl
from jax.experimental.pallas import tpu as pltpu
from jax.experimental.pallas import tpu_sc as plsc

_GRID = 256
_N = 2097152
_NC = 2
_NS = 16
_NW = _NC * _NS
_PW = _N // _NW
_C = 1024
_NCHUNK = _PW // _C
_NPAIR = _NCHUNK // 2
_NB = _N // 128
_CB = _C // 128
_RMAX = (1 << 23) - 49


def _sc_body(pos_hbm, table_hbm, col_hbm, dens_hbm, *refs):
    slots = (refs[0:11], refs[11:22])
    colorb, densb = refs[22], refs[23]
    sems = (refs[24], refs[25])
    wid = lax.axis_index("s") * _NC + lax.axis_index("c")
    iota = lax.iota(jnp.int32, 16)

    def do_prep(k, s):
        posb = slots[s][0]
        i0, i1, i2, i3 = slots[s][1:5]
        zrb, c01b = slots[s][5], slots[s][6]
        m0 = wid * (_PW // 128) + k * _CB
        pltpu.sync_copy(pos_hbm.at[pl.ds(3 * m0, 3 * _CB)], posb)

        def idx_body(i, carry2):
            off = pl.multiple_of(i * 16, 16)
            p = off + iota
            m3 = (p >> 7) * 3
            col = p & 127
            xv = plsc.load_gather(posb, [m3, col])
            yv = plsc.load_gather(posb, [m3 + 1, col])
            zv = plsc.load_gather(posb, [m3 + 2, col])
            ix = (xv * 256.0 + 128.0).astype(jnp.int32)
            iy = (yv * 256.0 + 128.0).astype(jnp.int32)
            iz = (zv * 256.0 + 128.0).astype(jnp.int32)
            cond = ((jnp.abs(xv) < 0.5) & (jnp.abs(yv) < 0.5)
                    & (jnp.abs(zv) < 0.5))
            z3 = iz >> 3
            base = ((ix << 15) + (iy << 7)
                    + (((z3 >> 4) & 1) << 6) + (z3 & 15))
            base = jnp.clip(base, 0, _RMAX)
            i0[pl.ds(off, 16)] = base
            i1[pl.ds(off, 16)] = base + 16
            i2[pl.ds(off, 16)] = base + 32
            i3[pl.ds(off, 16)] = base + 48
            zrb[pl.ds(off, 16)] = iz & 7
            c01b[pl.ds(off, 16)] = jnp.where(cond, 1.0, 0.0)
            return carry2

        lax.fori_loop(0, _C // 16, idx_body, 0, unroll=4)
        pltpu.async_copy(table_hbm.at[i0], slots[s][7], sems[s])
        pltpu.async_copy(table_hbm.at[i1], slots[s][8], sems[s])
        pltpu.async_copy(table_hbm.at[i2], slots[s][9], sems[s])
        pltpu.async_copy(table_hbm.at[i3], slots[s][10], sems[s])

    def do_finish(k, s):
        i0, i1, i2, i3 = slots[s][1:5]
        zrb, c01b = slots[s][5], slots[s][6]
        r0, r1, r2, r3 = slots[s][7], slots[s][8], slots[s][9], slots[s][10]
        m0 = wid * (_PW // 128) + k * _CB
        pltpu.make_async_copy(table_hbm.at[i0], r0, sems[s]).wait()
        pltpu.make_async_copy(table_hbm.at[i1], r1, sems[s]).wait()
        pltpu.make_async_copy(table_hbm.at[i2], r2, sems[s]).wait()
        pltpu.make_async_copy(table_hbm.at[i3], r3, sems[s]).wait()

        def out_body(i, carry2):
            off = pl.multiple_of(i * 16, 16)
            p = off + iota
            c01 = c01b[pl.ds(off, 16)]
            zr = zrb[pl.ds(off, 16)]
            g0 = plsc.load_gather(r0, [p, zr]) * c01
            g1 = plsc.load_gather(r1, [p, zr]) * c01
            g2 = plsc.load_gather(r2, [p, zr]) * c01
            g3 = plsc.load_gather(r3, [p, zr]) * c01
            s0 = 1.0 / (1.0 + jnp.exp(-g0))
            s1 = 1.0 / (1.0 + jnp.exp(-g1))
            s2 = 1.0 / (1.0 + jnp.exp(-g2))
            d = jnp.maximum(g3, 0.0)
            crow = (p >> 7) << 2
            col = p & 127
            plsc.store_scatter(colorb, [crow, col], s0)
            plsc.store_scatter(colorb, [crow + 1, col], s1)
            plsc.store_scatter(colorb, [crow + 2, col], s2)
            plsc.store_scatter(densb, [p >> 7, col], d)
            return carry2

        lax.fori_loop(0, _C // 16, out_body, 0, unroll=4)
        pltpu.sync_copy(colorb, col_hbm.at[pl.ds(4 * m0, 4 * _CB)])
        pltpu.sync_copy(densb, dens_hbm.at[pl.ds(m0, _CB)])

    do_prep(0, 0)

    def pair_body(j, carry):
        k0 = 2 * j
        do_prep(k0 + 1, 1)
        do_finish(k0, 0)

        @pl.when(j < _NPAIR - 1)
        def _():
            do_prep(k0 + 2, 0)

        do_finish(k0 + 1, 1)
        return carry

    lax.fori_loop(0, _NPAIR, pair_body, 0)


def _slot_scratch():
    return [
        pltpu.VMEM((3 * _CB, 128), jnp.float32),
        pltpu.VMEM((_C,), jnp.int32),
        pltpu.VMEM((_C,), jnp.int32),
        pltpu.VMEM((_C,), jnp.int32),
        pltpu.VMEM((_C,), jnp.int32),
        pltpu.VMEM((_C,), jnp.int32),
        pltpu.VMEM((_C,), jnp.float32),
        pltpu.VMEM((_C, 8), jnp.float32),
        pltpu.VMEM((_C, 8), jnp.float32),
        pltpu.VMEM((_C, 8), jnp.float32),
        pltpu.VMEM((_C, 8), jnp.float32),
    ]


_nerf_voxel_sc = functools.partial(
    pl.kernel,
    out_type=(
        jax.ShapeDtypeStruct((4 * _NB, 128), jnp.float32),
        jax.ShapeDtypeStruct((_NB, 128), jnp.float32),
    ),
    mesh=plsc.VectorSubcoreMesh(core_axis_name="c", subcore_axis_name="s"),
    compiler_params=pltpu.CompilerParams(
        needs_layout_passes=False, use_tc_tiling_on_sc=False),
    scratch_types=(
        _slot_scratch() + _slot_scratch() + [
            pltpu.VMEM((4 * _CB, 128), jnp.float32),
            pltpu.VMEM((_CB, 128), jnp.float32),
            pltpu.SemaphoreType.DMA,
            pltpu.SemaphoreType.DMA,
        ]
    ),
)(_sc_body)


@jax.jit
def kernel(pos, voxel_grid):
    pos3 = pos.reshape(_NB, 128, 3).transpose(0, 2, 1).reshape(3 * _NB, 128)
    vgt = (voxel_grid.reshape(_GRID, _GRID, 2, 128, 4)
           .transpose(0, 1, 2, 4, 3).reshape(1 << 23, 8))
    col4, dens2 = _nerf_voxel_sc(pos3, vgt)
    colors = (col4.reshape(_NB, 4, 128)[:, :3, :]
              .transpose(0, 2, 1).reshape(_N, 3))
    return colors, dens2.reshape(_N)

# --- scband reference (transcript-rebuilt; emitter-appended) ---
"""Pipeline reference for scband-vanilla-nerf-voxel-model-34557306863931 (READ-ONLY COPY).

The authoritative reference and input builder live on the scoring server;
editing this copy changes nothing except your own understanding.
"""

import jax, jax.numpy as jnp
import numpy as np

GRID_RES = 256
SCALE = 1.0
N_POINTS = 2097152


def setup_inputs(seed: int = 0) -> dict:
    key = jax.random.key(seed)
    k1, k2 = jax.random.split(key)
    # positions inside the grid extent [-scale/2, scale/2)
    pos = jax.random.uniform(k1, (N_POINTS, 3), dtype=jnp.float32, minval=-0.5, maxval=0.5)
    # learned parameter: voxel grid of RGBA values, init ~ U[0,1) like torch.rand
    voxel_grid = jax.random.uniform(k2, (GRID_RES, GRID_RES, GRID_RES, 4), dtype=jnp.float32)
    return {"pos": pos, "voxel_grid": voxel_grid}


def reference(pos, voxel_grid):
    x = pos[:, 0]
    y = pos[:, 1]
    z = pos[:, 2]
    half = SCALE / 2.0
    cond = (jnp.abs(x) < half) & (jnp.abs(y) < half) & (jnp.abs(z) < half)
    cell = SCALE / GRID_RES
    # truncation toward zero, matching torch .type(torch.long) for the in-range values
    indx = (x / cell + GRID_RES / 2).astype(jnp.int32)
    indy = (y / cell + GRID_RES / 2).astype(jnp.int32)
    indz = (z / cell + GRID_RES / 2).astype(jnp.int32)
    # gather RGBA for every point (JAX clamps out-of-range indices; those lanes are
    # zeroed by the cond mask, matching the torch boolean-index-write semantics)
    gathered = voxel_grid[indx, indy, indz, :]  # [N, 4]
    colors_and_densities = jnp.where(cond[:, None], gathered, 0.0)
    colors = jax.nn.sigmoid(colors_and_densities[:, :3])
    density = jnp.maximum(colors_and_densities[:, 3], 0.0)
    return colors, density

if __name__ == "__main__":
    import jax
    _d = setup_inputs()
    print(jax.jit(kernel)(*tuple(_d.values())))

</pallas_src>

<mosaic_0001>
#map = affine_map<(d0, d1) -> (0, 0)>
module attributes {stable_mosaic.version = 14 : i64} {
  func.func @_sc_body(%arg0: i32, %arg1: i32, %arg2: memref<49152x128xf32, #tpu.memory_space<hbm>>, %arg3: memref<8388608x8xf32, #tpu.memory_space<hbm>>, %arg4: memref<65536x128xf32, #tpu.memory_space<hbm>>, %arg5: memref<16384x128xf32, #tpu.memory_space<hbm>>, %arg6: memref<24x128xf32, #tpu.memory_space<vmem>>, %arg7: memref<1024xi32, #tpu.memory_space<vmem>>, %arg8: memref<1024xi32, #tpu.memory_space<vmem>>, %arg9: memref<1024xi32, #tpu.memory_space<vmem>>, %arg10: memref<1024xi32, #tpu.memory_space<vmem>>, %arg11: memref<1024xi32, #tpu.memory_space<vmem>>, %arg12: memref<1024xf32, #tpu.memory_space<vmem>>, %arg13: memref<1024x8xf32, #tpu.memory_space<vmem>>, %arg14: memref<1024x8xf32, #tpu.memory_space<vmem>>, %arg15: memref<1024x8xf32, #tpu.memory_space<vmem>>, %arg16: memref<1024x8xf32, #tpu.memory_space<vmem>>, %arg17: memref<24x128xf32, #tpu.memory_space<vmem>>, %arg18: memref<1024xi32, #tpu.memory_space<vmem>>, %arg19: memref<1024xi32, #tpu.memory_space<vmem>>, %arg20: memref<1024xi32, #tpu.memory_space<vmem>>, %arg21: memref<1024xi32, #tpu.memory_space<vmem>>, %arg22: memref<1024xi32, #tpu.memory_space<vmem>>, %arg23: memref<1024xf32, #tpu.memory_space<vmem>>, %arg24: memref<1024x8xf32, #tpu.memory_space<vmem>>, %arg25: memref<1024x8xf32, #tpu.memory_space<vmem>>, %arg26: memref<1024x8xf32, #tpu.memory_space<vmem>>, %arg27: memref<1024x8xf32, #tpu.memory_space<vmem>>, %arg28: memref<32x128xf32, #tpu.memory_space<vmem>>, %arg29: memref<8x128xf32, #tpu.memory_space<vmem>>, %arg30: memref<!tpu.dma_semaphore, #tpu.memory_space<semaphore_mem>>, %arg31: memref<!tpu.dma_semaphore, #tpu.memory_space<semaphore_mem>>) attributes {dimension_semantics = [#tpu.dimension_semantics<core_parallel>, #tpu.dimension_semantics<subcore_parallel>], iteration_bounds = array<i64: 2, 16>, scalar_prefetch = 0 : i64, scratch_operands = 26 : i64, tpu.core_type = #tpu.core_type<sc_vector_subcore>, window_params = [{transform_indices = #map}, {transform_indices = #map}, {transform_indices = #map}, {transform_indices = #map}]} {
    %mul3A = arith.constant 2 : i32
    %mul3A_0 = arith.muli %arg1, %mul3A : i32
    %add3A = arith.addi %mul3A_0, %arg0 : i32
    %iota3A = tpu.iota {dimensions = array<i32: 0>} : vector<16xi32>
    %mul3A_1 = arith.constant 512 : i32
    %mul3A_2 = arith.muli %add3A, %mul3A_1 : i32
    %add3A_3 = arith.constant 0 : i32
    %add3A_4 = arith.addi %mul3A_2, %add3A_3 : i32
    %mul3A_5 = arith.constant 3 : i32
    %mul3A_6 = arith.muli %mul3A_5, %add3A_4 : i32
    "tpu.region"() ({
      %run_scoped3A = tpu.sem_alloc : memref<!tpu.dma_semaphore, #tpu.memory_space<semaphore_mem>>
      %dma_start3A_29 = arith.constant 0 : i32
      %dma_start3A_30 = tpu.memref_slice %arg2[%mul3A_6, %dma_start3A_29] : memref<49152x128xf32, #tpu.memory_space<hbm>> -> memref<24x128xf32, #tpu.memory_space<hbm>>
      %dma_start3A_31 = arith.constant 0 : i32
      %dma_start3A_32 = tpu.memref_slice %arg2[%mul3A_6, %dma_start3A_31] : memref<49152x128xf32, #tpu.memory_space<hbm>> -> memref<24x128xf32, #tpu.memory_space<hbm>>
      tpu.enqueue_dma source(%dma_start3A_32 : memref<24x128xf32, #tpu.memory_space<hbm>>) target(%arg6 : memref<24x128xf32, #tpu.memory_space<vmem>>) target_semaphore(%run_scoped3A : memref<!tpu.dma_semaphore, #tpu.memory_space<semaphore_mem>>)
      %dma_wait3A = arith.constant 0 : i32
      %dma_wait3A_33 = tpu.memref_slice %arg2[%mul3A_6, %dma_wait3A] : memref<49152x128xf32, #tpu.memory_space<hbm>> -> memref<24x128xf32, #tpu.memory_space<hbm>>
      %dma_wait3A_34 = arith.constant 0 : i32
      %dma_wait3A_35 = tpu.memref_slice %arg2[%mul3A_6, %dma_wait3A_34] : memref<49152x128xf32, #tpu.memory_space<hbm>> -> memref<24x128xf32, #tpu.memory_space<hbm>>
      tpu.wait_dma2 semaphore(%run_scoped3A : memref<!tpu.dma_semaphore, #tpu.memory_space<semaphore_mem>>) src(%dma_wait3A_35 : memref<24x128xf32, #tpu.memory_space<hbm>>) dst(%arg6 : memref<24x128xf32, #tpu.memory_space<vmem>>)
      tpu.yield
    }) : () -> ()
    %scan3A = arith.constant 0 : i32
    %scan3A_7 = arith.constant 0 : i32
    %scan3A_8 = arith.constant 64 : i32
    %scan3A_9 = arith.addi %scan3A_7, %scan3A_8 : i32
    %scan3A_10 = arith.constant 4 : i32
    scf.for %scan3A_29 = %scan3A_7 to %scan3A_9 step %scan3A_10  : i32 {
      %mul3A_30 = arith.constant 16 : i32
      %mul3A_31 = arith.muli %scan3A_29, %mul3A_30 : i32
      %multiple_of3A = tpu.assume_multiple %mul3A_31, 16 : i32
      %add3A_32 = vector.broadcast %multiple_of3A : i32 to vector<16xi32>
      %add3A_33 = arith.addi %add3A_32, %iota3A : vector<16xi32>
      %shift_right_arithmetic3A = arith.constant 7 : i32
      %shift_right_arithmetic3A_34 = vector.broadcast %shift_right_arithmetic3A : i32 to vector<16xi32>
      %shift_right_arithmetic3A_35 = arith.shrsi %add3A_33, %shift_right_arithmetic3A_34 : vector<16xi32>
      %mul3A_36 = arith.constant 3 : i32
      %mul3A_37 = vector.broadcast %mul3A_36 : i32 to vector<16xi32>
      %mul3A_38 = arith.muli %shift_right_arithmetic3A_35, %mul3A_37 : vector<16xi32>
      %and3A = arith.constant 127 : i32
      %and3A_39 = vector.broadcast %and3A : i32 to vector<16xi32>
      %and3A_40 = arith.andi %add3A_33, %and3A_39 : vector<16xi32>
      %gather3A = tpu.vector_load_idx %arg6[%mul3A_38, %and3A_40] : memref<24x128xf32, #tpu.memory_space<vmem>>[vector<16xi32>, vector<16xi32>], vector<16xf32>,
      %add3A_41 = arith.constant 1 : i32
      %add3A_42 = vector.broadcast %add3A_41 : i32 to vector<16xi32>
      %add3A_43 = arith.addi %mul3A_38, %add3A_42 : vector<16xi32>
      %gather3A_44 = tpu.vector_load_idx %arg6[%add3A_43, %and3A_40] : memref<24x128xf32, #tpu.memory_space<vmem>>[vector<16xi32>, vector<16xi32>], vector<16xf32>,
      %add3A_45 = arith.constant 2 : i32
      %add3A_46 = vector.broadcast %add3A_45 : i32 to vector<16xi32>
      %add3A_47 = arith.addi %mul3A_38, %add3A_46 : vector<16xi32>
      %gather3A_48 = tpu.vector_load_idx %arg6[%add3A_47, %and3A_40] : memref<24x128xf32, #tpu.memory_space<vmem>>[vector<16xi32>, vector<16xi32>], vector<16xf32>,
      %mul3A_49 = arith.constant 2.560000e+02 : f32
      %mul3A_50 = vector.broadcast %mul3A_49 : f32 to vector<16xf32>
      %mul3A_51 = arith.mulf %gather3A, %mul3A_50 : vector<16xf32>
      %add3A_52 = arith.constant 1.280000e+02 : f32
      %add3A_53 = vector.broadcast %add3A_52 : f32 to vector<16xf32>
      %add3A_54 = arith.addf %mul3A_51, %add3A_53 : vector<16xf32>
      %convert_element_type3A = arith.fptosi %add3A_54 : vector<16xf32> to vector<16xi32>
      %mul3A_55 = arith.constant 2.560000e+02 : f32
      %mul3A_56 = vector.broadcast %mul3A_55 : f32 to vector<16xf32>
      %mul3A_57 = arith.mulf %gather3A_44, %mul3A_56 : vector<16xf32>
      %add3A_58 = arith.constant 1.280000e+02 : f32
      %add3A_59 = vector.broadcast %add3A_58 : f32 to vector<16xf32>
      %add3A_60 = arith.addf %mul3A_57, %add3A_59 : vector<16xf32>
      %convert_element_type3A_61 = arith.fptosi %add3A_60 : vector<16xf32> to vector<16xi32>
      %mul3A_62 = arith.constant 2.560000e+02 : f32
      %mul3A_63 = vector.broadcast %mul3A_62 : f32 to vector<16xf32>
      %mul3A_64 = arith.mulf %gather3A_48, %mul3A_63 : vector<16xf32>
      %add3A_65 = arith.constant 1.280000e+02 : f32
      %add3A_66 = vector.broadcast %add3A_65 : f32 to vector<16xf32>
      %add3A_67 = arith.addf %mul3A_64, %add3A_66 : vector<16xf32>
      %convert_element_type3A_68 = arith.fptosi %add3A_67 : vector<16xf32> to vector<16xi32>
      %abs3A = math.absf %gather3A : vector<16xf32>
      %lt3A = arith.constant 5.000000e-01 : f32
      %lt3A_69 = vector.broadcast %lt3A : f32 to vector<16xf32>
      %lt3A_70 = arith.cmpf olt, %abs3A, %lt3A_69 : vector<16xf32>
      %abs3A_71 = math.absf %gather3A_44 : vector<16xf32>
      %lt3A_72 = arith.constant 5.000000e-01 : f32
      %lt3A_73 = vector.broadcast %lt3A_72 : f32 to vector<16xf32>
      %lt3A_74 = arith.cmpf olt, %abs3A_71, %lt3A_73 : vector<16xf32>
      %and3A_75 = arith.andi %lt3A_70, %lt3A_74 : vector<16xi1>
      %abs3A_76 = math.absf %gather3A_48 : vector<16xf32>
      %lt3A_77 = arith.constant 5.000000e-01 : f32
      %lt3A_78 = vector.broadcast %lt3A_77 : f32 to vector<16xf32>
      %lt3A_79 = arith.cmpf olt, %abs3A_76, %lt3A_78 : vector<16xf32>
      %and3A_80 = arith.andi %and3A_75, %lt3A_79 : vector<16xi1>
      %shift_right_arithmetic3A_81 = arith.constant 3 : i32
      %shift_right_arithmetic3A_82 = vector.broadcast %shift_right_arithmetic3A_81 : i32 to vector<16xi32>
      %shift_right_arithmetic3A_83 = arith.shrsi %convert_element_type3A_68, %shift_right_arithmetic3A_82 : vector<16xi32>
      %shift_left3A = arith.constant 15 : i32
      %shift_left3A_84 = vector.broadcast %shift_left3A : i32 to vector<16xi32>
      %shift_left3A_85 = arith.shli %convert_element_type3A, %shift_left3A_84 : vector<16xi32>
      %shift_left3A_86 = arith.constant 7 : i32
      %shift_left3A_87 = vector.broadcast %shift_left3A_86 : i32 to vector<16xi32>
      %shift_left3A_88 = arith.shli %convert_element_type3A_61, %shift_left3A_87 : vector<16xi32>
      %add3A_89 = arith.addi %shift_left3A_85, %shift_left3A_88 : vector<16xi32>
      %shift_right_arithmetic3A_90 = arith.constant 4 : i32
      %shift_right_arithmetic3A_91 = vector.broadcast %shift_right_arithmetic3A_90 : i32 to vector<16xi32>
      %shift_right_arithmetic3A_92 = arith.shrsi %shift_right_arithmetic3A_83, %shift_right_arithmetic3A_91 : vector<16xi32>
      %and3A_93 = arith.constant 1 : i32
      %and3A_94 = vector.broadcast %and3A_93 : i32 to vector<16xi32>
      %and3A_95 = arith.andi %shift_right_arithmetic3A_92, %and3A_94 : vector<16xi32>
      %shift_left3A_96 = arith.constant 6 : i32
      %shift_left3A_97 = vector.broadcast %shift_left3A_96 : i32 to vector<16xi32>
      %shift_left3A_98 = arith.shli %and3A_95, %shift_left3A_97 : vector<16xi32>
      %add3A_99 = arith.addi %add3A_89, %shift_left3A_98 : vector<16xi32>
      %and3A_100 = arith.constant 15 : i32
      %and3A_101 = vector.broadcast %and3A_100 : i32 to vector<16xi32>
      %and3A_102 = arith.andi %shift_right_arithmetic3A_83, %and3A_101 : vector<16xi32>
      %add3A_103 = arith.addi %add3A_99, %and3A_102 : vector<16xi32>
      %jit3A = arith.constant 0 : i32
      %jit3A_104 = arith.constant 8388559 : i32
      %max3A = vector.broadcast %jit3A : i32 to vector<16xi32>
      %max3A_105 = arith.maxsi %max3A, %add3A_103 : vector<16xi32>
      %min3A = vector.broadcast %jit3A_104 : i32 to vector<16xi32>
      %min3A_106 = arith.minsi %min3A, %max3A_105 : vector<16xi32>
      %swap3A = arith.index_cast %multiple_of3A : i32 to index
      %swap3A_107 = tpu.vector_load %arg7[%swap3A] {strides = array<i32>} : memref<1024xi32, #tpu.memory_space<vmem>>, vector<16xi32>,
      tpu.vector_store %arg7[%swap3A], %min3A_106 {strides = array<i32>} : memref<1024xi32, #tpu.memory_space<vmem>>, vector<16xi32>,
      %add3A_108 = arith.constant 16 : i32
      %add3A_109 = vector.broadcast %add3A_108 : i32 to vector<16xi32>
      %add3A_110 = arith.addi %min3A_106, %add3A_109 : vector<16xi32>
      %swap3A_111 = arith.index_cast %multiple_of3A : i32 to index
      %swap3A_112 = tpu.vector_load %arg8[%swap3A_111] {strides = array<i32>} : memref<1024xi32, #tpu.memory_space<vmem>>, vector<16xi32>,
      tpu.vector_store %arg8[%swap3A_111], %add3A_110 {strides = array<i32>} : memref<1024xi32, #tpu.memory_space<vmem>>, vector<16xi32>,
      %add3A_113 = arith.constant 32 : i32
      %add3A_114 = vector.broadcast %add3A_113 : i32 to vector<16xi32>
      %add3A_115 = arith.addi %min3A_106, %add3A_114 : vector<16xi32>
      %swap3A_116 = arith.index_cast %multiple_of3A : i32 to index
      %swap3A_117 = tpu.vector_load %arg9[%swap3A_116] {strides = array<i32>} : memref<1024xi32, #tpu.memory_space<vmem>>, vector<16xi32>,
      tpu.vector_store %arg9[%swap3A_116], %add3A_115 {strides = array<i32>} : memref<1024xi32, #tpu.memory_space<vmem>>, vector<16xi32>,
      %add3A_118 = arith.constant 48 : i32
      %add3A_119 = vector.broadcast %add3A_118 : i32 to vector<16xi32>
      %add3A_120 = arith.addi %min3A_106, %add3A_119 : vector<16xi32>
      %swap3A_121 = arith.index_cast %multiple_of3A : i32 to index
      %swap3A_122 = tpu.vector_load %arg10[%swap3A_121] {strides = array<i32>} : memref<1024xi32, #tpu.memory_space<vmem>>, vector<16xi32>,
      tpu.vector_store %arg10[%swap3A_121], %add3A_120 {strides = array<i32>} : memref<1024xi32, #tpu.memory_space<vmem>>, vector<16xi32>,
      %and3A_123 = arith.constant 7 : i32
      %and3A_124 = vector.broadcast %and3A_123 : i32 to vector<16xi32>
      %and3A_125 = arith.andi %convert_element_type3A_68, %and3A_124 : vector<16xi32>
      %swap3A_126 = arith.index_cast %multiple_of3A : i32 to index
      %swap3A_127 = tpu.vector_load %arg11[%swap3A_126] {strides = array<i32>} : memref<1024xi32, #tpu.memory_space<vmem>>, vector<16xi32>,
      tpu.vector_store %arg11[%swap3A_126], %and3A_125 {strides = array<i32>} : memref<1024xi32, #tpu.memory_space<vmem>>, vector<16xi32>,
      %jit3A_128 = arith.constant 1.000000e+00 : f32
      %jit3A_129 = arith.constant 0.000000e+00 : f32
      %broadcast_in_dim3A = vector.broadcast %jit3A_128 : f32 to vector<16xf32>
      %broadcast_in_dim3A_130 = vector.broadcast %jit3A_129 : f32 to vector<16xf32>
      %select_n3A = arith.select %and3A_80, %broadcast_in_dim3A, %broadcast_in_dim3A_130 : vector<16xi1>, vector<16xf32>
      %swap3A_131 = arith.index_cast %multiple_of3A : i32 to index
      %swap3A_132 = tpu.vector_load %arg12[%swap3A_131] {strides = array<i32>} : memref<1024xf32, #tpu.memory_space<vmem>>, vector<16xf32>,
      tpu.vector_store %arg12[%swap3A_131], %select_n3A {strides = array<i32>} : memref<1024xf32, #tpu.memory_space<vmem>>, vector<16xf32>,
      %scan3A_133 = arith.constant 1 : i32
      %scan3A_134 = arith.addi %scan3A_29, %scan3A_133 : i32
      %mul3A_135 = arith.constant 16 : i32
      %mul3A_136 = arith.muli %scan3A_134, %mul3A_135 : i32
      %multiple_of3A_137 = tpu.assume_multiple %mul3A_136, 16 : i32
      %add3A_138 = vector.broadcast %multiple_of3A_137 : i32 to vector<16xi32>
      %add3A_139 = arith.addi %add3A_138, %iota3A : vector<16xi32>
      %shift_right_arithmetic3A_140 = arith.constant 7 : i32
      %shift_right_arithmetic3A_141 = vector.broadcast %shift_right_arithmetic3A_140 : i32 to vector<16xi32>
      %shift_right_arithmetic3A_142 = arith.shrsi %add3A_139, %shift_right_arithmetic3A_141 : vector<16xi32>
      %mul3A_143 = arith.constant 3 : i32
      %mul3A_144 = vector.broadcast %mul3A_143 : i32 to vector<16xi32>
      %mul3A_145 = arith.muli %shift_right_arithmetic3A_142, %mul3A_144 : vector<16xi32>
      %and3A_146 = arith.constant 127 : i32
      %and3A_147 = vector.broadcast %and3A_146 : i32 to vector<16xi32>
      %and3A_148 = arith.andi %add3A_139, %and3A_147 : vector<16xi32>
      %gather3A_149 = tpu.vector_load_idx %arg6[%mul3A_145, %and3A_148] : memref<24x128xf32, #tpu.memory_space<vmem>>[vector<16xi32>, vector<16xi32>], vector<16xf32>,
      %add3A_150 = arith.constant 1 : i32
      %add3A_151 = vector.broadcast %add3A_150 : i32 to vector<16xi32>
      %add3A_152 = arith.addi %mul3A_145, %add3A_151 : vector<16xi32>
      %gather3A_153 = tpu.vector_load_idx %arg6[%add3A_152, %and3A_148] : memref<24x128xf32, #tpu.memory_space<vmem>>[vector<16xi32>, vector<16xi32>], vector<16xf32>,
      %add3A_154 = arith.constant 2 : i32
      %add3A_155 = vector.broadcast %add3A_154 : i32 to vector<16xi32>
      %add3A_156 = arith.addi %mul3A_145, %add3A_155 : vector<16xi32>
      %gather3A_157 = tpu.vector_load_idx %arg6[%add3A_156, %and3A_148] : memref<24x128xf32, #tpu.memory_space<vmem>>[vector<16xi32>, vector<16xi32>], vector<16xf32>,
      %mul3A_158 = arith.constant 2.560000e+02 : f32
      %mul3A_159 = vector.broadcast %mul3A_158 : f32 to vector<16xf32>
      %mul3A_160 = arith.mulf %gather3A_149, %mul3A_159 : vector<16xf32>
      %add3A_161 = arith.constant 1.280000e+02 : f32
      %add3A_162 = vector.broadcast %add3A_161 : f32 to vector<16xf32>
      %add3A_163 = arith.addf %mul3A_160, %add3A_162 : vector<16xf32>
      %convert_element_type3A_164 = arith.fptosi %add3A_163 : vector<16xf32> to vector<16xi32>
      %mul3A_165 = arith.constant 2.560000e+02 : f32
      %mul3A_166 = vector.broadcast %mul3A_165 : f32 to vector<16xf32>
      %mul3A_167 = arith.mulf %gather3A_153, %mul3A_166 : vector<16xf32>
      %add3A_168 = arith.constant 1.280000e+02 : f32
      %add3A_169 = vector.broadcast %add3A_168 : f32 to vector<16xf32>
      %add3A_170 = arith.addf %mul3A_167, %add3A_169 : vector<16xf32>
      %convert_element_type3A_171 = arith.fptosi %add3A_170 : vector<16xf32> to vector<16xi32>
      %mul3A_172 = arith.constant 2.560000e+02 : f32
      %mul3A_173 = vector.broadcast %mul3A_172 : f32 to vector<16xf32>
      %mul3A_174 = arith.mulf %gather3A_157, %mul3A_173 : vector<16xf32>
      %add3A_175 = arith.constant 1.280000e+02 : f32
      %add3A_176 = vector.broadcast %add3A_175 : f32 to vector<16xf32>
      %add3A_177 = arith.addf %mul3A_174, %add3A_176 : vector<16xf32>
      %convert_element_type3A_178 = arith.fptosi %add3A_177 : vector<16xf32> to vector<16xi32>
      %abs3A_179 = math.absf %gather3A_149 : vector<16xf32>
      %lt3A_180 = arith.constant 5.000000e-01 : f32
      %lt3A_181 = vector.broadcast %lt3A_180 : f32 to vector<16xf32>
      %lt3A_182 = arith.cmpf olt, %abs3A_179, %lt3A_181 : vector<16xf32>
      %abs3A_183 = math.absf %gather3A_153 : vector<16xf32>
      %lt3A_184 = arith.constant 5.000000e-01 : f32
      %lt3A_185 = vector.broadcast %lt3A_184 : f32 to vector<16xf32>
      %lt3A_186 = arith.cmpf olt, %abs3A_183, %lt3A_185 : vector<16xf32>
      %and3A_187 = arith.andi %lt3A_182, %lt3A_186 : vector<16xi1>
      %abs3A_188 = math.absf %gather3A_157 : vector<16xf32>
      %lt3A_189 = arith.constant 5.000000e-01 : f32
      %lt3A_190 = vector.broadcast %lt3A_189 : f32 to vector<16xf32>
      %lt3A_191 = arith.cmpf olt, %abs3A_188, %lt3A_190 : vector<16xf32>
      %and3A_192 = arith.andi %and3A_187, %lt3A_191 : vector<16xi1>
      %shift_right_arithmetic3A_193 = arith.constant 3 : i32
      %shift_right_arithmetic3A_194 = vector.broadcast %shift_right_arithmetic3A_193 : i32 to vector<16xi32>
      %shift_right_arithmetic3A_195 = arith.shrsi %convert_element_type3A_178, %shift_right_arithmetic3A_194 : vector<16xi32>
      %shift_left3A_196 = arith.constant 15 : i32
      %shift_left3A_197 = vector.broadcast %shift_left3A_196 : i32 to vector<16xi32>
      %shift_left3A_198 = arith.shli %convert_element_type3A_164, %shift_left3A_197 : vector<16xi32>
      %shift_left3A_199 = arith.constant 7 : i32
      %shift_left3A_200 = vector.broadcast %shift_left3A_199 : i32 to vector<16xi32>
      %shift_left3A_201 = arith.shli %convert_element_type3A_171, %shift_left3A_200 : vector<16xi32>
      %add3A_202 = arith.addi %shift_left3A_198, %shift_left3A_201 : vector<16xi32>
      %shift_right_arithmetic3A_203 = arith.constant 4 : i32
      %shift_right_arithmetic3A_204 = vector.broadcast %shift_right_arithmetic3A_203 : i32 to vector<16xi32>
      %shift_right_arithmetic3A_205 = arith.shrsi %shift_right_arithmetic3A_195, %shift_right_arithmetic3A_204 : vector<16xi32>
      %and3A_206 = arith.constant 1 : i32
      %and3A_207 = vector.broadcast %and3A_206 : i32 to vector<16xi32>
      %and3A_208 = arith.andi %shift_right_arithmetic3A_205, %and3A_207 : vector<16xi32>
      %shift_left3A_209 = arith.constant 6 : i32
      %shift_left3A_210 = vector.broadcast %shift_left3A_209 : i32 to vector<16xi32>
      %shift_left3A_211 = arith.shli %and3A_208, %shift_left3A_210 : vector<16xi32>
      %add3A_212 = arith.addi %add3A_202, %shift_left3A_211 : vector<16xi32>
      %and3A_213 = arith.constant 15 : i32
      %and3A_214 = vector.broadcast %and3A_213 : i32 to vector<16xi32>
      %and3A_215 = arith.andi %shift_right_arithmetic3A_195, %and3A_214 : vector<16xi32>
      %add3A_216 = arith.addi %add3A_212, %and3A_215 : vector<16xi32>
      %jit3A_217 = arith.constant 0 : i32
      %jit3A_218 = arith.constant 8388559 : i32
      %max3A_219 = vector.broadcast %jit3A_217 : i32 to vector<16xi32>
      %max3A_220 = arith.maxsi %max3A_219, %add3A_216 : vector<16xi32>
      %min3A_221 = vector.broadcast %jit3A_218 : i32 to vector<16xi32>
      %min3A_222 = arith.minsi %min3A_221, %max3A_220 : vector<16xi32>
      %swap3A_223 = arith.index_cast %multiple_of3A_137 : i32 to index
      %swap3A_224 = tpu.vector_load %arg7[%swap3A_223] {strides = array<i32>} : memref<1024xi32, #tpu.memory_space<vmem>>, vector<16xi32>,
      tpu.vector_store %arg7[%swap3A_223], %min3A_222 {strides = array<i32>} : memref<1024xi32, #tpu.memory_space<vmem>>, vector<16xi32>,
      %add3A_225 = arith.constant 16 : i32
      %add3A_226 = vector.broadcast %add3A_225 : i32 to vector<16xi32>
      %add3A_227 = arith.addi %min3A_222, %add3A_226 : vector<16xi32>
      %swap3A_228 = arith.index_cast %multiple_of3A_137 : i32 to index
      %swap3A_229 = tpu.vector_load %arg8[%swap3A_228] {strides = array<i32>} : memref<1024xi32, #tpu.memory_space<vmem>>, vector<16xi32>,
      tpu.vector_store %arg8[%swap3A_228], %add3A_227 {strides = array<i32>} : memref<1024xi32, #tpu.memory_space<vmem>>, vector<16xi32>,
      %add3A_230 = arith.constant 32 : i32
      %add3A_231 = vector.broadcast %add3A_230 : i32 to vector<16xi32>
      %add3A_232 = arith.addi %min3A_222, %add3A_231 : vector<16xi32>
      %swap3A_233 = arith.index_cast %multiple_of3A_137 : i32 to index
      %swap3A_234 = tpu.vector_load %arg9[%swap3A_233] {strides = array<i32>} : memref<1024xi32, #tpu.memory_space<vmem>>, vector<16xi32>,
      tpu.vector_store %arg9[%swap3A_233], %add3A_232 {strides = array<i32>} : memref<1024xi32, #tpu.memory_space<vmem>>, vector<16xi32>,
      %add3A_235 = arith.constant 48 : i32
      %add3A_236 = vector.broadcast %add3A_235 : i32 to vector<16xi32>
      %add3A_237 = arith.addi %min3A_222, %add3A_236 : vector<16xi32>
      %swap3A_238 = arith.index_cast %multiple_of3A_137 : i32 to index
      %swap3A_239 = tpu.vector_load %arg10[%swap3A_238] {strides = array<i32>} : memref<1024xi32, #tpu.memory_space<vmem>>, vector<16xi32>,
      tpu.vector_store %arg10[%swap3A_238], %add3A_237 {strides = array<i32>} : memref<1024xi32, #tpu.memory_space<vmem>>, vector<16xi32>,
      %and3A_240 = arith.constant 7 : i32
      %and3A_241 = vector.broadcast %and3A_240 : i32 to vector<16xi32>
      %and3A_242 = arith.andi %convert_element_type3A_178, %and3A_241 : vector<16xi32>
      %swap3A_243 = arith.index_cast %multiple_of3A_137 : i32 to index
      %swap3A_244 = tpu.vector_load %arg11[%swap3A_243] {strides = array<i32>} : memref<1024xi32, #tpu.memory_space<vmem>>, vector<16xi32>,
      tpu.vector_store %arg11[%swap3A_243], %and3A_242 {strides = array<i32>} : memref<1024xi32, #tpu.memory_space<vmem>>, vector<16xi32>,
      %jit3A_245 = arith.constant 1.000000e+00 : f32
      %jit3A_246 = arith.constant 0.000000e+00 : f32
      %broadcast_in_dim3A_247 = vector.broadcast %jit3A_245 : f32 to vector<16xf32>
      %broadcast_in_dim3A_248 = vector.broadcast %jit3A_246 : f32 to vector<16xf32>
      %select_n3A_249 = arith.select %and3A_192, %broadcast_in_dim3A_247, %broadcast_in_dim3A_248 : vector<16xi1>, vector<16xf32>
      %swap3A_250 = arith.index_cast %multiple_of3A_137 : i32 to index
      %swap3A_251 = tpu.vector_load %arg12[%swap3A_250] {strides = array<i32>} : memref<1024xf32, #tpu.memory_space<vmem>>, vector<16xf32>,
      tpu.vector_store %arg12[%swap3A_250], %select_n3A_249 {strides = array<i32>} : memref<1024xf32, #tpu.memory_space<vmem>>, vector<16xf32>,
      %scan3A_252 = arith.constant 2 : i32
      %scan3A_253 = arith.addi %scan3A_29, %scan3A_252 : i32
      %mul3A_254 = arith.constant 16 : i32
      %mul3A_255 = arith.muli %scan3A_253, %mul3A_254 : i32
      %multiple_of3A_256 = tpu.assume_multiple %mul3A_255, 16 : i32
      %add3A_257 = vector.broadcast %multiple_of3A_256 : i32 to vector<16xi32>
      %add3A_258 = arith.addi %add3A_257, %iota3A : vector<16xi32>
      %shift_right_arithmetic3A_259 = arith.constant 7 : i32
      %shift_right_arithmetic3A_260 = vector.broadcast %shift_right_arithmetic3A_259 : i32 to vector<16xi32>
      %shift_right_arithmetic3A_261 = arith.shrsi %add3A_258, %shift_right_arithmetic3A_260 : vector<16xi32>
      %mul3A_262 = arith.constant 3 : i32
      %mul3A_263 = vector.broadcast %mul3A_262 : i32 to vector<16xi32>
      %mul3A_264 = arith.muli %shift_right_arithmetic3A_261, %mul3A_263 : vector<16xi32>
      %and3A_265 = arith.constant 127 : i32
      %and3A_266 = vector.broadcast %and3A_265 : i32 to vector<16xi32>
      %and3A_267 = arith.andi %add3A_258, %and3A_266 : vector<16xi32>
      %gather3A_268 = tpu.vector_load_idx %arg6[%mul3A_264, %and3A_267] : memref<24x128xf32, #tpu.memory_space<vmem>>[vector<16xi32>, vector<16xi32>], vector<16xf32>,
      %add3A_269 = arith.constant 1 : i32
      %add3A_270 = vector.broadcast %add3A_269 : i32 to vector<16xi32>
      %add3A_271 = arith.addi %mul3A_264, %add3A_270 : vector<16xi32>
      %gather3A_272 = tpu.vector_load_idx %arg6[%add3A_271, %and3A_267] : memref<24x128xf32, #tpu.memory_space<vmem>>[vector<16xi32>, vector<16xi32>], vector<16xf32>,
      %add3A_273 = arith.constant 2 : i32
      %add3A_274 = vector.broadcast %add3A_273 : i32 to vector<16xi32>
      %add3A_275 = arith.addi %mul3A_264, %add3A_274 : vector<16xi32>
      %gather3A_276 = tpu.vector_load_idx %arg6[%add3A_275, %and3A_267] : memref<24x128xf32, #tpu.memory_space<vmem>>[vector<16xi32>, vector<16xi32>], vector<16xf32>,
      %mul3A_277 = arith.constant 2.560000e+02 : f32
      %mul3A_278 = vector.broadcast %mul3A_277 : f32 to vector<16xf32>
      %mul3A_279 = arith.mulf %gather3A_268, %mul3A_278 : vector<16xf32>
      %add3A_280 = arith.constant 1.280000e+02 : f32
      %add3A_281 = vector.broadcast %add3A_280 : f32 to vector<16xf32>
      %add3A_282 = arith.addf %mul3A_279, %add3A_281 : vector<16xf32>
      %convert_element_type3A_283 = arith.fptosi %add3A_282 : vector<16xf32> to vector<16xi32>
      %mul3A_284 = arith.constant 2.560000e+02 : f32
      %mul3A_285 = vector.broadcast %mul3A_284 : f32 to vector<16xf32>
      %mul3A_286 = arith.mulf %gather3A_272, %mul3A_285 : vector<16xf32>
      %add3A_287 = arith.constant 1.280000e+02 : f32
      %add3A_288 = vector.broadcast %add3A_287 : f32 to vector<16xf32>
      %add3A_289 = arith.addf %mul3A_286, %add3A_288 : vector<16xf32>
      %convert_element_type3A_290 = arith.fptosi %add3A_289 : vector<16xf32> to vector<16xi32>
      %mul3A_291 = arith.constant 2.560000e+02 : f32
      %mul3A_292 = vector.broadcast %mul3A_291 : f32 to vector<16xf32>
      %mul3A_293 = arith.mulf %gather3A_276, %mul3A_292 : vector<16xf32>
      %add3A_294 = arith.constant 1.280000e+02 : f32
      %add3A_295 = vector.broadcast %add3A_294 : f32 to vector<16xf32>
      %add3A_296 = arith.addf %mul3A_293, %add3A_295 : vector<16xf32>
      %convert_element_type3A_297 = arith.fptosi %add3A_296 : vector<16xf32> to vector<16xi32>
      %abs3A_298 = math.absf %gather3A_268 : vector<16xf32>
      %lt3A_299 = arith.constant 5.000000e-01 : f32
      %lt3A_300 = vector.broadcast %lt3A_299 : f32 to vector<16xf32>
      %lt3A_301 = arith.cmpf olt, %abs3A_298, %lt3A_300 : vector<16xf32>
      %abs3A_302 = math.absf %gather3A_272 : vector<16xf32>
      %lt3A_303 = arith.constant 5.000000e-01 : f32
      %lt3A_304 = vector.broadcast %lt3A_303 : f32 to vector<16xf32>
      %lt3A_305 = arith.cmpf olt, %abs3A_302, %lt3A_304 : vector<16xf32>
      %and3A_306 = arith.andi %lt3A_301, %lt3A_305 : vector<16xi1>
      %abs3A_307 = math.absf %gather3A_276 : vector<16xf32>
      %lt3A_308 = arith.constant 5.000000e-01 : f32
      %lt3A_309 = vector.broadcast %lt3A_308 : f32 to vector<16xf32>
      %lt3A_310 = arith.cmpf olt, %abs3A_307, %lt3A_309 : vector<16xf32>
      %and3A_311 = arith.andi %and3A_306, %lt3A_310 : vector<16xi1>
      %shift_right_arithmetic3A_312 = arith.constant 3 : i32
      %shift_right_arithmetic3A_313 = vector.broadcast %shift_right_arithmetic3A_312 : i32 to vector<16xi32>
      %shift_right_arithmetic3A_314 = arith.shrsi %convert_element_type3A_297, %shift_right_arithmetic3A_313 : vector<16xi32>
      %shift_left3A_315 = arith.constant 15 : i32
      %shift_left3A_316 = vector.broadcast %shift_left3A_315 : i32 to vector<16xi32>
      %shift_left3A_317 = arith.shli %convert_element_type3A_283, %shift_left3A_316 : vector<16xi32>
      %shift_left3A_318 = arith.constant 7 : i32
      %shift_left3A_319 = vector.broadcast %shift_left3A_318 : i32 to vector<16xi32>
      %shift_left3A_320 = arith.shli %convert_element_type3A_290, %shift_left3A_319 : vector<16xi32>
      %add3A_321 = arith.addi %shift_left3A_317, %shift_left3A_320 : vector<16xi32>
      %shift_right_arithmetic3A_322 = arith.constant 4 : i32
      %shift_right_arithmetic3A_323 = vector.broadcast %shift_right_arithmetic3A_322 : i32 to vector<16xi32>
      %shift_right_arithmetic3A_324 = arith.shrsi %shift_right_arithmetic3A_314, %shift_right_arithmetic3A_323 : vector<16xi32>
      %and3A_325 = arith.constant 1 : i32
      %and3A_326 = vector.broadcast %and3A_325 : i32 to vector<16xi32>
      %and3A_327 = arith.andi %shift_right_arithmetic3A_324, %and3A_326 : vector<16xi32>
      %shift_left3A_328 = arith.constant 6 : i32
      %shift_left3A_329 = vector.broadcast %shift_left3A_328 : i32 to vector<16xi32>
      %shift_left3A_330 = arith.shli %and3A_327, %shift_left3A_329 : vector<16xi32>
      %add3A_331 = arith.addi %add3A_321, %shift_left3A_330 : vector<16xi32>
      %and3A_332 = arith.constant 15 : i32
      %and3A_333 = vector.broadcast %and3A_332 : i32 to vector<16xi32>
      %and3A_334 = arith.andi %shift_right_arithmetic3A_314, %and3A_333 : vector<16xi32>
      %add3A_335 = arith.addi %add3A_331, %and3A_334 : vector<16xi32>
      %jit3A_336 = arith.constant 0 : i32
      %jit3A_337 = arith.constant 8388559 : i32
      %max3A_338 = vector.broadcast %jit3A_336 : i32 to vector<16xi32>
      %max3A_339 = arith.maxsi %max3A_338, %add3A_335 : vector<16xi32>
      %min3A_340 = vector.broadcast %jit3A_337 : i32 to vector<16xi32>
      %min3A_341 = arith.minsi %min3A_340, %max3A_339 : vector<16xi32>
      %swap3A_342 = arith.index_cast %multiple_of3A_256 : i32 to index
      %swap3A_343 = tpu.vector_load %arg7[%swap3A_342] {strides = array<i32>} : memref<1024xi32, #tpu.memory_space<vmem>>, vector<16xi32>,
      tpu.vector_store %arg7[%swap3A_342], %min3A_341 {strides = array<i32>} : memref<1024xi32, #tpu.memory_space<vmem>>, vector<16xi32>,
      %add3A_344 = arith.constant 16 : i32
      %add3A_345 = vector.broadcast %add3A_344 : i32 to vector<16xi32>
      %add3A_346 = arith.addi %min3A_341, %add3A_345 : vector<16xi32>
      %swap3A_347 = arith.index_cast %multiple_of3A_256 : i32 to index
      %swap3A_348 = tpu.vector_load %arg8[%swap3A_347] {strides = array<i32>} : memref<1024xi32, #tpu.memory_space<vmem>>, vector<16xi32>,
      tpu.vector_store %arg8[%swap3A_347], %add3A_346 {strides = array<i32>} : memref<1024xi32, #tpu.memory_space<vmem>>, vector<16xi32>,
      %add3A_349 = arith.constant 32 : i32
      %add3A_350 = vector.broadcast %add3A_349 : i32 to vector<16xi32>
      %add3A_351 = arith.addi %min3A_341, %add3A_350 : vector<16xi32>
      %swap3A_352 = arith.index_cast %multiple_of3A_256 : i32 to index
      %swap3A_353 = tpu.vector_load %arg9[%swap3A_352] {strides = array<i32>} : memref<1024xi32, #tpu.memory_space<vmem>>, vector<16xi32>,
      tpu.vector_store %arg9[%swap3A_352], %add3A_351 {strides = array<i32>} : memref<1024xi32, #tpu.memory_space<vmem>>, vector<16xi32>,
      %add3A_354 = arith.constant 48 : i32
      %add3A_355 = vector.broadcast %add3A_354 : i32 to vector<16xi32>
      %add3A_356 = arith.addi %min3A_341, %add3A_355 : vector<16xi32>
      %swap3A_357 = arith.index_cast %multiple_of3A_256 : i32 to index
      %swap3A_358 = tpu.vector_load %arg10[%swap3A_357] {strides = array<i32>} : memref<1024xi32, #tpu.memory_space<vmem>>, vector<16xi32>,
      tpu.vector_store %arg10[%swap3A_357], %add3A_356 {strides = array<i32>} : memref<1024xi32, #tpu.memory_space<vmem>>, vector<16xi32>,
      %and3A_359 = arith.constant 7 : i32
      %and3A_360 = vector.broadcast %and3A_359 : i32 to vector<16xi32>
      %and3A_361 = arith.andi %convert_element_type3A_297, %and3A_360 : vector<16xi32>
      %swap3A_362 = arith.index_cast %multiple_of3A_256 : i32 to index
      %swap3A_363 = tpu.vector_load %arg11[%swap3A_362] {strides = array<i32>} : memref<1024xi32, #tpu.memory_space<vmem>>, vector<16xi32>,
      tpu.vector_store %arg11[%swap3A_362], %and3A_361 {strides = array<i32>} : memref<1024xi32, #tpu.memory_space<vmem>>, vector<16xi32>,
      %jit3A_364 = arith.constant 1.000000e+00 : f32
      %jit3A_365 = arith.constant 0.000000e+00 : f32
      %broadcast_in_dim3A_366 = vector.broadcast %jit3A_364 : f32 to vector<16xf32>
      %broadcast_in_dim3A_367 = vector.broadcast %jit3A_365 : f32 to vector<16xf32>
      %select_n3A_368 = arith.select %and3A_311, %broadcast_in_dim3A_366, %broadcast_in_dim3A_367 : vector<16xi1>, vector<16xf32>
      %swap3A_369 = arith.index_cast %multiple_of3A_256 : i32 to index
      %swap3A_370 = tpu.vector_load %arg12[%swap3A_369] {strides = array<i32>} : memref<1024xf32, #tpu.memory_space<vmem>>, vector<16xf32>,
      tpu.vector_store %arg12[%swap3A_369], %select_n3A_368 {strides = array<i32>} : memref<1024xf32, #tpu.memory_space<vmem>>, vector<16xf32>,
      %scan3A_371 = arith.constant 3 : i32
      %scan3A_372 = arith.addi %scan3A_29, %scan3A_371 : i32
      %mul3A_373 = arith.constant 16 : i32
      %mul3A_374 = arith.muli %scan3A_372, %mul3A_373 : i32
      %multiple_of3A_375 = tpu.assume_multiple %mul3A_374, 16 : i32
      %add3A_376 = vector.broadcast %multiple_of3A_375 : i32 to vector<16xi32>
      %add3A_377 = arith.addi %add3A_376, %iota3A : vector<16xi32>
      %shift_right_arithmetic3A_378 = arith.constant 7 : i32
      %shift_right_arithmetic3A_379 = vector.broadcast %shift_right_arithmetic3A_378 : i32 to vector<16xi32>
      %shift_right_arithmetic3A_380 = arith.shrsi %add3A_377, %shift_right_arithmetic3A_379 : vector<16xi32>
      %mul3A_381 = arith.constant 3 : i32
      %mul3A_382 = vector.broadcast %mul3A_381 : i32 to vector<16xi32>
      %mul3A_383 = arith.muli %shift_right_arithmetic3A_380, %mul3A_382 : vector<16xi32>
      %and3A_384 = arith.constant 127 : i32
      %and3A_385 = vector.broadcast %and3A_384 : i32 to vector<16xi32>
      %and3A_386 = arith.andi %add3A_377, %and3A_385 : vector<16xi32>
      %gather3A_387 = tpu.vector_load_idx %arg6[%mul3A_383, %and3A_386] : memref<24x128xf32, #tpu.memory_space<vmem>>[vector<16xi32>, vector<16xi32>], vector<16xf32>,
      %add3A_388 = arith.constant 1 : i32
      %add3A_389 = vector.broadcast %add3A_388 : i32 to vector<16xi32>
      %add3A_390 = arith.addi %mul3A_383, %add3A_389 : vector<16xi32>
      %gather3A_391 = tpu.vector_load_idx %arg6[%add3A_390, %and3A_386] : memref<24x128xf32, #tpu.memory_space<vmem>>[vector<16xi32>, vector<16xi32>], vector<16xf32>,
      %add3A_392 = arith.constant 2 : i32
      %add3A_393 = vector.broadcast %add3A_392 : i32 to vector<16xi32>
      %add3A_394 = arith.addi %mul3A_383, %add3A_393 : vector<16xi32>
      %gather3A_395 = tpu.vector_load_idx %arg6[%add3A_394, %and3A_386] : memref<24x128xf32, #tpu.memory_space<vmem>>[vector<16xi32>, vector<16xi32>], vector<16xf32>,
      %mul3A_396 = arith.constant 2.560000e+02 : f32
      %mul3A_397 = vector.broadcast %mul3A_396 : f32 to vector<16xf32>
      %mul3A_398 = arith.mulf %gather3A_387, %mul3A_397 : vector<16xf32>
      %add3A_399 = arith.constant 1.280000e+02 : f32
      %add3A_400 = vector.broadcast %add3A_399 : f32 to vector<16xf32>
      %add3A_401 = arith.addf %mul3A_398, %add3A_400 : vector<16xf32>
      %convert_element_type3A_402 = arith.fptosi %add3A_401 : vector<16xf32> to vector<16xi32>
      %mul3A_403 = arith.constant 2.560000e+02 : f32
      %mul3A_404 = vector.broadcast %mul3A_403 : f32 to vector<16xf32>
      %mul3A_405 = arith.mulf %gather3A_391, %mul3A_404 : vector<16xf32>
      %add3A_406 = arith.constant 1.280000e+02 : f32
      %add3A_407 = vector.broadcast %add3A_406 : f32 to vector<16xf32>
      %add3A_408 = arith.addf %mul3A_405, %add3A_407 : vector<16xf32>
      %convert_element_type3A_409 = arith.fptosi %add3A_408 : vector<16xf32> to vector<16xi32>
      %mul3A_410 = arith.constant 2.560000e+02 : f32
      %mul3A_411 = vector.broadcast %mul3A_410 : f32 to vector<16xf32>
      %mul3A_412 = arith.mulf %gather3A_395, %mul3A_411 : vector<16xf32>
      %add3A_413 = arith.constant 1.280000e+02 : f32
      %add3A_414 = vector.broadcast %add3A_413 : f32 to vector<16xf32>
      %add3A_415 = arith.addf %mul3A_412, %add3A_414 : vector<16xf32>
      %convert_element_type3A_416 = arith.fptosi %add3A_415 : vector<16xf32> to vector<16xi32>
      %abs3A_417 = math.absf %gather3A_387 : vector<16xf32>
      %lt3A_418 = arith.constant 5.000000e-01 : f32
      %lt3A_419 = vector.broadcast %lt3A_418 : f32 to vector<16xf32>
      %lt3A_420 = arith.cmpf olt, %abs3A_417, %lt3A_419 : vector<16xf32>
      %abs3A_421 = math.absf %gather3A_391 : vector<16xf32>
      %lt3A_422 = arith.constant 5.000000e-01 : f32
      %lt3A_423 = vector.broadcast %lt3A_422 : f32 to vector<16xf32>
      %lt3A_424 = arith.cmpf olt, %abs3A_421, %lt3A_423 : vector<16xf32>
      %and3A_425 = arith.andi %lt3A_420, %lt3A_424 : vector<16xi1>
      %abs3A_426 = math.absf %gather3A_395 : vector<16xf32>
      %lt3A_427 = arith.constant 5.000000e-01 : f32
      %lt3A_428 = vector.broadcast %lt3A_427 : f32 to vector<16xf32>
      %lt3A_429 = arith.cmpf olt, %abs3A_426, %lt3A_428 : vector<16xf32>
      %and3A_430 = arith.andi %and3A_425, %lt3A_429 : vector<16xi1>
      %shift_right_arithmetic3A_431 = arith.constant 3 : i32
      %shift_right_arithmetic3A_432 = vector.broadcast %shift_right_arithmetic3A_431 : i32 to vector<16xi32>
      %shift_right_arithmetic3A_433 = arith.shrsi %convert_element_type3A_416, %shift_right_arithmetic3A_432 : vector<16xi32>
      %shift_left3A_434 = arith.constant 15 : i32
      %shift_left3A_435 = vector.broadcast %shift_left3A_434 : i32 to vector<16xi32>
      %shift_left3A_436 = arith.shli %convert_element_type3A_402, %shift_left3A_435 : vector<16xi32>
      %shift_left3A_437 = arith.constant 7 : i32
      %shift_left3A_438 = vector.broadcast %shift_left3A_437 : i32 to vector<16xi32>
      %shift_left3A_439 = arith.shli %convert_element_type3A_409, %shift_left3A_438 : vector<16xi32>
      %add3A_440 = arith.addi %shift_left3A_436, %shift_left3A_439 : vector<16xi32>
      %shift_right_arithmetic3A_441 = arith.constant 4 : i32
      %shift_right_arithmetic3A_442 = vector.broadcast %shift_right_arithmetic3A_441 : i32 to vector<16xi32>
      %shift_right_arithmetic3A_443 = arith.shrsi %shift_right_arithmetic3A_433, %shift_right_arithmetic3A_442 : vector<16xi32>
      %and3A_444 = arith.constant 1 : i32
      %and3A_445 = vector.broadcast %and3A_444 : i32 to vector<16xi32>
      %and3A_446 = arith.andi %shift_right_arithmetic3A_443, %and3A_445 : vector<16xi32>
      %shift_left3A_447 = arith.constant 6 : i32
      %shift_left3A_448 = vector.broadcast %shift_left3A_447 : i32 to vector<16xi32>
      %shift_left3A_449 = arith.shli %and3A_446, %shift_left3A_448 : vector<16xi32>
      %add3A_450 = arith.addi %add3A_440, %shift_left3A_449 : vector<16xi32>
      %and3A_451 = arith.constant 15 : i32
      %and3A_452 = vector.broadcast %and3A_451 : i32 to vector<16xi32>
      %and3A_453 = arith.andi %shift_right_arithmetic3A_433, %and3A_452 : vector<16xi32>
      %add3A_454 = arith.addi %add3A_450, %and3A_453 : vector<16xi32>
      %jit3A_455 = arith.constant 0 : i32
      %jit3A_456 = arith.constant 8388559 : i32
      %max3A_457 = vector.broadcast %jit3A_455 : i32 to vector<16xi32>
      %max3A_458 = arith.maxsi %max3A_457, %add3A_454 : vector<16xi32>
      %min3A_459 = vector.broadcast %jit3A_456 : i32 to vector<16xi32>
      %min3A_460 = arith.minsi %min3A_459, %max3A_458 : vector<16xi32>
      %swap3A_461 = arith.index_cast %multiple_of3A_375 : i32 to index
      %swap3A_462 = tpu.vector_load %arg7[%swap3A_461] {strides = array<i32>} : memref<1024xi32, #tpu.memory_space<vmem>>, vector<16xi32>,
      tpu.vector_store %arg7[%swap3A_461], %min3A_460 {strides = array<i32>} : memref<1024xi32, #tpu.memory_space<vmem>>, vector<16xi32>,
      %add3A_463 = arith.constant 16 : i32
      %add3A_464 = vector.broadcast %add3A_463 : i32 to vector<16xi32>
      %add3A_465 = arith.addi %min3A_460, %add3A_464 : vector<16xi32>
      %swap3A_466 = arith.index_cast %multiple_of3A_375 : i32 to index
      %swap3A_467 = tpu.vector_load %arg8[%swap3A_466] {strides = array<i32>} : memref<1024xi32, #tpu.memory_space<vmem>>, vector<16xi32>,
      tpu.vector_store %arg8[%swap3A_466], %add3A_465 {strides = array<i32>} : memref<1024xi32, #tpu.memory_space<vmem>>, vector<16xi32>,
      %add3A_468 = arith.constant 32 : i32
      %add3A_469 = vector.broadcast %add3A_468 : i32 to vector<16xi32>
      %add3A_470 = arith.addi %min3A_460, %add3A_469 : vector<16xi32>
      %swap3A_471 = arith.index_cast %multiple_of3A_375 : i32 to index
      %swap3A_472 = tpu.vector_load %arg9[%swap3A_471] {strides = array<i32>} : memref<1024xi32, #tpu.memory_space<vmem>>, vector<16xi32>,
      tpu.vector_store %arg9[%swap3A_471], %add3A_470 {strides = array<i32>} : memref<1024xi32, #tpu.memory_space<vmem>>, vector<16xi32>,
      %add3A_473 = arith.constant 48 : i32
      %add3A_474 = vector.broadcast %add3A_473 : i32 to vector<16xi32>
      %add3A_475 = arith.addi %min3A_460, %add3A_474 : vector<16xi32>
      %swap3A_476 = arith.index_cast %multiple_of3A_375 : i32 to index
      %swap3A_477 = tpu.vector_load %arg10[%swap3A_476] {strides = array<i32>} : memref<1024xi32, #tpu.memory_space<vmem>>, vector<16xi32>,
      tpu.vector_store %arg10[%swap3A_476], %add3A_475 {strides = array<i32>} : memref<1024xi32, #tpu.memory_space<vmem>>, vector<16xi32>,
      %and3A_478 = arith.constant 7 : i32
      %and3A_479 = vector.broadcast %and3A_478 : i32 to vector<16xi32>
      %and3A_480 = arith.andi %convert_element_type3A_416, %and3A_479 : vector<16xi32>
      %swap3A_481 = arith.index_cast %multiple_of3A_375 : i32 to index
      %swap3A_482 = tpu.vector_load %arg11[%swap3A_481] {strides = array<i32>} : memref<1024xi32, #tpu.memory_space<vmem>>, vector<16xi32>,
      tpu.vector_store %arg11[%swap3A_481], %and3A_480 {strides = array<i32>} : memref<1024xi32, #tpu.memory_space<vmem>>, vector<16xi32>,
      %jit3A_483 = arith.constant 1.000000e+00 : f32
      %jit3A_484 = arith.constant 0.000000e+00 : f32
      %broadcast_in_dim3A_485 = vector.broadcast %jit3A_483 : f32 to vector<16xf32>
      %broadcast_in_dim3A_486 = vector.broadcast %jit3A_484 : f32 to vector<16xf32>
      %select_n3A_487 = arith.select %and3A_430, %broadcast_in_dim3A_485, %broadcast_in_dim3A_486 : vector<16xi1>, vector<16xf32>
      %swap3A_488 = arith.index_cast %multiple_of3A_375 : i32 to index
      %swap3A_489 = tpu.vector_load %arg12[%swap3A_488] {strides = array<i32>} : memref<1024xf32, #tpu.memory_space<vmem>>, vector<16xf32>,
      tpu.vector_store %arg12[%swap3A_488], %select_n3A_487 {strides = array<i32>} : memref<1024xf32, #tpu.memory_space<vmem>>, vector<16xf32>,
    }
    %scan3A_11 = arith.constant 64 : i32
    %dma_start3A = arith.constant 0 : i32
    %dma_start3A_12 = arith.constant 0 : i32
    %dma_start3A_13 = tpu.memref_slice %arg3[%dma_start3A, %dma_start3A_12] : memref<8388608x8xf32, #tpu.memory_space<hbm>> -> memref<8388608x8xf32, #tpu.memory_space<hbm>>
    tpu.enqueue_indirect_dma source(%dma_start3A_13 : memref<8388608x8xf32, #tpu.memory_space<hbm>>) target(%arg13 : memref<1024x8xf32, #tpu.memory_space<vmem>>) offsets(%arg7 : memref<1024xi32, #tpu.memory_space<vmem>>) semaphore(%arg30 : memref<!tpu.dma_semaphore, #tpu.memory_space<semaphore_mem>>)
    %dma_start3A_14 = arith.constant 0 : i32
    %dma_start3A_15 = arith.constant 0 : i32
    %dma_start3A_16 = tpu.memref_slice %arg3[%dma_start3A_14, %dma_start3A_15] : memref<8388608x8xf32, #tpu.memory_space<hbm>> -> memref<8388608x8xf32, #tpu.memory_space<hbm>>
    tpu.enqueue_indirect_dma source(%dma_start3A_16 : memref<8388608x8xf32, #tpu.memory_space<hbm>>) target(%arg14 : memref<1024x8xf32, #tpu.memory_space<vmem>>) offsets(%arg8 : memref<1024xi32, #tpu.memory_space<vmem>>) semaphore(%arg30 : memref<!tpu.dma_semaphore, #tpu.memory_space<semaphore_mem>>)
    %dma_start3A_17 = arith.constant 0 : i32
    %dma_start3A_18 = arith.constant 0 : i32
    %dma_start3A_19 = tpu.memref_slice %arg3[%dma_start3A_17, %dma_start3A_18] : memref<8388608x8xf32, #tpu.memory_space<hbm>> -> memref<8388608x8xf32, #tpu.memory_space<hbm>>
    tpu.enqueue_indirect_dma source(%dma_start3A_19 : memref<8388608x8xf32, #tpu.memory_space<hbm>>) target(%arg15 : memref<1024x8xf32, #tpu.memory_space<vmem>>) offsets(%arg9 : memref<1024xi32, #tpu.memory_space<vmem>>) semaphore(%arg30 : memref<!tpu.dma_semaphore, #tpu.memory_space<semaphore_mem>>)
    %dma_start3A_20 = arith.constant 0 : i32
    %dma_start3A_21 = arith.constant 0 : i32
    %dma_start3A_22 = tpu.memref_slice %arg3[%dma_start3A_20, %dma_start3A_21] : memref<8388608x8xf32, #tpu.memory_space<hbm>> -> memref<8388608x8xf32, #tpu.memory_space<hbm>>
    tpu.enqueue_indirect_dma source(%dma_start3A_22 : memref<8388608x8xf32, #tpu.memory_space<hbm>>) target(%arg16 : memref<1024x8xf32, #tpu.memory_space<vmem>>) offsets(%arg10 : memref<1024xi32, #tpu.memory_space<vmem>>) semaphore(%arg30 : memref<!tpu.dma_semaphore, #tpu.memory_space<semaphore_mem>>)
    %scan3A_23 = arith.constant 0 : i32
    %scan3A_24 = arith.constant 0 : i32
    %scan3A_25 = arith.constant 32 : i32
    %scan3A_26 = arith.addi %scan3A_24, %scan3A_25 : i32
    %scan3A_27 = arith.constant 1 : i32
    scf.for %scan3A_29 = %scan3A_24 to %scan3A_26 step %scan3A_27  : i32 {
      %mul3A_30 = arith.constant 2 : i32
      %mul3A_31 = arith.muli %mul3A_30, %scan3A_29 : i32
      %add3A_32 = arith.constant 1 : i32
      %add3A_33 = arith.addi %mul3A_31, %add3A_32 : i32
      %mul3A_34 = arith.constant 512 : i32
      %mul3A_35 = arith.muli %add3A, %mul3A_34 : i32
      %mul3A_36 = arith.constant 8 : i32
      %mul3A_37 = arith.muli %add3A_33, %mul3A_36 : i32
      %add3A_38 = arith.addi %mul3A_35, %mul3A_37 : i32
      %mul3A_39 = arith.constant 3 : i32
      %mul3A_40 = arith.muli %mul3A_39, %add3A_38 : i32
      "tpu.region"() ({
        %run_scoped3A = tpu.sem_alloc : memref<!tpu.dma_semaphore, #tpu.memory_space<semaphore_mem>>
        %dma_start3A_112 = arith.constant 0 : i32
        %dma_start3A_113 = tpu.memref_slice %arg2[%mul3A_40, %dma_start3A_112] : memref<49152x128xf32, #tpu.memory_space<hbm>> -> memref<24x128xf32, #tpu.memory_space<hbm>>
        %dma_start3A_114 = arith.constant 0 : i32
        %dma_start3A_115 = tpu.memref_slice %arg2[%mul3A_40, %dma_start3A_114] : memref<49152x128xf32, #tpu.memory_space<hbm>> -> memref<24x128xf32, #tpu.memory_space<hbm>>
        tpu.enqueue_dma source(%dma_start3A_115 : memref<24x128xf32, #tpu.memory_space<hbm>>) target(%arg17 : memref<24x128xf32, #tpu.memory_space<vmem>>) target_semaphore(%run_scoped3A : memref<!tpu.dma_semaphore, #tpu.memory_space<semaphore_mem>>)
        %dma_wait3A_116 = arith.constant 0 : i32
        %dma_wait3A_117 = tpu.memref_slice %arg2[%mul3A_40, %dma_wait3A_116] : memref<49152x128xf32, #tpu.memory_space<hbm>> -> memref<24x128xf32, #tpu.memory_space<hbm>>
        %dma_wait3A_118 = arith.constant 0 : i32
        %dma_wait3A_119 = tpu.memref_slice %arg2[%mul3A_40, %dma_wait3A_118] : memref<49152x128xf32, #tpu.memory_space<hbm>> -> memref<24x128xf32, #tpu.memory_space<hbm>>
        tpu.wait_dma2 semaphore(%run_scoped3A : memref<!tpu.dma_semaphore, #tpu.memory_space<semaphore_mem>>) src(%dma_wait3A_119 : memref<24x128xf32, #tpu.memory_space<hbm>>) dst(%arg17 : memref<24x128xf32, #tpu.memory_space<vmem>>)
        tpu.yield
      }) : () -> ()
      %scan3A_41 = arith.constant 0 : i32
      %scan3A_42 = arith.constant 0 : i32
      %scan3A_43 = arith.constant 64 : i32
      %scan3A_44 = arith.addi %scan3A_42, %scan3A_43 : i32
      %scan3A_45 = arith.constant 4 : i32
      scf.for %scan3A_112 = %scan3A_42 to %scan3A_44 step %scan3A_45  : i32 {
        %mul3A_113 = arith.constant 16 : i32
        %mul3A_114 = arith.muli %scan3A_112, %mul3A_113 : i32
        %multiple_of3A = tpu.assume_multiple %mul3A_114, 16 : i32
        %add3A_115 = vector.broadcast %multiple_of3A : i32 to vector<16xi32>
        %add3A_116 = arith.addi %add3A_115, %iota3A : vector<16xi32>
        %shift_right_arithmetic3A = arith.constant 7 : i32
        %shift_right_arithmetic3A_117 = vector.broadcast %shift_right_arithmetic3A : i32 to vector<16xi32>
        %shift_right_arithmetic3A_118 = arith.shrsi %add3A_116, %shift_right_arithmetic3A_117 : vector<16xi32>
        %mul3A_119 = arith.constant 3 : i32
        %mul3A_120 = vector.broadcast %mul3A_119 : i32 to vector<16xi32>
        %mul3A_121 = arith.muli %shift_right_arithmetic3A_118, %mul3A_120 : vector<16xi32>
        %and3A = arith.constant 127 : i32
        %and3A_122 = vector.broadcast %and3A : i32 to vector<16xi32>
        %and3A_123 = arith.andi %add3A_116, %and3A_122 : vector<16xi32>
        %gather3A = tpu.vector_load_idx %arg17[%mul3A_121, %and3A_123] : memref<24x128xf32, #tpu.memory_space<vmem>>[vector<16xi32>, vector<16xi32>], vector<16xf32>,
        %add3A_124 = arith.constant 1 : i32
        %add3A_125 = vector.broadcast %add3A_124 : i32 to vector<16xi32>
        %add3A_126 = arith.addi %mul3A_121, %add3A_125 : vector<16xi32>
        %gather3A_127 = tpu.vector_load_idx %arg17[%add3A_126, %and3A_123] : memref<24x128xf32, #tpu.memory_space<vmem>>[vector<16xi32>, vector<16xi32>], vector<16xf32>,
        %add3A_128 = arith.constant 2 : i32
        %add3A_129 = vector.broadcast %add3A_128 : i32 to vector<16xi32>
        %add3A_130 = arith.addi %mul3A_121, %add3A_129 : vector<16xi32>
        %gather3A_131 = tpu.vector_load_idx %arg17[%add3A_130, %and3A_123] : memref<24x128xf32, #tpu.memory_space<vmem>>[vector<16xi32>, vector<16xi32>], vector<16xf32>,
        %mul3A_132 = arith.constant 2.560000e+02 : f32
        %mul3A_133 = vector.broadcast %mul3A_132 : f32 to vector<16xf32>
        %mul3A_134 = arith.mulf %gather3A, %mul3A_133 : vector<16xf32>
        %add3A_135 = arith.constant 1.280000e+02 : f32
        %add3A_136 = vector.broadcast %add3A_135 : f32 to vector<16xf32>
        %add3A_137 = arith.addf %mul3A_134, %add3A_136 : vector<16xf32>
        %convert_element_type3A_138 = arith.fptosi %add3A_137 : vector<16xf32> to vector<16xi32>
        %mul3A_139 = arith.constant 2.560000e+02 : f32
        %mul3A_140 = vector.broadcast %mul3A_139 : f32 to vector<16xf32>
        %mul3A_141 = arith.mulf %gather3A_127, %mul3A_140 : vector<16xf32>
        %add3A_142 = arith.constant 1.280000e+02 : f32
        %add3A_143 = vector.broadcast %add3A_142 : f32 to vector<16xf32>
        %add3A_144 = arith.addf %mul3A_141, %add3A_143 : vector<16xf32>
        %convert_element_type3A_145 = arith.fptosi %add3A_144 : vector<16xf32> to vector<16xi32>
        %mul3A_146 = arith.constant 2.560000e+02 : f32
        %mul3A_147 = vector.broadcast %mul3A_146 : f32 to vector<16xf32>
        %mul3A_148 = arith.mulf %gather3A_131, %mul3A_147 : vector<16xf32>
        %add3A_149 = arith.constant 1.280000e+02 : f32
        %add3A_150 = vector.broadcast %add3A_149 : f32 to vector<16xf32>
        %add3A_151 = arith.addf %mul3A_148, %add3A_150 : vector<16xf32>
        %convert_element_type3A_152 = arith.fptosi %add3A_151 : vector<16xf32> to vector<16xi32>
        %abs3A = math.absf %gather3A : vector<16xf32>
        %lt3A_153 = arith.constant 5.000000e-01 : f32
        %lt3A_154 = vector.broadcast %lt3A_153 : f32 to vector<16xf32>
        %lt3A_155 = arith.cmpf olt, %abs3A, %lt3A_154 : vector<16xf32>
        %abs3A_156 = math.absf %gather3A_127 : vector<16xf32>
        %lt3A_157 = arith.constant 5.000000e-01 : f32
        %lt3A_158 = vector.broadcast %lt3A_157 : f32 to vector<16xf32>
        %lt3A_159 = arith.cmpf olt, %abs3A_156, %lt3A_158 : vector<16xf32>
        %and3A_160 = arith.andi %lt3A_155, %lt3A_159 : vector<16xi1>
        %abs3A_161 = math.absf %gather3A_131 : vector<16xf32>
        %lt3A_162 = arith.constant 5.000000e-01 : f32
        %lt3A_163 = vector.broadcast %lt3A_162 : f32 to vector<16xf32>
        %lt3A_164 = arith.cmpf olt, %abs3A_161, %lt3A_163 : vector<16xf32>
        %and3A_165 = arith.andi %and3A_160, %lt3A_164 : vector<16xi1>
        %shift_right_arithmetic3A_166 = arith.constant 3 : i32
        %shift_right_arithmetic3A_167 = vector.broadcast %shift_right_arithmetic3A_166 : i32 to vector<16xi32>
        %shift_right_arithmetic3A_168 = arith.shrsi %convert_element_type3A_152, %shift_right_arithmetic3A_167 : vector<16xi32>
        %shift_left3A = arith.constant 15 : i32
        %shift_left3A_169 = vector.broadcast %shift_left3A : i32 to vector<16xi32>
        %shift_left3A_170 = arith.shli %convert_element_type3A_138, %shift_left3A_169 : vector<16xi32>
        %shift_left3A_171 = arith.constant 7 : i32
        %shift_left3A_172 = vector.broadcast %shift_left3A_171 : i32 to vector<16xi32>
        %shift_left3A_173 = arith.shli %convert_element_type3A_145, %shift_left3A_172 : vector<16xi32>
        %add3A_174 = arith.addi %shift_left3A_170, %shift_left3A_173 : vector<16xi32>
        %shift_right_arithmetic3A_175 = arith.constant 4 : i32
        %shift_right_arithmetic3A_176 = vector.broadcast %shift_right_arithmetic3A_175 : i32 to vector<16xi32>
        %shift_right_arithmetic3A_177 = arith.shrsi %shift_right_arithmetic3A_168, %shift_right_arithmetic3A_176 : vector<16xi32>
        %and3A_178 = arith.constant 1 : i32
        %and3A_179 = vector.broadcast %and3A_178 : i32 to vector<16xi32>
        %and3A_180 = arith.andi %shift_right_arithmetic3A_177, %and3A_179 : vector<16xi32>
        %shift_left3A_181 = arith.constant 6 : i32
        %shift_left3A_182 = vector.broadcast %shift_left3A_181 : i32 to vector<16xi32>
        %shift_left3A_183 = arith.shli %and3A_180, %shift_left3A_182 : vector<16xi32>
        %add3A_184 = arith.addi %add3A_174, %shift_left3A_183 : vector<16xi32>
        %and3A_185 = arith.constant 15 : i32
        %and3A_186 = vector.broadcast %and3A_185 : i32 to vector<16xi32>
        %and3A_187 = arith.andi %shift_right_arithmetic3A_168, %and3A_186 : vector<16xi32>
        %add3A_188 = arith.addi %add3A_184, %and3A_187 : vector<16xi32>
        %jit3A = arith.constant 0 : i32
        %jit3A_189 = arith.constant 8388559 : i32
        %max3A = vector.broadcast %jit3A : i32 to vector<16xi32>
        %max3A_190 = arith.maxsi %max3A, %add3A_188 : vector<16xi32>
        %min3A = vector.broadcast %jit3A_189 : i32 to vector<16xi32>
        %min3A_191 = arith.minsi %min3A, %max3A_190 : vector<16xi32>
        %swap3A = arith.index_cast %multiple_of3A : i32 to index
        %swap3A_192 = tpu.vector_load %arg18[%swap3A] {strides = array<i32>} : memref<1024xi32, #tpu.memory_space<vmem>>, vector<16xi32>,
        tpu.vector_store %arg18[%swap3A], %min3A_191 {strides = array<i32>} : memref<1024xi32, #tpu.memory_space<vmem>>, vector<16xi32>,
        %add3A_193 = arith.constant 16 : i32
        %add3A_194 = vector.broadcast %add3A_193 : i32 to vector<16xi32>
        %add3A_195 = arith.addi %min3A_191, %add3A_194 : vector<16xi32>
        %swap3A_196 = arith.index_cast %multiple_of3A : i32 to index
        %swap3A_197 = tpu.vector_load %arg19[%swap3A_196] {strides = array<i32>} : memref<1024xi32, #tpu.memory_space<vmem>>, vector<16xi32>,
        tpu.vector_store %arg19[%swap3A_196], %add3A_195 {strides = array<i32>} : memref<1024xi32, #tpu.memory_space<vmem>>, vector<16xi32>,
        %add3A_198 = arith.constant 32 : i32
        %add3A_199 = vector.broadcast %add3A_198 : i32 to vector<16xi32>
        %add3A_200 = arith.addi %min3A_191, %add3A_199 : vector<16xi32>
        %swap3A_201 = arith.index_cast %multiple_of3A : i32 to index
        %swap3A_202 = tpu.vector_load %arg20[%swap3A_201] {strides = array<i32>} : memref<1024xi32, #tpu.memory_space<vmem>>, vector<16xi32>,
        tpu.vector_store %arg20[%swap3A_201], %add3A_200 {strides = array<i32>} : memref<1024xi32, #tpu.memory_space<vmem>>, vector<16xi32>,
        %add3A_203 = arith.constant 48 : i32
        %add3A_204 = vector.broadcast %add3A_203 : i32 to vector<16xi32>
        %add3A_205 = arith.addi %min3A_191, %add3A_204 : vector<16xi32>
        %swap3A_206 = arith.index_cast %multiple_of3A : i32 to index
        %swap3A_207 = tpu.vector_load %arg21[%swap3A_206] {strides = array<i32>} : memref<1024xi32, #tpu.memory_space<vmem>>, vector<16xi32>,
        tpu.vector_store %arg21[%swap3A_206], %add3A_205 {strides = array<i32>} : memref<1024xi32, #tpu.memory_space<vmem>>, vector<16xi32>,
        %and3A_208 = arith.constant 7 : i32
        %and3A_209 = vector.broadcast %and3A_208 : i32 to vector<16xi32>
        %and3A_210 = arith.andi %convert_element_type3A_152, %and3A_209 : vector<16xi32>
        %swap3A_211 = arith.index_cast %multiple_of3A : i32 to index
        %swap3A_212 = tpu.vector_load %arg22[%swap3A_211] {strides = array<i32>} : memref<1024xi32, #tpu.memory_space<vmem>>, vector<16xi32>,
        tpu.vector_store %arg22[%swap3A_211], %and3A_210 {strides = array<i32>} : memref<1024xi32, #tpu.memory_space<vmem>>, vector<16xi32>,
        %jit3A_213 = arith.constant 1.000000e+00 : f32
        %jit3A_214 = arith.constant 0.000000e+00 : f32
        %broadcast_in_dim3A = vector.broadcast %jit3A_213 : f32 to vector<16xf32>
        %broadcast_in_dim3A_215 = vector.broadcast %jit3A_214 : f32 to vector<16xf32>
        %select_n3A = arith.select %and3A_165, %broadcast_in_dim3A, %broadcast_in_dim3A_215 : vector<16xi1>, vector<16xf32>
        %swap3A_216 = arith.index_cast %multiple_of3A : i32 to index
        %swap3A_217 = tpu.vector_load %arg23[%swap3A_216] {strides = array<i32>} : memref<1024xf32, #tpu.memory_space<vmem>>, vector<16xf32>,
        tpu.vector_store %arg23[%swap3A_216], %select_n3A {strides = array<i32>} : memref<1024xf32, #tpu.memory_space<vmem>>, vector<16xf32>,
        %scan3A_218 = arith.constant 1 : i32
        %scan3A_219 = arith.addi %scan3A_112, %scan3A_218 : i32
        %mul3A_220 = arith.constant 16 : i32
        %mul3A_221 = arith.muli %scan3A_219, %mul3A_220 : i32
        %multiple_of3A_222 = tpu.assume_multiple %mul3A_221, 16 : i32
        %add3A_223 = vector.broadcast %multiple_of3A_222 : i32 to vector<16xi32>
        %add3A_224 = arith.addi %add3A_223, %iota3A : vector<16xi32>
        %shift_right_arithmetic3A_225 = arith.constant 7 : i32
        %shift_right_arithmetic3A_226 = vector.broadcast %shift_right_arithmetic3A_225 : i32 to vector<16xi32>
        %shift_right_arithmetic3A_227 = arith.shrsi %add3A_224, %shift_right_arithmetic3A_226 : vector<16xi32>
        %mul3A_228 = arith.constant 3 : i32
        %mul3A_229 = vector.broadcast %mul3A_228 : i32 to vector<16xi32>
        %mul3A_230 = arith.muli %shift_right_arithmetic3A_227, %mul3A_229 : vector<16xi32>
        %and3A_231 = arith.constant 127 : i32
        %and3A_232 = vector.broadcast %and3A_231 : i32 to vector<16xi32>
        %and3A_233 = arith.andi %add3A_224, %and3A_232 : vector<16xi32>
        %gather3A_234 = tpu.vector_load_idx %arg17[%mul3A_230, %and3A_233] : memref<24x128xf32, #tpu.memory_space<vmem>>[vector<16xi32>, vector<16xi32>], vector<16xf32>,
        %add3A_235 = arith.constant 1 : i32
        %add3A_236 = vector.broadcast %add3A_235 : i32 to vector<16xi32>
        %add3A_237 = arith.addi %mul3A_230, %add3A_236 : vector<16xi32>
        %gather3A_238 = tpu.vector_load_idx %arg17[%add3A_237, %and3A_233] : memref<24x128xf32, #tpu.memory_space<vmem>>[vector<16xi32>, vector<16xi32>], vector<16xf32>,
        %add3A_239 = arith.constant 2 : i32
        %add3A_240 = vector.broadcast %add3A_239 : i32 to vector<16xi32>
        %add3A_241 = arith.addi %mul3A_230, %add3A_240 : vector<16xi32>
        %gather3A_242 = tpu.vector_load_idx %arg17[%add3A_241, %and3A_233] : memref<24x128xf32, #tpu.memory_space<vmem>>[vector<16xi32>, vector<16xi32>], vector<16xf32>,
        %mul3A_243 = arith.constant 2.560000e+02 : f32
        %mul3A_244 = vector.broadcast %mul3A_243 : f32 to vector<16xf32>
        %mul3A_245 = arith.mulf %gather3A_234, %mul3A_244 : vector<16xf32>
        %add3A_246 = arith.constant 1.280000e+02 : f32
        %add3A_247 = vector.broadcast %add3A_246 : f32 to vector<16xf32>
        %add3A_248 = arith.addf %mul3A_245, %add3A_247 : vector<16xf32>
        %convert_element_type3A_249 = arith.fptosi %add3A_248 : vector<16xf32> to vector<16xi32>
        %mul3A_250 = arith.constant 2.560000e+02 : f32
        %mul3A_251 = vector.broadcast %mul3A_250 : f32 to vector<16xf32>
        %mul3A_252 = arith.mulf %gather3A_238, %mul3A_251 : vector<16xf32>
        %add3A_253 = arith.constant 1.280000e+02 : f32
        %add3A_254 = vector.broadcast %add3A_253 : f32 to vector<16xf32>
        %add3A_255 = arith.addf %mul3A_252, %add3A_254 : vector<16xf32>
        %convert_element_type3A_256 = arith.fptosi %add3A_255 : vector<16xf32> to vector<16xi32>
        %mul3A_257 = arith.constant 2.560000e+02 : f32
        %mul3A_258 = vector.broadcast %mul3A_257 : f32 to vector<16xf32>
        %mul3A_259 = arith.mulf %gather3A_242, %mul3A_258 : vector<16xf32>
        %add3A_260 = arith.constant 1.280000e+02 : f32
        %add3A_261 = vector.broadcast %add3A_260 : f32 to vector<16xf32>
        %add3A_262 = arith.addf %mul3A_259, %add3A_261 : vector<16xf32>
        %convert_element_type3A_263 = arith.fptosi %add3A_262 : vector<16xf32> to vector<16xi32>
        %abs3A_264 = math.absf %gather3A_234 : vector<16xf32>
        %lt3A_265 = arith.constant 5.000000e-01 : f32
        %lt3A_266 = vector.broadcast %lt3A_265 : f32 to vector<16xf32>
        %lt3A_267 = arith.cmpf olt, %abs3A_264, %lt3A_266 : vector<16xf32>
        %abs3A_268 = math.absf %gather3A_238 : vector<16xf32>
        %lt3A_269 = arith.constant 5.000000e-01 : f32
        %lt3A_270 = vector.broadcast %lt3A_269 : f32 to vector<16xf32>
        %lt3A_271 = arith.cmpf olt, %abs3A_268, %lt3A_270 : vector<16xf32>
        %and3A_272 = arith.andi %lt3A_267, %lt3A_271 : vector<16xi1>
        %abs3A_273 = math.absf %gather3A_242 : vector<16xf32>
        %lt3A_274 = arith.constant 5.000000e-01 : f32
        %lt3A_275 = vector.broadcast %lt3A_274 : f32 to vector<16xf32>
        %lt3A_276 = arith.cmpf olt, %abs3A_273, %lt3A_275 : vector<16xf32>
        %and3A_277 = arith.andi %and3A_272, %lt3A_276 : vector<16xi1>
        %shift_right_arithmetic3A_278 = arith.constant 3 : i32
        %shift_right_arithmetic3A_279 = vector.broadcast %shift_right_arithmetic3A_278 : i32 to vector<16xi32>
        %shift_right_arithmetic3A_280 = arith.shrsi %convert_element_type3A_263, %shift_right_arithmetic3A_279 : vector<16xi32>
        %shift_left3A_281 = arith.constant 15 : i32
        %shift_left3A_282 = vector.broadcast %shift_left3A_281 : i32 to vector<16xi32>
        %shift_left3A_283 = arith.shli %convert_element_type3A_249, %shift_left3A_282 : vector<16xi32>
        %shift_left3A_284 = arith.constant 7 : i32
        %shift_left3A_285 = vector.broadcast %shift_left3A_284 : i32 to vector<16xi32>
        %shift_left3A_286 = arith.shli %convert_element_type3A_256, %shift_left3A_285 : vector<16xi32>
        %add3A_287 = arith.addi %shift_left3A_283, %shift_left3A_286 : vector<16xi32>
        %shift_right_arithmetic3A_288 = arith.constant 4 : i32
        %shift_right_arithmetic3A_289 = vector.broadcast %shift_right_arithmetic3A_288 : i32 to vector<16xi32>
        %shift_right_arithmetic3A_290 = arith.shrsi %shift_right_arithmetic3A_280, %shift_right_arithmetic3A_289 : vector<16xi32>
        %and3A_291 = arith.constant 1 : i32
        %and3A_292 = vector.broadcast %and3A_291 : i32 to vector<16xi32>
        %and3A_293 = arith.andi %shift_right_arithmetic3A_290, %and3A_292 : vector<16xi32>
        %shift_left3A_294 = arith.constant 6 : i32
        %shift_left3A_295 = vector.broadcast %shift_left3A_294 : i32 to vector<16xi32>
        %shift_left3A_296 = arith.shli %and3A_293, %shift_left3A_295 : vector<16xi32>
        %add3A_297 = arith.addi %add3A_287, %shift_left3A_296 : vector<16xi32>
        %and3A_298 = arith.constant 15 : i32
        %and3A_299 = vector.broadcast %and3A_298 : i32 to vector<16xi32>
        %and3A_300 = arith.andi %shift_right_arithmetic3A_280, %and3A_299 : vector<16xi32>
        %add3A_301 = arith.addi %add3A_297, %and3A_300 : vector<16xi32>
        %jit3A_302 = arith.constant 0 : i32
        %jit3A_303 = arith.constant 8388559 : i32
        %max3A_304 = vector.broadcast %jit3A_302 : i32 to vector<16xi32>
        %max3A_305 = arith.maxsi %max3A_304, %add3A_301 : vector<16xi32>
        %min3A_306 = vector.broadcast %jit3A_303 : i32 to vector<16xi32>
        %min3A_307 = arith.minsi %min3A_306, %max3A_305 : vector<16xi32>
        %swap3A_308 = arith.index_cast %multiple_of3A_222 : i32 to index
        %swap3A_309 = tpu.vector_load %arg18[%swap3A_308] {strides = array<i32>} : memref<1024xi32, #tpu.memory_space<vmem>>, vector<16xi32>,
        tpu.vector_store %arg18[%swap3A_308], %min3A_307 {strides = array<i32>} : memref<1024xi32, #tpu.memory_space<vmem>>, vector<16xi32>,
        %add3A_310 = arith.constant 16 : i32
        %add3A_311 = vector.broadcast %add3A_310 : i32 to vector<16xi32>
        %add3A_312 = arith.addi %min3A_307, %add3A_311 : vector<16xi32>
        %swap3A_313 = arith.index_cast %multiple_of3A_222 : i32 to index
        %swap3A_314 = tpu.vector_load %arg19[%swap3A_313] {strides = array<i32>} : memref<1024xi32, #tpu.memory_space<vmem>>, vector<16xi32>,
        tpu.vector_store %arg19[%swap3A_313], %add3A_312 {strides = array<i32>} : memref<1024xi32, #tpu.memory_space<vmem>>, vector<16xi32>,
        %add3A_315 = arith.constant 32 : i32
        %add3A_316 = vector.broadcast %add3A_315 : i32 to vector<16xi32>
        %add3A_317 = arith.addi %min3A_307, %add3A_316 : vector<16xi32>
        %swap3A_318 = arith.index_cast %multiple_of3A_222 : i32 to index
        %swap3A_319 = tpu.vector_load %arg20[%swap3A_318] {strides = array<i32>} : memref<1024xi32, #tpu.memory_space<vmem>>, vector<16xi32>,
        tpu.vector_store %arg20[%swap3A_318], %add3A_317 {strides = array<i32>} : memref<1024xi32, #tpu.memory_space<vmem>>, vector<16xi32>,
        %add3A_320 = arith.constant 48 : i32
        %add3A_321 = vector.broadcast %add3A_320 : i32 to vector<16xi32>
        %add3A_322 = arith.addi %min3A_307, %add3A_321 : vector<16xi32>
        %swap3A_323 = arith.index_cast %multiple_of3A_222 : i32 to index
        %swap3A_324 = tpu.vector_load %arg21[%swap3A_323] {strides = array<i32>} : memref<1024xi32, #tpu.memory_space<vmem>>, vector<16xi32>,
        tpu.vector_store %arg21[%swap3A_323], %add3A_322 {strides = array<i32>} : memref<1024xi32, #tpu.memory_space<vmem>>, vector<16xi32>,
        %and3A_325 = arith.constant 7 : i32
        %and3A_326 = vector.broadcast %and3A_325 : i32 to vector<16xi32>
        %and3A_327 = arith.andi %convert_element_type3A_263, %and3A_326 : vector<16xi32>
        %swap3A_328 = arith.index_cast %multiple_of3A_222 : i32 to index
        %swap3A_329 = tpu.vector_load %arg22[%swap3A_328] {strides = array<i32>} : memref<1024xi32, #tpu.memory_space<vmem>>, vector<16xi32>,
        tpu.vector_store %arg22[%swap3A_328], %and3A_327 {strides = array<i32>} : memref<1024xi32, #tpu.memory_space<vmem>>, vector<16xi32>,
        %jit3A_330 = arith.constant 1.000000e+00 : f32
        %jit3A_331 = arith.constant 0.000000e+00 : f32
        %broadcast_in_dim3A_332 = vector.broadcast %jit3A_330 : f32 to vector<16xf32>
        %broadcast_in_dim3A_333 = vector.broadcast %jit3A_331 : f32 to vector<16xf32>
        %select_n3A_334 = arith.select %and3A_277, %broadcast_in_dim3A_332, %broadcast_in_dim3A_333 : vector<16xi1>, vector<16xf32>
        %swap3A_335 = arith.index_cast %multiple_of3A_222 : i32 to index
        %swap3A_336 = tpu.vector_load %arg23[%swap3A_335] {strides = array<i32>} : memref<1024xf32, #tpu.memory_space<vmem>>, vector<16xf32>,
        tpu.vector_store %arg23[%swap3A_335], %select_n3A_334 {strides = array<i32>} : memref<1024xf32, #tpu.memory_space<vmem>>, vector<16xf32>,
        %scan3A_337 = arith.constant 2 : i32
        %scan3A_338 = arith.addi %scan3A_112, %scan3A_337 : i32
        %mul3A_339 = arith.constant 16 : i32
        %mul3A_340 = arith.muli %scan3A_338, %mul3A_339 : i32
        %multiple_of3A_341 = tpu.assume_multiple %mul3A_340, 16 : i32
        %add3A_342 = vector.broadcast %multiple_of3A_341 : i32 to vector<16xi32>
        %add3A_343 = arith.addi %add3A_342, %iota3A : vector<16xi32>
        %shift_right_arithmetic3A_344 = arith.constant 7 : i32
        %shift_right_arithmetic3A_345 = vector.broadcast %shift_right_arithmetic3A_344 : i32 to vector<16xi32>
        %shift_right_arithmetic3A_346 = arith.shrsi %add3A_343, %shift_right_arithmetic3A_345 : vector<16xi32>
        %mul3A_347 = arith.constant 3 : i32
        %mul3A_348 = vector.broadcast %mul3A_347 : i32 to vector<16xi32>
        %mul3A_349 = arith.muli %shift_right_arithmetic3A_346, %mul3A_348 : vector<16xi32>
        %and3A_350 = arith.constant 127 : i32
        %and3A_351 = vector.broadcast %and3A_350 : i32 to vector<16xi32>
        %and3A_352 = arith.andi %add3A_343, %and3A_351 : vector<16xi32>
        %gather3A_353 = tpu.vector_load_idx %arg17[%mul3A_349, %and3A_352] : memref<24x128xf32, #tpu.memory_space<vmem>>[vector<16xi32>, vector<16xi32>], vector<16xf32>,
        %add3A_354 = arith.constant 1 : i32
        %add3A_355 = vector.broadcast %add3A_354 : i32 to vector<16xi32>
        %add3A_356 = arith.addi %mul3A_349, %add3A_355 : vector<16xi32>
        %gather3A_357 = tpu.vector_load_idx %arg17[%add3A_356, %and3A_352] : memref<24x128xf32, #tpu.memory_space<vmem>>[vector<16xi32>, vector<16xi32>], vector<16xf32>,
        %add3A_358 = arith.constant 2 : i32
        %add3A_359 = vector.broadcast %add3A_358 : i32 to vector<16xi32>
        %add3A_360 = arith.addi %mul3A_349, %add3A_359 : vector<16xi32>
        %gather3A_361 = tpu.vector_load_idx %arg17[%add3A_360, %and3A_352] : memref<24x128xf32, #tpu.memory_space<vmem>>[vector<16xi32>, vector<16xi32>], vector<16xf32>,
        %mul3A_362 = arith.constant 2.560000e+02 : f32
        %mul3A_363 = vector.broadcast %mul3A_362 : f32 to vector<16xf32>
        %mul3A_364 = arith.mulf %gather3A_353, %mul3A_363 : vector<16xf32>
        %add3A_365 = arith.constant 1.280000e+02 : f32
        %add3A_366 = vector.broadcast %add3A_365 : f32 to vector<16xf32>
        %add3A_367 = arith.addf %mul3A_364, %add3A_366 : vector<16xf32>
        %convert_element_type3A_368 = arith.fptosi %add3A_367 : vector<16xf32> to vector<16xi32>
        %mul3A_369 = arith.constant 2.560000e+02 : f32
        %mul3A_370 = vector.broadcast %mul3A_369 : f32 to vector<16xf32>
        %mul3A_371 = arith.mulf %gather3A_357, %mul3A_370 : vector<16xf32>
        %add3A_372 = arith.constant 1.280000e+02 : f32
        %add3A_373 = vector.broadcast %add3A_372 : f32 to vector<16xf32>
        %add3A_374 = arith.addf %mul3A_371, %add3A_373 : vector<16xf32>
        %convert_element_type3A_375 = arith.fptosi %add3A_374 : vector<16xf32> to vector<16xi32>
        %mul3A_376 = arith.constant 2.560000e+02 : f32
        %mul3A_377 = vector.broadcast %mul3A_376 : f32 to vector<16xf32>
        %mul3A_378 = arith.mulf %gather3A_361, %mul3A_377 : vector<16xf32>
        %add3A_379 = arith.constant 1.280000e+02 : f32
        %add3A_380 = vector.broadcast %add3A_379 : f32 to vector<16xf32>
        %add3A_381 = arith.addf %mul3A_378, %add3A_380 : vector<16xf32>
        %convert_element_type3A_382 = arith.fptosi %add3A_381 : vector<16xf32> to vector<16xi32>
        %abs3A_383 = math.absf %gather3A_353 : vector<16xf32>
        %lt3A_384 = arith.constant 5.000000e-01 : f32
        %lt3A_385 = vector.broadcast %lt3A_384 : f32 to vector<16xf32>
        %lt3A_386 = arith.cmpf olt, %abs3A_383, %lt3A_385 : vector<16xf32>
        %abs3A_387 = math.absf %gather3A_357 : vector<16xf32>
        %lt3A_388 = arith.constant 5.000000e-01 : f32
        %lt3A_389 = vector.broadcast %lt3A_388 : f32 to vector<16xf32>
        %lt3A_390 = arith.cmpf olt, %abs3A_387, %lt3A_389 : vector<16xf32>
        %and3A_391 = arith.andi %lt3A_386, %lt3A_390 : vector<16xi1>
        %abs3A_392 = math.absf %gather3A_361 : vector<16xf32>
        %lt3A_393 = arith.constant 5.000000e-01 : f32
        %lt3A_394 = vector.broadcast %lt3A_393 : f32 to vector<16xf32>
        %lt3A_395 = arith.cmpf olt, %abs3A_392, %lt3A_394 : vector<16xf32>
        %and3A_396 = arith.andi %and3A_391, %lt3A_395 : vector<16xi1>
        %shift_right_arithmetic3A_397 = arith.constant 3 : i32
        %shift_right_arithmetic3A_398 = vector.broadcast %shift_right_arithmetic3A_397 : i32 to vector<16xi32>
        %shift_right_arithmetic3A_399 = arith.shrsi %convert_element_type3A_382, %shift_right_arithmetic3A_398 : vector<16xi32>
        %shift_left3A_400 = arith.constant 15 : i32
        %shift_left3A_401 = vector.broadcast %shift_left3A_400 : i32 to vector<16xi32>
        %shift_left3A_402 = arith.shli %convert_element_type3A_368, %shift_left3A_401 : vector<16xi32>
        %shift_left3A_403 = arith.constant 7 : i32
        %shift_left3A_404 = vector.broadcast %shift_left3A_403 : i32 to vector<16xi32>
        %shift_left3A_405 = arith.shli %convert_element_type3A_375, %shift_left3A_404 : vector<16xi32>
        %add3A_406 = arith.addi %shift_left3A_402, %shift_left3A_405 : vector<16xi32>
        %shift_right_arithmetic3A_407 = arith.constant 4 : i32
        %shift_right_arithmetic3A_408 = vector.broadcast %shift_right_arithmetic3A_407 : i32 to vector<16xi32>
        %shift_right_arithmetic3A_409 = arith.shrsi %shift_right_arithmetic3A_399, %shift_right_arithmetic3A_408 : vector<16xi32>
        %and3A_410 = arith.constant 1 : i32
        %and3A_411 = vector.broadcast %and3A_410 : i32 to vector<16xi32>
        %and3A_412 = arith.andi %shift_right_arithmetic3A_409, %and3A_411 : vector<16xi32>
        %shift_left3A_413 = arith.constant 6 : i32
        %shift_left3A_414 = vector.broadcast %shift_left3A_413 : i32 to vector<16xi32>
        %shift_left3A_415 = arith.shli %and3A_412, %shift_left3A_414 : vector<16xi32>
        %add3A_416 = arith.addi %add3A_406, %shift_left3A_415 : vector<16xi32>
        %and3A_417 = arith.constant 15 : i32
        %and3A_418 = vector.broadcast %and3A_417 : i32 to vector<16xi32>
        %and3A_419 = arith.andi %shift_right_arithmetic3A_399, %and3A_418 : vector<16xi32>
        %add3A_420 = arith.addi %add3A_416, %and3A_419 : vector<16xi32>
        %jit3A_421 = arith.constant 0 : i32
        %jit3A_422 = arith.constant 8388559 : i32
        %max3A_423 = vector.broadcast %jit3A_421 : i32 to vector<16xi32>
        %max3A_424 = arith.maxsi %max3A_423, %add3A_420 : vector<16xi32>
        %min3A_425 = vector.broadcast %jit3A_422 : i32 to vector<16xi32>
        %min3A_426 = arith.minsi %min3A_425, %max3A_424 : vector<16xi32>
        %swap3A_427 = arith.index_cast %multiple_of3A_341 : i32 to index
        %swap3A_428 = tpu.vector_load %arg18[%swap3A_427] {strides = array<i32>} : memref<1024xi32, #tpu.memory_space<vmem>>, vector<16xi32>,
        tpu.vector_store %arg18[%swap3A_427], %min3A_426 {strides = array<i32>} : memref<1024xi32, #tpu.memory_space<vmem>>, vector<16xi32>,
        %add3A_429 = arith.constant 16 : i32
        %add3A_430 = vector.broadcast %add3A_429 : i32 to vector<16xi32>
        %add3A_431 = arith.addi %min3A_426, %add3A_430 : vector<16xi32>
        %swap3A_432 = arith.index_cast %multiple_of3A_341 : i32 to index
        %swap3A_433 = tpu.vector_load %arg19[%swap3A_432] {strides = array<i32>} : memref<1024xi32, #tpu.memory_space<vmem>>, vector<16xi32>,
        tpu.vector_store %arg19[%swap3A_432], %add3A_431 {strides = array<i32>} : memref<1024xi32, #tpu.memory_space<vmem>>, vector<16xi32>,
        %add3A_434 = arith.constant 32 : i32
        %add3A_435 = vector.broadcast %add3A_434 : i32 to vector<16xi32>
        %add3A_436 = arith.addi %min3A_426, %add3A_435 : vector<16xi32>
        %swap3A_437 = arith.index_cast %multiple_of3A_341 : i32 to index
        %swap3A_438 = tpu.vector_load %arg20[%swap3A_437] {strides = array<i32>} : memref<1024xi32, #tpu.memory_space<vmem>>, vector<16xi32>,
        tpu.vector_store %arg20[%swap3A_437], %add3A_436 {strides = array<i32>} : memref<1024xi32, #tpu.memory_space<vmem>>, vector<16xi32>,
        %add3A_439 = arith.constant 48 : i32
        %add3A_440 = vector.broadcast %add3A_439 : i32 to vector<16xi32>
        %add3A_441 = arith.addi %min3A_426, %add3A_440 : vector<16xi32>
        %swap3A_442 = arith.index_cast %multiple_of3A_341 : i32 to index
        %swap3A_443 = tpu.vector_load %arg21[%swap3A_442] {strides = array<i32>} : memref<1024xi32, #tpu.memory_space<vmem>>, vector<16xi32>,
        tpu.vector_store %arg21[%swap3A_442], %add3A_441 {strides = array<i32>} : memref<1024xi32, #tpu.memory_space<vmem>>, vector<16xi32>,
        %and3A_444 = arith.constant 7 : i32
        %and3A_445 = vector.broadcast %and3A_444 : i32 to vector<16xi32>
        %and3A_446 = arith.andi %convert_element_type3A_382, %and3A_445 : vector<16xi32>
        %swap3A_447 = arith.index_cast %multiple_of3A_341 : i32 to index
        %swap3A_448 = tpu.vector_load %arg22[%swap3A_447] {strides = array<i32>} : memref<1024xi32, #tpu.memory_space<vmem>>, vector<16xi32>,
        tpu.vector_store %arg22[%swap3A_447], %and3A_446 {strides = array<i32>} : memref<1024xi32, #tpu.memory_space<vmem>>, vector<16xi32>,
        %jit3A_449 = arith.constant 1.000000e+00 : f32
        %jit3A_450 = arith.constant 0.000000e+00 : f32
        %broadcast_in_dim3A_451 = vector.broadcast %jit3A_449 : f32 to vector<16xf32>
        %broadcast_in_dim3A_452 = vector.broadcast %jit3A_450 : f32 to vector<16xf32>
        %select_n3A_453 = arith.select %and3A_396, %broadcast_in_dim3A_451, %broadcast_in_dim3A_452 : vector<16xi1>, vector<16xf32>
        %swap3A_454 = arith.index_cast %multiple_of3A_341 : i32 to index
        %swap3A_455 = tpu.vector_load %arg23[%swap3A_454] {strides = array<i32>} : memref<1024xf32, #tpu.memory_space<vmem>>, vector<16xf32>,
        tpu.vector_store %arg23[%swap3A_454], %select_n3A_453 {strides = array<i32>} : memref<1024xf32, #tpu.memory_space<vmem>>, vector<16xf32>,
        %scan3A_456 = arith.constant 3 : i32
        %scan3A_457 = arith.addi %scan3A_112, %scan3A_456 : i32
        %mul3A_458 = arith.constant 16 : i32
        %mul3A_459 = arith.muli %scan3A_457, %mul3A_458 : i32
        %multiple_of3A_460 = tpu.assume_multiple %mul3A_459, 16 : i32
        %add3A_461 = vector.broadcast %multiple_of3A_460 : i32 to vector<16xi32>
        %add3A_462 = arith.addi %add3A_461, %iota3A : vector<16xi32>
        %shift_right_arithmetic3A_463 = arith.constant 7 : i32
        %shift_right_arithmetic3A_464 = vector.broadcast %shift_right_arithmetic3A_463 : i32 to vector<16xi32>
        %shift_right_arithmetic3A_465 = arith.shrsi %add3A_462, %shift_right_arithmetic3A_464 : vector<16xi32>
        %mul3A_466 = arith.constant 3 : i32
        %mul3A_467 = vector.broadcast %mul3A_466 : i32 to vector<16xi32>
        %mul3A_468 = arith.muli %shift_right_arithmetic3A_465, %mul3A_467 : vector<16xi32>
        %and3A_469 = arith.constant 127 : i32
        %and3A_470 = vector.broadcast %and3A_469 : i32 to vector<16xi32>
        %and3A_471 = arith.andi %add3A_462, %and3A_470 : vector<16xi32>
        %gather3A_472 = tpu.vector_load_idx %arg17[%mul3A_468, %and3A_471] : memref<24x128xf32, #tpu.memory_space<vmem>>[vector<16xi32>, vector<16xi32>], vector<16xf32>,
        %add3A_473 = arith.constant 1 : i32
        %add3A_474 = vector.broadcast %add3A_473 : i32 to vector<16xi32>
        %add3A_475 = arith.addi %mul3A_468, %add3A_474 : vector<16xi32>
        %gather3A_476 = tpu.vector_load_idx %arg17[%add3A_475, %and3A_471] : memref<24x128xf32, #tpu.memory_space<vmem>>[vector<16xi32>, vector<16xi32>], vector<16xf32>,
        %add3A_477 = arith.constant 2 : i32
        %add3A_478 = vector.broadcast %add3A_477 : i32 to vector<16xi32>
        %add3A_479 = arith.addi %mul3A_468, %add3A_478 : vector<16xi32>
        %gather3A_480 = tpu.vector_load_idx %arg17[%add3A_479, %and3A_471] : memref<24x128xf32, #tpu.memory_space<vmem>>[vector<16xi32>, vector<16xi32>], vector<16xf32>,
        %mul3A_481 = arith.constant 2.560000e+02 : f32
        %mul3A_482 = vector.broadcast %mul3A_481 : f32 to vector<16xf32>
        %mul3A_483 = arith.mulf %gather3A_472, %mul3A_482 : vector<16xf32>
        %add3A_484 = arith.constant 1.280000e+02 : f32
        %add3A_485 = vector.broadcast %add3A_484 : f32 to vector<16xf32>
        %add3A_486 = arith.addf %mul3A_483, %add3A_485 : vector<16xf32>
        %convert_element_type3A_487 = arith.fptosi %add3A_486 : vector<16xf32> to vector<16xi32>
        %mul3A_488 = arith.constant 2.560000e+02 : f32
        %mul3A_489 = vector.broadcast %mul3A_488 : f32 to vector<16xf32>
        %mul3A_490 = arith.mulf %gather3A_476, %mul3A_489 : vector<16xf32>
        %add3A_491 = arith.constant 1.280000e+02 : f32
        %add3A_492 = vector.broadcast %add3A_491 : f32 to vector<16xf32>
        %add3A_493 = arith.addf %mul3A_490, %add3A_492 : vector<16xf32>
        %convert_element_type3A_494 = arith.fptosi %add3A_493 : vector<16xf32> to vector<16xi32>
        %mul3A_495 = arith.constant 2.560000e+02 : f32
        %mul3A_496 = vector.broadcast %mul3A_495 : f32 to vector<16xf32>
        %mul3A_497 = arith.mulf %gather3A_480, %mul3A_496 : vector<16xf32>
        %add3A_498 = arith.constant 1.280000e+02 : f32
        %add3A_499 = vector.broadcast %add3A_498 : f32 to vector<16xf32>
        %add3A_500 = arith.addf %mul3A_497, %add3A_499 : vector<16xf32>
        %convert_element_type3A_501 = arith.fptosi %add3A_500 : vector<16xf32> to vector<16xi32>
        %abs3A_502 = math.absf %gather3A_472 : vector<16xf32>
        %lt3A_503 = arith.constant 5.000000e-01 : f32
        %lt3A_504 = vector.broadcast %lt3A_503 : f32 to vector<16xf32>
        %lt3A_505 = arith.cmpf olt, %abs3A_502, %lt3A_504 : vector<16xf32>
        %abs3A_506 = math.absf %gather3A_476 : vector<16xf32>
        %lt3A_507 = arith.constant 5.000000e-01 : f32
        %lt3A_508 = vector.broadcast %lt3A_507 : f32 to vector<16xf32>
        %lt3A_509 = arith.cmpf olt, %abs3A_506, %lt3A_508 : vector<16xf32>
        %and3A_510 = arith.andi %lt3A_505, %lt3A_509 : vector<16xi1>
        %abs3A_511 = math.absf %gather3A_480 : vector<16xf32>
        %lt3A_512 = arith.constant 5.000000e-01 : f32
        %lt3A_513 = vector.broadcast %lt3A_512 : f32 to vector<16xf32>
        %lt3A_514 = arith.cmpf olt, %abs3A_511, %lt3A_513 : vector<16xf32>
        %and3A_515 = arith.andi %and3A_510, %lt3A_514 : vector<16xi1>
        %shift_right_arithmetic3A_516 = arith.constant 3 : i32
        %shift_right_arithmetic3A_517 = vector.broadcast %shift_right_arithmetic3A_516 : i32 to vector<16xi32>
        %shift_right_arithmetic3A_518 = arith.shrsi %convert_element_type3A_501, %shift_right_arithmetic3A_517 : vector<16xi32>
        %shift_left3A_519 = arith.constant 15 : i32
        %shift_left3A_520 = vector.broadcast %shift_left3A_519 : i32 to vector<16xi32>
        %shift_left3A_521 = arith.shli %convert_element_type3A_487, %shift_left3A_520 : vector<16xi32>
        %shift_left3A_522 = arith.constant 7 : i32
        %shift_left3A_523 = vector.broadcast %shift_left3A_522 : i32 to vector<16xi32>
        %shift_left3A_524 = arith.shli %convert_element_type3A_494, %shift_left3A_523 : vector<16xi32>
        %add3A_525 = arith.addi %shift_left3A_521, %shift_left3A_524 : vector<16xi32>
        %shift_right_arithmetic3A_526 = arith.constant 4 : i32
        %shift_right_arithmetic3A_527 = vector.broadcast %shift_right_arithmetic3A_526 : i32 to vector<16xi32>
        %shift_right_arithmetic3A_528 = arith.shrsi %shift_right_arithmetic3A_518, %shift_right_arithmetic3A_527 : vector<16xi32>
        %and3A_529 = arith.constant 1 : i32
        %and3A_530 = vector.broadcast %and3A_529 : i32 to vector<16xi32>
        %and3A_531 = arith.andi %shift_right_arithmetic3A_528, %and3A_530 : vector<16xi32>
        %shift_left3A_532 = arith.constant 6 : i32
        %shift_left3A_533 = vector.broadcast %shift_left3A_532 : i32 to vector<16xi32>
        %shift_left3A_534 = arith.shli %and3A_531, %shift_left3A_533 : vector<16xi32>
        %add3A_535 = arith.addi %add3A_525, %shift_left3A_534 : vector<16xi32>
        %and3A_536 = arith.constant 15 : i32
        %and3A_537 = vector.broadcast %and3A_536 : i32 to vector<16xi32>
        %and3A_538 = arith.andi %shift_right_arithmetic3A_518, %and3A_537 : vector<16xi32>
        %add3A_539 = arith.addi %add3A_535, %and3A_538 : vector<16xi32>
        %jit3A_540 = arith.constant 0 : i32
        %jit3A_541 = arith.constant 8388559 : i32
        %max3A_542 = vector.broadcast %jit3A_540 : i32 to vector<16xi32>
        %max3A_543 = arith.maxsi %max3A_542, %add3A_539 : vector<16xi32>
        %min3A_544 = vector.broadcast %jit3A_541 : i32 to vector<16xi32>
        %min3A_545 = arith.minsi %min3A_544, %max3A_543 : vector<16xi32>
        %swap3A_546 = arith.index_cast %multiple_of3A_460 : i32 to index
        %swap3A_547 = tpu.vector_load %arg18[%swap3A_546] {strides = array<i32>} : memref<1024xi32, #tpu.memory_space<vmem>>, vector<16xi32>,
        tpu.vector_store %arg18[%swap3A_546], %min3A_545 {strides = array<i32>} : memref<1024xi32, #tpu.memory_space<vmem>>, vector<16xi32>,
        %add3A_548 = arith.constant 16 : i32
        %add3A_549 = vector.broadcast %add3A_548 : i32 to vector<16xi32>
        %add3A_550 = arith.addi %min3A_545, %add3A_549 : vector<16xi32>
        %swap3A_551 = arith.index_cast %multiple_of3A_460 : i32 to index
        %swap3A_552 = tpu.vector_load %arg19[%swap3A_551] {strides = array<i32>} : memref<1024xi32, #tpu.memory_space<vmem>>, vector<16xi32>,
        tpu.vector_store %arg19[%swap3A_551], %add3A_550 {strides = array<i32>} : memref<1024xi32, #tpu.memory_space<vmem>>, vector<16xi32>,
        %add3A_553 = arith.constant 32 : i32
        %add3A_554 = vector.broadcast %add3A_553 : i32 to vector<16xi32>
        %add3A_555 = arith.addi %min3A_545, %add3A_554 : vector<16xi32>
        %swap3A_556 = arith.index_cast %multiple_of3A_460 : i32 to index
        %swap3A_557 = tpu.vector_load %arg20[%swap3A_556] {strides = array<i32>} : memref<1024xi32, #tpu.memory_space<vmem>>, vector<16xi32>,
        tpu.vector_store %arg20[%swap3A_556], %add3A_555 {strides = array<i32>} : memref<1024xi32, #tpu.memory_space<vmem>>, vector<16xi32>,
        %add3A_558 = arith.constant 48 : i32
        %add3A_559 = vector.broadcast %add3A_558 : i32 to vector<16xi32>
        %add3A_560 = arith.addi %min3A_545, %add3A_559 : vector<16xi32>
        %swap3A_561 = arith.index_cast %multiple_of3A_460 : i32 to index
        %swap3A_562 = tpu.vector_load %arg21[%swap3A_561] {strides = array<i32>} : memref<1024xi32, #tpu.memory_space<vmem>>, vector<16xi32>,
        tpu.vector_store %arg21[%swap3A_561], %add3A_560 {strides = array<i32>} : memref<1024xi32, #tpu.memory_space<vmem>>, vector<16xi32>,
        %and3A_563 = arith.constant 7 : i32
        %and3A_564 = vector.broadcast %and3A_563 : i32 to vector<16xi32>
        %and3A_565 = arith.andi %convert_element_type3A_501, %and3A_564 : vector<16xi32>
        %swap3A_566 = arith.index_cast %multiple_of3A_460 : i32 to index
        %swap3A_567 = tpu.vector_load %arg22[%swap3A_566] {strides = array<i32>} : memref<1024xi32, #tpu.memory_space<vmem>>, vector<16xi32>,
        tpu.vector_store %arg22[%swap3A_566], %and3A_565 {strides = array<i32>} : memref<1024xi32, #tpu.memory_space<vmem>>, vector<16xi32>,
        %jit3A_568 = arith.constant 1.000000e+00 : f32
        %jit3A_569 = arith.constant 0.000000e+00 : f32
        %broadcast_in_dim3A_570 = vector.broadcast %jit3A_568 : f32 to vector<16xf32>
        %broadcast_in_dim3A_571 = vector.broadcast %jit3A_569 : f32 to vector<16xf32>
        %select_n3A_572 = arith.select %and3A_515, %broadcast_in_dim3A_570, %broadcast_in_dim3A_571 : vector<16xi1>, vector<16xf32>
        %swap3A_573 = arith.index_cast %multiple_of3A_460 : i32 to index
        %swap3A_574 = tpu.vector_load %arg23[%swap3A_573] {strides = array<i32>} : memref<1024xf32, #tpu.memory_space<vmem>>, vector<16xf32>,
        tpu.vector_store %arg23[%swap3A_573], %select_n3A_572 {strides = array<i32>} : memref<1024xf32, #tpu.memory_space<vmem>>, vector<16xf32>,
      }
      %scan3A_46 = arith.constant 64 : i32
      %dma_start3A_47 = arith.constant 0 : i32
      %dma_start3A_48 = arith.constant 0 : i32
      %dma_start3A_49 = tpu.memref_slice %arg3[%dma_start3A_47, %dma_start3A_48] : memref<8388608x8xf32, #tpu.memory_space<hbm>> -> memref<8388608x8xf32, #tpu.memory_space<hbm>>
      tpu.enqueue_indirect_dma source(%dma_start3A_49 : memref<8388608x8xf32, #tpu.memory_space<hbm>>) target(%arg24 : memref<1024x8xf32, #tpu.memory_space<vmem>>) offsets(%arg18 : memref<1024xi32, #tpu.memory_space<vmem>>) semaphore(%arg31 : memref<!tpu.dma_semaphore, #tpu.memory_space<semaphore_mem>>)
      %dma_start3A_50 = arith.constant 0 : i32
      %dma_start3A_51 = arith.constant 0 : i32
      %dma_start3A_52 = tpu.memref_slice %arg3[%dma_start3A_50, %dma_start3A_51] : memref<8388608x8xf32, #tpu.memory_space<hbm>> -> memref<8388608x8xf32, #tpu.memory_space<hbm>>
      tpu.enqueue_indirect_dma source(%dma_start3A_52 : memref<8388608x8xf32, #tpu.memory_space<hbm>>) target(%arg25 : memref<1024x8xf32, #tpu.memory_space<vmem>>) offsets(%arg19 : memref<1024xi32, #tpu.memory_space<vmem>>) semaphore(%arg31 : memref<!tpu.dma_semaphore, #tpu.memory_space<semaphore_mem>>)
      %dma_start3A_53 = arith.constant 0 : i32
      %dma_start3A_54 = arith.constant 0 : i32
      %dma_start3A_55 = tpu.memref_slice %arg3[%dma_start3A_53, %dma_start3A_54] : memref<8388608x8xf32, #tpu.memory_space<hbm>> -> memref<8388608x8xf32, #tpu.memory_space<hbm>>
      tpu.enqueue_indirect_dma source(%dma_start3A_55 : memref<8388608x8xf32, #tpu.memory_space<hbm>>) target(%arg26 : memref<1024x8xf32, #tpu.memory_space<vmem>>) offsets(%arg20 : memref<1024xi32, #tpu.memory_space<vmem>>) semaphore(%arg31 : memref<!tpu.dma_semaphore, #tpu.memory_space<semaphore_mem>>)
      %dma_start3A_56 = arith.constant 0 : i32
      %dma_start3A_57 = arith.constant 0 : i32
      %dma_start3A_58 = tpu.memref_slice %arg3[%dma_start3A_56, %dma_start3A_57] : memref<8388608x8xf32, #tpu.memory_space<hbm>> -> memref<8388608x8xf32, #tpu.memory_space<hbm>>
      tpu.enqueue_indirect_dma source(%dma_start3A_58 : memref<8388608x8xf32, #tpu.memory_space<hbm>>) target(%arg27 : memref<1024x8xf32, #tpu.memory_space<vmem>>) offsets(%arg21 : memref<1024xi32, #tpu.memory_space<vmem>>) semaphore(%arg31 : memref<!tpu.dma_semaphore, #tpu.memory_space<semaphore_mem>>)
      %mul3A_59 = arith.constant 512 : i32
      %mul3A_60 = arith.muli %add3A, %mul3A_59 : i32
      %mul3A_61 = arith.constant 8 : i32
      %mul3A_62 = arith.muli %mul3A_31, %mul3A_61 : i32
      %add3A_63 = arith.addi %mul3A_60, %mul3A_62 : i32
      %dma_wait3A = arith.constant 0 : i32
      %dma_wait3A_64 = arith.constant 0 : i32
      %dma_wait3A_65 = tpu.memref_slice %arg3[%dma_wait3A, %dma_wait3A_64] : memref<8388608x8xf32, #tpu.memory_space<hbm>> -> memref<8388608x8xf32, #tpu.memory_space<hbm>>
      tpu.wait_indirect_dma semaphore(%arg30 : memref<!tpu.dma_semaphore, #tpu.memory_space<semaphore_mem>>) src(%dma_wait3A_65 : memref<8388608x8xf32, #tpu.memory_space<hbm>>) dst(%arg13 : memref<1024x8xf32, #tpu.memory_space<vmem>>)
      %dma_wait3A_66 = arith.constant 0 : i32
      %dma_wait3A_67 = arith.constant 0 : i32
      %dma_wait3A_68 = tpu.memref_slice %arg3[%dma_wait3A_66, %dma_wait3A_67] : memref<8388608x8xf32, #tpu.memory_space<hbm>> -> memref<8388608x8xf32, #tpu.memory_space<hbm>>
      tpu.wait_indirect_dma semaphore(%arg30 : memref<!tpu.dma_semaphore, #tpu.memory_space<semaphore_mem>>) src(%dma_wait3A_68 : memref<8388608x8xf32, #tpu.memory_space<hbm>>) dst(%arg14 : memref<1024x8xf32, #tpu.memory_space<vmem>>)
      %dma_wait3A_69 = arith.constant 0 : i32
      %dma_wait3A_70 = arith.constant 0 : i32
      %dma_wait3A_71 = tpu.memref_slice %arg3[%dma_wait3A_69, %dma_wait3A_70] : memref<8388608x8xf32, #tpu.memory_space<hbm>> -> memref<8388608x8xf32, #tpu.memory_space<hbm>>
      tpu.wait_indirect_dma semaphore(%arg30 : memref<!tpu.dma_semaphore, #tpu.memory_space<semaphore_mem>>) src(%dma_wait3A_71 : memref<8388608x8xf32, #tpu.memory_space<hbm>>) dst(%arg15 : memref<1024x8xf32, #tpu.memory_space<vmem>>)
      %dma_wait3A_72 = arith.constant 0 : i32
      %dma_wait3A_73 = arith.constant 0 : i32
      %dma_wait3A_74 = tpu.memref_slice %arg3[%dma_wait3A_72, %dma_wait3A_73] : memref<8388608x8xf32, #tpu.memory_space<hbm>> -> memref<8388608x8xf32, #tpu.memory_space<hbm>>
      tpu.wait_indirect_dma semaphore(%arg30 : memref<!tpu.dma_semaphore, #tpu.memory_space<semaphore_mem>>) src(%dma_wait3A_74 : memref<8388608x8xf32, #tpu.memory_space<hbm>>) dst(%arg16 : memref<1024x8xf32, #tpu.memory_space<vmem>>)
      %scan3A_75 = arith.constant 0 : i32
      %scan3A_76 = arith.constant 0 : i32
      %scan3A_77 = arith.constant 64 : i32
      %scan3A_78 = arith.addi %scan3A_76, %scan3A_77 : i32
      %scan3A_79 = arith.constant 4 : i32
      scf.for %scan3A_112 = %scan3A_76 to %scan3A_78 step %scan3A_79  : i32 {
        %mul3A_113 = arith.constant 16 : i32
        %mul3A_114 = arith.muli %scan3A_112, %mul3A_113 : i32
        %multiple_of3A = tpu.assume_multiple %mul3A_114, 16 : i32
        %add3A_115 = vector.broadcast %multiple_of3A : i32 to vector<16xi32>
        %add3A_116 = arith.addi %add3A_115, %iota3A : vector<16xi32>
        %get3A = arith.index_cast %multiple_of3A : i32 to index
        %get3A_117 = tpu.vector_load %arg12[%get3A] {strides = array<i32>} : memref<1024xf32, #tpu.memory_space<vmem>>, vector<16xf32>,
        %get3A_118 = arith.index_cast %multiple_of3A : i32 to index
        %get3A_119 = tpu.vector_load %arg11[%get3A_118] {strides = array<i32>} : memref<1024xi32, #tpu.memory_space<vmem>>, vector<16xi32>,
        %gather3A = tpu.vector_load_idx %arg13[%add3A_116, %get3A_119] : memref<1024x8xf32, #tpu.memory_space<vmem>>[vector<16xi32>, vector<16xi32>], vector<16xf32>,
        %mul3A_120 = arith.mulf %gather3A, %get3A_117 : vector<16xf32>
        %gather3A_121 = tpu.vector_load_idx %arg14[%add3A_116, %get3A_119] : memref<1024x8xf32, #tpu.memory_space<vmem>>[vector<16xi32>, vector<16xi32>], vector<16xf32>,
        %mul3A_122 = arith.mulf %gather3A_121, %get3A_117 : vector<16xf32>
        %gather3A_123 = tpu.vector_load_idx %arg15[%add3A_116, %get3A_119] : memref<1024x8xf32, #tpu.memory_space<vmem>>[vector<16xi32>, vector<16xi32>], vector<16xf32>,
        %mul3A_124 = arith.mulf %gather3A_123, %get3A_117 : vector<16xf32>
        %gather3A_125 = tpu.vector_load_idx %arg16[%add3A_116, %get3A_119] : memref<1024x8xf32, #tpu.memory_space<vmem>>[vector<16xi32>, vector<16xi32>], vector<16xf32>,
        %mul3A_126 = arith.mulf %gather3A_125, %get3A_117 : vector<16xf32>
        %neg3A = arith.constant 0.000000e+00 : f32
        %neg3A_127 = vector.broadcast %neg3A : f32 to vector<16xf32>
        %neg3A_128 = arith.subf %neg3A_127, %mul3A_120 : vector<16xf32>
        %exp3A = math.exp %neg3A_128 : vector<16xf32>
        %add3A_129 = arith.constant 1.000000e+00 : f32
        %add3A_130 = vector.broadcast %add3A_129 : f32 to vector<16xf32>
        %add3A_131 = arith.addf %add3A_130, %exp3A : vector<16xf32>
        %div3A = arith.constant 1.000000e+00 : f32
        %div3A_132 = vector.broadcast %div3A : f32 to vector<16xf32>
        %div3A_133 = arith.divf %div3A_132, %add3A_131 : vector<16xf32>
        %neg3A_134 = arith.constant 0.000000e+00 : f32
        %neg3A_135 = vector.broadcast %neg3A_134 : f32 to vector<16xf32>
        %neg3A_136 = arith.subf %neg3A_135, %mul3A_122 : vector<16xf32>
        %exp3A_137 = math.exp %neg3A_136 : vector<16xf32>
        %add3A_138 = arith.constant 1.000000e+00 : f32
        %add3A_139 = vector.broadcast %add3A_138 : f32 to vector<16xf32>
        %add3A_140 = arith.addf %add3A_139, %exp3A_137 : vector<16xf32>
        %div3A_141 = arith.constant 1.000000e+00 : f32
        %div3A_142 = vector.broadcast %div3A_141 : f32 to vector<16xf32>
        %div3A_143 = arith.divf %div3A_142, %add3A_140 : vector<16xf32>
        %neg3A_144 = arith.constant 0.000000e+00 : f32
        %neg3A_145 = vector.broadcast %neg3A_144 : f32 to vector<16xf32>
        %neg3A_146 = arith.subf %neg3A_145, %mul3A_124 : vector<16xf32>
        %exp3A_147 = math.exp %neg3A_146 : vector<16xf32>
        %add3A_148 = arith.constant 1.000000e+00 : f32
        %add3A_149 = vector.broadcast %add3A_148 : f32 to vector<16xf32>
        %add3A_150 = arith.addf %add3A_149, %exp3A_147 : vector<16xf32>
        %div3A_151 = arith.constant 1.000000e+00 : f32
        %div3A_152 = vector.broadcast %div3A_151 : f32 to vector<16xf32>
        %div3A_153 = arith.divf %div3A_152, %add3A_150 : vector<16xf32>
        %max3A = arith.constant 0.000000e+00 : f32
        %max3A_154 = vector.broadcast %max3A : f32 to vector<16xf32>
        %max3A_155 = arith.maximumf %mul3A_126, %max3A_154 : vector<16xf32>
        %shift_right_arithmetic3A = arith.constant 7 : i32
        %shift_right_arithmetic3A_156 = vector.broadcast %shift_right_arithmetic3A : i32 to vector<16xi32>
        %shift_right_arithmetic3A_157 = arith.shrsi %add3A_116, %shift_right_arithmetic3A_156 : vector<16xi32>
        %shift_left3A = arith.constant 2 : i32
        %shift_left3A_158 = vector.broadcast %shift_left3A : i32 to vector<16xi32>
        %shift_left3A_159 = arith.shli %shift_right_arithmetic3A_157, %shift_left3A_158 : vector<16xi32>
        %and3A = arith.constant 127 : i32
        %and3A_160 = vector.broadcast %and3A : i32 to vector<16xi32>
        %and3A_161 = arith.andi %add3A_116, %and3A_160 : vector<16xi32>
        tpu.vector_store_idx %arg28[%shift_left3A_159, %and3A_161], %div3A_133 : memref<32x128xf32, #tpu.memory_space<vmem>>[vector<16xi32>, vector<16xi32>], vector<16xf32>,
        %add3A_162 = arith.constant 1 : i32
        %add3A_163 = vector.broadcast %add3A_162 : i32 to vector<16xi32>
        %add3A_164 = arith.addi %shift_left3A_159, %add3A_163 : vector<16xi32>
        tpu.vector_store_idx %arg28[%add3A_164, %and3A_161], %div3A_143 : memref<32x128xf32, #tpu.memory_space<vmem>>[vector<16xi32>, vector<16xi32>], vector<16xf32>,
        %add3A_165 = arith.constant 2 : i32
        %add3A_166 = vector.broadcast %add3A_165 : i32 to vector<16xi32>
        %add3A_167 = arith.addi %shift_left3A_159, %add3A_166 : vector<16xi32>
        tpu.vector_store_idx %arg28[%add3A_167, %and3A_161], %div3A_153 : memref<32x128xf32, #tpu.memory_space<vmem>>[vector<16xi32>, vector<16xi32>], vector<16xf32>,
        %shift_right_arithmetic3A_168 = arith.constant 7 : i32
        %shift_right_arithmetic3A_169 = vector.broadcast %shift_right_arithmetic3A_168 : i32 to vector<16xi32>
        %shift_right_arithmetic3A_170 = arith.shrsi %add3A_116, %shift_right_arithmetic3A_169 : vector<16xi32>
        tpu.vector_store_idx %arg29[%shift_right_arithmetic3A_170, %and3A_161], %max3A_155 : memref<8x128xf32, #tpu.memory_space<vmem>>[vector<16xi32>, vector<16xi32>], vector<16xf32>,
        %scan3A_171 = arith.constant 1 : i32
        %scan3A_172 = arith.addi %scan3A_112, %scan3A_171 : i32
        %mul3A_173 = arith.constant 16 : i32
        %mul3A_174 = arith.muli %scan3A_172, %mul3A_173 : i32
        %multiple_of3A_175 = tpu.assume_multiple %mul3A_174, 16 : i32
        %add3A_176 = vector.broadcast %multiple_of3A_175 : i32 to vector<16xi32>
        %add3A_177 = arith.addi %add3A_176, %iota3A : vector<16xi32>
        %get3A_178 = arith.index_cast %multiple_of3A_175 : i32 to index
        %get3A_179 = tpu.vector_load %arg12[%get3A_178] {strides = array<i32>} : memref<1024xf32, #tpu.memory_space<vmem>>, vector<16xf32>,
        %get3A_180 = arith.index_cast %multiple_of3A_175 : i32 to index
        %get3A_181 = tpu.vector_load %arg11[%get3A_180] {strides = array<i32>} : memref<1024xi32, #tpu.memory_space<vmem>>, vector<16xi32>,
        %gather3A_182 = tpu.vector_load_idx %arg13[%add3A_177, %get3A_181] : memref<1024x8xf32, #tpu.memory_space<vmem>>[vector<16xi32>, vector<16xi32>], vector<16xf32>,
        %mul3A_183 = arith.mulf %gather3A_182, %get3A_179 : vector<16xf32>
        %gather3A_184 = tpu.vector_load_idx %arg14[%add3A_177, %get3A_181] : memref<1024x8xf32, #tpu.memory_space<vmem>>[vector<16xi32>, vector<16xi32>], vector<16xf32>,
        %mul3A_185 = arith.mulf %gather3A_184, %get3A_179 : vector<16xf32>
        %gather3A_186 = tpu.vector_load_idx %arg15[%add3A_177, %get3A_181] : memref<1024x8xf32, #tpu.memory_space<vmem>>[vector<16xi32>, vector<16xi32>], vector<16xf32>,
        %mul3A_187 = arith.mulf %gather3A_186, %get3A_179 : vector<16xf32>
        %gather3A_188 = tpu.vector_load_idx %arg16[%add3A_177, %get3A_181] : memref<1024x8xf32, #tpu.memory_space<vmem>>[vector<16xi32>, vector<16xi32>], vector<16xf32>,
        %mul3A_189 = arith.mulf %gather3A_188, %get3A_179 : vector<16xf32>
        %neg3A_190 = arith.constant 0.000000e+00 : f32
        %neg3A_191 = vector.broadcast %neg3A_190 : f32 to vector<16xf32>
        %neg3A_192 = arith.subf %neg3A_191, %mul3A_183 : vector<16xf32>
        %exp3A_193 = math.exp %neg3A_192 : vector<16xf32>
        %add3A_194 = arith.constant 1.000000e+00 : f32
        %add3A_195 = vector.broadcast %add3A_194 : f32 to vector<16xf32>
        %add3A_196 = arith.addf %add3A_195, %exp3A_193 : vector<16xf32>
        %div3A_197 = arith.constant 1.000000e+00 : f32
        %div3A_198 = vector.broadcast %div3A_197 : f32 to vector<16xf32>
        %div3A_199 = arith.divf %div3A_198, %add3A_196 : vector<16xf32>
        %neg3A_200 = arith.constant 0.000000e+00 : f32
        %neg3A_201 = vector.broadcast %neg3A_200 : f32 to vector<16xf32>
        %neg3A_202 = arith.subf %neg3A_201, %mul3A_185 : vector<16xf32>
        %exp3A_203 = math.exp %neg3A_202 : vector<16xf32>
        %add3A_204 = arith.constant 1.000000e+00 : f32
        %add3A_205 = vector.broadcast %add3A_204 : f32 to vector<16xf32>
        %add3A_206 = arith.addf %add3A_205, %exp3A_203 : vector<16xf32>
        %div3A_207 = arith.constant 1.000000e+00 : f32
        %div3A_208 = vector.broadcast %div3A_207 : f32 to vector<16xf32>
        %div3A_209 = arith.divf %div3A_208, %add3A_206 : vector<16xf32>
        %neg3A_210 = arith.constant 0.000000e+00 : f32
        %neg3A_211 = vector.broadcast %neg3A_210 : f32 to vector<16xf32>
        %neg3A_212 = arith.subf %neg3A_211, %mul3A_187 : vector<16xf32>
        %exp3A_213 = math.exp %neg3A_212 : vector<16xf32>
        %add3A_214 = arith.constant 1.000000e+00 : f32
        %add3A_215 = vector.broadcast %add3A_214 : f32 to vector<16xf32>
        %add3A_216 = arith.addf %add3A_215, %exp3A_213 : vector<16xf32>
        %div3A_217 = arith.constant 1.000000e+00 : f32
        %div3A_218 = vector.broadcast %div3A_217 : f32 to vector<16xf32>
        %div3A_219 = arith.divf %div3A_218, %add3A_216 : vector<16xf32>
        %max3A_220 = arith.constant 0.000000e+00 : f32
        %max3A_221 = vector.broadcast %max3A_220 : f32 to vector<16xf32>
        %max3A_222 = arith.maximumf %mul3A_189, %max3A_221 : vector<16xf32>
        %shift_right_arithmetic3A_223 = arith.constant 7 : i32
        %shift_right_arithmetic3A_224 = vector.broadcast %shift_right_arithmetic3A_223 : i32 to vector<16xi32>
        %shift_right_arithmetic3A_225 = arith.shrsi %add3A_177, %shift_right_arithmetic3A_224 : vector<16xi32>
        %shift_left3A_226 = arith.constant 2 : i32
        %shift_left3A_227 = vector.broadcast %shift_left3A_226 : i32 to vector<16xi32>
        %shift_left3A_228 = arith.shli %shift_right_arithmetic3A_225, %shift_left3A_227 : vector<16xi32>
        %and3A_229 = arith.constant 127 : i32
        %and3A_230 = vector.broadcast %and3A_229 : i32 to vector<16xi32>
        %and3A_231 = arith.andi %add3A_177, %and3A_230 : vector<16xi32>
        tpu.vector_store_idx %arg28[%shift_left3A_228, %and3A_231], %div3A_199 : memref<32x128xf32, #tpu.memory_space<vmem>>[vector<16xi32>, vector<16xi32>], vector<16xf32>,
        %add3A_232 = arith.constant 1 : i32
        %add3A_233 = vector.broadcast %add3A_232 : i32 to vector<16xi32>
        %add3A_234 = arith.addi %shift_left3A_228, %add3A_233 : vector<16xi32>
        tpu.vector_store_idx %arg28[%add3A_234, %and3A_231], %div3A_209 : memref<32x128xf32, #tpu.memory_space<vmem>>[vector<16xi32>, vector<16xi32>], vector<16xf32>,
        %add3A_235 = arith.constant 2 : i32
        %add3A_236 = vector.broadcast %add3A_235 : i32 to vector<16xi32>
        %add3A_237 = arith.addi %shift_left3A_228, %add3A_236 : vector<16xi32>
        tpu.vector_store_idx %arg28[%add3A_237, %and3A_231], %div3A_219 : memref<32x128xf32, #tpu.memory_space<vmem>>[vector<16xi32>, vector<16xi32>], vector<16xf32>,
        %shift_right_arithmetic3A_238 = arith.constant 7 : i32
        %shift_right_arithmetic3A_239 = vector.broadcast %shift_right_arithmetic3A_238 : i32 to vector<16xi32>
        %shift_right_arithmetic3A_240 = arith.shrsi %add3A_177, %shift_right_arithmetic3A_239 : vector<16xi32>
        tpu.vector_store_idx %arg29[%shift_right_arithmetic3A_240, %and3A_231], %max3A_222 : memref<8x128xf32, #tpu.memory_space<vmem>>[vector<16xi32>, vector<16xi32>], vector<16xf32>,
        %scan3A_241 = arith.constant 2 : i32
        %scan3A_242 = arith.addi %scan3A_112, %scan3A_241 : i32
        %mul3A_243 = arith.constant 16 : i32
        %mul3A_244 = arith.muli %scan3A_242, %mul3A_243 : i32
        %multiple_of3A_245 = tpu.assume_multiple %mul3A_244, 16 : i32
        %add3A_246 = vector.broadcast %multiple_of3A_245 : i32 to vector<16xi32>
        %add3A_247 = arith.addi %add3A_246, %iota3A : vector<16xi32>
        %get3A_248 = arith.index_cast %multiple_of3A_245 : i32 to index
        %get3A_249 = tpu.vector_load %arg12[%get3A_248] {strides = array<i32>} : memref<1024xf32, #tpu.memory_space<vmem>>, vector<16xf32>,
        %get3A_250 = arith.index_cast %multiple_of3A_245 : i32 to index
        %get3A_251 = tpu.vector_load %arg11[%get3A_250] {strides = array<i32>} : memref<1024xi32, #tpu.memory_space<vmem>>, vector<16xi32>,
        %gather3A_252 = tpu.vector_load_idx %arg13[%add3A_247, %get3A_251] : memref<1024x8xf32, #tpu.memory_space<vmem>>[vector<16xi32>, vector<16xi32>], vector<16xf32>,
        %mul3A_253 = arith.mulf %gather3A_252, %get3A_249 : vector<16xf32>
        %gather3A_254 = tpu.vector_load_idx %arg14[%add3A_247, %get3A_251] : memref<1024x8xf32, #tpu.memory_space<vmem>>[vector<16xi32>, vector<16xi32>], vector<16xf32>,
        %mul3A_255 = arith.mulf %gather3A_254, %get3A_249 : vector<16xf32>
        %gather3A_256 = tpu.vector_load_idx %arg15[%add3A_247, %get3A_251] : memref<1024x8xf32, #tpu.memory_space<vmem>>[vector<16xi32>, vector<16xi32>], vector<16xf32>,
        %mul3A_257 = arith.mulf %gather3A_256, %get3A_249 : vector<16xf32>
        %gather3A_258 = tpu.vector_load_idx %arg16[%add3A_247, %get3A_251] : memref<1024x8xf32, #tpu.memory_space<vmem>>[vector<16xi32>, vector<16xi32>], vector<16xf32>,
        %mul3A_259 = arith.mulf %gather3A_258, %get3A_249 : vector<16xf32>
        %neg3A_260 = arith.constant 0.000000e+00 : f32
        %neg3A_261 = vector.broadcast %neg3A_260 : f32 to vector<16xf32>
        %neg3A_262 = arith.subf %neg3A_261, %mul3A_253 : vector<16xf32>
        %exp3A_263 = math.exp %neg3A_262 : vector<16xf32>
        %add3A_264 = arith.constant 1.000000e+00 : f32
        %add3A_265 = vector.broadcast %add3A_264 : f32 to vector<16xf32>
        %add3A_266 = arith.addf %add3A_265, %exp3A_263 : vector<16xf32>
        %div3A_267 = arith.constant 1.000000e+00 : f32
        %div3A_268 = vector.broadcast %div3A_267 : f32 to vector<16xf32>
        %div3A_269 = arith.divf %div3A_268, %add3A_266 : vector<16xf32>
        %neg3A_270 = arith.constant 0.000000e+00 : f32
        %neg3A_271 = vector.broadcast %neg3A_270 : f32 to vector<16xf32>
        %neg3A_272 = arith.subf %neg3A_271, %mul3A_255 : vector<16xf32>
        %exp3A_273 = math.exp %neg3A_272 : vector<16xf32>
        %add3A_274 = arith.constant 1.000000e+00 : f32
        %add3A_275 = vector.broadcast %add3A_274 : f32 to vector<16xf32>
        %add3A_276 = arith.addf %add3A_275, %exp3A_273 : vector<16xf32>
        %div3A_277 = arith.constant 1.000000e+00 : f32
        %div3A_278 = vector.broadcast %div3A_277 : f32 to vector<16xf32>
        %div3A_279 = arith.divf %div3A_278, %add3A_276 : vector<16xf32>
        %neg3A_280 = arith.constant 0.000000e+00 : f32
        %neg3A_281 = vector.broadcast %neg3A_280 : f32 to vector<16xf32>
        %neg3A_282 = arith.subf %neg3A_281, %mul3A_257 : vector<16xf32>
        %exp3A_283 = math.exp %neg3A_282 : vector<16xf32>
        %add3A_284 = arith.constant 1.000000e+00 : f32
        %add3A_285 = vector.broadcast %add3A_284 : f32 to vector<16xf32>
        %add3A_286 = arith.addf %add3A_285, %exp3A_283 : vector<16xf32>
        %div3A_287 = arith.constant 1.000000e+00 : f32
        %div3A_288 = vector.broadcast %div3A_287 : f32 to vector<16xf32>
        %div3A_289 = arith.divf %div3A_288, %add3A_286 : vector<16xf32>
        %max3A_290 = arith.constant 0.000000e+00 : f32
        %max3A_291 = vector.broadcast %max3A_290 : f32 to vector<16xf32>
        %max3A_292 = arith.maximumf %mul3A_259, %max3A_291 : vector<16xf32>
        %shift_right_arithmetic3A_293 = arith.constant 7 : i32
        %shift_right_arithmetic3A_294 = vector.broadcast %shift_right_arithmetic3A_293 : i32 to vector<16xi32>
        %shift_right_arithmetic3A_295 = arith.shrsi %add3A_247, %shift_right_arithmetic3A_294 : vector<16xi32>
        %shift_left3A_296 = arith.constant 2 : i32
        %shift_left3A_297 = vector.broadcast %shift_left3A_296 : i32 to vector<16xi32>
        %shift_left3A_298 = arith.shli %shift_right_arithmetic3A_295, %shift_left3A_297 : vector<16xi32>
        %and3A_299 = arith.constant 127 : i32
        %and3A_300 = vector.broadcast %and3A_299 : i32 to vector<16xi32>
        %and3A_301 = arith.andi %add3A_247, %and3A_300 : vector<16xi32>
        tpu.vector_store_idx %arg28[%shift_left3A_298, %and3A_301], %div3A_269 : memref<32x128xf32, #tpu.memory_space<vmem>>[vector<16xi32>, vector<16xi32>], vector<16xf32>,
        %add3A_302 = arith.constant 1 : i32
        %add3A_303 = vector.broadcast %add3A_302 : i32 to vector<16xi32>
        %add3A_304 = arith.addi %shift_left3A_298, %add3A_303 : vector<16xi32>
        tpu.vector_store_idx %arg28[%add3A_304, %and3A_301], %div3A_279 : memref<32x128xf32, #tpu.memory_space<vmem>>[vector<16xi32>, vector<16xi32>], vector<16xf32>,
        %add3A_305 = arith.constant 2 : i32
        %add3A_306 = vector.broadcast %add3A_305 : i32 to vector<16xi32>
        %add3A_307 = arith.addi %shift_left3A_298, %add3A_306 : vector<16xi32>
        tpu.vector_store_idx %arg28[%add3A_307, %and3A_301], %div3A_289 : memref<32x128xf32, #tpu.memory_space<vmem>>[vector<16xi32>, vector<16xi32>], vector<16xf32>,
        %shift_right_arithmetic3A_308 = arith.constant 7 : i32
        %shift_right_arithmetic3A_309 = vector.broadcast %shift_right_arithmetic3A_308 : i32 to vector<16xi32>
        %shift_right_arithmetic3A_310 = arith.shrsi %add3A_247, %shift_right_arithmetic3A_309 : vector<16xi32>
        tpu.vector_store_idx %arg29[%shift_right_arithmetic3A_310, %and3A_301], %max3A_292 : memref<8x128xf32, #tpu.memory_space<vmem>>[vector<16xi32>, vector<16xi32>], vector<16xf32>,
        %scan3A_311 = arith.constant 3 : i32
        %scan3A_312 = arith.addi %scan3A_112, %scan3A_311 : i32
        %mul3A_313 = arith.constant 16 : i32
        %mul3A_314 = arith.muli %scan3A_312, %mul3A_313 : i32
        %multiple_of3A_315 = tpu.assume_multiple %mul3A_314, 16 : i32
        %add3A_316 = vector.broadcast %multiple_of3A_315 : i32 to vector<16xi32>
        %add3A_317 = arith.addi %add3A_316, %iota3A : vector<16xi32>
        %get3A_318 = arith.index_cast %multiple_of3A_315 : i32 to index
        %get3A_319 = tpu.vector_load %arg12[%get3A_318] {strides = array<i32>} : memref<1024xf32, #tpu.memory_space<vmem>>, vector<16xf32>,
        %get3A_320 = arith.index_cast %multiple_of3A_315 : i32 to index
        %get3A_321 = tpu.vector_load %arg11[%get3A_320] {strides = array<i32>} : memref<1024xi32, #tpu.memory_space<vmem>>, vector<16xi32>,
        %gather3A_322 = tpu.vector_load_idx %arg13[%add3A_317, %get3A_321] : memref<1024x8xf32, #tpu.memory_space<vmem>>[vector<16xi32>, vector<16xi32>], vector<16xf32>,
        %mul3A_323 = arith.mulf %gather3A_322, %get3A_319 : vector<16xf32>
        %gather3A_324 = tpu.vector_load_idx %arg14[%add3A_317, %get3A_321] : memref<1024x8xf32, #tpu.memory_space<vmem>>[vector<16xi32>, vector<16xi32>], vector<16xf32>,
        %mul3A_325 = arith.mulf %gather3A_324, %get3A_319 : vector<16xf32>
        %gather3A_326 = tpu.vector_load_idx %arg15[%add3A_317, %get3A_321] : memref<1024x8xf32, #tpu.memory_space<vmem>>[vector<16xi32>, vector<16xi32>], vector<16xf32>,
        %mul3A_327 = arith.mulf %gather3A_326, %get3A_319 : vector<16xf32>
        %gather3A_328 = tpu.vector_load_idx %arg16[%add3A_317, %get3A_321] : memref<1024x8xf32, #tpu.memory_space<vmem>>[vector<16xi32>, vector<16xi32>], vector<16xf32>,
        %mul3A_329 = arith.mulf %gather3A_328, %get3A_319 : vector<16xf32>
        %neg3A_330 = arith.constant 0.000000e+00 : f32
        %neg3A_331 = vector.broadcast %neg3A_330 : f32 to vector<16xf32>
        %neg3A_332 = arith.subf %neg3A_331, %mul3A_323 : vector<16xf32>
        %exp3A_333 = math.exp %neg3A_332 : vector<16xf32>
        %add3A_334 = arith.constant 1.000000e+00 : f32
        %add3A_335 = vector.broadcast %add3A_334 : f32 to vector<16xf32>
        %add3A_336 = arith.addf %add3A_335, %exp3A_333 : vector<16xf32>
        %div3A_337 = arith.constant 1.000000e+00 : f32
        %div3A_338 = vector.broadcast %div3A_337 : f32 to vector<16xf32>
        %div3A_339 = arith.divf %div3A_338, %add3A_336 : vector<16xf32>
        %neg3A_340 = arith.constant 0.000000e+00 : f32
        %neg3A_341 = vector.broadcast %neg3A_340 : f32 to vector<16xf32>
        %neg3A_342 = arith.subf %neg3A_341, %mul3A_325 : vector<16xf32>
        %exp3A_343 = math.exp %neg3A_342 : vector<16xf32>
        %add3A_344 = arith.constant 1.000000e+00 : f32
        %add3A_345 = vector.broadcast %add3A_344 : f32 to vector<16xf32>
        %add3A_346 = arith.addf %add3A_345, %exp3A_343 : vector<16xf32>
        %div3A_347 = arith.constant 1.000000e+00 : f32
        %div3A_348 = vector.broadcast %div3A_347 : f32 to vector<16xf32>
        %div3A_349 = arith.divf %div3A_348, %add3A_346 : vector<16xf32>
        %neg3A_350 = arith.constant 0.000000e+00 : f32
        %neg3A_351 = vector.broadcast %neg3A_350 : f32 to vector<16xf32>
        %neg3A_352 = arith.subf %neg3A_351, %mul3A_327 : vector<16xf32>
        %exp3A_353 = math.exp %neg3A_352 : vector<16xf32>
        %add3A_354 = arith.constant 1.000000e+00 : f32
        %add3A_355 = vector.broadcast %add3A_354 : f32 to vector<16xf32>
        %add3A_356 = arith.addf %add3A_355, %exp3A_353 : vector<16xf32>
        %div3A_357 = arith.constant 1.000000e+00 : f32
        %div3A_358 = vector.broadcast %div3A_357 : f32 to vector<16xf32>
        %div3A_359 = arith.divf %div3A_358, %add3A_356 : vector<16xf32>
        %max3A_360 = arith.constant 0.000000e+00 : f32
        %max3A_361 = vector.broadcast %max3A_360 : f32 to vector<16xf32>
        %max3A_362 = arith.maximumf %mul3A_329, %max3A_361 : vector<16xf32>
        %shift_right_arithmetic3A_363 = arith.constant 7 : i32
        %shift_right_arithmetic3A_364 = vector.broadcast %shift_right_arithmetic3A_363 : i32 to vector<16xi32>
        %shift_right_arithmetic3A_365 = arith.shrsi %add3A_317, %shift_right_arithmetic3A_364 : vector<16xi32>
        %shift_left3A_366 = arith.constant 2 : i32
        %shift_left3A_367 = vector.broadcast %shift_left3A_366 : i32 to vector<16xi32>
        %shift_left3A_368 = arith.shli %shift_right_arithmetic3A_365, %shift_left3A_367 : vector<16xi32>
        %and3A_369 = arith.constant 127 : i32
        %and3A_370 = vector.broadcast %and3A_369 : i32 to vector<16xi32>
        %and3A_371 = arith.andi %add3A_317, %and3A_370 : vector<16xi32>
        tpu.vector_store_idx %arg28[%shift_left3A_368, %and3A_371], %div3A_339 : memref<32x128xf32, #tpu.memory_space<vmem>>[vector<16xi32>, vector<16xi32>], vector<16xf32>,
        %add3A_372 = arith.constant 1 : i32
        %add3A_373 = vector.broadcast %add3A_372 : i32 to vector<16xi32>
        %add3A_374 = arith.addi %shift_left3A_368, %add3A_373 : vector<16xi32>
        tpu.vector_store_idx %arg28[%add3A_374, %and3A_371], %div3A_349 : memref<32x128xf32, #tpu.memory_space<vmem>>[vector<16xi32>, vector<16xi32>], vector<16xf32>,
        %add3A_375 = arith.constant 2 : i32
        %add3A_376 = vector.broadcast %add3A_375 : i32 to vector<16xi32>
        %add3A_377 = arith.addi %shift_left3A_368, %add3A_376 : vector<16xi32>
        tpu.vector_store_idx %arg28[%add3A_377, %and3A_371], %div3A_359 : memref<32x128xf32, #tpu.memory_space<vmem>>[vector<16xi32>, vector<16xi32>], vector<16xf32>,
        %shift_right_arithmetic3A_378 = arith.constant 7 : i32
        %shift_right_arithmetic3A_379 = vector.broadcast %shift_right_arithmetic3A_378 : i32 to vector<16xi32>
        %shift_right_arithmetic3A_380 = arith.shrsi %add3A_317, %shift_right_arithmetic3A_379 : vector<16xi32>
        tpu.vector_store_idx %arg29[%shift_right_arithmetic3A_380, %and3A_371], %max3A_362 : memref<8x128xf32, #tpu.memory_space<vmem>>[vector<16xi32>, vector<16xi32>], vector<16xf32>,
      }
      %scan3A_80 = arith.constant 64 : i32
      %mul3A_81 = arith.constant 4 : i32
      %mul3A_82 = arith.muli %mul3A_81, %add3A_63 : i32
      "tpu.region"() ({
        %run_scoped3A = tpu.sem_alloc : memref<!tpu.dma_semaphore, #tpu.memory_space<semaphore_mem>>
        %dma_start3A_112 = arith.constant 0 : i32
        %dma_start3A_113 = tpu.memref_slice %arg4[%mul3A_82, %dma_start3A_112] : memref<65536x128xf32, #tpu.memory_space<hbm>> -> memref<32x128xf32, #tpu.memory_space<hbm>>
        %dma_start3A_114 = arith.constant 0 : i32
        %dma_start3A_115 = tpu.memref_slice %arg4[%mul3A_82, %dma_start3A_114] : memref<65536x128xf32, #tpu.memory_space<hbm>> -> memref<32x128xf32, #tpu.memory_space<hbm>>
        tpu.enqueue_dma source(%arg28 : memref<32x128xf32, #tpu.memory_space<vmem>>) target(%dma_start3A_115 : memref<32x128xf32, #tpu.memory_space<hbm>>) target_semaphore(%run_scoped3A : memref<!tpu.dma_semaphore, #tpu.memory_space<semaphore_mem>>)
        %dma_wait3A_116 = arith.constant 0 : i32
        %dma_wait3A_117 = tpu.memref_slice %arg4[%mul3A_82, %dma_wait3A_116] : memref<65536x128xf32, #tpu.memory_space<hbm>> -> memref<32x128xf32, #tpu.memory_space<hbm>>
        %dma_wait3A_118 = arith.constant 0 : i32
        %dma_wait3A_119 = tpu.memref_slice %arg4[%mul3A_82, %dma_wait3A_118] : memref<65536x128xf32, #tpu.memory_space<hbm>> -> memref<32x128xf32, #tpu.memory_space<hbm>>
        tpu.wait_dma2 semaphore(%run_scoped3A : memref<!tpu.dma_semaphore, #tpu.memory_space<semaphore_mem>>) src(%arg28 : memref<32x128xf32, #tpu.memory_space<vmem>>) dst(%dma_wait3A_119 : memref<32x128xf32, #tpu.memory_space<hbm>>)
        tpu.yield
      }) : () -> ()
      "tpu.region"() ({
        %run_scoped3A = tpu.sem_alloc : memref<!tpu.dma_semaphore, #tpu.memory_space<semaphore_mem>>
        %dma_start3A_112 = arith.constant 0 : i32
        %dma_start3A_113 = tpu.memref_slice %arg5[%add3A_63, %dma_start3A_112] : memref<16384x128xf32, #tpu.memory_space<hbm>> -> memref<8x128xf32, #tpu.memory_space<hbm>>
        %dma_start3A_114 = arith.constant 0 : i32
        %dma_start3A_115 = tpu.memref_slice %arg5[%add3A_63, %dma_start3A_114] : memref<16384x128xf32, #tpu.memory_space<hbm>> -> memref<8x128xf32, #tpu.memory_space<hbm>>
        tpu.enqueue_dma source(%arg29 : memref<8x128xf32, #tpu.memory_space<vmem>>) target(%dma_start3A_115 : memref<8x128xf32, #tpu.memory_space<hbm>>) target_semaphore(%run_scoped3A : memref<!tpu.dma_semaphore, #tpu.memory_space<semaphore_mem>>)
        %dma_wait3A_116 = arith.constant 0 : i32
        %dma_wait3A_117 = tpu.memref_slice %arg5[%add3A_63, %dma_wait3A_116] : memref<16384x128xf32, #tpu.memory_space<hbm>> -> memref<8x128xf32, #tpu.memory_space<hbm>>
        %dma_wait3A_118 = arith.constant 0 : i32
        %dma_wait3A_119 = tpu.memref_slice %arg5[%add3A_63, %dma_wait3A_118] : memref<16384x128xf32, #tpu.memory_space<hbm>> -> memref<8x128xf32, #tpu.memory_space<hbm>>
        tpu.wait_dma2 semaphore(%run_scoped3A : memref<!tpu.dma_semaphore, #tpu.memory_space<semaphore_mem>>) src(%arg29 : memref<8x128xf32, #tpu.memory_space<vmem>>) dst(%dma_wait3A_119 : memref<8x128xf32, #tpu.memory_space<hbm>>)
        tpu.yield
      }) : () -> ()
      %lt3A = arith.constant 31 : i32
      %lt3A_83 = arith.cmpi slt, %scan3A_29, %lt3A : i32
      %convert_element_type3A = arith.extui %lt3A_83 : i1 to i32
      %cond3A = arith.constant 0 : i32
      %cond3A_84 = arith.cmpi ne, %convert_element_type3A, %cond3A : i32
      scf.if %cond3A_84 {
        %add3A_112 = arith.constant 2 : i32
        %add3A_113 = arith.addi %mul3A_31, %add3A_112 : i32
        %mul3A_114 = arith.constant 512 : i32
        %mul3A_115 = arith.muli %add3A, %mul3A_114 : i32
        %mul3A_116 = arith.constant 8 : i32
        %mul3A_117 = arith.muli %add3A_113, %mul3A_116 : i32
        %add3A_118 = arith.addi %mul3A_115, %mul3A_117 : i32
        %mul3A_119 = arith.constant 3 : i32
        %mul3A_120 = arith.muli %mul3A_119, %add3A_118 : i32
        "tpu.region"() ({
          %run_scoped3A = tpu.sem_alloc : memref<!tpu.dma_semaphore, #tpu.memory_space<semaphore_mem>>
          %dma_start3A_139 = arith.constant 0 : i32
          %dma_start3A_140 = tpu.memref_slice %arg2[%mul3A_120, %dma_start3A_139] : memref<49152x128xf32, #tpu.memory_space<hbm>> -> memref<24x128xf32, #tpu.memory_space<hbm>>
          %dma_start3A_141 = arith.constant 0 : i32
          %dma_start3A_142 = tpu.memref_slice %arg2[%mul3A_120, %dma_start3A_141] : memref<49152x128xf32, #tpu.memory_space<hbm>> -> memref<24x128xf32, #tpu.memory_space<hbm>>
          tpu.enqueue_dma source(%dma_start3A_142 : memref<24x128xf32, #tpu.memory_space<hbm>>) target(%arg6 : memref<24x128xf32, #tpu.memory_space<vmem>>) target_semaphore(%run_scoped3A : memref<!tpu.dma_semaphore, #tpu.memory_space<semaphore_mem>>)
          %dma_wait3A_143 = arith.constant 0 : i32
          %dma_wait3A_144 = tpu.memref_slice %arg2[%mul3A_120, %dma_wait3A_143] : memref<49152x128xf32, #tpu.memory_space<hbm>> -> memref<24x128xf32, #tpu.memory_space<hbm>>
          %dma_wait3A_145 = arith.constant 0 : i32
          %dma_wait3A_146 = tpu.memref_slice %arg2[%mul3A_120, %dma_wait3A_145] : memref<49152x128xf32, #tpu.memory_space<hbm>> -> memref<24x128xf32, #tpu.memory_space<hbm>>
          tpu.wait_dma2 semaphore(%run_scoped3A : memref<!tpu.dma_semaphore, #tpu.memory_space<semaphore_mem>>) src(%dma_wait3A_146 : memref<24x128xf32, #tpu.memory_space<hbm>>) dst(%arg6 : memref<24x128xf32, #tpu.memory_space<vmem>>)
          tpu.yield
        }) : () -> ()
        %scan3A_121 = arith.constant 0 : i32
        %scan3A_122 = arith.constant 0 : i32
        %scan3A_123 = arith.constant 64 : i32
        %scan3A_124 = arith.addi %scan3A_122, %scan3A_123 : i32
        %scan3A_125 = arith.constant 4 : i32
        scf.for %scan3A_139 = %scan3A_122 to %scan3A_124 step %scan3A_125  : i32 {
          %mul3A_140 = arith.constant 16 : i32
          %mul3A_141 = arith.muli %scan3A_139, %mul3A_140 : i32
          %multiple_of3A = tpu.assume_multiple %mul3A_141, 16 : i32
          %add3A_142 = vector.broadcast %multiple_of3A : i32 to vector<16xi32>
          %add3A_143 = arith.addi %add3A_142, %iota3A : vector<16xi32>
          %shift_right_arithmetic3A = arith.constant 7 : i32
          %shift_right_arithmetic3A_144 = vector.broadcast %shift_right_arithmetic3A : i32 to vector<16xi32>
          %shift_right_arithmetic3A_145 = arith.shrsi %add3A_143, %shift_right_arithmetic3A_144 : vector<16xi32>
          %mul3A_146 = arith.constant 3 : i32
          %mul3A_147 = vector.broadcast %mul3A_146 : i32 to vector<16xi32>
          %mul3A_148 = arith.muli %shift_right_arithmetic3A_145, %mul3A_147 : vector<16xi32>
          %and3A = arith.constant 127 : i32
          %and3A_149 = vector.broadcast %and3A : i32 to vector<16xi32>
          %and3A_150 = arith.andi %add3A_143, %and3A_149 : vector<16xi32>
          %gather3A = tpu.vector_load_idx %arg6[%mul3A_148, %and3A_150] : memref<24x128xf32, #tpu.memory_space<vmem>>[vector<16xi32>, vector<16xi32>], vector<16xf32>,
          %add3A_151 = arith.constant 1 : i32
          %add3A_152 = vector.broadcast %add3A_151 : i32 to vector<16xi32>
          %add3A_153 = arith.addi %mul3A_148, %add3A_152 : vector<16xi32>
          %gather3A_154 = tpu.vector_load_idx %arg6[%add3A_153, %and3A_150] : memref<24x128xf32, #tpu.memory_space<vmem>>[vector<16xi32>, vector<16xi32>], vector<16xf32>,
          %add3A_155 = arith.constant 2 : i32
          %add3A_156 = vector.broadcast %add3A_155 : i32 to vector<16xi32>
          %add3A_157 = arith.addi %mul3A_148, %add3A_156 : vector<16xi32>
          %gather3A_158 = tpu.vector_load_idx %arg6[%add3A_157, %and3A_150] : memref<24x128xf32, #tpu.memory_space<vmem>>[vector<16xi32>, vector<16xi32>], vector<16xf32>,
          %mul3A_159 = arith.constant 2.560000e+02 : f32
          %mul3A_160 = vector.broadcast %mul3A_159 : f32 to vector<16xf32>
          %mul3A_161 = arith.mulf %gather3A, %mul3A_160 : vector<16xf32>
          %add3A_162 = arith.constant 1.280000e+02 : f32
          %add3A_163 = vector.broadcast %add3A_162 : f32 to vector<16xf32>
          %add3A_164 = arith.addf %mul3A_161, %add3A_163 : vector<16xf32>
          %convert_element_type3A_165 = arith.fptosi %add3A_164 : vector<16xf32> to vector<16xi32>
          %mul3A_166 = arith.constant 2.560000e+02 : f32
          %mul3A_167 = vector.broadcast %mul3A_166 : f32 to vector<16xf32>
          %mul3A_168 = arith.mulf %gather3A_154, %mul3A_167 : vector<16xf32>
          %add3A_169 = arith.constant 1.280000e+02 : f32
          %add3A_170 = vector.broadcast %add3A_169 : f32 to vector<16xf32>
          %add3A_171 = arith.addf %mul3A_168, %add3A_170 : vector<16xf32>
          %convert_element_type3A_172 = arith.fptosi %add3A_171 : vector<16xf32> to vector<16xi32>
          %mul3A_173 = arith.constant 2.560000e+02 : f32
          %mul3A_174 = vector.broadcast %mul3A_173 : f32 to vector<16xf32>
          %mul3A_175 = arith.mulf %gather3A_158, %mul3A_174 : vector<16xf32>
          %add3A_176 = arith.constant 1.280000e+02 : f32
          %add3A_177 = vector.broadcast %add3A_176 : f32 to vector<16xf32>
          %add3A_178 = arith.addf %mul3A_175, %add3A_177 : vector<16xf32>
          %convert_element_type3A_179 = arith.fptosi %add3A_178 : vector<16xf32> to vector<16xi32>
          %abs3A = math.absf %gather3A : vector<16xf32>
          %lt3A_180 = arith.constant 5.000000e-01 : f32
          %lt3A_181 = vector.broadcast %lt3A_180 : f32 to vector<16xf32>
          %lt3A_182 = arith.cmpf olt, %abs3A, %lt3A_181 : vector<16xf32>
          %abs3A_183 = math.absf %gather3A_154 : vector<16xf32>
          %lt3A_184 = arith.constant 5.000000e-01 : f32
          %lt3A_185 = vector.broadcast %lt3A_184 : f32 to vector<16xf32>
          %lt3A_186 = arith.cmpf olt, %abs3A_183, %lt3A_185 : vector<16xf32>
          %and3A_187 = arith.andi %lt3A_182, %lt3A_186 : vector<16xi1>
          %abs3A_188 = math.absf %gather3A_158 : vector<16xf32>
          %lt3A_189 = arith.constant 5.000000e-01 : f32
          %lt3A_190 = vector.broadcast %lt3A_189 : f32 to vector<16xf32>
          %lt3A_191 = arith.cmpf olt, %abs3A_188, %lt3A_190 : vector<16xf32>
          %and3A_192 = arith.andi %and3A_187, %lt3A_191 : vector<16xi1>
          %shift_right_arithmetic3A_193 = arith.constant 3 : i32
          %shift_right_arithmetic3A_194 = vector.broadcast %shift_right_arithmetic3A_193 : i32 to vector<16xi32>
          %shift_right_arithmetic3A_195 = arith.shrsi %convert_element_type3A_179, %shift_right_arithmetic3A_194 : vector<16xi32>
          %shift_left3A = arith.constant 15 : i32
          %shift_left3A_196 = vector.broadcast %shift_left3A : i32 to vector<16xi32>
          %shift_left3A_197 = arith.shli %convert_element_type3A_165, %shift_left3A_196 : vector<16xi32>
          %shift_left3A_198 = arith.constant 7 : i32
          %shift_left3A_199 = vector.broadcast %shift_left3A_198 : i32 to vector<16xi32>
          %shift_left3A_200 = arith.shli %convert_element_type3A_172, %shift_left3A_199 : vector<16xi32>
          %add3A_201 = arith.addi %shift_left3A_197, %shift_left3A_200 : vector<16xi32>
          %shift_right_arithmetic3A_202 = arith.constant 4 : i32
          %shift_right_arithmetic3A_203 = vector.broadcast %shift_right_arithmetic3A_202 : i32 to vector<16xi32>
          %shift_right_arithmetic3A_204 = arith.shrsi %shift_right_arithmetic3A_195, %shift_right_arithmetic3A_203 : vector<16xi32>
          %and3A_205 = arith.constant 1 : i32
          %and3A_206 = vector.broadcast %and3A_205 : i32 to vector<16xi32>
          %and3A_207 = arith.andi %shift_right_arithmetic3A_204, %and3A_206 : vector<16xi32>
          %shift_left3A_208 = arith.constant 6 : i32
          %shift_left3A_209 = vector.broadcast %shift_left3A_208 : i32 to vector<16xi32>
          %shift_left3A_210 = arith.shli %and3A_207, %shift_left3A_209 : vector<16xi32>
          %add3A_211 = arith.addi %add3A_201, %shift_left3A_210 : vector<16xi32>
          %and3A_212 = arith.constant 15 : i32
          %and3A_213 = vector.broadcast %and3A_212 : i32 to vector<16xi32>
          %and3A_214 = arith.andi %shift_right_arithmetic3A_195, %and3A_213 : vector<16xi32>
          %add3A_215 = arith.addi %add3A_211, %and3A_214 : vector<16xi32>
          %jit3A = arith.constant 0 : i32
          %jit3A_216 = arith.constant 8388559 : i32
          %max3A = vector.broadcast %jit3A : i32 to vector<16xi32>
          %max3A_217 = arith.maxsi %max3A, %add3A_215 : vector<16xi32>
          %min3A = vector.broadcast %jit3A_216 : i32 to vector<16xi32>
          %min3A_218 = arith.minsi %min3A, %max3A_217 : vector<16xi32>
          %swap3A = arith.index_cast %multiple_of3A : i32 to index
          %swap3A_219 = tpu.vector_load %arg7[%swap3A] {strides = array<i32>} : memref<1024xi32, #tpu.memory_space<vmem>>, vector<16xi32>,
          tpu.vector_store %arg7[%swap3A], %min3A_218 {strides = array<i32>} : memref<1024xi32, #tpu.memory_space<vmem>>, vector<16xi32>,
          %add3A_220 = arith.constant 16 : i32
          %add3A_221 = vector.broadcast %add3A_220 : i32 to vector<16xi32>
          %add3A_222 = arith.addi %min3A_218, %add3A_221 : vector<16xi32>
          %swap3A_223 = arith.index_cast %multiple_of3A : i32 to index
          %swap3A_224 = tpu.vector_load %arg8[%swap3A_223] {strides = array<i32>} : memref<1024xi32, #tpu.memory_space<vmem>>, vector<16xi32>,
          tpu.vector_store %arg8[%swap3A_223], %add3A_222 {strides = array<i32>} : memref<1024xi32, #tpu.memory_space<vmem>>, vector<16xi32>,
          %add3A_225 = arith.constant 32 : i32
          %add3A_226 = vector.broadcast %add3A_225 : i32 to vector<16xi32>
          %add3A_227 = arith.addi %min3A_218, %add3A_226 : vector<16xi32>
          %swap3A_228 = arith.index_cast %multiple_of3A : i32 to index
          %swap3A_229 = tpu.vector_load %arg9[%swap3A_228] {strides = array<i32>} : memref<1024xi32, #tpu.memory_space<vmem>>, vector<16xi32>,
          tpu.vector_store %arg9[%swap3A_228], %add3A_227 {strides = array<i32>} : memref<1024xi32, #tpu.memory_space<vmem>>, vector<16xi32>,
          %add3A_230 = arith.constant 48 : i32
          %add3A_231 = vector.broadcast %add3A_230 : i32 to vector<16xi32>
          %add3A_232 = arith.addi %min3A_218, %add3A_231 : vector<16xi32>
          %swap3A_233 = arith.index_cast %multiple_of3A : i32 to index
          %swap3A_234 = tpu.vector_load %arg10[%swap3A_233] {strides = array<i32>} : memref<1024xi32, #tpu.memory_space<vmem>>, vector<16xi32>,
          tpu.vector_store %arg10[%swap3A_233], %add3A_232 {strides = array<i32>} : memref<1024xi32, #tpu.memory_space<vmem>>, vector<16xi32>,
          %and3A_235 = arith.constant 7 : i32
          %and3A_236 = vector.broadcast %and3A_235 : i32 to vector<16xi32>
          %and3A_237 = arith.andi %convert_element_type3A_179, %and3A_236 : vector<16xi32>
          %swap3A_238 = arith.index_cast %multiple_of3A : i32 to index
          %swap3A_239 = tpu.vector_load %arg11[%swap3A_238] {strides = array<i32>} : memref<1024xi32, #tpu.memory_space<vmem>>, vector<16xi32>,
          tpu.vector_store %arg11[%swap3A_238], %and3A_237 {strides = array<i32>} : memref<1024xi32, #tpu.memory_space<vmem>>, vector<16xi32>,
          %jit3A_240 = arith.constant 1.000000e+00 : f32
          %jit3A_241 = arith.constant 0.000000e+00 : f32
          %broadcast_in_dim3A = vector.broadcast %jit3A_240 : f32 to vector<16xf32>
          %broadcast_in_dim3A_242 = vector.broadcast %jit3A_241 : f32 to vector<16xf32>
          %select_n3A = arith.select %and3A_192, %broadcast_in_dim3A, %broadcast_in_dim3A_242 : vector<16xi1>, vector<16xf32>
          %swap3A_243 = arith.index_cast %multiple_of3A : i32 to index
          %swap3A_244 = tpu.vector_load %arg12[%swap3A_243] {strides = array<i32>} : memref<1024xf32, #tpu.memory_space<vmem>>, vector<16xf32>,
          tpu.vector_store %arg12[%swap3A_243], %select_n3A {strides = array<i32>} : memref<1024xf32, #tpu.memory_space<vmem>>, vector<16xf32>,
          %scan3A_245 = arith.constant 1 : i32
          %scan3A_246 = arith.addi %scan3A_139, %scan3A_245 : i32
          %mul3A_247 = arith.constant 16 : i32
          %mul3A_248 = arith.muli %scan3A_246, %mul3A_247 : i32
          %multiple_of3A_249 = tpu.assume_multiple %mul3A_248, 16 : i32
          %add3A_250 = vector.broadcast %multiple_of3A_249 : i32 to vector<16xi32>
          %add3A_251 = arith.addi %add3A_250, %iota3A : vector<16xi32>
          %shift_right_arithmetic3A_252 = arith.constant 7 : i32
          %shift_right_arithmetic3A_253 = vector.broadcast %shift_right_arithmetic3A_252 : i32 to vector<16xi32>
          %shift_right_arithmetic3A_254 = arith.shrsi %add3A_251, %shift_right_arithmetic3A_253 : vector<16xi32>
          %mul3A_255 = arith.constant 3 : i32
          %mul3A_256 = vector.broadcast %mul3A_255 : i32 to vector<16xi32>
          %mul3A_257 = arith.muli %shift_right_arithmetic3A_254, %mul3A_256 : vector<16xi32>
          %and3A_258 = arith.constant 127 : i32
          %and3A_259 = vector.broadcast %and3A_258 : i32 to vector<16xi32>
          %and3A_260 = arith.andi %add3A_251, %and3A_259 : vector<16xi32>
          %gather3A_261 = tpu.vector_load_idx %arg6[%mul3A_257, %and3A_260] : memref<24x128xf32, #tpu.memory_space<vmem>>[vector<16xi32>, vector<16xi32>], vector<16xf32>,
          %add3A_262 = arith.constant 1 : i32
          %add3A_263 = vector.broadcast %add3A_262 : i32 to vector<16xi32>
          %add3A_264 = arith.addi %mul3A_257, %add3A_263 : vector<16xi32>
          %gather3A_265 = tpu.vector_load_idx %arg6[%add3A_264, %and3A_260] : memref<24x128xf32, #tpu.memory_space<vmem>>[vector<16xi32>, vector<16xi32>], vector<16xf32>,
          %add3A_266 = arith.constant 2 : i32
          %add3A_267 = vector.broadcast %add3A_266 : i32 to vector<16xi32>
          %add3A_268 = arith.addi %mul3A_257, %add3A_267 : vector<16xi32>
          %gather3A_269 = tpu.vector_load_idx %arg6[%add3A_268, %and3A_260] : memref<24x128xf32, #tpu.memory_space<vmem>>[vector<16xi32>, vector<16xi32>], vector<16xf32>,
          %mul3A_270 = arith.constant 2.560000e+02 : f32
          %mul3A_271 = vector.broadcast %mul3A_270 : f32 to vector<16xf32>
          %mul3A_272 = arith.mulf %gather3A_261, %mul3A_271 : vector<16xf32>
          %add3A_273 = arith.constant 1.280000e+02 : f32
          %add3A_274 = vector.broadcast %add3A_273 : f32 to vector<16xf32>
          %add3A_275 = arith.addf %mul3A_272, %add3A_274 : vector<16xf32>
          %convert_element_type3A_276 = arith.fptosi %add3A_275 : vector<16xf32> to vector<16xi32>
          %mul3A_277 = arith.constant 2.560000e+02 : f32
          %mul3A_278 = vector.broadcast %mul3A_277 : f32 to vector<16xf32>
          %mul3A_279 = arith.mulf %gather3A_265, %mul3A_278 : vector<16xf32>
          %add3A_280 = arith.constant 1.280000e+02 : f32
          %add3A_281 = vector.broadcast %add3A_280 : f32 to vector<16xf32>
          %add3A_282 = arith.addf %mul3A_279, %add3A_281 : vector<16xf32>
          %convert_element_type3A_283 = arith.fptosi %add3A_282 : vector<16xf32> to vector<16xi32>
          %mul3A_284 = arith.constant 2.560000e+02 : f32
          %mul3A_285 = vector.broadcast %mul3A_284 : f32 to vector<16xf32>
          %mul3A_286 = arith.mulf %gather3A_269, %mul3A_285 : vector<16xf32>
          %add3A_287 = arith.constant 1.280000e+02 : f32
          %add3A_288 = vector.broadcast %add3A_287 : f32 to vector<16xf32>
          %add3A_289 = arith.addf %mul3A_286, %add3A_288 : vector<16xf32>
          %convert_element_type3A_290 = arith.fptosi %add3A_289 : vector<16xf32> to vector<16xi32>
          %abs3A_291 = math.absf %gather3A_261 : vector<16xf32>
          %lt3A_292 = arith.constant 5.000000e-01 : f32
          %lt3A_293 = vector.broadcast %lt3A_292 : f32 to vector<16xf32>
          %lt3A_294 = arith.cmpf olt, %abs3A_291, %lt3A_293 : vector<16xf32>
          %abs3A_295 = math.absf %gather3A_265 : vector<16xf32>
          %lt3A_296 = arith.constant 5.000000e-01 : f32
          %lt3A_297 = vector.broadcast %lt3A_296 : f32 to vector<16xf32>
          %lt3A_298 = arith.cmpf olt, %abs3A_295, %lt3A_297 : vector<16xf32>
          %and3A_299 = arith.andi %lt3A_294, %lt3A_298 : vector<16xi1>
          %abs3A_300 = math.absf %gather3A_269 : vector<16xf32>
          %lt3A_301 = arith.constant 5.000000e-01 : f32
          %lt3A_302 = vector.broadcast %lt3A_301 : f32 to vector<16xf32>
          %lt3A_303 = arith.cmpf olt, %abs3A_300, %lt3A_302 : vector<16xf32>
          %and3A_304 = arith.andi %and3A_299, %lt3A_303 : vector<16xi1>
          %shift_right_arithmetic3A_305 = arith.constant 3 : i32
          %shift_right_arithmetic3A_306 = vector.broadcast %shift_right_arithmetic3A_305 : i32 to vector<16xi32>
          %shift_right_arithmetic3A_307 = arith.shrsi %convert_element_type3A_290, %shift_right_arithmetic3A_306 : vector<16xi32>
          %shift_left3A_308 = arith.constant 15 : i32
          %shift_left3A_309 = vector.broadcast %shift_left3A_308 : i32 to vector<16xi32>
          %shift_left3A_310 = arith.shli %convert_element_type3A_276, %shift_left3A_309 : vector<16xi32>
          %shift_left3A_311 = arith.constant 7 : i32
          %shift_left3A_312 = vector.broadcast %shift_left3A_311 : i32 to vector<16xi32>
          %shift_left3A_313 = arith.shli %convert_element_type3A_283, %shift_left3A_312 : vector<16xi32>
          %add3A_314 = arith.addi %shift_left3A_310, %shift_left3A_313 : vector<16xi32>
          %shift_right_arithmetic3A_315 = arith.constant 4 : i32
          %shift_right_arithmetic3A_316 = vector.broadcast %shift_right_arithmetic3A_315 : i32 to vector<16xi32>
          %shift_right_arithmetic3A_317 = arith.shrsi %shift_right_arithmetic3A_307, %shift_right_arithmetic3A_316 : vector<16xi32>
          %and3A_318 = arith.constant 1 : i32
          %and3A_319 = vector.broadcast %and3A_318 : i32 to vector<16xi32>
          %and3A_320 = arith.andi %shift_right_arithmetic3A_317, %and3A_319 : vector<16xi32>
          %shift_left3A_321 = arith.constant 6 : i32
          %shift_left3A_322 = vector.broadcast %shift_left3A_321 : i32 to vector<16xi32>
          %shift_left3A_323 = arith.shli %and3A_320, %shift_left3A_322 : vector<16xi32>
          %add3A_324 = arith.addi %add3A_314, %shift_left3A_323 : vector<16xi32>
          %and3A_325 = arith.constant 15 : i32
          %and3A_326 = vector.broadcast %and3A_325 : i32 to vector<16xi32>
          %and3A_327 = arith.andi %shift_right_arithmetic3A_307, %and3A_326 : vector<16xi32>
          %add3A_328 = arith.addi %add3A_324, %and3A_327 : vector<16xi32>
          %jit3A_329 = arith.constant 0 : i32
          %jit3A_330 = arith.constant 8388559 : i32
          %max3A_331 = vector.broadcast %jit3A_329 : i32 to vector<16xi32>
          %max3A_332 = arith.maxsi %max3A_331, %add3A_328 : vector<16xi32>
          %min3A_333 = vector.broadcast %jit3A_330 : i32 to vector<16xi32>
          %min3A_334 = arith.minsi %min3A_333, %max3A_332 : vector<16xi32>
          %swap3A_335 = arith.index_cast %multiple_of3A_249 : i32 to index
          %swap3A_336 = tpu.vector_load %arg7[%swap3A_335] {strides = array<i32>} : memref<1024xi32, #tpu.memory_space<vmem>>, vector<16xi32>,
          tpu.vector_store %arg7[%swap3A_335], %min3A_334 {strides = array<i32>} : memref<1024xi32, #tpu.memory_space<vmem>>, vector<16xi32>,
          %add3A_337 = arith.constant 16 : i32
          %add3A_338 = vector.broadcast %add3A_337 : i32 to vector<16xi32>
          %add3A_339 = arith.addi %min3A_334, %add3A_338 : vector<16xi32>
          %swap3A_340 = arith.index_cast %multiple_of3A_249 : i32 to index
          %swap3A_341 = tpu.vector_load %arg8[%swap3A_340] {strides = array<i32>} : memref<1024xi32, #tpu.memory_space<vmem>>, vector<16xi32>,
          tpu.vector_store %arg8[%swap3A_340], %add3A_339 {strides = array<i32>} : memref<1024xi32, #tpu.memory_space<vmem>>, vector<16xi32>,
          %add3A_342 = arith.constant 32 : i32
          %add3A_343 = vector.broadcast %add3A_342 : i32 to vector<16xi32>
          %add3A_344 = arith.addi %min3A_334, %add3A_343 : vector<16xi32>
          %swap3A_345 = arith.index_cast %multiple_of3A_249 : i32 to index
          %swap3A_346 = tpu.vector_load %arg9[%swap3A_345] {strides = array<i32>} : memref<1024xi32, #tpu.memory_space<vmem>>, vector<16xi32>,
          tpu.vector_store %arg9[%swap3A_345], %add3A_344 {strides = array<i32>} : memref<1024xi32, #tpu.memory_space<vmem>>, vector<16xi32>,
          %add3A_347 = arith.constant 48 : i32
          %add3A_348 = vector.broadcast %add3A_347 : i32 to vector<16xi32>
          %add3A_349 = arith.addi %min3A_334, %add3A_348 : vector<16xi32>
          %swap3A_350 = arith.index_cast %multiple_of3A_249 : i32 to index
          %swap3A_351 = tpu.vector_load %arg10[%swap3A_350] {strides = array<i32>} : memref<1024xi32, #tpu.memory_space<vmem>>, vector<16xi32>,
          tpu.vector_store %arg10[%swap3A_350], %add3A_349 {strides = array<i32>} : memref<1024xi32, #tpu.memory_space<vmem>>, vector<16xi32>,
          %and3A_352 = arith.constant 7 : i32
          %and3A_353 = vector.broadcast %and3A_352 : i32 to vector<16xi32>
          %and3A_354 = arith.andi %convert_element_type3A_290, %and3A_353 : vector<16xi32>
          %swap3A_355 = arith.index_cast %multiple_of3A_249 : i32 to index
          %swap3A_356 = tpu.vector_load %arg11[%swap3A_355] {strides = array<i32>} : memref<1024xi32, #tpu.memory_space<vmem>>, vector<16xi32>,
          tpu.vector_store %arg11[%swap3A_355], %and3A_354 {strides = array<i32>} : memref<1024xi32, #tpu.memory_space<vmem>>, vector<16xi32>,
          %jit3A_357 = arith.constant 1.000000e+00 : f32
          %jit3A_358 = arith.constant 0.000000e+00 : f32
          %broadcast_in_dim3A_359 = vector.broadcast %jit3A_357 : f32 to vector<16xf32>
          %broadcast_in_dim3A_360 = vector.broadcast %jit3A_358 : f32 to vector<16xf32>
          %select_n3A_361 = arith.select %and3A_304, %broadcast_in_dim3A_359, %broadcast_in_dim3A_360 : vector<16xi1>, vector<16xf32>
          %swap3A_362 = arith.index_cast %multiple_of3A_249 : i32 to index
          %swap3A_363 = tpu.vector_load %arg12[%swap3A_362] {strides = array<i32>} : memref<1024xf32, #tpu.memory_space<vmem>>, vector<16xf32>,
          tpu.vector_store %arg12[%swap3A_362], %select_n3A_361 {strides = array<i32>} : memref<1024xf32, #tpu.memory_space<vmem>>, vector<16xf32>,
          %scan3A_364 = arith.constant 2 : i32
          %scan3A_365 = arith.addi %scan3A_139, %scan3A_364 : i32
          %mul3A_366 = arith.constant 16 : i32
          %mul3A_367 = arith.muli %scan3A_365, %mul3A_366 : i32
          %multiple_of3A_368 = tpu.assume_multiple %mul3A_367, 16 : i32
          %add3A_369 = vector.broadcast %multiple_of3A_368 : i32 to vector<16xi32>
          %add3A_370 = arith.addi %add3A_369, %iota3A : vector<16xi32>
          %shift_right_arithmetic3A_371 = arith.constant 7 : i32
          %shift_right_arithmetic3A_372 = vector.broadcast %shift_right_arithmetic3A_371 : i32 to vector<16xi32>
          %shift_right_arithmetic3A_373 = arith.shrsi %add3A_370, %shift_right_arithmetic3A_372 : vector<16xi32>
          %mul3A_374 = arith.constant 3 : i32
          %mul3A_375 = vector.broadcast %mul3A_374 : i32 to vector<16xi32>
          %mul3A_376 = arith.muli %shift_right_arithmetic3A_373, %mul3A_375 : vector<16xi32>
          %and3A_377 = arith.constant 127 : i32
          %and3A_378 = vector.broadcast %and3A_377 : i32 to vector<16xi32>
          %and3A_379 = arith.andi %add3A_370, %and3A_378 : vector<16xi32>
          %gather3A_380 = tpu.vector_load_idx %arg6[%mul3A_376, %and3A_379] : memref<24x128xf32, #tpu.memory_space<vmem>>[vector<16xi32>, vector<16xi32>], vector<16xf32>,
          %add3A_381 = arith.constant 1 : i32
          %add3A_382 = vector.broadcast %add3A_381 : i32 to vector<16xi32>
          %add3A_383 = arith.addi %mul3A_376, %add3A_382 : vector<16xi32>
          %gather3A_384 = tpu.vector_load_idx %arg6[%add3A_383, %and3A_379] : memref<24x128xf32, #tpu.memory_space<vmem>>[vector<16xi32>, vector<16xi32>], vector<16xf32>,
          %add3A_385 = arith.constant 2 : i32
          %add3A_386 = vector.broadcast %add3A_385 : i32 to vector<16xi32>
          %add3A_387 = arith.addi %mul3A_376, %add3A_386 : vector<16xi32>
          %gather3A_388 = tpu.vector_load_idx %arg6[%add3A_387, %and3A_379] : memref<24x128xf32, #tpu.memory_space<vmem>>[vector<16xi32>, vector<16xi32>], vector<16xf32>,
          %mul3A_389 = arith.constant 2.560000e+02 : f32
          %mul3A_390 = vector.broadcast %mul3A_389 : f32 to vector<16xf32>
          %mul3A_391 = arith.mulf %gather3A_380, %mul3A_390 : vector<16xf32>
          %add3A_392 = arith.constant 1.280000e+02 : f32
          %add3A_393 = vector.broadcast %add3A_392 : f32 to vector<16xf32>
          %add3A_394 = arith.addf %mul3A_391, %add3A_393 : vector<16xf32>
          %convert_element_type3A_395 = arith.fptosi %add3A_394 : vector<16xf32> to vector<16xi32>
          %mul3A_396 = arith.constant 2.560000e+02 : f32
          %mul3A_397 = vector.broadcast %mul3A_396 : f32 to vector<16xf32>
          %mul3A_398 = arith.mulf %gather3A_384, %mul3A_397 : vector<16xf32>
          %add3A_399 = arith.constant 1.280000e+02 : f32
          %add3A_400 = vector.broadcast %add3A_399 : f32 to vector<16xf32>
          %add3A_401 = arith.addf %mul3A_398, %add3A_400 : vector<16xf32>
          %convert_element_type3A_402 = arith.fptosi %add3A_401 : vector<16xf32> to vector<16xi32>
          %mul3A_403 = arith.constant 2.560000e+02 : f32
          %mul3A_404 = vector.broadcast %mul3A_403 : f32 to vector<16xf32>
          %mul3A_405 = arith.mulf %gather3A_388, %mul3A_404 : vector<16xf32>
          %add3A_406 = arith.constant 1.280000e+02 : f32
          %add3A_407 = vector.broadcast %add3A_406 : f32 to vector<16xf32>
          %add3A_408 = arith.addf %mul3A_405, %add3A_407 : vector<16xf32>
          %convert_element_type3A_409 = arith.fptosi %add3A_408 : vector<16xf32> to vector<16xi32>
          %abs3A_410 = math.absf %gather3A_380 : vector<16xf32>
          %lt3A_411 = arith.constant 5.000000e-01 : f32
          %lt3A_412 = vector.broadcast %lt3A_411 : f32 to vector<16xf32>
          %lt3A_413 = arith.cmpf olt, %abs3A_410, %lt3A_412 : vector<16xf32>
          %abs3A_414 = math.absf %gather3A_384 : vector<16xf32>
          %lt3A_415 = arith.constant 5.000000e-01 : f32
          %lt3A_416 = vector.broadcast %lt3A_415 : f32 to vector<16xf32>
          %lt3A_417 = arith.cmpf olt, %abs3A_414, %lt3A_416 : vector<16xf32>
          %and3A_418 = arith.andi %lt3A_413, %lt3A_417 : vector<16xi1>
          %abs3A_419 = math.absf %gather3A_388 : vector<16xf32>
          %lt3A_420 = arith.constant 5.000000e-01 : f32
          %lt3A_421 = vector.broadcast %lt3A_420 : f32 to vector<16xf32>
          %lt3A_422 = arith.cmpf olt, %abs3A_419, %lt3A_421 : vector<16xf32>
          %and3A_423 = arith.andi %and3A_418, %lt3A_422 : vector<16xi1>
          %shift_right_arithmetic3A_424 = arith.constant 3 : i32
          %shift_right_arithmetic3A_425 = vector.broadcast %shift_right_arithmetic3A_424 : i32 to vector<16xi32>
          %shift_right_arithmetic3A_426 = arith.shrsi %convert_element_type3A_409, %shift_right_arithmetic3A_425 : vector<16xi32>
          %shift_left3A_427 = arith.constant 15 : i32
          %shift_left3A_428 = vector.broadcast %shift_left3A_427 : i32 to vector<16xi32>
          %shift_left3A_429 = arith.shli %convert_element_type3A_395, %shift_left3A_428 : vector<16xi32>
          %shift_left3A_430 = arith.constant 7 : i32
          %shift_left3A_431 = vector.broadcast %shift_left3A_430 : i32 to vector<16xi32>
          %shift_left3A_432 = arith.shli %convert_element_type3A_402, %shift_left3A_431 : vector<16xi32>
          %add3A_433 = arith.addi %shift_left3A_429, %shift_left3A_432 : vector<16xi32>
          %shift_right_arithmetic3A_434 = arith.constant 4 : i32
          %shift_right_arithmetic3A_435 = vector.broadcast %shift_right_arithmetic3A_434 : i32 to vector<16xi32>
          %shift_right_arithmetic3A_436 = arith.shrsi %shift_right_arithmetic3A_426, %shift_right_arithmetic3A_435 : vector<16xi32>
          %and3A_437 = arith.constant 1 : i32
          %and3A_438 = vector.broadcast %and3A_437 : i32 to vector<16xi32>
          %and3A_439 = arith.andi %shift_right_arithmetic3A_436, %and3A_438 : vector<16xi32>
          %shift_left3A_440 = arith.constant 6 : i32
          %shift_left3A_441 = vector.broadcast %shift_left3A_440 : i32 to vector<16xi32>
          %shift_left3A_442 = arith.shli %and3A_439, %shift_left3A_441 : vector<16xi32>
          %add3A_443 = arith.addi %add3A_433, %shift_left3A_442 : vector<16xi32>
          %and3A_444 = arith.constant 15 : i32
          %and3A_445 = vector.broadcast %and3A_444 : i32 to vector<16xi32>
          %and3A_446 = arith.andi %shift_right_arithmetic3A_426, %and3A_445 : vector<16xi32>
          %add3A_447 = arith.addi %add3A_443, %and3A_446 : vector<16xi32>
          %jit3A_448 = arith.constant 0 : i32
          %jit3A_449 = arith.constant 8388559 : i32
          %max3A_450 = vector.broadcast %jit3A_448 : i32 to vector<16xi32>
          %max3A_451 = arith.maxsi %max3A_450, %add3A_447 : vector<16xi32>
          %min3A_452 = vector.broadcast %jit3A_449 : i32 to vector<16xi32>
          %min3A_453 = arith.minsi %min3A_452, %max3A_451 : vector<16xi32>
          %swap3A_454 = arith.index_cast %multiple_of3A_368 : i32 to index
          %swap3A_455 = tpu.vector_load %arg7[%swap3A_454] {strides = array<i32>} : memref<1024xi32, #tpu.memory_space<vmem>>, vector<16xi32>,
          tpu.vector_store %arg7[%swap3A_454], %min3A_453 {strides = array<i32>} : memref<1024xi32, #tpu.memory_space<vmem>>, vector<16xi32>,
          %add3A_456 = arith.constant 16 : i32
          %add3A_457 = vector.broadcast %add3A_456 : i32 to vector<16xi32>
          %add3A_458 = arith.addi %min3A_453, %add3A_457 : vector<16xi32>
          %swap3A_459 = arith.index_cast %multiple_of3A_368 : i32 to index
          %swap3A_460 = tpu.vector_load %arg8[%swap3A_459] {strides = array<i32>} : memref<1024xi32, #tpu.memory_space<vmem>>, vector<16xi32>,
          tpu.vector_store %arg8[%swap3A_459], %add3A_458 {strides = array<i32>} : memref<1024xi32, #tpu.memory_space<vmem>>, vector<16xi32>,
          %add3A_461 = arith.constant 32 : i32
          %add3A_462 = vector.broadcast %add3A_461 : i32 to vector<16xi32>
          %add3A_463 = arith.addi %min3A_453, %add3A_462 : vector<16xi32>
          %swap3A_464 = arith.index_cast %multiple_of3A_368 : i32 to index
          %swap3A_465 = tpu.vector_load %arg9[%swap3A_464] {strides = array<i32>} : memref<1024xi32, #tpu.memory_space<vmem>>, vector<16xi32>,
          tpu.vector_store %arg9[%swap3A_464], %add3A_463 {strides = array<i32>} : memref<1024xi32, #tpu.memory_space<vmem>>, vector<16xi32>,
          %add3A_466 = arith.constant 48 : i32
          %add3A_467 = vector.broadcast %add3A_466 : i32 to vector<16xi32>
          %add3A_468 = arith.addi %min3A_453, %add3A_467 : vector<16xi32>
          %swap3A_469 = arith.index_cast %multiple_of3A_368 : i32 to index
          %swap3A_470 = tpu.vector_load %arg10[%swap3A_469] {strides = array<i32>} : memref<1024xi32, #tpu.memory_space<vmem>>, vector<16xi32>,
          tpu.vector_store %arg10[%swap3A_469], %add3A_468 {strides = array<i32>} : memref<1024xi32, #tpu.memory_space<vmem>>, vector<16xi32>,
          %and3A_471 = arith.constant 7 : i32
          %and3A_472 = vector.broadcast %and3A_471 : i32 to vector<16xi32>
          %and3A_473 = arith.andi %convert_element_type3A_409, %and3A_472 : vector<16xi32>
          %swap3A_474 = arith.index_cast %multiple_of3A_368 : i32 to index
          %swap3A_475 = tpu.vector_load %arg11[%swap3A_474] {strides = array<i32>} : memref<1024xi32, #tpu.memory_space<vmem>>, vector<16xi32>,
          tpu.vector_store %arg11[%swap3A_474], %and3A_473 {strides = array<i32>} : memref<1024xi32, #tpu.memory_space<vmem>>, vector<16xi32>,
          %jit3A_476 = arith.constant 1.000000e+00 : f32
          %jit3A_477 = arith.constant 0.000000e+00 : f32
          %broadcast_in_dim3A_478 = vector.broadcast %jit3A_476 : f32 to vector<16xf32>
          %broadcast_in_dim3A_479 = vector.broadcast %jit3A_477 : f32 to vector<16xf32>
          %select_n3A_480 = arith.select %and3A_423, %broadcast_in_dim3A_478, %broadcast_in_dim3A_479 : vector<16xi1>, vector<16xf32>
          %swap3A_481 = arith.index_cast %multiple_of3A_368 : i32 to index
          %swap3A_482 = tpu.vector_load %arg12[%swap3A_481] {strides = array<i32>} : memref<1024xf32, #tpu.memory_space<vmem>>, vector<16xf32>,
          tpu.vector_store %arg12[%swap3A_481], %select_n3A_480 {strides = array<i32>} : memref<1024xf32, #tpu.memory_space<vmem>>, vector<16xf32>,
          %scan3A_483 = arith.constant 3 : i32
          %scan3A_484 = arith.addi %scan3A_139, %scan3A_483 : i32
          %mul3A_485 = arith.constant 16 : i32
          %mul3A_486 = arith.muli %scan3A_484, %mul3A_485 : i32
          %multiple_of3A_487 = tpu.assume_multiple %mul3A_486, 16 : i32
          %add3A_488 = vector.broadcast %multiple_of3A_487 : i32 to vector<16xi32>
          %add3A_489 = arith.addi %add3A_488, %iota3A : vector<16xi32>
          %shift_right_arithmetic3A_490 = arith.constant 7 : i32
          %shift_right_arithmetic3A_491 = vector.broadcast %shift_right_arithmetic3A_490 : i32 to vector<16xi32>
          %shift_right_arithmetic3A_492 = arith.shrsi %add3A_489, %shift_right_arithmetic3A_491 : vector<16xi32>
          %mul3A_493 = arith.constant 3 : i32
          %mul3A_494 = vector.broadcast %mul3A_493 : i32 to vector<16xi32>
          %mul3A_495 = arith.muli %shift_right_arithmetic3A_492, %mul3A_494 : vector<16xi32>
          %and3A_496 = arith.constant 127 : i32
          %and3A_497 = vector.broadcast %and3A_496 : i32 to vector<16xi32>
          %and3A_498 = arith.andi %add3A_489, %and3A_497 : vector<16xi32>
          %gather3A_499 = tpu.vector_load_idx %arg6[%mul3A_495, %and3A_498] : memref<24x128xf32, #tpu.memory_space<vmem>>[vector<16xi32>, vector<16xi32>], vector<16xf32>,
          %add3A_500 = arith.constant 1 : i32
          %add3A_501 = vector.broadcast %add3A_500 : i32 to vector<16xi32>
          %add3A_502 = arith.addi %mul3A_495, %add3A_501 : vector<16xi32>
          %gather3A_503 = tpu.vector_load_idx %arg6[%add3A_502, %and3A_498] : memref<24x128xf32, #tpu.memory_space<vmem>>[vector<16xi32>, vector<16xi32>], vector<16xf32>,
          %add3A_504 = arith.constant 2 : i32
          %add3A_505 = vector.broadcast %add3A_504 : i32 to vector<16xi32>
          %add3A_506 = arith.addi %mul3A_495, %add3A_505 : vector<16xi32>
          %gather3A_507 = tpu.vector_load_idx %arg6[%add3A_506, %and3A_498] : memref<24x128xf32, #tpu.memory_space<vmem>>[vector<16xi32>, vector<16xi32>], vector<16xf32>,
          %mul3A_508 = arith.constant 2.560000e+02 : f32
          %mul3A_509 = vector.broadcast %mul3A_508 : f32 to vector<16xf32>
          %mul3A_510 = arith.mulf %gather3A_499, %mul3A_509 : vector<16xf32>
          %add3A_511 = arith.constant 1.280000e+02 : f32
          %add3A_512 = vector.broadcast %add3A_511 : f32 to vector<16xf32>
          %add3A_513 = arith.addf %mul3A_510, %add3A_512 : vector<16xf32>
          %convert_element_type3A_514 = arith.fptosi %add3A_513 : vector<16xf32> to vector<16xi32>
          %mul3A_515 = arith.constant 2.560000e+02 : f32
          %mul3A_516 = vector.broadcast %mul3A_515 : f32 to vector<16xf32>
          %mul3A_517 = arith.mulf %gather3A_503, %mul3A_516 : vector<16xf32>
          %add3A_518 = arith.constant 1.280000e+02 : f32
          %add3A_519 = vector.broadcast %add3A_518 : f32 to vector<16xf32>
          %add3A_520 = arith.addf %mul3A_517, %add3A_519 : vector<16xf32>
          %convert_element_type3A_521 = arith.fptosi %add3A_520 : vector<16xf32> to vector<16xi32>
          %mul3A_522 = arith.constant 2.560000e+02 : f32
          %mul3A_523 = vector.broadcast %mul3A_522 : f32 to vector<16xf32>
          %mul3A_524 = arith.mulf %gather3A_507, %mul3A_523 : vector<16xf32>
          %add3A_525 = arith.constant 1.280000e+02 : f32
          %add3A_526 = vector.broadcast %add3A_525 : f32 to vector<16xf32>
          %add3A_527 = arith.addf %mul3A_524, %add3A_526 : vector<16xf32>
          %convert_element_type3A_528 = arith.fptosi %add3A_527 : vector<16xf32> to vector<16xi32>
          %abs3A_529 = math.absf %gather3A_499 : vector<16xf32>
          %lt3A_530 = arith.constant 5.000000e-01 : f32
          %lt3A_531 = vector.broadcast %lt3A_530 : f32 to vector<16xf32>
          %lt3A_532 = arith.cmpf olt, %abs3A_529, %lt3A_531 : vector<16xf32>
          %abs3A_533 = math.absf %gather3A_503 : vector<16xf32>
          %lt3A_534 = arith.constant 5.000000e-01 : f32
          %lt3A_535 = vector.broadcast %lt3A_534 : f32 to vector<16xf32>
          %lt3A_536 = arith.cmpf olt, %abs3A_533, %lt3A_535 : vector<16xf32>
          %and3A_537 = arith.andi %lt3A_532, %lt3A_536 : vector<16xi1>
          %abs3A_538 = math.absf %gather3A_507 : vector<16xf32>
          %lt3A_539 = arith.constant 5.000000e-01 : f32
          %lt3A_540 = vector.broadcast %lt3A_539 : f32 to vector<16xf32>
          %lt3A_541 = arith.cmpf olt, %abs3A_538, %lt3A_540 : vector<16xf32>
          %and3A_542 = arith.andi %and3A_537, %lt3A_541 : vector<16xi1>
          %shift_right_arithmetic3A_543 = arith.constant 3 : i32
          %shift_right_arithmetic3A_544 = vector.broadcast %shift_right_arithmetic3A_543 : i32 to vector<16xi32>
          %shift_right_arithmetic3A_545 = arith.shrsi %convert_element_type3A_528, %shift_right_arithmetic3A_544 : vector<16xi32>
          %shift_left3A_546 = arith.constant 15 : i32
          %shift_left3A_547 = vector.broadcast %shift_left3A_546 : i32 to vector<16xi32>
          %shift_left3A_548 = arith.shli %convert_element_type3A_514, %shift_left3A_547 : vector<16xi32>
          %shift_left3A_549 = arith.constant 7 : i32
          %shift_left3A_550 = vector.broadcast %shift_left3A_549 : i32 to vector<16xi32>
          %shift_left3A_551 = arith.shli %convert_element_type3A_521, %shift_left3A_550 : vector<16xi32>
          %add3A_552 = arith.addi %shift_left3A_548, %shift_left3A_551 : vector<16xi32>
          %shift_right_arithmetic3A_553 = arith.constant 4 : i32
          %shift_right_arithmetic3A_554 = vector.broadcast %shift_right_arithmetic3A_553 : i32 to vector<16xi32>
          %shift_right_arithmetic3A_555 = arith.shrsi %shift_right_arithmetic3A_545, %shift_right_arithmetic3A_554 : vector<16xi32>
          %and3A_556 = arith.constant 1 : i32
          %and3A_557 = vector.broadcast %and3A_556 : i32 to vector<16xi32>
          %and3A_558 = arith.andi %shift_right_arithmetic3A_555, %and3A_557 : vector<16xi32>
          %shift_left3A_559 = arith.constant 6 : i32
          %shift_left3A_560 = vector.broadcast %shift_left3A_559 : i32 to vector<16xi32>
          %shift_left3A_561 = arith.shli %and3A_558, %shift_left3A_560 : vector<16xi32>
          %add3A_562 = arith.addi %add3A_552, %shift_left3A_561 : vector<16xi32>
          %and3A_563 = arith.constant 15 : i32
          %and3A_564 = vector.broadcast %and3A_563 : i32 to vector<16xi32>
          %and3A_565 = arith.andi %shift_right_arithmetic3A_545, %and3A_564 : vector<16xi32>
          %add3A_566 = arith.addi %add3A_562, %and3A_565 : vector<16xi32>
          %jit3A_567 = arith.constant 0 : i32
          %jit3A_568 = arith.constant 8388559 : i32
          %max3A_569 = vector.broadcast %jit3A_567 : i32 to vector<16xi32>
          %max3A_570 = arith.maxsi %max3A_569, %add3A_566 : vector<16xi32>
          %min3A_571 = vector.broadcast %jit3A_568 : i32 to vector<16xi32>
          %min3A_572 = arith.minsi %min3A_571, %max3A_570 : vector<16xi32>
          %swap3A_573 = arith.index_cast %multiple_of3A_487 : i32 to index
          %swap3A_574 = tpu.vector_load %arg7[%swap3A_573] {strides = array<i32>} : memref<1024xi32, #tpu.memory_space<vmem>>, vector<16xi32>,
          tpu.vector_store %arg7[%swap3A_573], %min3A_572 {strides = array<i32>} : memref<1024xi32, #tpu.memory_space<vmem>>, vector<16xi32>,
          %add3A_575 = arith.constant 16 : i32
          %add3A_576 = vector.broadcast %add3A_575 : i32 to vector<16xi32>
          %add3A_577 = arith.addi %min3A_572, %add3A_576 : vector<16xi32>
          %swap3A_578 = arith.index_cast %multiple_of3A_487 : i32 to index
          %swap3A_579 = tpu.vector_load %arg8[%swap3A_578] {strides = array<i32>} : memref<1024xi32, #tpu.memory_space<vmem>>, vector<16xi32>,
          tpu.vector_store %arg8[%swap3A_578], %add3A_577 {strides = array<i32>} : memref<1024xi32, #tpu.memory_space<vmem>>, vector<16xi32>,
          %add3A_580 = arith.constant 32 : i32
          %add3A_581 = vector.broadcast %add3A_580 : i32 to vector<16xi32>
          %add3A_582 = arith.addi %min3A_572, %add3A_581 : vector<16xi32>
          %swap3A_583 = arith.index_cast %multiple_of3A_487 : i32 to index
          %swap3A_584 = tpu.vector_load %arg9[%swap3A_583] {strides = array<i32>} : memref<1024xi32, #tpu.memory_space<vmem>>, vector<16xi32>,
          tpu.vector_store %arg9[%swap3A_583], %add3A_582 {strides = array<i32>} : memref<1024xi32, #tpu.memory_space<vmem>>, vector<16xi32>,
          %add3A_585 = arith.constant 48 : i32
          %add3A_586 = vector.broadcast %add3A_585 : i32 to vector<16xi32>
          %add3A_587 = arith.addi %min3A_572, %add3A_586 : vector<16xi32>
          %swap3A_588 = arith.index_cast %multiple_of3A_487 : i32 to index
          %swap3A_589 = tpu.vector_load %arg10[%swap3A_588] {strides = array<i32>} : memref<1024xi32, #tpu.memory_space<vmem>>, vector<16xi32>,
          tpu.vector_store %arg10[%swap3A_588], %add3A_587 {strides = array<i32>} : memref<1024xi32, #tpu.memory_space<vmem>>, vector<16xi32>,
          %and3A_590 = arith.constant 7 : i32
          %and3A_591 = vector.broadcast %and3A_590 : i32 to vector<16xi32>
          %and3A_592 = arith.andi %convert_element_type3A_528, %and3A_591 : vector<16xi32>
          %swap3A_593 = arith.index_cast %multiple_of3A_487 : i32 to index
          %swap3A_594 = tpu.vector_load %arg11[%swap3A_593] {strides = array<i32>} : memref<1024xi32, #tpu.memory_space<vmem>>, vector<16xi32>,
          tpu.vector_store %arg11[%swap3A_593], %and3A_592 {strides = array<i32>} : memref<1024xi32, #tpu.memory_space<vmem>>, vector<16xi32>,
          %jit3A_595 = arith.constant 1.000000e+00 : f32
          %jit3A_596 = arith.constant 0.000000e+00 : f32
          %broadcast_in_dim3A_597 = vector.broadcast %jit3A_595 : f32 to vector<16xf32>
          %broadcast_in_dim3A_598 = vector.broadcast %jit3A_596 : f32 to vector<16xf32>
          %select_n3A_599 = arith.select %and3A_542, %broadcast_in_dim3A_597, %broadcast_in_dim3A_598 : vector<16xi1>, vector<16xf32>
          %swap3A_600 = arith.index_cast %multiple_of3A_487 : i32 to index
          %swap3A_601 = tpu.vector_load %arg12[%swap3A_600] {strides = array<i32>} : memref<1024xf32, #tpu.memory_space<vmem>>, vector<16xf32>,
          tpu.vector_store %arg12[%swap3A_600], %select_n3A_599 {strides = array<i32>} : memref<1024xf32, #tpu.memory_space<vmem>>, vector<16xf32>,
        }
        %scan3A_126 = arith.constant 64 : i32
        %dma_start3A_127 = arith.constant 0 : i32
        %dma_start3A_128 = arith.constant 0 : i32
        %dma_start3A_129 = tpu.memref_slice %arg3[%dma_start3A_127, %dma_start3A_128] : memref<8388608x8xf32, #tpu.memory_space<hbm>> -> memref<8388608x8xf32, #tpu.memory_space<hbm>>
        tpu.enqueue_indirect_dma source(%dma_start3A_129 : memref<8388608x8xf32, #tpu.memory_space<hbm>>) target(%arg13 : memref<1024x8xf32, #tpu.memory_space<vmem>>) offsets(%arg7 : memref<1024xi32, #tpu.memory_space<vmem>>) semaphore(%arg30 : memref<!tpu.dma_semaphore, #tpu.memory_space<semaphore_mem>>)
        %dma_start3A_130 = arith.constant 0 : i32
        %dma_start3A_131 = arith.constant 0 : i32
        %dma_start3A_132 = tpu.memref_slice %arg3[%dma_start3A_130, %dma_start3A_131] : memref<8388608x8xf32, #tpu.memory_space<hbm>> -> memref<8388608x8xf32, #tpu.memory_space<hbm>>
        tpu.enqueue_indirect_dma source(%dma_start3A_132 : memref<8388608x8xf32, #tpu.memory_space<hbm>>) target(%arg14 : memref<1024x8xf32, #tpu.memory_space<vmem>>) offsets(%arg8 : memref<1024xi32, #tpu.memory_space<vmem>>) semaphore(%arg30 : memref<!tpu.dma_semaphore, #tpu.memory_space<semaphore_mem>>)
        %dma_start3A_133 = arith.constant 0 : i32
        %dma_start3A_134 = arith.constant 0 : i32
        %dma_start3A_135 = tpu.memref_slice %arg3[%dma_start3A_133, %dma_start3A_134] : memref<8388608x8xf32, #tpu.memory_space<hbm>> -> memref<8388608x8xf32, #tpu.memory_space<hbm>>
        tpu.enqueue_indirect_dma source(%dma_start3A_135 : memref<8388608x8xf32, #tpu.memory_space<hbm>>) target(%arg15 : memref<1024x8xf32, #tpu.memory_space<vmem>>) offsets(%arg9 : memref<1024xi32, #tpu.memory_space<vmem>>) semaphore(%arg30 : memref<!tpu.dma_semaphore, #tpu.memory_space<semaphore_mem>>)
        %dma_start3A_136 = arith.constant 0 : i32
        %dma_start3A_137 = arith.constant 0 : i32
        %dma_start3A_138 = tpu.memref_slice %arg3[%dma_start3A_136, %dma_start3A_137] : memref<8388608x8xf32, #tpu.memory_space<hbm>> -> memref<8388608x8xf32, #tpu.memory_space<hbm>>
        tpu.enqueue_indirect_dma source(%dma_start3A_138 : memref<8388608x8xf32, #tpu.memory_space<hbm>>) target(%arg16 : memref<1024x8xf32, #tpu.memory_space<vmem>>) offsets(%arg10 : memref<1024xi32, #tpu.memory_space<vmem>>) semaphore(%arg30 : memref<!tpu.dma_semaphore, #tpu.memory_space<semaphore_mem>>)
      } else {
      }
      %add3A_85 = arith.constant 1 : i32
      %add3A_86 = arith.addi %mul3A_31, %add3A_85 : i32
      %mul3A_87 = arith.constant 512 : i32
      %mul3A_88 = arith.muli %add3A, %mul3A_87 : i32
      %mul3A_89 = arith.constant 8 : i32
      %mul3A_90 = arith.muli %add3A_86, %mul3A_89 : i32
      %add3A_91 = arith.addi %mul3A_88, %mul3A_90 : i32
      %dma_wait3A_92 = arith.constant 0 : i32
      %dma_wait3A_93 = arith.constant 0 : i32
      %dma_wait3A_94 = tpu.memref_slice %arg3[%dma_wait3A_92, %dma_wait3A_93] : memref<8388608x8xf32, #tpu.memory_space<hbm>> -> memref<8388608x8xf32, #tpu.memory_space<hbm>>
      tpu.wait_indirect_dma semaphore(%arg31 : memref<!tpu.dma_semaphore, #tpu.memory_space<semaphore_mem>>) src(%dma_wait3A_94 : memref<8388608x8xf32, #tpu.memory_space<hbm>>) dst(%arg24 : memref<1024x8xf32, #tpu.memory_space<vmem>>)
      %dma_wait3A_95 = arith.constant 0 : i32
      %dma_wait3A_96 = arith.constant 0 : i32
      %dma_wait3A_97 = tpu.memref_slice %arg3[%dma_wait3A_95, %dma_wait3A_96] : memref<8388608x8xf32, #tpu.memory_space<hbm>> -> memref<8388608x8xf32, #tpu.memory_space<hbm>>
      tpu.wait_indirect_dma semaphore(%arg31 : memref<!tpu.dma_semaphore, #tpu.memory_space<semaphore_mem>>) src(%dma_wait3A_97 : memref<8388608x8xf32, #tpu.memory_space<hbm>>) dst(%arg25 : memref<1024x8xf32, #tpu.memory_space<vmem>>)
      %dma_wait3A_98 = arith.constant 0 : i32
      %dma_wait3A_99 = arith.constant 0 : i32
      %dma_wait3A_100 = tpu.memref_slice %arg3[%dma_wait3A_98, %dma_wait3A_99] : memref<8388608x8xf32, #tpu.memory_space<hbm>> -> memref<8388608x8xf32, #tpu.memory_space<hbm>>
      tpu.wait_indirect_dma semaphore(%arg31 : memref<!tpu.dma_semaphore, #tpu.memory_space<semaphore_mem>>) src(%dma_wait3A_100 : memref<8388608x8xf32, #tpu.memory_space<hbm>>) dst(%arg26 : memref<1024x8xf32, #tpu.memory_space<vmem>>)
      %dma_wait3A_101 = arith.constant 0 : i32
      %dma_wait3A_102 = arith.constant 0 : i32
      %dma_wait3A_103 = tpu.memref_slice %arg3[%dma_wait3A_101, %dma_wait3A_102] : memref<8388608x8xf32, #tpu.memory_space<hbm>> -> memref<8388608x8xf32, #tpu.memory_space<hbm>>
      tpu.wait_indirect_dma semaphore(%arg31 : memref<!tpu.dma_semaphore, #tpu.memory_space<semaphore_mem>>) src(%dma_wait3A_103 : memref<8388608x8xf32, #tpu.memory_space<hbm>>) dst(%arg27 : memref<1024x8xf32, #tpu.memory_space<vmem>>)
      %scan3A_104 = arith.constant 0 : i32
      %scan3A_105 = arith.constant 0 : i32
      %scan3A_106 = arith.constant 64 : i32
      %scan3A_107 = arith.addi %scan3A_105, %scan3A_106 : i32
      %scan3A_108 = arith.constant 4 : i32
      scf.for %scan3A_112 = %scan3A_105 to %scan3A_107 step %scan3A_108  : i32 {
        %mul3A_113 = arith.constant 16 : i32
        %mul3A_114 = arith.muli %scan3A_112, %mul3A_113 : i32
        %multiple_of3A = tpu.assume_multiple %mul3A_114, 16 : i32
        %add3A_115 = vector.broadcast %multiple_of3A : i32 to vector<16xi32>
        %add3A_116 = arith.addi %add3A_115, %iota3A : vector<16xi32>
        %get3A = arith.index_cast %multiple_of3A : i32 to index
        %get3A_117 = tpu.vector_load %arg23[%get3A] {strides = array<i32>} : memref<1024xf32, #tpu.memory_space<vmem>>, vector<16xf32>,
        %get3A_118 = arith.index_cast %multiple_of3A : i32 to index
        %get3A_119 = tpu.vector_load %arg22[%get3A_118] {strides = array<i32>} : memref<1024xi32, #tpu.memory_space<vmem>>, vector<16xi32>,
        %gather3A = tpu.vector_load_idx %arg24[%add3A_116, %get3A_119] : memref<1024x8xf32, #tpu.memory_space<vmem>>[vector<16xi32>, vector<16xi32>], vector<16xf32>,
        %mul3A_120 = arith.mulf %gather3A, %get3A_117 : vector<16xf32>
        %gather3A_121 = tpu.vector_load_idx %arg25[%add3A_116, %get3A_119] : memref<1024x8xf32, #tpu.memory_space<vmem>>[vector<16xi32>, vector<16xi32>], vector<16xf32>,
        %mul3A_122 = arith.mulf %gather3A_121, %get3A_117 : vector<16xf32>
        %gather3A_123 = tpu.vector_load_idx %arg26[%add3A_116, %get3A_119] : memref<1024x8xf32, #tpu.memory_space<vmem>>[vector<16xi32>, vector<16xi32>], vector<16xf32>,
        %mul3A_124 = arith.mulf %gather3A_123, %get3A_117 : vector<16xf32>
        %gather3A_125 = tpu.vector_load_idx %arg27[%add3A_116, %get3A_119] : memref<1024x8xf32, #tpu.memory_space<vmem>>[vector<16xi32>, vector<16xi32>], vector<16xf32>,
        %mul3A_126 = arith.mulf %gather3A_125, %get3A_117 : vector<16xf32>
        %neg3A = arith.constant 0.000000e+00 : f32
        %neg3A_127 = vector.broadcast %neg3A : f32 to vector<16xf32>
        %neg3A_128 = arith.subf %neg3A_127, %mul3A_120 : vector<16xf32>
        %exp3A = math.exp %neg3A_128 : vector<16xf32>
        %add3A_129 = arith.constant 1.000000e+00 : f32
        %add3A_130 = vector.broadcast %add3A_129 : f32 to vector<16xf32>
        %add3A_131 = arith.addf %add3A_130, %exp3A : vector<16xf32>
        %div3A = arith.constant 1.000000e+00 : f32
        %div3A_132 = vector.broadcast %div3A : f32 to vector<16xf32>
        %div3A_133 = arith.divf %div3A_132, %add3A_131 : vector<16xf32>
        %neg3A_134 = arith.constant 0.000000e+00 : f32
        %neg3A_135 = vector.broadcast %neg3A_134 : f32 to vector<16xf32>
        %neg3A_136 = arith.subf %neg3A_135, %mul3A_122 : vector<16xf32>
        %exp3A_137 = math.exp %neg3A_136 : vector<16xf32>
        %add3A_138 = arith.constant 1.000000e+00 : f32
        %add3A_139 = vector.broadcast %add3A_138 : f32 to vector<16xf32>
        %add3A_140 = arith.addf %add3A_139, %exp3A_137 : vector<16xf32>
        %div3A_141 = arith.constant 1.000000e+00 : f32
        %div3A_142 = vector.broadcast %div3A_141 : f32 to vector<16xf32>
        %div3A_143 = arith.divf %div3A_142, %add3A_140 : vector<16xf32>
        %neg3A_144 = arith.constant 0.000000e+00 : f32
        %neg3A_145 = vector.broadcast %neg3A_144 : f32 to vector<16xf32>
        %neg3A_146 = arith.subf %neg3A_145, %mul3A_124 : vector<16xf32>
        %exp3A_147 = math.exp %neg3A_146 : vector<16xf32>
        %add3A_148 = arith.constant 1.000000e+00 : f32
        %add3A_149 = vector.broadcast %add3A_148 : f32 to vector<16xf32>
        %add3A_150 = arith.addf %add3A_149, %exp3A_147 : vector<16xf32>
        %div3A_151 = arith.constant 1.000000e+00 : f32
        %div3A_152 = vector.broadcast %div3A_151 : f32 to vector<16xf32>
        %div3A_153 = arith.divf %div3A_152, %add3A_150 : vector<16xf32>
        %max3A = arith.constant 0.000000e+00 : f32
        %max3A_154 = vector.broadcast %max3A : f32 to vector<16xf32>
        %max3A_155 = arith.maximumf %mul3A_126, %max3A_154 : vector<16xf32>
        %shift_right_arithmetic3A = arith.constant 7 : i32
        %shift_right_arithmetic3A_156 = vector.broadcast %shift_right_arithmetic3A : i32 to vector<16xi32>
        %shift_right_arithmetic3A_157 = arith.shrsi %add3A_116, %shift_right_arithmetic3A_156 : vector<16xi32>
        %shift_left3A = arith.constant 2 : i32
        %shift_left3A_158 = vector.broadcast %shift_left3A : i32 to vector<16xi32>
        %shift_left3A_159 = arith.shli %shift_right_arithmetic3A_157, %shift_left3A_158 : vector<16xi32>
        %and3A = arith.constant 127 : i32
        %and3A_160 = vector.broadcast %and3A : i32 to vector<16xi32>
        %and3A_161 = arith.andi %add3A_116, %and3A_160 : vector<16xi32>
        tpu.vector_store_idx %arg28[%shift_left3A_159, %and3A_161], %div3A_133 : memref<32x128xf32, #tpu.memory_space<vmem>>[vector<16xi32>, vector<16xi32>], vector<16xf32>,
        %add3A_162 = arith.constant 1 : i32
        %add3A_163 = vector.broadcast %add3A_162 : i32 to vector<16xi32>
        %add3A_164 = arith.addi %shift_left3A_159, %add3A_163 : vector<16xi32>
        tpu.vector_store_idx %arg28[%add3A_164, %and3A_161], %div3A_143 : memref<32x128xf32, #tpu.memory_space<vmem>>[vector<16xi32>, vector<16xi32>], vector<16xf32>,
        %add3A_165 = arith.constant 2 : i32
        %add3A_166 = vector.broadcast %add3A_165 : i32 to vector<16xi32>
        %add3A_167 = arith.addi %shift_left3A_159, %add3A_166 : vector<16xi32>
        tpu.vector_store_idx %arg28[%add3A_167, %and3A_161], %div3A_153 : memref<32x128xf32, #tpu.memory_space<vmem>>[vector<16xi32>, vector<16xi32>], vector<16xf32>,
        %shift_right_arithmetic3A_168 = arith.constant 7 : i32
        %shift_right_arithmetic3A_169 = vector.broadcast %shift_right_arithmetic3A_168 : i32 to vector<16xi32>
        %shift_right_arithmetic3A_170 = arith.shrsi %add3A_116, %shift_right_arithmetic3A_169 : vector<16xi32>
        tpu.vector_store_idx %arg29[%shift_right_arithmetic3A_170, %and3A_161], %max3A_155 : memref<8x128xf32, #tpu.memory_space<vmem>>[vector<16xi32>, vector<16xi32>], vector<16xf32>,
        %scan3A_171 = arith.constant 1 : i32
        %scan3A_172 = arith.addi %scan3A_112, %scan3A_171 : i32
        %mul3A_173 = arith.constant 16 : i32
        %mul3A_174 = arith.muli %scan3A_172, %mul3A_173 : i32
        %multiple_of3A_175 = tpu.assume_multiple %mul3A_174, 16 : i32
        %add3A_176 = vector.broadcast %multiple_of3A_175 : i32 to vector<16xi32>
        %add3A_177 = arith.addi %add3A_176, %iota3A : vector<16xi32>
        %get3A_178 = arith.index_cast %multiple_of3A_175 : i32 to index
        %get3A_179 = tpu.vector_load %arg23[%get3A_178] {strides = array<i32>} : memref<1024xf32, #tpu.memory_space<vmem>>, vector<16xf32>,
        %get3A_180 = arith.index_cast %multiple_of3A_175 : i32 to index
        %get3A_181 = tpu.vector_load %arg22[%get3A_180] {strides = array<i32>} : memref<1024xi32, #tpu.memory_space<vmem>>, vector<16xi32>,
        %gather3A_182 = tpu.vector_load_idx %arg24[%add3A_177, %get3A_181] : memref<1024x8xf32, #tpu.memory_space<vmem>>[vector<16xi32>, vector<16xi32>], vector<16xf32>,
        %mul3A_183 = arith.mulf %gather3A_182, %get3A_179 : vector<16xf32>
        %gather3A_184 = tpu.vector_load_idx %arg25[%add3A_177, %get3A_181] : memref<1024x8xf32, #tpu.memory_space<vmem>>[vector<16xi32>, vector<16xi32>], vector<16xf32>,
        %mul3A_185 = arith.mulf %gather3A_184, %get3A_179 : vector<16xf32>
        %gather3A_186 = tpu.vector_load_idx %arg26[%add3A_177, %get3A_181] : memref<1024x8xf32, #tpu.memory_space<vmem>>[vector<16xi32>, vector<16xi32>], vector<16xf32>,
        %mul3A_187 = arith.mulf %gather3A_186, %get3A_179 : vector<16xf32>
        %gather3A_188 = tpu.vector_load_idx %arg27[%add3A_177, %get3A_181] : memref<1024x8xf32, #tpu.memory_space<vmem>>[vector<16xi32>, vector<16xi32>], vector<16xf32>,
        %mul3A_189 = arith.mulf %gather3A_188, %get3A_179 : vector<16xf32>
        %neg3A_190 = arith.constant 0.000000e+00 : f32
        %neg3A_191 = vector.broadcast %neg3A_190 : f32 to vector<16xf32>
        %neg3A_192 = arith.subf %neg3A_191, %mul3A_183 : vector<16xf32>
        %exp3A_193 = math.exp %neg3A_192 : vector<16xf32>
        %add3A_194 = arith.constant 1.000000e+00 : f32
        %add3A_195 = vector.broadcast %add3A_194 : f32 to vector<16xf32>
        %add3A_196 = arith.addf %add3A_195, %exp3A_193 : vector<16xf32>
        %div3A_197 = arith.constant 1.000000e+00 : f32
        %div3A_198 = vector.broadcast %div3A_197 : f32 to vector<16xf32>
        %div3A_199 = arith.divf %div3A_198, %add3A_196 : vector<16xf32>
        %neg3A_200 = arith.constant 0.000000e+00 : f32
        %neg3A_201 = vector.broadcast %neg3A_200 : f32 to vector<16xf32>
        %neg3A_202 = arith.subf %neg3A_201, %mul3A_185 : vector<16xf32>
        %exp3A_203 = math.exp %neg3A_202 : vector<16xf32>
        %add3A_204 = arith.constant 1.000000e+00 : f32
        %add3A_205 = vector.broadcast %add3A_204 : f32 to vector<16xf32>
        %add3A_206 = arith.addf %add3A_205, %exp3A_203 : vector<16xf32>
        %div3A_207 = arith.constant 1.000000e+00 : f32
        %div3A_208 = vector.broadcast %div3A_207 : f32 to vector<16xf32>
        %div3A_209 = arith.divf %div3A_208, %add3A_206 : vector<16xf32>
        %neg3A_210 = arith.constant 0.000000e+00 : f32
        %neg3A_211 = vector.broadcast %neg3A_210 : f32 to vector<16xf32>
        %neg3A_212 = arith.subf %neg3A_211, %mul3A_187 : vector<16xf32>
        %exp3A_213 = math.exp %neg3A_212 : vector<16xf32>
        %add3A_214 = arith.constant 1.000000e+00 : f32
        %add3A_215 = vector.broadcast %add3A_214 : f32 to vector<16xf32>
        %add3A_216 = arith.addf %add3A_215, %exp3A_213 : vector<16xf32>
        %div3A_217 = arith.constant 1.000000e+00 : f32
        %div3A_218 = vector.broadcast %div3A_217 : f32 to vector<16xf32>
        %div3A_219 = arith.divf %div3A_218, %add3A_216 : vector<16xf32>
        %max3A_220 = arith.constant 0.000000e+00 : f32
        %max3A_221 = vector.broadcast %max3A_220 : f32 to vector<16xf32>
        %max3A_222 = arith.maximumf %mul3A_189, %max3A_221 : vector<16xf32>
        %shift_right_arithmetic3A_223 = arith.constant 7 : i32
        %shift_right_arithmetic3A_224 = vector.broadcast %shift_right_arithmetic3A_223 : i32 to vector<16xi32>
        %shift_right_arithmetic3A_225 = arith.shrsi %add3A_177, %shift_right_arithmetic3A_224 : vector<16xi32>
        %shift_left3A_226 = arith.constant 2 : i32
        %shift_left3A_227 = vector.broadcast %shift_left3A_226 : i32 to vector<16xi32>
        %shift_left3A_228 = arith.shli %shift_right_arithmetic3A_225, %shift_left3A_227 : vector<16xi32>
        %and3A_229 = arith.constant 127 : i32
        %and3A_230 = vector.broadcast %and3A_229 : i32 to vector<16xi32>
        %and3A_231 = arith.andi %add3A_177, %and3A_230 : vector<16xi32>
        tpu.vector_store_idx %arg28[%shift_left3A_228, %and3A_231], %div3A_199 : memref<32x128xf32, #tpu.memory_space<vmem>>[vector<16xi32>, vector<16xi32>], vector<16xf32>,
        %add3A_232 = arith.constant 1 : i32
        %add3A_233 = vector.broadcast %add3A_232 : i32 to vector<16xi32>
        %add3A_234 = arith.addi %shift_left3A_228, %add3A_233 : vector<16xi32>
        tpu.vector_store_idx %arg28[%add3A_234, %and3A_231], %div3A_209 : memref<32x128xf32, #tpu.memory_space<vmem>>[vector<16xi32>, vector<16xi32>], vector<16xf32>,
        %add3A_235 = arith.constant 2 : i32
        %add3A_236 = vector.broadcast %add3A_235 : i32 to vector<16xi32>
        %add3A_237 = arith.addi %shift_left3A_228, %add3A_236 : vector<16xi32>
        tpu.vector_store_idx %arg28[%add3A_237, %and3A_231], %div3A_219 : memref<32x128xf32, #tpu.memory_space<vmem>>[vector<16xi32>, vector<16xi32>], vector<16xf32>,
        %shift_right_arithmetic3A_238 = arith.constant 7 : i32
        %shift_right_arithmetic3A_239 = vector.broadcast %shift_right_arithmetic3A_238 : i32 to vector<16xi32>
        %shift_right_arithmetic3A_240 = arith.shrsi %add3A_177, %shift_right_arithmetic3A_239 : vector<16xi32>
        tpu.vector_store_idx %arg29[%shift_right_arithmetic3A_240, %and3A_231], %max3A_222 : memref<8x128xf32, #tpu.memory_space<vmem>>[vector<16xi32>, vector<16xi32>], vector<16xf32>,
        %scan3A_241 = arith.constant 2 : i32
        %scan3A_242 = arith.addi %scan3A_112, %scan3A_241 : i32
        %mul3A_243 = arith.constant 16 : i32
        %mul3A_244 = arith.muli %scan3A_242, %mul3A_243 : i32
        %multiple_of3A_245 = tpu.assume_multiple %mul3A_244, 16 : i32
        %add3A_246 = vector.broadcast %multiple_of3A_245 : i32 to vector<16xi32>
        %add3A_247 = arith.addi %add3A_246, %iota3A : vector<16xi32>
        %get3A_248 = arith.index_cast %multiple_of3A_245 : i32 to index
        %get3A_249 = tpu.vector_load %arg23[%get3A_248] {strides = array<i32>} : memref<1024xf32, #tpu.memory_space<vmem>>, vector<16xf32>,
        %get3A_250 = arith.index_cast %multiple_of3A_245 : i32 to index
        %get3A_251 = tpu.vector_load %arg22[%get3A_250] {strides = array<i32>} : memref<1024xi32, #tpu.memory_space<vmem>>, vector<16xi32>,
        %gather3A_252 = tpu.vector_load_idx %arg24[%add3A_247, %get3A_251] : memref<1024x8xf32, #tpu.memory_space<vmem>>[vector<16xi32>, vector<16xi32>], vector<16xf32>,
        %mul3A_253 = arith.mulf %gather3A_252, %get3A_249 : vector<16xf32>
        %gather3A_254 = tpu.vector_load_idx %arg25[%add3A_247, %get3A_251] : memref<1024x8xf32, #tpu.memory_space<vmem>>[vector<16xi32>, vector<16xi32>], vector<16xf32>,
        %mul3A_255 = arith.mulf %gather3A_254, %get3A_249 : vector<16xf32>
        %gather3A_256 = tpu.vector_load_idx %arg26[%add3A_247, %get3A_251] : memref<1024x8xf32, #tpu.memory_space<vmem>>[vector<16xi32>, vector<16xi32>], vector<16xf32>,
        %mul3A_257 = arith.mulf %gather3A_256, %get3A_249 : vector<16xf32>
        %gather3A_258 = tpu.vector_load_idx %arg27[%add3A_247, %get3A_251] : memref<1024x8xf32, #tpu.memory_space<vmem>>[vector<16xi32>, vector<16xi32>], vector<16xf32>,
        %mul3A_259 = arith.mulf %gather3A_258, %get3A_249 : vector<16xf32>
        %neg3A_260 = arith.constant 0.000000e+00 : f32
        %neg3A_261 = vector.broadcast %neg3A_260 : f32 to vector<16xf32>
        %neg3A_262 = arith.subf %neg3A_261, %mul3A_253 : vector<16xf32>
        %exp3A_263 = math.exp %neg3A_262 : vector<16xf32>
        %add3A_264 = arith.constant 1.000000e+00 : f32
        %add3A_265 = vector.broadcast %add3A_264 : f32 to vector<16xf32>
        %add3A_266 = arith.addf %add3A_265, %exp3A_263 : vector<16xf32>
        %div3A_267 = arith.constant 1.000000e+00 : f32
        %div3A_268 = vector.broadcast %div3A_267 : f32 to vector<16xf32>
        %div3A_269 = arith.divf %div3A_268, %add3A_266 : vector<16xf32>
        %neg3A_270 = arith.constant 0.000000e+00 : f32
        %neg3A_271 = vector.broadcast %neg3A_270 : f32 to vector<16xf32>
        %neg3A_272 = arith.subf %neg3A_271, %mul3A_255 : vector<16xf32>
        %exp3A_273 = math.exp %neg3A_272 : vector<16xf32>
        %add3A_274 = arith.constant 1.000000e+00 : f32
        %add3A_275 = vector.broadcast %add3A_274 : f32 to vector<16xf32>
        %add3A_276 = arith.addf %add3A_275, %exp3A_273 : vector<16xf32>
        %div3A_277 = arith.constant 1.000000e+00 : f32
        %div3A_278 = vector.broadcast %div3A_277 : f32 to vector<16xf32>
        %div3A_279 = arith.divf %div3A_278, %add3A_276 : vector<16xf32>
        %neg3A_280 = arith.constant 0.000000e+00 : f32
        %neg3A_281 = vector.broadcast %neg3A_280 : f32 to vector<16xf32>
        %neg3A_282 = arith.subf %neg3A_281, %mul3A_257 : vector<16xf32>
        %exp3A_283 = math.exp %neg3A_282 : vector<16xf32>
        %add3A_284 = arith.constant 1.000000e+00 : f32
        %add3A_285 = vector.broadcast %add3A_284 : f32 to vector<16xf32>
        %add3A_286 = arith.addf %add3A_285, %exp3A_283 : vector<16xf32>
        %div3A_287 = arith.constant 1.000000e+00 : f32
        %div3A_288 = vector.broadcast %div3A_287 : f32 to vector<16xf32>
        %div3A_289 = arith.divf %div3A_288, %add3A_286 : vector<16xf32>
        %max3A_290 = arith.constant 0.000000e+00 : f32
        %max3A_291 = vector.broadcast %max3A_290 : f32 to vector<16xf32>
        %max3A_292 = arith.maximumf %mul3A_259, %max3A_291 : vector<16xf32>
        %shift_right_arithmetic3A_293 = arith.constant 7 : i32
        %shift_right_arithmetic3A_294 = vector.broadcast %shift_right_arithmetic3A_293 : i32 to vector<16xi32>
        %shift_right_arithmetic3A_295 = arith.shrsi %add3A_247, %shift_right_arithmetic3A_294 : vector<16xi32>
        %shift_left3A_296 = arith.constant 2 : i32
        %shift_left3A_297 = vector.broadcast %shift_left3A_296 : i32 to vector<16xi32>
        %shift_left3A_298 = arith.shli %shift_right_arithmetic3A_295, %shift_left3A_297 : vector<16xi32>
        %and3A_299 = arith.constant 127 : i32
        %and3A_300 = vector.broadcast %and3A_299 : i32 to vector<16xi32>
        %and3A_301 = arith.andi %add3A_247, %and3A_300 : vector<16xi32>
        tpu.vector_store_idx %arg28[%shift_left3A_298, %and3A_301], %div3A_269 : memref<32x128xf32, #tpu.memory_space<vmem>>[vector<16xi32>, vector<16xi32>], vector<16xf32>,
        %add3A_302 = arith.constant 1 : i32
        %add3A_303 = vector.broadcast %add3A_302 : i32 to vector<16xi32>
        %add3A_304 = arith.addi %shift_left3A_298, %add3A_303 : vector<16xi32>
        tpu.vector_store_idx %arg28[%add3A_304, %and3A_301], %div3A_279 : memref<32x128xf32, #tpu.memory_space<vmem>>[vector<16xi32>, vector<16xi32>], vector<16xf32>,
        %add3A_305 = arith.constant 2 : i32
        %add3A_306 = vector.broadcast %add3A_305 : i32 to vector<16xi32>
        %add3A_307 = arith.addi %shift_left3A_298, %add3A_306 : vector<16xi32>
        tpu.vector_store_idx %arg28[%add3A_307, %and3A_301], %div3A_289 : memref<32x128xf32, #tpu.memory_space<vmem>>[vector<16xi32>, vector<16xi32>], vector<16xf32>,
        %shift_right_arithmetic3A_308 = arith.constant 7 : i32
        %shift_right_arithmetic3A_309 = vector.broadcast %shift_right_arithmetic3A_308 : i32 to vector<16xi32>
        %shift_right_arithmetic3A_310 = arith.shrsi %add3A_247, %shift_right_arithmetic3A_309 : vector<16xi32>
        tpu.vector_store_idx %arg29[%shift_right_arithmetic3A_310, %and3A_301], %max3A_292 : memref<8x128xf32, #tpu.memory_space<vmem>>[vector<16xi32>, vector<16xi32>], vector<16xf32>,
        %scan3A_311 = arith.constant 3 : i32
        %scan3A_312 = arith.addi %scan3A_112, %scan3A_311 : i32
        %mul3A_313 = arith.constant 16 : i32
        %mul3A_314 = arith.muli %scan3A_312, %mul3A_313 : i32
        %multiple_of3A_315 = tpu.assume_multiple %mul3A_314, 16 : i32
        %add3A_316 = vector.broadcast %multiple_of3A_315 : i32 to vector<16xi32>
        %add3A_317 = arith.addi %add3A_316, %iota3A : vector<16xi32>
        %get3A_318 = arith.index_cast %multiple_of3A_315 : i32 to index
        %get3A_319 = tpu.vector_load %arg23[%get3A_318] {strides = array<i32>} : memref<1024xf32, #tpu.memory_space<vmem>>, vector<16xf32>,
        %get3A_320 = arith.index_cast %multiple_of3A_315 : i32 to index
        %get3A_321 = tpu.vector_load %arg22[%get3A_320] {strides = array<i32>} : memref<1024xi32, #tpu.memory_space<vmem>>, vector<16xi32>,
        %gather3A_322 = tpu.vector_load_idx %arg24[%add3A_317, %get3A_321] : memref<1024x8xf32, #tpu.memory_space<vmem>>[vector<16xi32>, vector<16xi32>], vector<16xf32>,
        %mul3A_323 = arith.mulf %gather3A_322, %get3A_319 : vector<16xf32>
        %gather3A_324 = tpu.vector_load_idx %arg25[%add3A_317, %get3A_321] : memref<1024x8xf32, #tpu.memory_space<vmem>>[vector<16xi32>, vector<16xi32>], vector<16xf32>,
        %mul3A_325 = arith.mulf %gather3A_324, %get3A_319 : vector<16xf32>
        %gather3A_326 = tpu.vector_load_idx %arg26[%add3A_317, %get3A_321] : memref<1024x8xf32, #tpu.memory_space<vmem>>[vector<16xi32>, vector<16xi32>], vector<16xf32>,
        %mul3A_327 = arith.mulf %gather3A_326, %get3A_319 : vector<16xf32>
        %gather3A_328 = tpu.vector_load_idx %arg27[%add3A_317, %get3A_321] : memref<1024x8xf32, #tpu.memory_space<vmem>>[vector<16xi32>, vector<16xi32>], vector<16xf32>,
        %mul3A_329 = arith.mulf %gather3A_328, %get3A_319 : vector<16xf32>
        %neg3A_330 = arith.constant 0.000000e+00 : f32
        %neg3A_331 = vector.broadcast %neg3A_330 : f32 to vector<16xf32>
        %neg3A_332 = arith.subf %neg3A_331, %mul3A_323 : vector<16xf32>
        %exp3A_333 = math.exp %neg3A_332 : vector<16xf32>
        %add3A_334 = arith.constant 1.000000e+00 : f32
        %add3A_335 = vector.broadcast %add3A_334 : f32 to vector<16xf32>
        %add3A_336 = arith.addf %add3A_335, %exp3A_333 : vector<16xf32>
        %div3A_337 = arith.constant 1.000000e+00 : f32
        %div3A_338 = vector.broadcast %div3A_337 : f32 to vector<16xf32>
        %div3A_339 = arith.divf %div3A_338, %add3A_336 : vector<16xf32>
        %neg3A_340 = arith.constant 0.000000e+00 : f32
        %neg3A_341 = vector.broadcast %neg3A_340 : f32 to vector<16xf32>
        %neg3A_342 = arith.subf %neg3A_341, %mul3A_325 : vector<16xf32>
        %exp3A_343 = math.exp %neg3A_342 : vector<16xf32>
        %add3A_344 = arith.constant 1.000000e+00 : f32
        %add3A_345 = vector.broadcast %add3A_344 : f32 to vector<16xf32>
        %add3A_346 = arith.addf %add3A_345, %exp3A_343 : vector<16xf32>
        %div3A_347 = arith.constant 1.000000e+00 : f32
        %div3A_348 = vector.broadcast %div3A_347 : f32 to vector<16xf32>
        %div3A_349 = arith.divf %div3A_348, %add3A_346 : vector<16xf32>
        %neg3A_350 = arith.constant 0.000000e+00 : f32
        %neg3A_351 = vector.broadcast %neg3A_350 : f32 to vector<16xf32>
        %neg3A_352 = arith.subf %neg3A_351, %mul3A_327 : vector<16xf32>
        %exp3A_353 = math.exp %neg3A_352 : vector<16xf32>
        %add3A_354 = arith.constant 1.000000e+00 : f32
        %add3A_355 = vector.broadcast %add3A_354 : f32 to vector<16xf32>
        %add3A_356 = arith.addf %add3A_355, %exp3A_353 : vector<16xf32>
        %div3A_357 = arith.constant 1.000000e+00 : f32
        %div3A_358 = vector.broadcast %div3A_357 : f32 to vector<16xf32>
        %div3A_359 = arith.divf %div3A_358, %add3A_356 : vector<16xf32>
        %max3A_360 = arith.constant 0.000000e+00 : f32
        %max3A_361 = vector.broadcast %max3A_360 : f32 to vector<16xf32>
        %max3A_362 = arith.maximumf %mul3A_329, %max3A_361 : vector<16xf32>
        %shift_right_arithmetic3A_363 = arith.constant 7 : i32
        %shift_right_arithmetic3A_364 = vector.broadcast %shift_right_arithmetic3A_363 : i32 to vector<16xi32>
        %shift_right_arithmetic3A_365 = arith.shrsi %add3A_317, %shift_right_arithmetic3A_364 : vector<16xi32>
        %shift_left3A_366 = arith.constant 2 : i32
        %shift_left3A_367 = vector.broadcast %shift_left3A_366 : i32 to vector<16xi32>
        %shift_left3A_368 = arith.shli %shift_right_arithmetic3A_365, %shift_left3A_367 : vector<16xi32>
        %and3A_369 = arith.constant 127 : i32
        %and3A_370 = vector.broadcast %and3A_369 : i32 to vector<16xi32>
        %and3A_371 = arith.andi %add3A_317, %and3A_370 : vector<16xi32>
        tpu.vector_store_idx %arg28[%shift_left3A_368, %and3A_371], %div3A_339 : memref<32x128xf32, #tpu.memory_space<vmem>>[vector<16xi32>, vector<16xi32>], vector<16xf32>,
        %add3A_372 = arith.constant 1 : i32
        %add3A_373 = vector.broadcast %add3A_372 : i32 to vector<16xi32>
        %add3A_374 = arith.addi %shift_left3A_368, %add3A_373 : vector<16xi32>
        tpu.vector_store_idx %arg28[%add3A_374, %and3A_371], %div3A_349 : memref<32x128xf32, #tpu.memory_space<vmem>>[vector<16xi32>, vector<16xi32>], vector<16xf32>,
        %add3A_375 = arith.constant 2 : i32
        %add3A_376 = vector.broadcast %add3A_375 : i32 to vector<16xi32>
        %add3A_377 = arith.addi %shift_left3A_368, %add3A_376 : vector<16xi32>
        tpu.vector_store_idx %arg28[%add3A_377, %and3A_371], %div3A_359 : memref<32x128xf32, #tpu.memory_space<vmem>>[vector<16xi32>, vector<16xi32>], vector<16xf32>,
        %shift_right_arithmetic3A_378 = arith.constant 7 : i32
        %shift_right_arithmetic3A_379 = vector.broadcast %shift_right_arithmetic3A_378 : i32 to vector<16xi32>
        %shift_right_arithmetic3A_380 = arith.shrsi %add3A_317, %shift_right_arithmetic3A_379 : vector<16xi32>
        tpu.vector_store_idx %arg29[%shift_right_arithmetic3A_380, %and3A_371], %max3A_362 : memref<8x128xf32, #tpu.memory_space<vmem>>[vector<16xi32>, vector<16xi32>], vector<16xf32>,
      }
      %scan3A_109 = arith.constant 64 : i32
      %mul3A_110 = arith.constant 4 : i32
      %mul3A_111 = arith.muli %mul3A_110, %add3A_91 : i32
      "tpu.region"() ({
        %run_scoped3A = tpu.sem_alloc : memref<!tpu.dma_semaphore, #tpu.memory_space<semaphore_mem>>
        %dma_start3A_112 = arith.constant 0 : i32
        %dma_start3A_113 = tpu.memref_slice %arg4[%mul3A_111, %dma_start3A_112] : memref<65536x128xf32, #tpu.memory_space<hbm>> -> memref<32x128xf32, #tpu.memory_space<hbm>>
        %dma_start3A_114 = arith.constant 0 : i32
        %dma_start3A_115 = tpu.memref_slice %arg4[%mul3A_111, %dma_start3A_114] : memref<65536x128xf32, #tpu.memory_space<hbm>> -> memref<32x128xf32, #tpu.memory_space<hbm>>
        tpu.enqueue_dma source(%arg28 : memref<32x128xf32, #tpu.memory_space<vmem>>) target(%dma_start3A_115 : memref<32x128xf32, #tpu.memory_space<hbm>>) target_semaphore(%run_scoped3A : memref<!tpu.dma_semaphore, #tpu.memory_space<semaphore_mem>>)
        %dma_wait3A_116 = arith.constant 0 : i32
        %dma_wait3A_117 = tpu.memref_slice %arg4[%mul3A_111, %dma_wait3A_116] : memref<65536x128xf32, #tpu.memory_space<hbm>> -> memref<32x128xf32, #tpu.memory_space<hbm>>
        %dma_wait3A_118 = arith.constant 0 : i32
        %dma_wait3A_119 = tpu.memref_slice %arg4[%mul3A_111, %dma_wait3A_118] : memref<65536x128xf32, #tpu.memory_space<hbm>> -> memref<32x128xf32, #tpu.memory_space<hbm>>
        tpu.wait_dma2 semaphore(%run_scoped3A : memref<!tpu.dma_semaphore, #tpu.memory_space<semaphore_mem>>) src(%arg28 : memref<32x128xf32, #tpu.memory_space<vmem>>) dst(%dma_wait3A_119 : memref<32x128xf32, #tpu.memory_space<hbm>>)
        tpu.yield
      }) : () -> ()
      "tpu.region"() ({
        %run_scoped3A = tpu.sem_alloc : memref<!tpu.dma_semaphore, #tpu.memory_space<semaphore_mem>>
        %dma_start3A_112 = arith.constant 0 : i32
        %dma_start3A_113 = tpu.memref_slice %arg5[%add3A_91, %dma_start3A_112] : memref<16384x128xf32, #tpu.memory_space<hbm>> -> memref<8x128xf32, #tpu.memory_space<hbm>>
        %dma_start3A_114 = arith.constant 0 : i32
        %dma_start3A_115 = tpu.memref_slice %arg5[%add3A_91, %dma_start3A_114] : memref<16384x128xf32, #tpu.memory_space<hbm>> -> memref<8x128xf32, #tpu.memory_space<hbm>>
        tpu.enqueue_dma source(%arg29 : memref<8x128xf32, #tpu.memory_space<vmem>>) target(%dma_start3A_115 : memref<8x128xf32, #tpu.memory_space<hbm>>) target_semaphore(%run_scoped3A : memref<!tpu.dma_semaphore, #tpu.memory_space<semaphore_mem>>)
        %dma_wait3A_116 = arith.constant 0 : i32
        %dma_wait3A_117 = tpu.memref_slice %arg5[%add3A_91, %dma_wait3A_116] : memref<16384x128xf32, #tpu.memory_space<hbm>> -> memref<8x128xf32, #tpu.memory_space<hbm>>
        %dma_wait3A_118 = arith.constant 0 : i32
        %dma_wait3A_119 = tpu.memref_slice %arg5[%add3A_91, %dma_wait3A_118] : memref<16384x128xf32, #tpu.memory_space<hbm>> -> memref<8x128xf32, #tpu.memory_space<hbm>>
        tpu.wait_dma2 semaphore(%run_scoped3A : memref<!tpu.dma_semaphore, #tpu.memory_space<semaphore_mem>>) src(%arg29 : memref<8x128xf32, #tpu.memory_space<vmem>>) dst(%dma_wait3A_119 : memref<8x128xf32, #tpu.memory_space<hbm>>)
        tpu.yield
      }) : () -> ()
    }
    %scan3A_28 = arith.constant 32 : i32
    return
  }
}

</mosaic_0001>

<sc_bundles>
// kernel: kernel.3.cloned.1.call-start
scs
__scs_entry_jumppad:
0x0: {  	(pc) =	sbr.rel $0x88, $3  }
0x1: {  	(tag) =	ssettag $0x0;
	lr =	simm.s32 $0x1  }
0x2: {  	[smem:$0x3F9F] =	sst lr;
	_ =	strace $0xD0000000  }
0x3: {  	_ = 	snop  }
0x4: {  	_ = 	snop  }
0x5: {  	_ = 	snop  }
0x6: {  	_ = 	snop  }
0x7: {  	_ = 	snop  }
__scs_overlays_trampoline_lowered:
0x8: {  	[smem:$0x3FAE] =	sst s0  }
0x9: {  	[smem:$0x3FAF] =	sst s1  }
0xa: {  	[smem:$0x3FB0] =	sst s2  }
0xb: {  	[smem:$0x3FB1] =	sst s3  }
0xc: {  	[smem:$0x3FB2] =	sst s4  }
0xd: {  	[smem:$0x3FB3] =	sst s5  }
0xe: {  	[smem:$0x3FB4] =	sst s6  }
0xf: {  	[smem:$0x3FB5] =	sst s7  }
0x10: {  	[smem:$0x3FB6] =	sst s8  }
0x11: {  	[smem:$0x3FB7] =	sst s9;
	s0 =	simm.s32 @!p0 $0x0  }
0x12: {  	s1 =	sld [smem:$0x3F9D];
	s0 =	simm.s32 @p0 $0x1  }
0x13: {  	[smem:$0x3FB8] =	sst s0;
	s0 =	simm.s32 @!p1 $0x0  }
0x14: {  	s2 =	sld [smem:$0x3F9C];
	s0 =	simm.s32 @p1 $0x1  }
0x15: {  	[smem:$0x3FB9] =	sst s0;
	s0 =	simm.s32 @!p2 $0x0  }
0x16: {  	s3 =	sld [smem:$0x3FDB];
	s0 =	simm.s32 @p2 $0x1  }
0x17: {  	s4 =	simm.s32 $0x1BF5;
	[smem:$0x3FBB] =	sst s0  }
0x18: {  	s0 =	sld [smem:$0x3F9E];
	_ =	swait.ge [sflag:s4], $0x0  }
0x19: {  	s7 =	sld [smem:$0x3F9F]  }
0x1a: {  	s8 =	sadd.s32 $0xFFFFE003, lr  }
0x1b: {  	s9 =	sadd.s32 $0xFFFFFEF7, lr;
	s5 =	simm.s32 $0xFFFFFFFF;
	p2 =	slt.u32 s8, $0xFFFFF086  }
0x1c: {  	p1 =	slt.u32 s9, $0xF7A;
	s5 =	simm.s32 @!p2 $0x0  }
0x1d: {  	s5 =	simm.s32 @p1 $0x1;
	p0 =	seq.s32 s7, s2  }
0x1e: {  	s7 =	smul.u32 @!p0 $0xF7A, s2;
	p2 =	seq.s32 @!p0 s5, $0x0  }
0x1f: {  	s9 =	smul.u32 $0xF7A, s1;
	s8 =	simm.s32 @!p0 $0x1BF5;
	p2 =	por !p2, p0  }
0x20: {  	[sflag:s8] =	ssyncset.s32 @!p0 $0xFFFFF086;
	s6 =	sadd.s32 @!p0 s3, s7;
	s7 =	simm.s32 @!p0 $0x108  }
0x21: {  	s3 =	sadd.s32 s3, s9;
	s6 =	sadd.s32 @!p0 $0x88, s6;
	s7 =	simm.s32 @p2 $0x1082  }
0x22: {  	[simem:s7], [sflag:s8] =	dma.local @!p0 [hbm:s6], $0xF7A  }
0x23: {  	s9 =	sor.u32 $0xD0000000, s2;
	s6 =	simm.s32 $0x108;
	_ =	swait.ge @!p0 [sflag:s8], $0x0  }
0x24: {  	s3 =	sadd.s32 $0x88, s3;
	s6 =	simm.s32 @!p1 $0x1082;
	[sflag:s4] =	ssyncset.s32 $0xFFFFF086  }
0x25: {  	[simem:s6], [sflag:s4] =	dma.local [hbm:s3], $0xF7A  }
0x26: {  	[smem:$0x3F9F] =	sst s1;
	(tag) =	ssettag s2;
	_ =	strace s9  }
0x27: {  	s1 =	sld [smem:$0x3FAF]  }
0x28: {  	s2 =	sld [smem:$0x3FB0]  }
0x29: {  	s4 =	sld [smem:$0x3FB2]  }
0x2a: {  	p0 =	seq.s32 s5, $0x0;
	s5 =	sld [smem:$0x3FB3]  }
0x2b: {  	s6 =	sld [smem:$0x3FB4]  }
0x2c: {  	s7 =	sld [smem:$0x3FB5]  }
0x2d: {  	s3 =	simm.s32 $0x108;
	s8 =	sld [smem:$0x3FB6]  }
0x2e: {  	s3 =	simm.s32 @!p0 $0x1082;
	s9 =	sld [smem:$0x3FB7]  }
0x2f: {  	lr =	sadd.s32 s0, s3;
	s0 =	sld [smem:$0x3FAE]  }
0x30: {  	s3 =	sld [smem:$0x3FB1]  }
0x31: {  	[smem:$0x3FBA] =	sst s10  }
0x32: {  	s10 =	sld [smem:$0x3FB8];
	_ =	sdelay $0x3  }
0x33: {  	p0 =	seq.s32 s10, $0x1;
	s10 =	sld [smem:$0x3FBA];
	_ =	sdelay $0x3  }
0x34: {  	[smem:$0x3FBA] =	sst s10  }
0x35: {  	s10 =	sld [smem:$0x3FB9];
	_ =	sdelay $0x3  }
0x36: {  	p1 =	seq.s32 s10, $0x1;
	s10 =	sld [smem:$0x3FBA];
	_ =	sdelay $0x3  }
0x37: {  	[smem:$0x3FBA] =	sst s10  }
0x38: {  	s10 =	sld [smem:$0x3FBB]  }
0x39: {  	_ = 	snop;
	(pc) =	sbr.ind lr, $3  }
0x3a: {  	_ = 	snop  }
0x3b: {  	_ = 	snop  }
0x3c: {  	p2 =	seq.s32 s10, $0x1;
	s10 =	sld [smem:$0x3FBA]  }
0x3d: {  	_ =	shalt  }
0x3e: {  	_ =	shalt  }
0x3f: {  	_ =	shalt  }
0x40: {  	_ =	shalt  }
0x41: {  	_ =	shalt  }
0x42: {  	_ =	shalt  }
0x43: {  	_ =	shalt  }
0x44: {  	_ =	shalt  }
0x45: {  	_ =	shalt  }
0x46: {  	_ =	shalt  }
0x47: {  	_ =	shalt  }
0x48: {  	_ =	shalt  }
0x49: {  	_ =	shalt  }
0x4a: {  	_ =	shalt  }
0x4b: {  	_ =	shalt  }
0x4c: {  	_ =	shalt  }
0x4d: {  	_ =	shalt  }
0x4e: {  	_ =	shalt  }
0x4f: {  	_ =	shalt  }
0x50: {  	_ =	shalt  }
0x51: {  	_ =	shalt  }
0x52: {  	_ =	shalt  }
0x53: {  	_ =	shalt  }
0x54: {  	_ =	shalt  }
0x55: {  	_ =	shalt  }
0x56: {  	_ =	shalt  }
0x57: {  	_ =	shalt  }
0x58: {  	_ =	shalt  }
0x59: {  	_ =	shalt  }
0x5a: {  	_ =	shalt  }
0x5b: {  	_ =	shalt  }
0x5c: {  	_ =	shalt  }
0x5d: {  	_ =	shalt  }
0x5e: {  	_ =	shalt  }
0x5f: {  	_ =	shalt  }
0x60: {  	_ =	shalt  }
0x61: {  	_ =	shalt  }
0x62: {  	_ =	shalt  }
0x63: {  	_ =	shalt  }
0x64: {  	_ =	shalt  }
0x65: {  	_ =	shalt  }
0x66: {  	_ =	shalt  }
0x67: {  	_ =	shalt  }
0x68: {  	_ =	shalt  }
0x69: {  	_ =	shalt  }
0x6a: {  	_ =	shalt  }
0x6b: {  	_ =	shalt  }
0x6c: {  	_ =	shalt  }
0x6d: {  	_ =	shalt  }
0x6e: {  	_ =	shalt  }
0x6f: {  	_ =	shalt  }
0x70: {  	_ =	shalt  }
0x71: {  	_ =	shalt  }
0x72: {  	_ =	shalt  }
0x73: {  	_ =	shalt  }
0x74: {  	_ =	shalt  }
0x75: {  	_ =	shalt  }
0x76: {  	_ =	shalt  }
0x77: {  	_ =	shalt  }
0x78: {  	_ =	shalt  }
0x79: {  	_ =	shalt  }
0x7a: {  	_ =	shalt  }
0x7b: {  	_ =	shalt  }
0x7c: {  	_ =	shalt  }
0x7d: {  	_ =	shalt  }
0x7e: {  	_ =	shalt  }
0x7f: {  	_ =	shalt  }
0x80: {  	_ =	shalt  }
0x81: {  	_ =	shalt  }
0x82: {  	_ =	shalt  }
0x83: {  	_ =	shalt  }
0x84: {  	_ =	shalt  }
0x85: {  	_ =	shalt  }
0x86: {  	_ =	shalt  }
0x87: {  	_ =	shalt  }
.Lfunc_end0:
.L_simem_size_0:
called_computation_lowered:
.L_overlay_start_0:
0x88: {  	s2 =	sld [smem:$0x3FD9]  }
0x89: {  	s3 =	sld [smem:$0x3FFE];
	_ =	sdelay $0x1  }
0x8a: {  	s1 =	srdreg.scid  }
0x8b: {  	s0 =	sand.u32 $0x1, s1  }
0x8c: {  	s14 =	sshll.u32 s0, $0xA;
	s2 =	sadd.s32 s3, s2  }
0x8d: {  	s2 =	sadd.s32 s2, s14  }
0x8e: {  	[smem:$0x3FC6] =	sst s2  }
0x8f: {  	_ = 	snop  }
0x90: {  	s2 =	sld [smem:$0x3FD0];
	_ =	sdelay $0x2  }
0x91: {  	s4 =	simm.s32 $0xA;
	s5 =	simm.s32 $0x10;
	s15 =	sld [smem:$0x3FC8]  }
0x92: {  	[smem:s5], [sflag:s4] =	dma.local [hbm:s2], $0x1  }
0x93: {  	_ =	swait.eq [sflag:s4], $0x1  }
0x94: {  	[sflag:s4] =	ssyncset.done $0x0  }
0x95: {  	s16 =	sld [smem:$0x10];
	[sflag:s4] =	ssyncadd.s32 $0xFFFFFFFF  }
0x96: {  	s17 =	sld [smem:$0x11];
	(tm) =	ssettm $0x1  }
0x97: {  	s18 =	sld [smem:$0x3FFB];
	_ =	sdelay $0x3  }
0x98: {  	_ =	strace s18  }
0x99: {  	s5 =	sld [smem:$0x3FFC];
	_ =	sdelay $0x3  }
0x9a: {  	_ =	strace s5  }
0x9b: {  	s5 =	sld [smem:$0x3FFD];
	_ =	sdelay $0x3  }
0x9c: {  	_ =	strace s5  }
0x9d: {  	_ =	strace $0x8FFFFFFF  }
0x9e: {  	s19 =	sld [smem:$0x3FDB];
	_ =	sdelay $0x1  }
0x9f: {  	s6 =	simm.s32 $_scs_section_size  }
0xa0: {  	s7 =	simm.s32 $_size__tile_overlayer_lowered;
	s8 =	simm.s32 $_tile_overlayer_lowered  }
0xa1: {  	s22 =	simm.s32 $0x1BFF;
	s21 =	sshll.u32 s8, $0x1;
	s5 =	sadd.s32 s6, s19  }
0xa2: {  	s9 =	simm.s32 $0x0;
	s20 =	sshll.u32 s7, $0x1;
	s7 =	sadd.s32 s21, s5  }
0xa3: {  	[timem:s9], [sflag:s22] =	dma.local [hbm:s7], s20  }
0xa4: {  	_ =	swait.ge [sflag:s22], s20  }
0xa5: {  	s6 =	ssub.s32 $0x0, s20;
	[sflag:s22] =	ssyncset.done $0x0  }
0xa6: {  	[sflag:s22] =	ssyncadd.s32 s6;
	_ =	sdelay $0x1  }
0xa7: {  	s23 =	simm.s32 $0x1B8B  }
0xa8: {  	_ =	swait.ge [sflag:s23], $0x1  }
0xa9: {  	[sflag:s23] =	ssyncset.done $0x0  }
0xaa: {  	s25 =	simm.s32 $0x1B8E;
	s24 =	sld [smem:$0x3FFE];
	[sflag:s23] =	ssyncadd.s32 $0xFFFFFFFF  }
0xab: {  	s26 =	simm.s32 $execute0_lowered;
	[smem:$0x3FD2] =	sst s25  }
0xac: {  	s7 =	sshll.u32 s26, $0x1;
	_ =	strace $0x80000046;
	[dreg:$0x1] =	wrdreg $0xFFFFFFFF  }
0xad: {  	s28 =	simm.s32 $_size_execute0_lowered;
	s5 =	sadd.s32 s5, s7;
	[dreg:$0x0] =	wrdreg $0x0  }
0xae: {  	s7 =	sshll.u32 s28, $0x1;
	[dreg:$0x2] =	wrdreg s5  }
0xaf: {  	[dreg:$0x3] =	wrdreg s7  }
0xb0: {  	[dreg:$0x4] =	wrdreg $0xC0  }
0xb1: {  	_ =	task [dreg:s9], $0x5FFFF  }
0xb2: {  	[dreg:$0x1] =	wrdreg $0xFFFFFFFF  }
0xb3: {  	[dreg:$0x0] =	wrdreg $0x60  }
0xb4: {  	[dreg:$0x2] =	wrdreg s16  }
0xb5: {  	[dreg:$0x3] =	wrdreg s15  }
0xb6: {  	[dreg:$0x4] =	wrdreg s24  }
0xb7: {  	[dreg:$0x5] =	wrdreg s17  }
0xb8: {  	[dreg:$0x6] =	wrdreg $0x9  }
0xb9: {  	_ =	task.clear_ibuf [dreg:s9], $0x7FFFF;
	_ =	strace $0x90000046  }
0xba: {  	s29 =	simm.s32 $0x9;
	_ =	strace $0x80000048  }
0xbb: {  	_ =	swait.ge [sflag:s29], $0x1  }
0xbc: {  	[sflag:s29] =	ssyncadd.s32 $0xFFFFFFFF  }
0xbd: {  	_ =	strace $0x90000048  }
0xbe: {  	_ =	sfence  }
0xbf: {  	s30 =	sld [smem:$0x0];
	_ =	sdelay $0x2  }
0xc0: {  	s31 =	sshll.u32 s1, $0xD;
	s1 =	sshrl.u32 s1, $0x2  }
0xc1: {  	s3 =	sand.u32 $0x4000, s31;
	s1 =	sadd.s32 s1, s30  }
0xc2: {  	s0 =	sor.u32 s3, s0;
	s1 =	sshll.u32 s1, $0x11  }
0xc3: {  	s0 =	sor.u32 s1, s0  }
0xc4: {  	s0 =	sadd.s32 $0x8F2B, s0  }
0xc5: {  	[sflag:s0] =	ssyncadd.remote.s32 $0x1  }
0xc6: {  	_ =	sfence.sel $0xFFFF  }
0xc7: {  	[dreg:$0x0] =	wrdreg $0xFFFFFFFF;
	(pc) =	sbr.abs _section_cstart, $3  }
0xc8: {  	[dreg:$0x1] =	wrdreg $0xFFFFFFFF  }
0xc9: {  	_ =	task.clear_ibuf [dreg:s9], $0x2FFFF;
	_ =	strace $0x9FFFFFFF  }
0xca: {  	(tm) =	ssettm $0x7FFFFFFF  }
0xcb: {  	_ =	shalt  }
tec
execute0_lowered:
.L_overlay_start_1:
0x0: {  	(tag) =	ssettag $0x1  }
0x1: {  	s1 =	rddreg [dreg:$0x0]  }
0x2: {  	s2 =	rddreg [dreg:$0x1]  }
0x3: {  	s0 =	rddreg [dreg:$0x2]  }
0x4: {  	s3 =	srdreg.scid;
	s5 =	stileid.u32  }
0x5: {  	s4 =	rddreg [dreg:$0x3];
	s12 =	simm.s32 $0x3;
	s13 =	simm.s32 $0x400  }
0x6: {  	s15 =	simm.s32 $0x2400;
	s17 =	simm.s32 $0x4400;
	s19 =	simm.s32 $0x6400  }
0x7: {  	s21 =	simm.s32 $0x8400;
	s22 =	simm.s32 $0xA400;
	s24 =	simm.s32 $0xC800  }
0x8: {  	s29 =	simm.s32 $0x10800;
	s31 =	simm.s32 $0x12800;
	s11 =	simm.s32 $0x2  }
0x9: {  	s14 =	simm.s32 $0x0;
	s3 =	sand.u32 $0x1, s3;
	s6 =	sshll.u32 s5, $0x1  }
0xa: {  	s5 =	simm.s32 $0x0;
	s7 =	sor.u32 s3, s6;
	s3 =	ssub.s32 $0x2, s3  }
0xb: {  	[smem:$0x7FF] =	sst s5;
	s8 =	smul.u32 $0x6000, s7;
	s26 =	sshrl.u32 s3, $0x1  }
0xc: {  	s6 =	sadd.s32 $0x800, s0;
	_ =	strace $0x80000047;
	s0 =	ssub.s32 s3, s26  }
0xd: {  	v0 =	vlaneseq.u32;
	s26 =	simm.s32 $0xE800;
	s3 =	simm.s32 $0x1;
	s28 =	sadd.s32 s1, s8  }
0xe: {  	v3 =	vimm.f32 $0.0e+00;
	v2 =	vshrl.u32 v0, $0x3;
	s8 =	sshll.u32 s7, $0x9;
	s0 =	smax.u32 s0, $0x1;
	[dreg:$0x5] =	wrdreg s28  }
0xf: {  	v1 =	vand.u32 $0x7, v0;
	v7 =	vor.u32 $0x58, v0;
	v2 =	vmul.u32 $0x8, v2;
	s7 =	simm.s32 $0x15800;
	s30 =	sor.u32 $0x10, s8;
	[dreg:$0x7] =	wrdreg s0  }
0x10: {  	v4 =	vor.u32 $0x80, v1;
	v5 =	vor.u32 $0x100, v1;
	v6 =	vor.u32 $0x48, v1;
	s9 =	sor.u32 $0x8, s8;
	s0 =	simm.s32 $0x14800;
	[dreg:$0x6] =	wrdreg s30  }
.LBB2_1:
0x11: {  	v8 =	vmov s5  }
0x12: {  	v8 =	vshrl.u32 v8, $0x7  }
0x13: {  	v9 =	vor.u32 s5, v2;
	v8 =	vmul.u32 $0x180, v8  }
0x14: {  	v9 =	vand.u32 $0x48, v9  }
0x15: {  	[dreg:$0x8] =	wrdreg s14;
	v8 =	vor.u32 v8, v9  }
0x16: {  	s10 =	rddreg [dreg:$0x5];
	v8 =	vor.u32 v1, v8  }
0x17: {  	[tilespmem:s5], [sflag:$0x3] =	stream.linear.gather [hbm4b:s10+s5], $0xC00, $0x38;
	v9 =	vadd.s32 $0x80, v8;
	[tilespmem:$0x15C00] =	vst v63  }
0x18: {  	_ =	swait.ge [sflag:s12], $0xC00;
	v10 =	vadd.s32 $0x100, v8  }
0x19: {  	[sflag:s12] =	ssyncset.done $0x0  }
0x1a: {  	[sflag:s12] =	ssyncadd.s32 $0xFFFFF400  }
0x1b: {  	v8 =	vld.idx.msk [tilespmem:v8+s5+$0x0], $0xffff  }
0x1c: {  	v9 =	vld.idx.msk [tilespmem:v9+s5+$0x0], $0xffff  }
0x1d: {  	v10 =	vld.idx.msk [tilespmem:v10+s5+$0x0], $0xffff;
	_ =	sdelay $0x2  }
0x1e: {  	v11 =	vmul.f32 $2.560000000e+02, v8  }
0x1f: {  	v8 =	vand.u32 $0x7FFFFFFF, v8;
	v12 =	vmul.f32 $2.560000000e+02, v9  }
0x20: {  	v9 =	vand.u32 $0x7FFFFFFF, v9;
	v13 =	vmul.f32 $2.560000000e+02, v10;
	v11 =	vadd.f32 $1.280000000e+02, v11  }
0x21: {  	vm0 =	vlt.f32 v8, $5.000000000e-01;
	vm1 =	vlt.f32 v9, $5.000000000e-01  }
0x22: {  	s25 =	simm.s32 $0x10;
	v8 =	vadd.f32 $1.280000000e+02, v12;
	v9 =	vtrunc.f32 v11;
	v11 =	vadd.f32 $1.280000000e+02, v13  }
0x23: {  	v45 =	vor.u32 s25, v2;
	v10 =	vand.u32 $0x7FFFFFFF, v10;
	v9 =	vcvt.f32.s32 v9  }
0x24: {  	vm0 =	vmand vm0, vm1;
	v8 =	vtrunc.f32 v8;
	v11 =	vtrunc.f32 v11  }
0x25: {  	vm1 =	vlt.f32 v10, $5.000000000e-01;
	v8 =	vcvt.f32.s32 v8;
	v10 =	vcvt.f32.s32 v11  }
0x26: {  	v44 =	vmov s25;
	v12 =	vand.u32 $0x58, v45  }
0x27: {  	v9 =	vshll.u32 v9, $0xF;
	v8 =	vshll.u32 v8, $0x7;
	v43 =	vshrl.u32 v10, $0x1  }
0x28: {  	v11 =	vshrl.u32 v10, $0x3;
	v8 =	vadd.s32 v9, v8;
	v9 =	vand.u32 $0x40, v43  }
0x29: {  	v11 =	vand.u32 $0xF, v11;
	v8 =	vor.u32 v8, v9;
	v9 =	vshrl.u32 v44, $0x7  }
0x2a: {  	vm0 =	vmand vm0, vm1;
	v8 =	vor.u32 v11, v8;
	v9 =	vmul.u32 $0x180, v9  }
0x2b: {  	s10 =	simm.s32 $0x0;
	v10 =	vand.u32 $0x7, v10;
	v11 =	vsel vm0, $0x3F800000, v3;
	vm0 =	vgt.s32 v8, $0x0  }
0x2c: {  	[tilespmem:s10+$0x1C00] =	vst v10;
	v8 =	vnsel vm0, $0x0, v8;
	v9 =	vor.u32 v9, v12  }
0x2d: {  	[tilespmem:s10+$0x2000] =	vst v11;
	v8 =	vmin.u32 v8, $0x7FFFCF;
	v10 =	vadd.s32 v5, v9  }
0x2e: {  	v11 =	vadd.s32 v4, v9;
	[tilespmem:s10+$0xC00] =	vst v8;
	v46 =	vor.u32 $0x30, v8  }
0x2f: {  	v9 =	vor.u32 v1, v9;
	v47 =	vor.u32 $0x10, v8;
	[tilespmem:s10+$0x1800] =	vst v46  }
0x30: {  	v8 =	vor.u32 $0x20, v8;
	[tilespmem:s10+$0x1000] =	vst v47  }
0x31: {  	[tilespmem:s10+$0x1400] =	vst v8  }
0x32: {  	v8 =	vld.idx.msk [tilespmem:v10+s5+$0x0], $0xffff  }
0x33: {  	v10 =	vld.idx.msk [tilespmem:v11+s5+$0x0], $0xffff  }
0x34: {  	v9 =	vld.idx.msk [tilespmem:v9+s5+$0x0], $0xffff;
	_ =	sdelay $0x3  }
0x35: {  	v11 =	vmul.f32 $2.560000000e+02, v8;
	v48 =	vmul.f32 $2.560000000e+02, v10  }
0x36: {  	v8 =	vand.u32 $0x7FFFFFFF, v8;
	v49 =	vmul.f32 $2.560000000e+02, v9  }
0x37: {  	v10 =	vand.u32 $0x7FFFFFFF, v10;
	v11 =	vadd.f32 $1.280000000e+02, v11;
	v12 =	vadd.f32 $1.280000000e+02, v48  }
0x38: {  	vm0 =	vlt.f32 v8, $5.000000000e-01;
	v8 =	vand.u32 $0x7FFFFFFF, v9;
	v9 =	vadd.f32 $1.280000000e+02, v49  }
0x39: {  	vm1 =	vlt.f32 v8, $5.000000000e-01;
	v8 =	vtrunc.f32 v11;
	v11 =	vtrunc.f32 v12  }
0x3a: {  	vm2 =	vlt.f32 v10, $5.000000000e-01;
	v9 =	vtrunc.f32 v9;
	v8 =	vcvt.f32.s32 v8  }
0x3b: {  	s28 =	simm.s32 $0x20;
	vm1 =	vmand vm1, vm2;
	v10 =	vcvt.f32.s32 v11;
	v9 =	vcvt.f32.s32 v9  }
0x3c: {  	v51 =	vmov s28;
	vm0 =	vmand vm1, vm0  }
0x3d: {  	v50 =	vshrl.u32 v8, $0x1;
	v10 =	vshll.u32 v10, $0x7;
	v9 =	vshll.u32 v9, $0xF  }
0x3e: {  	v11 =	vshrl.u32 v8, $0x3;
	v9 =	vadd.s32 v9, v10;
	v10 =	vand.u32 $0x40, v50  }
0x3f: {  	v9 =	vor.u32 v9, v10;
	v10 =	vand.u32 $0xF, v11;
	v11 =	vshrl.u32 v51, $0x7  }
0x40: {  	v9 =	vor.u32 v10, v9;
	v10 =	vor.u32 s28, v2;
	v11 =	vmul.u32 $0x180, v11  }
0x41: {  	v52 =	vsel vm0, $0x3F800000, v3;
	vm0 =	vgt.s32 v9, $0x0;
	v10 =	vand.u32 $0x68, v10  }
0x42: {  	[tilespmem:s10+$0x2010] =	vst v52;
	v8 =	vand.u32 $0x7, v8;
	v9 =	vnsel vm0, $0x0, v9;
	v10 =	vor.u32 v11, v10  }
0x43: {  	[tilespmem:s10+$0x1C10] =	vst v8;
	v8 =	vmin.u32 v9, $0x7FFFCF;
	v9 =	vadd.s32 v5, v10  }
0x44: {  	v11 =	vor.u32 v1, v10;
	[tilespmem:s10+$0xC10] =	vst v8;
	v53 =	vor.u32 $0x10, v8  }
0x45: {  	v10 =	vadd.s32 v4, v10;
	v54 =	vor.u32 $0x30, v8;
	[tilespmem:s10+$0x1010] =	vst v53  }
0x46: {  	v8 =	vor.u32 $0x20, v8;
	[tilespmem:s10+$0x1810] =	vst v54  }
0x47: {  	[tilespmem:s10+$0x1410] =	vst v8  }
0x48: {  	v8 =	vld.idx.msk [tilespmem:v9+s5+$0x0], $0xffff  }
0x49: {  	v9 =	vld.idx.msk [tilespmem:v11+s5+$0x0], $0xffff  }
0x4a: {  	v10 =	vld.idx.msk [tilespmem:v10+s5+$0x0], $0xffff;
	_ =	sdelay $0x3  }
0x4b: {  	v11 =	vmul.f32 $2.560000000e+02, v8;
	v55 =	vmul.f32 $2.560000000e+02, v9  }
0x4c: {  	v8 =	vand.u32 $0x7FFFFFFF, v8;
	v56 =	vmul.f32 $2.560000000e+02, v10  }
0x4d: {  	v9 =	vand.u32 $0x7FFFFFFF, v9;
	v11 =	vadd.f32 $1.280000000e+02, v11;
	v12 =	vadd.f32 $1.280000000e+02, v55  }
0x4e: {  	vm0 =	vlt.f32 v8, $5.000000000e-01;
	v8 =	vand.u32 $0x7FFFFFFF, v10;
	v10 =	vadd.f32 $1.280000000e+02, v56  }
0x4f: {  	vm1 =	vlt.f32 v9, $5.000000000e-01;
	v9 =	vtrunc.f32 v11;
	v11 =	vtrunc.f32 v12  }
0x50: {  	vm2 =	vlt.f32 v8, $5.000000000e-01;
	v8 =	vcvt.f32.s32 v9;
	v9 =	vtrunc.f32 v10  }
0x51: {  	s30 =	simm.s32 $0x30;
	vm1 =	vmand vm1, vm2;
	v10 =	vcvt.f32.s32 v11;
	v9 =	vcvt.f32.s32 v9  }
0x52: {  	v58 =	vmov s30;
	vm0 =	vmand vm1, vm0  }
0x53: {  	v57 =	vshrl.u32 v8, $0x1;
	v10 =	vshll.u32 v10, $0xF;
	v9 =	vshll.u32 v9, $0x7  }
0x54: {  	v11 =	vshrl.u32 v8, $0x3;
	v9 =	vadd.s32 v10, v9;
	v10 =	vand.u32 $0x40, v57  }
0x55: {  	v9 =	vor.u32 v9, v10;
	v10 =	vand.u32 $0xF, v11;
	v11 =	vshrl.u32 v58, $0x7  }
0x56: {  	v9 =	vor.u32 v10, v9;
	v10 =	vor.u32 s30, v2;
	v11 =	vmul.u32 $0x180, v11  }
0x57: {  	v59 =	vsel vm0, $0x3F800000, v3;
	vm0 =	vgt.s32 v9, $0x0;
	v10 =	vand.u32 $0x78, v10  }
0x58: {  	[tilespmem:s10+$0x2020] =	vst v59;
	v8 =	vand.u32 $0x7, v8;
	v9 =	vnsel vm0, $0x0, v9;
	v10 =	vor.u32 v11, v10  }
0x59: {  	[tilespmem:s10+$0x1C20] =	vst v8;
	v8 =	vmin.u32 v9, $0x7FFFCF;
	v9 =	vadd.s32 v4, v10  }
0x5a: {  	v11 =	vor.u32 v1, v10;
	[tilespmem:s10+$0xC20] =	vst v8;
	v60 =	vor.u32 $0x10, v8  }
0x5b: {  	v10 =	vadd.s32 v5, v10;
	v61 =	vor.u32 $0x30, v8;
	[tilespmem:s10+$0x1020] =	vst v60  }
0x5c: {  	v8 =	vor.u32 $0x20, v8;
	[tilespmem:s10+$0x1820] =	vst v61  }
0x5d: {  	[tilespmem:s10+$0x1420] =	vst v8  }
0x5e: {  	v8 =	vld.idx.msk [tilespmem:v9+s5+$0x0], $0xffff  }
0x5f: {  	v9 =	vld.idx.msk [tilespmem:v11+s5+$0x0], $0xffff  }
0x60: {  	v10 =	vld.idx.msk [tilespmem:v10+s5+$0x0], $0xffff;
	_ =	sdelay $0x2  }
0x61: {  	v62 =	vand.u32 $0x7FFFFFFF, v8  }
0x62: {  	v11 =	vmul.f32 $2.560000000e+02, v9;
	v63 =	vmul.f32 $2.560000000e+02, v8;
	v8 =	vand.u32 $0x7FFFFFFF, v9  }
0x63: {  	v9 =	vmul.f32 $2.560000000e+02, v10;
	vm0 =	vlt.f32 v8, $5.000000000e-01;
	v8 =	vand.u32 $0x7FFFFFFF, v10  }
0x64: {  	s14 =	simm.s32 $0x0;
	s16 =	simm.s32 $0x0;
	s18 =	simm.s32 $0x0;
	vm1 =	vlt.f32 v62, $5.000000000e-01;
	v10 =	vadd.f32 $1.280000000e+02, v11;
	v11 =	vadd.f32 $1.280000000e+02, v63  }
.LBB2_2:
0x65: {  	s14 =	sadd.s32 $0x4, s14;
	v9 =	vadd.f32 $1.280000000e+02, v9;
	vm0 =	vmand vm0, vm1;
	vm1 =	vlt.f32 v8, $5.000000000e-01;
	s16 =	sadd.s32 $0x40, s16;
	s18 =	sadd.s32 $0x100, s18  }
0x66: {  	p0 =	slt.u32 s14, $0x3C;
	v8 =	vtrunc.f32 v10;
	v10 =	vtrunc.f32 v11;
	vm0 =	vmand vm0, vm1  }
0x67: {  	v10 =	vcvt.f32.s32 v10;
	v9 =	vtrunc.f32 v9;
	v11 =	vsel vm0, $0x3F800000, v3  }
0x68: {  	v8 =	vcvt.f32.s32 v8;
	v9 =	vcvt.f32.s32 v9;
	[tilespmem:s10+$0x2030] =	vst v11  }
0x69: {  	v10 =	vshll.u32 v10, $0x7  }
0x6a: {  	v8 =	vshll.u32 v8, $0xF;
	v11 =	vshrl.u32 v9, $0x1;
	v12 =	vand.u32 $0x7, v9  }
0x6b: {  	v9 =	vshrl.u32 v9, $0x3;
	v8 =	vadd.s32 v8, v10;
	v10 =	vand.u32 $0x40, v11;
	[tilespmem:s10+$0x1C30] =	vst v12  }
0x6c: {  	v11 =	vmov s16;
	v9 =	vand.u32 $0xF, v9;
	v8 =	vor.u32 v8, v10  }
0x6d: {  	v10 =	vshrl.u32 v11, $0x7;
	v8 =	vor.u32 v9, v8  }
0x6e: {  	v9 =	vor.u32 s16, v2;
	v10 =	vmul.u32 $0x180, v10;
	vm0 =	vgt.s32 v8, $0x0  }
0x6f: {  	v9 =	vand.u32 $0x48, v9;
	v8 =	vnsel vm0, $0x0, v8  }
0x70: {  	v9 =	vor.u32 v10, v9;
	v8 =	vmin.u32 v8, $0x7FFFCF  }
0x71: {  	v9 =	vor.u32 v1, v9;
	[tilespmem:s10+$0xC30] =	vst v8;
	v10 =	vor.u32 $0x10, v8;
	v11 =	vor.u32 $0x20, v8  }
0x72: {  	v12 =	vadd.s32 $0x80, v9;
	v13 =	vadd.s32 $0x100, v9;
	v8 =	vor.u32 $0x30, v8;
	[tilespmem:s10+$0x1030] =	vst v10  }
0x73: {  	[tilespmem:s10+$0x1830] =	vst v8  }
0x74: {  	[tilespmem:s10+$0x1430] =	vst v11;
	_ =	sdelay $0x1  }
0x75: {  	v8 =	vld.idx.msk [tilespmem:v9+s5+$0x0], $0xffff  }
0x76: {  	v9 =	vld.idx.msk [tilespmem:v12+s5+$0x0], $0xffff  }
0x77: {  	v10 =	vld.idx.msk [tilespmem:v13+s5+$0x0], $0xffff;
	_ =	sdelay $0x3  }
0x78: {  	v11 =	vmul.f32 $2.560000000e+02, v8;
	v8 =	vand.u32 $0x7FFFFFFF, v8  }
0x79: {  	v12 =	vmul.f32 $2.560000000e+02, v9;
	vm0 =	vlt.f32 v8, $5.000000000e-01;
	v8 =	vand.u32 $0x7FFFFFFF, v9  }
0x7a: {  	v9 =	vadd.f32 $1.280000000e+02, v11;
	v11 =	vmul.f32 $2.560000000e+02, v10;
	vm1 =	vlt.f32 v8, $5.000000000e-01  }
0x7b: {  	v10 =	vand.u32 $0x7FFFFFFF, v10;
	v8 =	vadd.f32 $1.280000000e+02, v12;
	vm0 =	vmand vm0, vm1  }
0x7c: {  	vm1 =	vlt.f32 v10, $5.000000000e-01;
	v9 =	vtrunc.f32 v9;
	v11 =	vadd.f32 $1.280000000e+02, v11  }
0x7d: {  	vm0 =	vmand vm0, vm1;
	v9 =	vcvt.f32.s32 v9;
	v8 =	vtrunc.f32 v8  }
0x7e: {  	v8 =	vcvt.f32.s32 v8;
	v10 =	vtrunc.f32 v11;
	v11 =	vsel vm0, $0x3F800000, v3  }
0x7f: {  	v10 =	vcvt.f32.s32 v10  }
0x80: {  	v9 =	vshll.u32 v9, $0xF;
	v8 =	vshll.u32 v8, $0x7  }
0x81: {  	s10 =	sadd.s32 $0x10, s16;
	v12 =	vshrl.u32 v10, $0x3;
	v8 =	vadd.s32 v9, v8;
	v9 =	vshrl.u32 v10, $0x1  }
0x82: {  	v13 =	vmov s10;
	v9 =	vand.u32 $0x40, v9;
	v12 =	vand.u32 $0xF, v12  }
0x83: {  	v8 =	vor.u32 v8, v9;
	v9 =	vshrl.u32 v13, $0x7;
	v13 =	vor.u32 s10, v2  }
0x84: {  	v8 =	vor.u32 v12, v8;
	v9 =	vmul.u32 $0x180, v9  }
0x85: {  	s10 =	sshra.s32 s18, $0x2;
	v12 =	vand.u32 $0x58, v13;
	vm0 =	vgt.s32 v8, $0x0  }
0x86: {  	v10 =	vand.u32 $0x7, v10;
	v8 =	vnsel vm0, $0x0, v8;
	v9 =	vor.u32 v9, v12;
	[tilespmem:s10+$0x2000] =	vst v11  }
0x87: {  	v8 =	vmin.u32 v8, $0x7FFFCF;
	v11 =	vadd.s32 v5, v9;
	[tilespmem:s10+$0x1C00] =	vst v10;
	v10 =	vadd.s32 v4, v9  }
0x88: {  	v12 =	vor.u32 $0x10, v8;
	v13 =	vor.u32 $0x20, v8;
	[tilespmem:s10+$0xC00] =	vst v8;
	v8 =	vor.u32 $0x30, v8  }
0x89: {  	[tilespmem:s10+$0x1800] =	vst v8;
	v8 =	vor.u32 v1, v9  }
0x8a: {  	[tilespmem:s10+$0x1000] =	vst v12  }
0x8b: {  	[tilespmem:s10+$0x1400] =	vst v13  }
0x8c: {  	v9 =	vld.idx.msk [tilespmem:v11+s5+$0x0], $0xffff  }
0x8d: {  	v10 =	vld.idx.msk [tilespmem:v10+s5+$0x0], $0xffff  }
0x8e: {  	v8 =	vld.idx.msk [tilespmem:v8+s5+$0x0], $0xffff;
	_ =	sdelay $0x3  }
0x8f: {  	v11 =	vmul.f32 $2.560000000e+02, v9;
	v9 =	vand.u32 $0x7FFFFFFF, v9  }
0x90: {  	v12 =	vmul.f32 $2.560000000e+02, v10;
	v10 =	vand.u32 $0x7FFFFFFF, v10;
	vm0 =	vlt.f32 v9, $5.000000000e-01  }
0x91: {  	v9 =	vmul.f32 $2.560000000e+02, v8;
	v11 =	vadd.f32 $1.280000000e+02, v11;
	v8 =	vand.u32 $0x7FFFFFFF, v8  }
0x92: {  	vm2 =	vlt.f32 v10, $5.000000000e-01;
	v12 =	vadd.f32 $1.280000000e+02, v12;
	vm1 =	vlt.f32 v8, $5.000000000e-01  }
0x93: {  	v8 =	vadd.f32 $1.280000000e+02, v9;
	v9 =	vtrunc.f32 v11;
	vm1 =	vmand vm1, vm2  }
0x94: {  	v10 =	vtrunc.f32 v12;
	v9 =	vcvt.f32.s32 v9;
	vm0 =	vmand vm1, vm0  }
0x95: {  	v8 =	vtrunc.f32 v8;
	v10 =	vcvt.f32.s32 v10;
	v11 =	vsel vm0, $0x3F800000, v3  }
0x96: {  	v8 =	vcvt.f32.s32 v8;
	v12 =	vshrl.u32 v9, $0x3;
	v13 =	vshrl.u32 v9, $0x1;
	[tilespmem:s10+$0x2010] =	vst v11  }
0x97: {  	v9 =	vand.u32 $0x7, v9;
	v10 =	vshll.u32 v10, $0x7  }
0x98: {  	s20 =	sadd.s32 $0x20, s16;
	v8 =	vshll.u32 v8, $0xF;
	[tilespmem:s10+$0x1C10] =	vst v9  }
0x99: {  	v8 =	vadd.s32 v8, v10;
	v9 =	vand.u32 $0x40, v13;
	v10 =	vmov s20  }
0x9a: {  	v8 =	vor.u32 v8, v9;
	v9 =	vand.u32 $0xF, v12;
	v10 =	vshrl.u32 v10, $0x7  }
0x9b: {  	v8 =	vor.u32 v9, v8;
	v9 =	vor.u32 s20, v2;
	v10 =	vmul.u32 $0x180, v10  }
0x9c: {  	vm0 =	vgt.s32 v8, $0x0;
	v9 =	vand.u32 $0x68, v9  }
0x9d: {  	v8 =	vnsel vm0, $0x0, v8;
	v9 =	vor.u32 v10, v9  }
0x9e: {  	v8 =	vmin.u32 v8, $0x7FFFCF;
	v10 =	vor.u32 v1, v9;
	v11 =	vadd.s32 v5, v9  }
0x9f: {  	v12 =	vor.u32 $0x10, v8;
	v13 =	vor.u32 $0x20, v8;
	[tilespmem:s10+$0xC10] =	vst v8;
	v8 =	vor.u32 $0x30, v8  }
0xa0: {  	v9 =	vadd.s32 v4, v9;
	[tilespmem:s10+$0x1010] =	vst v12  }
0xa1: {  	[tilespmem:s10+$0x1810] =	vst v8  }
0xa2: {  	[tilespmem:s10+$0x1410] =	vst v13  }
0xa3: {  	v8 =	vld.idx.msk [tilespmem:v11+s5+$0x0], $0xffff  }
0xa4: {  	v10 =	vld.idx.msk [tilespmem:v10+s5+$0x0], $0xffff  }
0xa5: {  	v9 =	vld.idx.msk [tilespmem:v9+s5+$0x0], $0xffff;
	_ =	sdelay $0x3  }
0xa6: {  	v11 =	vmul.f32 $2.560000000e+02, v8;
	v8 =	vand.u32 $0x7FFFFFFF, v8  }
0xa7: {  	v12 =	vmul.f32 $2.560000000e+02, v10;
	v10 =	vand.u32 $0x7FFFFFFF, v10;
	vm0 =	vlt.f32 v8, $5.000000000e-01  }
0xa8: {  	v8 =	vmul.f32 $2.560000000e+02, v9;
	v11 =	vadd.f32 $1.280000000e+02, v11;
	v9 =	vand.u32 $0x7FFFFFFF, v9  }
0xa9: {  	vm1 =	vlt.f32 v10, $5.000000000e-01;
	v12 =	vadd.f32 $1.280000000e+02, v12;
	vm2 =	vlt.f32 v9, $5.000000000e-01  }
0xaa: {  	v8 =	vadd.f32 $1.280000000e+02, v8;
	v9 =	vtrunc.f32 v11;
	vm1 =	vmand vm1, vm2  }
0xab: {  	v10 =	vtrunc.f32 v12;
	v9 =	vcvt.f32.s32 v9;
	vm0 =	vmand vm1, vm0  }
0xac: {  	v10 =	vcvt.f32.s32 v10;
	v8 =	vtrunc.f32 v8;
	v11 =	vsel vm0, $0x3F800000, v3  }
0xad: {  	v8 =	vcvt.f32.s32 v8;
	v12 =	vshrl.u32 v9, $0x3;
	v13 =	vshrl.u32 v9, $0x1;
	[tilespmem:s10+$0x2020] =	vst v11  }
0xae: {  	v9 =	vand.u32 $0x7, v9;
	v10 =	vshll.u32 v10, $0xF  }
0xaf: {  	s20 =	sadd.s32 $0x30, s16;
	v8 =	vshll.u32 v8, $0x7;
	[tilespmem:s10+$0x1C20] =	vst v9  }
0xb0: {  	v8 =	vadd.s32 v10, v8;
	v9 =	vand.u32 $0x40, v13;
	v10 =	vmov s20  }
0xb1: {  	v8 =	vor.u32 v8, v9;
	v9 =	vand.u32 $0xF, v12;
	v10 =	vshrl.u32 v10, $0x7  }
0xb2: {  	v8 =	vor.u32 v9, v8;
	v9 =	vor.u32 s20, v2;
	v10 =	vmul.u32 $0x180, v10  }
0xb3: {  	vm0 =	vgt.s32 v8, $0x0;
	v9 =	vand.u32 $0x78, v9  }
0xb4: {  	v8 =	vnsel vm0, $0x0, v8;
	v9 =	vor.u32 v10, v9  }
0xb5: {  	v8 =	vmin.u32 v8, $0x7FFFCF;
	v10 =	vor.u32 v1, v9;
	v11 =	vadd.s32 v4, v9  }
0xb6: {  	v12 =	vor.u32 $0x10, v8;
	v13 =	vor.u32 $0x20, v8;
	[tilespmem:s10+$0xC20] =	vst v8;
	v8 =	vor.u32 $0x30, v8  }
0xb7: {  	v9 =	vadd.s32 v5, v9;
	[tilespmem:s10+$0x1020] =	vst v12  }
0xb8: {  	[tilespmem:s10+$0x1820] =	vst v8  }
0xb9: {  	[tilespmem:s10+$0x1420] =	vst v13  }
0xba: {  	v8 =	vld.idx.msk [tilespmem:v11+s5+$0x0], $0xffff  }
0xbb: {  	v10 =	vld.idx.msk [tilespmem:v10+s5+$0x0], $0xffff  }
0xbc: {  	v11 =	vld.idx.msk [tilespmem:v9+s5+$0x0], $0xffff;
	_ =	sdelay $0x2  }
.Ltmp0:
0xbd: {  	(pc) =	sbr.rel @p0 .LBB2_2-.Ltmp0, $4  }
0xbe: {  	v12 =	vand.u32 $0x7FFFFFFF, v8  }
0xbf: {  	v14 =	vmul.f32 $2.560000000e+02, v8;
	v13 =	vmul.f32 $2.560000000e+02, v10;
	v8 =	vand.u32 $0x7FFFFFFF, v10  }
0xc0: {  	v9 =	vmul.f32 $2.560000000e+02, v11;
	vm0 =	vlt.f32 v8, $5.000000000e-01;
	v8 =	vand.u32 $0x7FFFFFFF, v11  }
0xc1: {  	vm1 =	vlt.f32 v12, $5.000000000e-01;
	v11 =	vadd.f32 $1.280000000e+02, v14;
	v10 =	vadd.f32 $1.280000000e+02, v13  }
0xc2: {  	v9 =	vadd.f32 $1.280000000e+02, v9  }
0xc3: {  	v10 =	vtrunc.f32 v10;
	v11 =	vtrunc.f32 v11  }
0xc4: {  	v11 =	vcvt.f32.s32 v11;
	v9 =	vtrunc.f32 v9  }
0xc5: {  	v10 =	vcvt.f32.s32 v10;
	v9 =	vcvt.f32.s32 v9  }
0xc6: {  	vm0 =	vmand vm0, vm1  }
0xc7: {  	v11 =	vshll.u32 v11, $0x7;
	v10 =	vshll.u32 v10, $0xF;
	v12 =	vshrl.u32 v9, $0x1  }
0xc8: {  	v10 =	vadd.s32 v10, v11;
	v59 =	vshrl.u32 v9, $0x3;
	v12 =	vand.u32 $0x40, v12  }
0xc9: {  	vm14 =	vlt.f32 v8, $5.000000000e-01;
	v60 =	vand.u32 $0xF, v59;
	v8 =	vor.u32 v10, v12  }
0xca: {  	vm0 =	vmand vm0, vm14;
	v8 =	vor.u32 v60, v8  }
0xcb: {  	v61 =	vsel vm0, $0x3F800000, v3;
	vm15 =	vgt.s32 v8, $0x0  }
0xcc: {  	[tilespmem:s10+$0x2030] =	vst v61;
	v9 =	vand.u32 $0x7, v9;
	v8 =	vnsel vm15, $0x0, v8  }
0xcd: {  	[tilespmem:s10+$0x1C30] =	vst v9;
	v8 =	vmin.u32 v8, $0x7FFFCF  }
0xce: {  	[tilespmem:s10+$0xC30] =	vst v8;
	v62 =	vor.u32 $0x10, v8  }
0xcf: {  	v63 =	vor.u32 $0x30, v8;
	[tilespmem:s10+$0x1030] =	vst v62  }
0xd0: {  	v8 =	vor.u32 $0x20, v8;
	[tilespmem:s10+$0x1830] =	vst v63  }
0xd1: {  	s23 =	simm.s32 $0xC00;
	[tilespmem:s10+$0x1430] =	vst v8  }
0xd2: {  	[tilespmem:s15], [sflag:$0x1] =	stream.indirect.gather [hbm4b:s2+s13], $0x8, s23, s13, $0xb8;
	[tilespmem:$0x15C00] =	vst v63  }
0xd3: {  	s25 =	simm.s32 $0x1000  }
0xd4: {  	[tilespmem:s17], [sflag:$0x1] =	stream.indirect.gather [hbm4b:s2+s13], $0x8, s25, s13, $0xb8;
	[tilespmem:$0x15C00] =	vst v63  }
0xd5: {  	s28 =	simm.s32 $0x1400  }
0xd6: {  	[tilespmem:s19], [sflag:$0x1] =	stream.indirect.gather [hbm4b:s2+s13], $0x8, s28, s13, $0xb8;
	[tilespmem:$0x15C00] =	vst v63  }
0xd7: {  	s30 =	simm.s32 $0x1800;
	s14 =	simm.s32 $0x0;
	s16 =	simm.s32 $0x0  }
0xd8: {  	[tilespmem:s21], [sflag:$0x1] =	stream.indirect.gather [hbm4b:s2+s13], $0x8, s30, s13, $0xb8;
	[tilespmem:$0x15C00] =	vst v63  }
.LBB2_4:
0xd9: {  	v8 =	vmov s14  }
0xda: {  	s20 =	sshll.u32 s16, $0x4;
	v8 =	vshrl.u32 v8, $0x7  }
0xdb: {  	v9 =	vor.u32 s14, v2;
	s18 =	sor.u32 s9, s20;
	v8 =	vmul.u32 $0x180, v8  }
0xdc: {  	v9 =	vand.u32 $0x48, v9;
	s10 =	smul.u32 $0x30, s18  }
0xdd: {  	v8 =	vor.u32 v8, v9  }
0xde: {  	s10 =	sadd.s32 s1, s10;
	v8 =	vor.u32 v1, v8  }
0xdf: {  	[tilespmem:s22], [sflag:$0x3] =	stream.linear.gather [hbm4b:s10+s14], $0xC00, $0x38;
	v9 =	vadd.s32 $0x80, v8;
	[tilespmem:$0x15C00] =	vst v63  }
0xe0: {  	_ =	swait.ge [sflag:s12], $0xC00;
	v10 =	vadd.s32 $0x100, v8  }
0xe1: {  	[sflag:s12] =	ssyncset.done $0x0  }
0xe2: {  	[sflag:s12] =	ssyncadd.s32 $0xFFFFF400  }
0xe3: {  	v8 =	vld.idx.msk [tilespmem:v8+s22+$0x0], $0xffff  }
0xe4: {  	v9 =	vld.idx.msk [tilespmem:v9+s22+$0x0], $0xffff  }
0xe5: {  	v10 =	vld.idx.msk [tilespmem:v10+s22+$0x0], $0xffff;
	_ =	sdelay $0x2  }
0xe6: {  	v11 =	vmul.f32 $2.560000000e+02, v8  }
0xe7: {  	v8 =	vand.u32 $0x7FFFFFFF, v8;
	v12 =	vmul.f32 $2.560000000e+02, v9  }
0xe8: {  	v9 =	vand.u32 $0x7FFFFFFF, v9;
	v13 =	vmul.f32 $2.560000000e+02, v10;
	v11 =	vadd.f32 $1.280000000e+02, v11  }
0xe9: {  	vm0 =	vlt.f32 v8, $5.000000000e-01;
	vm1 =	vlt.f32 v9, $5.000000000e-01  }
0xea: {  	s25 =	simm.s32 $0x10;
	v8 =	vadd.f32 $1.280000000e+02, v12;
	v9 =	vtrunc.f32 v11;
	v11 =	vadd.f32 $1.280000000e+02, v13  }
0xeb: {  	v45 =	vor.u32 s25, v2;
	v10 =	vand.u32 $0x7FFFFFFF, v10;
	v9 =	vcvt.f32.s32 v9  }
0xec: {  	vm0 =	vmand vm0, vm1;
	v8 =	vtrunc.f32 v8;
	v11 =	vtrunc.f32 v11  }
0xed: {  	vm1 =	vlt.f32 v10, $5.000000000e-01;
	v8 =	vcvt.f32.s32 v8;
	v10 =	vcvt.f32.s32 v11  }
0xee: {  	v44 =	vmov s25;
	v12 =	vand.u32 $0x58, v45  }
0xef: {  	v9 =	vshll.u32 v9, $0xF;
	v8 =	vshll.u32 v8, $0x7;
	v43 =	vshrl.u32 v10, $0x1  }
0xf0: {  	v11 =	vshrl.u32 v10, $0x3;
	v8 =	vadd.s32 v9, v8;
	v9 =	vand.u32 $0x40, v43  }
0xf1: {  	v11 =	vand.u32 $0xF, v11;
	v8 =	vor.u32 v8, v9;
	v9 =	vshrl.u32 v44, $0x7  }
0xf2: {  	vm0 =	vmand vm0, vm1;
	v8 =	vor.u32 v11, v8;
	v9 =	vmul.u32 $0x180, v9  }
0xf3: {  	s10 =	simm.s32 $0x0;
	v10 =	vand.u32 $0x7, v10;
	v11 =	vsel vm0, $0x3F800000, v3;
	vm0 =	vgt.s32 v8, $0x0  }
0xf4: {  	[tilespmem:s10+$0xC000] =	vst v10;
	v8 =	vnsel vm0, $0x0, v8;
	v9 =	vor.u32 v9, v12  }
0xf5: {  	[tilespmem:s10+$0xC400] =	vst v11;
	v8 =	vmin.u32 v8, $0x7FFFCF;
	v10 =	vadd.s32 v5, v9  }
0xf6: {  	v11 =	vadd.s32 v4, v9;
	[tilespmem:s10+$0xB000] =	vst v8;
	v46 =	vor.u32 $0x30, v8  }
0xf7: {  	v9 =	vor.u32 v1, v9;
	v47 =	vor.u32 $0x10, v8;
	[tilespmem:s10+$0xBC00] =	vst v46  }
0xf8: {  	v8 =	vor.u32 $0x20, v8;
	[tilespmem:s10+$0xB400] =	vst v47  }
0xf9: {  	[tilespmem:s10+$0xB800] =	vst v8  }
0xfa: {  	v8 =	vld.idx.msk [tilespmem:v10+s22+$0x0], $0xffff  }
0xfb: {  	v10 =	vld.idx.msk [tilespmem:v11+s22+$0x0], $0xffff  }
0xfc: {  	v9 =	vld.idx.msk [tilespmem:v9+s22+$0x0], $0xffff;
	_ =	sdelay $0x3  }
0xfd: {  	v11 =	vmul.f32 $2.560000000e+02, v8;
	v48 =	vmul.f32 $2.560000000e+02, v10  }
0xfe: {  	v8 =	vand.u32 $0x7FFFFFFF, v8;
	v49 =	vmul.f32 $2.560000000e+02, v9  }
0xff: {  	v10 =	vand.u32 $0x7FFFFFFF, v10;
	v11 =	vadd.f32 $1.280000000e+02, v11;
	v12 =	vadd.f32 $1.280000000e+02, v48  }
0x100: {  	vm0 =	vlt.f32 v8, $5.000000000e-01;
	v8 =	vand.u32 $0x7FFFFFFF, v9;
	v9 =	vadd.f32 $1.280000000e+02, v49  }
0x101: {  	vm1 =	vlt.f32 v8, $5.000000000e-01;
	v8 =	vtrunc.f32 v11;
	v11 =	vtrunc.f32 v12  }
0x102: {  	vm2 =	vlt.f32 v10, $5.000000000e-01;
	v9 =	vtrunc.f32 v9;
	v8 =	vcvt.f32.s32 v8  }
0x103: {  	s23 =	simm.s32 $0x20;
	vm1 =	vmand vm1, vm2;
	v10 =	vcvt.f32.s32 v11;
	v9 =	vcvt.f32.s32 v9  }
0x104: {  	v51 =	vmov s23;
	vm0 =	vmand vm1, vm0  }
0x105: {  	v50 =	vshrl.u32 v8, $0x1;
	v10 =	vshll.u32 v10, $0x7;
	v9 =	vshll.u32 v9, $0xF  }
0x106: {  	v11 =	vshrl.u32 v8, $0x3;
	v9 =	vadd.s32 v9, v10;
	v10 =	vand.u32 $0x40, v50  }
0x107: {  	v9 =	vor.u32 v9, v10;
	v10 =	vand.u32 $0xF, v11;
	v11 =	vshrl.u32 v51, $0x7  }
0x108: {  	v9 =	vor.u32 v10, v9;
	v10 =	vor.u32 s23, v2;
	v11 =	vmul.u32 $0x180, v11  }
0x109: {  	v52 =	vsel vm0, $0x3F800000, v3;
	vm0 =	vgt.s32 v9, $0x0;
	v10 =	vand.u32 $0x68, v10  }
0x10a: {  	[tilespmem:s10+$0xC410] =	vst v52;
	v8 =	vand.u32 $0x7, v8;
	v9 =	vnsel vm0, $0x0, v9;
	v10 =	vor.u32 v11, v10  }
0x10b: {  	[tilespmem:s10+$0xC010] =	vst v8;
	v8 =	vmin.u32 v9, $0x7FFFCF;
	v9 =	vadd.s32 v5, v10  }
0x10c: {  	v11 =	vor.u32 v1, v10;
	[tilespmem:s10+$0xB010] =	vst v8;
	v53 =	vor.u32 $0x10, v8  }
0x10d: {  	v10 =	vadd.s32 v4, v10;
	v54 =	vor.u32 $0x30, v8;
	[tilespmem:s10+$0xB410] =	vst v53  }
0x10e: {  	v8 =	vor.u32 $0x20, v8;
	[tilespmem:s10+$0xBC10] =	vst v54  }
0x10f: {  	[tilespmem:s10+$0xB810] =	vst v8  }
0x110: {  	v8 =	vld.idx.msk [tilespmem:v9+s22+$0x0], $0xffff  }
0x111: {  	v9 =	vld.idx.msk [tilespmem:v11+s22+$0x0], $0xffff  }
0x112: {  	v10 =	vld.idx.msk [tilespmem:v10+s22+$0x0], $0xffff;
	_ =	sdelay $0x3  }
0x113: {  	v11 =	vmul.f32 $2.560000000e+02, v8;
	v55 =	vmul.f32 $2.560000000e+02, v9  }
0x114: {  	v8 =	vand.u32 $0x7FFFFFFF, v8;
	v56 =	vmul.f32 $2.560000000e+02, v10  }
0x115: {  	v9 =	vand.u32 $0x7FFFFFFF, v9;
	v11 =	vadd.f32 $1.280000000e+02, v11;
	v12 =	vadd.f32 $1.280000000e+02, v55  }
0x116: {  	vm0 =	vlt.f32 v8, $5.000000000e-01;
	v8 =	vand.u32 $0x7FFFFFFF, v10;
	v10 =	vadd.f32 $1.280000000e+02, v56  }
0x117: {  	vm1 =	vlt.f32 v9, $5.000000000e-01;
	v9 =	vtrunc.f32 v11;
	v11 =	vtrunc.f32 v12  }
0x118: {  	vm2 =	vlt.f32 v8, $5.000000000e-01;
	v8 =	vcvt.f32.s32 v9;
	v9 =	vtrunc.f32 v10  }
0x119: {  	s30 =	simm.s32 $0x30;
	vm1 =	vmand vm1, vm2;
	v10 =	vcvt.f32.s32 v11;
	v9 =	vcvt.f32.s32 v9  }
0x11a: {  	v58 =	vmov s30;
	vm0 =	vmand vm1, vm0  }
0x11b: {  	v57 =	vshrl.u32 v8, $0x1;
	v10 =	vshll.u32 v10, $0xF;
	v9 =	vshll.u32 v9, $0x7  }
0x11c: {  	v11 =	vshrl.u32 v8, $0x3;
	v9 =	vadd.s32 v10, v9;
	v10 =	vand.u32 $0x40, v57  }
0x11d: {  	v9 =	vor.u32 v9, v10;
	v10 =	vand.u32 $0xF, v11;
	v11 =	vshrl.u32 v58, $0x7  }
0x11e: {  	v9 =	vor.u32 v10, v9;
	v10 =	vor.u32 s30, v2;
	v11 =	vmul.u32 $0x180, v11  }
0x11f: {  	v59 =	vsel vm0, $0x3F800000, v3;
	vm0 =	vgt.s32 v9, $0x0;
	v10 =	vand.u32 $0x78, v10  }
0x120: {  	[tilespmem:s10+$0xC420] =	vst v59;
	v8 =	vand.u32 $0x7, v8;
	v9 =	vnsel vm0, $0x0, v9;
	v10 =	vor.u32 v11, v10  }
0x121: {  	[tilespmem:s10+$0xC020] =	vst v8;
	v8 =	vmin.u32 v9, $0x7FFFCF;
	v9 =	vadd.s32 v4, v10  }
0x122: {  	v11 =	vor.u32 v1, v10;
	[tilespmem:s10+$0xB020] =	vst v8;
	v60 =	vor.u32 $0x10, v8  }
0x123: {  	v10 =	vadd.s32 v5, v10;
	v61 =	vor.u32 $0x30, v8;
	[tilespmem:s10+$0xB420] =	vst v60  }
0x124: {  	v8 =	vor.u32 $0x20, v8;
	[tilespmem:s10+$0xBC20] =	vst v61  }
0x125: {  	[tilespmem:s10+$0xB820] =	vst v8  }
0x126: {  	v8 =	vld.idx.msk [tilespmem:v9+s22+$0x0], $0xffff  }
0x127: {  	v9 =	vld.idx.msk [tilespmem:v11+s22+$0x0], $0xffff  }
0x128: {  	v10 =	vld.idx.msk [tilespmem:v10+s22+$0x0], $0xffff;
	_ =	sdelay $0x2  }
0x129: {  	v62 =	vand.u32 $0x7FFFFFFF, v8  }
0x12a: {  	v11 =	vmul.f32 $2.560000000e+02, v9;
	v63 =	vmul.f32 $2.560000000e+02, v8;
	v8 =	vand.u32 $0x7FFFFFFF, v9  }
0x12b: {  	v9 =	vmul.f32 $2.560000000e+02, v10;
	vm0 =	vlt.f32 v8, $5.000000000e-01;
	v8 =	vand.u32 $0x7FFFFFFF, v10  }
0x12c: {  	s28 =	simm.s32 $0x0;
	s25 =	simm.s32 $0x0;
	s23 =	simm.s32 $0x0;
	vm1 =	vlt.f32 v62, $5.000000000e-01;
	v10 =	vadd.f32 $1.280000000e+02, v11;
	v11 =	vadd.f32 $1.280000000e+02, v63  }
.LBB2_5:
0x12d: {  	s23 =	sadd.s32 $0x4, s23;
	v9 =	vadd.f32 $1.280000000e+02, v9;
	vm0 =	vmand vm0, vm1;
	vm1 =	vlt.f32 v8, $5.000000000e-01;
	s25 =	sadd.s32 $0x40, s25;
	s28 =	sadd.s32 $0x100, s28  }
0x12e: {  	p0 =	slt.u32 s23, $0x3C;
	v8 =	vtrunc.f32 v10;
	v10 =	vtrunc.f32 v11;
	vm0 =	vmand vm0, vm1  }
0x12f: {  	v10 =	vcvt.f32.s32 v10;
	v9 =	vtrunc.f32 v9;
	v11 =	vsel vm0, $0x3F800000, v3  }
0x130: {  	v8 =	vcvt.f32.s32 v8;
	v9 =	vcvt.f32.s32 v9;
	[tilespmem:s10+$0xC430] =	vst v11  }
0x131: {  	v10 =	vshll.u32 v10, $0x7  }
0x132: {  	v8 =	vshll.u32 v8, $0xF;
	v11 =	vshrl.u32 v9, $0x1;
	v12 =	vand.u32 $0x7, v9  }
0x133: {  	v9 =	vshrl.u32 v9, $0x3;
	v8 =	vadd.s32 v8, v10;
	v10 =	vand.u32 $0x40, v11;
	[tilespmem:s10+$0xC030] =	vst v12  }
0x134: {  	v11 =	vmov s25;
	v9 =	vand.u32 $0xF, v9;
	v8 =	vor.u32 v8, v10  }
0x135: {  	v10 =	vshrl.u32 v11, $0x7;
	v8 =	vor.u32 v9, v8  }
0x136: {  	v9 =	vor.u32 s25, v2;
	v10 =	vmul.u32 $0x180, v10;
	vm0 =	vgt.s32 v8, $0x0  }
0x137: {  	v9 =	vand.u32 $0x48, v9;
	v8 =	vnsel vm0, $0x0, v8  }
0x138: {  	v9 =	vor.u32 v10, v9;
	v8 =	vmin.u32 v8, $0x7FFFCF  }
0x139: {  	v9 =	vor.u32 v1, v9;
	[tilespmem:s10+$0xB030] =	vst v8;
	v10 =	vor.u32 $0x10, v8;
	v11 =	vor.u32 $0x20, v8  }
0x13a: {  	v12 =	vadd.s32 $0x80, v9;
	v13 =	vadd.s32 $0x100, v9;
	v8 =	vor.u32 $0x30, v8;
	[tilespmem:s10+$0xB430] =	vst v10  }
0x13b: {  	[tilespmem:s10+$0xBC30] =	vst v8  }
0x13c: {  	[tilespmem:s10+$0xB830] =	vst v11;
	_ =	sdelay $0x1  }
0x13d: {  	v8 =	vld.idx.msk [tilespmem:v9+s22+$0x0], $0xffff  }
0x13e: {  	v9 =	vld.idx.msk [tilespmem:v12+s22+$0x0], $0xffff  }
0x13f: {  	v10 =	vld.idx.msk [tilespmem:v13+s22+$0x0], $0xffff;
	_ =	sdelay $0x3  }
0x140: {  	v11 =	vmul.f32 $2.560000000e+02, v8;
	v8 =	vand.u32 $0x7FFFFFFF, v8  }
0x141: {  	v12 =	vmul.f32 $2.560000000e+02, v9;
	vm0 =	vlt.f32 v8, $5.000000000e-01;
	v8 =	vand.u32 $0x7FFFFFFF, v9  }
0x142: {  	v9 =	vadd.f32 $1.280000000e+02, v11;
	v11 =	vmul.f32 $2.560000000e+02, v10;
	vm1 =	vlt.f32 v8, $5.000000000e-01  }
0x143: {  	v10 =	vand.u32 $0x7FFFFFFF, v10;
	v8 =	vadd.f32 $1.280000000e+02, v12;
	vm0 =	vmand vm0, vm1  }
0x144: {  	vm1 =	vlt.f32 v10, $5.000000000e-01;
	v9 =	vtrunc.f32 v9;
	v11 =	vadd.f32 $1.280000000e+02, v11  }
0x145: {  	vm0 =	vmand vm0, vm1;
	v9 =	vcvt.f32.s32 v9;
	v8 =	vtrunc.f32 v8  }
0x146: {  	v8 =	vcvt.f32.s32 v8;
	v10 =	vtrunc.f32 v11;
	v11 =	vsel vm0, $0x3F800000, v3  }
0x147: {  	v10 =	vcvt.f32.s32 v10  }
0x148: {  	v9 =	vshll.u32 v9, $0xF;
	v8 =	vshll.u32 v8, $0x7  }
0x149: {  	s10 =	sadd.s32 $0x10, s25;
	v12 =	vshrl.u32 v10, $0x3;
	v8 =	vadd.s32 v9, v8;
	v9 =	vshrl.u32 v10, $0x1  }
0x14a: {  	v13 =	vmov s10;
	v9 =	vand.u32 $0x40, v9;
	v12 =	vand.u32 $0xF, v12  }
0x14b: {  	v8 =	vor.u32 v8, v9;
	v9 =	vshrl.u32 v13, $0x7;
	v13 =	vor.u32 s10, v2  }
0x14c: {  	v8 =	vor.u32 v12, v8;
	v9 =	vmul.u32 $0x180, v9  }
0x14d: {  	s10 =	sshra.s32 s28, $0x2;
	v12 =	vand.u32 $0x58, v13;
	vm0 =	vgt.s32 v8, $0x0  }
0x14e: {  	v10 =	vand.u32 $0x7, v10;
	v8 =	vnsel vm0, $0x0, v8;
	v9 =	vor.u32 v9, v12;
	[tilespmem:s10+$0xC400] =	vst v11  }
0x14f: {  	v8 =	vmin.u32 v8, $0x7FFFCF;
	v11 =	vadd.s32 v5, v9;
	[tilespmem:s10+$0xC000] =	vst v10;
	v10 =	vadd.s32 v4, v9  }
0x150: {  	v12 =	vor.u32 $0x10, v8;
	v13 =	vor.u32 $0x20, v8;
	[tilespmem:s10+$0xB000] =	vst v8;
	v8 =	vor.u32 $0x30, v8  }
0x151: {  	[tilespmem:s10+$0xBC00] =	vst v8;
	v8 =	vor.u32 v1, v9  }
0x152: {  	[tilespmem:s10+$0xB400] =	vst v12  }
0x153: {  	[tilespmem:s10+$0xB800] =	vst v13  }
0x154: {  	v9 =	vld.idx.msk [tilespmem:v11+s22+$0x0], $0xffff  }
0x155: {  	v10 =	vld.idx.msk [tilespmem:v10+s22+$0x0], $0xffff  }
0x156: {  	v8 =	vld.idx.msk [tilespmem:v8+s22+$0x0], $0xffff;
	_ =	sdelay $0x3  }
0x157: {  	v11 =	vmul.f32 $2.560000000e+02, v9;
	v9 =	vand.u32 $0x7FFFFFFF, v9  }
0x158: {  	v12 =	vmul.f32 $2.560000000e+02, v10;
	v10 =	vand.u32 $0x7FFFFFFF, v10;
	vm0 =	vlt.f32 v9, $5.000000000e-01  }
0x159: {  	v9 =	vmul.f32 $2.560000000e+02, v8;
	v11 =	vadd.f32 $1.280000000e+02, v11;
	v8 =	vand.u32 $0x7FFFFFFF, v8  }
0x15a: {  	vm2 =	vlt.f32 v10, $5.000000000e-01;
	v12 =	vadd.f32 $1.280000000e+02, v12;
	vm1 =	vlt.f32 v8, $5.000000000e-01  }
0x15b: {  	v8 =	vadd.f32 $1.280000000e+02, v9;
	v9 =	vtrunc.f32 v11;
	vm1 =	vmand vm1, vm2  }
0x15c: {  	v10 =	vtrunc.f32 v12;
	v9 =	vcvt.f32.s32 v9;
	vm0 =	vmand vm1, vm0  }
0x15d: {  	v8 =	vtrunc.f32 v8;
	v10 =	vcvt.f32.s32 v10;
	v11 =	vsel vm0, $0x3F800000, v3  }
0x15e: {  	v8 =	vcvt.f32.s32 v8;
	v12 =	vshrl.u32 v9, $0x3;
	v13 =	vshrl.u32 v9, $0x1;
	[tilespmem:s10+$0xC410] =	vst v11  }
0x15f: {  	v9 =	vand.u32 $0x7, v9;
	v10 =	vshll.u32 v10, $0x7  }
0x160: {  	s30 =	sadd.s32 $0x20, s25;
	v8 =	vshll.u32 v8, $0xF;
	[tilespmem:s10+$0xC010] =	vst v9  }
0x161: {  	v8 =	vadd.s32 v8, v10;
	v9 =	vand.u32 $0x40, v13;
	v10 =	vmov s30  }
0x162: {  	v8 =	vor.u32 v8, v9;
	v9 =	vand.u32 $0xF, v12;
	v10 =	vshrl.u32 v10, $0x7  }
0x163: {  	v8 =	vor.u32 v9, v8;
	v9 =	vor.u32 s30, v2;
	v10 =	vmul.u32 $0x180, v10  }
0x164: {  	vm0 =	vgt.s32 v8, $0x0;
	v9 =	vand.u32 $0x68, v9  }
0x165: {  	v8 =	vnsel vm0, $0x0, v8;
	v9 =	vor.u32 v10, v9  }
0x166: {  	v8 =	vmin.u32 v8, $0x7FFFCF;
	v10 =	vor.u32 v1, v9;
	v11 =	vadd.s32 v5, v9  }
0x167: {  	v12 =	vor.u32 $0x10, v8;
	v13 =	vor.u32 $0x20, v8;
	[tilespmem:s10+$0xB010] =	vst v8;
	v8 =	vor.u32 $0x30, v8  }
0x168: {  	v9 =	vadd.s32 v4, v9;
	[tilespmem:s10+$0xB410] =	vst v12  }
0x169: {  	[tilespmem:s10+$0xBC10] =	vst v8  }
0x16a: {  	[tilespmem:s10+$0xB810] =	vst v13  }
0x16b: {  	v8 =	vld.idx.msk [tilespmem:v11+s22+$0x0], $0xffff  }
0x16c: {  	v10 =	vld.idx.msk [tilespmem:v10+s22+$0x0], $0xffff  }
0x16d: {  	v9 =	vld.idx.msk [tilespmem:v9+s22+$0x0], $0xffff;
	_ =	sdelay $0x3  }
0x16e: {  	v11 =	vmul.f32 $2.560000000e+02, v8;
	v8 =	vand.u32 $0x7FFFFFFF, v8  }
0x16f: {  	v12 =	vmul.f32 $2.560000000e+02, v10;
	v10 =	vand.u32 $0x7FFFFFFF, v10;
	vm0 =	vlt.f32 v8, $5.000000000e-01  }
0x170: {  	v8 =	vmul.f32 $2.560000000e+02, v9;
	v11 =	vadd.f32 $1.280000000e+02, v11;
	v9 =	vand.u32 $0x7FFFFFFF, v9  }
0x171: {  	vm1 =	vlt.f32 v10, $5.000000000e-01;
	v12 =	vadd.f32 $1.280000000e+02, v12;
	vm2 =	vlt.f32 v9, $5.000000000e-01  }
0x172: {  	v8 =	vadd.f32 $1.280000000e+02, v8;
	v9 =	vtrunc.f32 v11;
	vm1 =	vmand vm1, vm2  }
0x173: {  	v10 =	vtrunc.f32 v12;
	v9 =	vcvt.f32.s32 v9;
	vm0 =	vmand vm1, vm0  }
0x174: {  	v10 =	vcvt.f32.s32 v10;
	v8 =	vtrunc.f32 v8;
	v11 =	vsel vm0, $0x3F800000, v3  }
0x175: {  	v8 =	vcvt.f32.s32 v8;
	v12 =	vshrl.u32 v9, $0x3;
	v13 =	vshrl.u32 v9, $0x1;
	[tilespmem:s10+$0xC420] =	vst v11  }
0x176: {  	v9 =	vand.u32 $0x7, v9;
	v10 =	vshll.u32 v10, $0xF  }
0x177: {  	s30 =	sadd.s32 $0x30, s25;
	v8 =	vshll.u32 v8, $0x7;
	[tilespmem:s10+$0xC020] =	vst v9  }
0x178: {  	v8 =	vadd.s32 v10, v8;
	v9 =	vand.u32 $0x40, v13;
	v10 =	vmov s30  }
0x179: {  	v8 =	vor.u32 v8, v9;
	v9 =	vand.u32 $0xF, v12;
	v10 =	vshrl.u32 v10, $0x7  }
0x17a: {  	v8 =	vor.u32 v9, v8;
	v9 =	vor.u32 s30, v2;
	v10 =	vmul.u32 $0x180, v10  }
0x17b: {  	vm0 =	vgt.s32 v8, $0x0;
	v9 =	vand.u32 $0x78, v9  }
0x17c: {  	v8 =	vnsel vm0, $0x0, v8;
	v9 =	vor.u32 v10, v9  }
0x17d: {  	v8 =	vmin.u32 v8, $0x7FFFCF;
	v10 =	vor.u32 v1, v9;
	v11 =	vadd.s32 v4, v9  }
0x17e: {  	v12 =	vor.u32 $0x10, v8;
	v13 =	vor.u32 $0x20, v8;
	[tilespmem:s10+$0xB020] =	vst v8;
	v8 =	vor.u32 $0x30, v8  }
0x17f: {  	v9 =	vadd.s32 v5, v9;
	[tilespmem:s10+$0xB420] =	vst v12  }
0x180: {  	[tilespmem:s10+$0xBC20] =	vst v8  }
0x181: {  	[tilespmem:s10+$0xB820] =	vst v13  }
0x182: {  	v8 =	vld.idx.msk [tilespmem:v11+s22+$0x0], $0xffff  }
0x183: {  	v10 =	vld.idx.msk [tilespmem:v10+s22+$0x0], $0xffff  }
0x184: {  	v11 =	vld.idx.msk [tilespmem:v9+s22+$0x0], $0xffff;
	_ =	sdelay $0x2  }
.Ltmp1:
0x185: {  	(pc) =	sbr.rel @p0 .LBB2_5-.Ltmp1, $4  }
0x186: {  	v12 =	vand.u32 $0x7FFFFFFF, v8  }
0x187: {  	v14 =	vmul.f32 $2.560000000e+02, v8;
	v13 =	vmul.f32 $2.560000000e+02, v10;
	v8 =	vand.u32 $0x7FFFFFFF, v10  }
0x188: {  	v9 =	vmul.f32 $2.560000000e+02, v11;
	vm0 =	vlt.f32 v8, $5.000000000e-01;
	v8 =	vand.u32 $0x7FFFFFFF, v11  }
0x189: {  	vm1 =	vlt.f32 v12, $5.000000000e-01;
	v11 =	vadd.f32 $1.280000000e+02, v14;
	v10 =	vadd.f32 $1.280000000e+02, v13  }
0x18a: {  	v9 =	vadd.f32 $1.280000000e+02, v9  }
0x18b: {  	v10 =	vtrunc.f32 v10;
	v11 =	vtrunc.f32 v11  }
0x18c: {  	v11 =	vcvt.f32.s32 v11;
	v9 =	vtrunc.f32 v9  }
0x18d: {  	v10 =	vcvt.f32.s32 v10;
	v9 =	vcvt.f32.s32 v9;
	_ =	sdelay $0x1  }
0x18e: {  	v11 =	vshll.u32 v11, $0x7;
	v10 =	vshll.u32 v10, $0xF;
	v12 =	vshrl.u32 v9, $0x1  }
0x18f: {  	v13 =	vshrl.u32 v9, $0x3;
	v10 =	vadd.s32 v10, v11;
	v11 =	vand.u32 $0x40, v12  }
0x190: {  	vm14 =	vlt.f32 v8, $5.000000000e-01;
	v8 =	vor.u32 v10, v11;
	v10 =	vand.u32 $0xF, v13  }
0x191: {  	vm0 =	vmand vm0, vm1;
	v8 =	vor.u32 v10, v8  }
0x192: {  	vm0 =	vmand vm0, vm14;
	v9 =	vand.u32 $0x7, v9;
	vm15 =	vgt.s32 v8, $0x0  }
0x193: {  	[tilespmem:s10+$0xC030] =	vst v9;
	v10 =	vsel vm0, $0x3F800000, v3;
	v8 =	vnsel vm15, $0x0, v8  }
0x194: {  	[tilespmem:s10+$0xC430] =	vst v10;
	v8 =	vmin.u32 v8, $0x7FFFCF  }
0x195: {  	[tilespmem:s10+$0xB030] =	vst v8;
	v9 =	vor.u32 $0x10, v8  }
0x196: {  	[tilespmem:s10+$0xB430] =	vst v9;
	v9 =	vor.u32 $0x30, v8  }
0x197: {  	v8 =	vor.u32 $0x20, v8;
	[tilespmem:s10+$0xBC30] =	vst v9  }
0x198: {  	s25 =	simm.s32 $0xB000;
	[tilespmem:s10+$0xB830] =	vst v8  }
0x199: {  	[tilespmem:s24], [sflag:$0x2] =	stream.indirect.gather [hbm4b:s2+s13], $0x8, s25, s13, $0xb8;
	[tilespmem:$0x15C00] =	vst v63  }
0x19a: {  	s30 =	simm.s32 $0xB400  }
0x19b: {  	[tilespmem:s26], [sflag:$0x2] =	stream.indirect.gather [hbm4b:s2+s13], $0x8, s30, s13, $0xb8;
	[tilespmem:$0x15C00] =	vst v63  }
0x19c: {  	s23 =	simm.s32 $0xB800  }
0x19d: {  	[tilespmem:s29], [sflag:$0x2] =	stream.indirect.gather [hbm4b:s2+s13], $0x8, s23, s13, $0xb8;
	[tilespmem:$0x15C00] =	vst v63  }
0x19e: {  	s25 =	simm.s32 $0xBC00  }
0x19f: {  	[tilespmem:s31], [sflag:$0x2] =	stream.indirect.gather [hbm4b:s2+s13], $0x8, s25, s13, $0xb8;
	[tilespmem:$0x15C00] =	vst v63  }
0x1a0: {  	_ =	swait.ge [sflag:s3], $0x2000  }
0x1a1: {  	[sflag:s3] =	ssyncset.done $0x0  }
0x1a2: {  	[sflag:s3] =	ssyncadd.s32 $0xFFFFE000  }
0x1a3: {  	_ =	swait.ge [sflag:s3], $0x2000  }
0x1a4: {  	[sflag:s3] =	ssyncset.done $0x0  }
0x1a5: {  	[sflag:s3] =	ssyncadd.s32 $0xFFFFE000  }
0x1a6: {  	_ =	swait.ge [sflag:s3], $0x2000  }
0x1a7: {  	[sflag:s3] =	ssyncset.done $0x0  }
0x1a8: {  	[sflag:s3] =	ssyncadd.s32 $0xFFFFE000  }
0x1a9: {  	_ =	swait.ge [sflag:s3], $0x2000  }
0x1aa: {  	[sflag:s3] =	ssyncset.done $0x0  }
0x1ab: {  	s25 =	simm.s32 $0x1C20;
	[sflag:s3] =	ssyncadd.s32 $0xFFFFE000  }
0x1ac: {  	v8 =	vld [tilespmem:s25+$0xFFFFFFE0];
	_ =	sdelay $0x2  }
0x1ad: {  	s10 =	simm.s32 $0x0  }
0x1ae: {  	v9 =	vor.u32 s10, v0  }
0x1af: {  	v11 =	vshll.u32 v9, $0x3;
	v10 =	vand.u32 $0xFFFFFFF8, v8  }
0x1b0: {  	v8 =	vand.u32 $0x7, v8;
	v10 =	vadd.s32 v11, v10  }
0x1b1: {  	v8 =	vor.u32 v8, v10;
	_ =	sdelay $0x2  }
0x1b2: {  	s23 =	simm.s32 $0x2020  }
0x1b3: {  	v10 =	vld [tilespmem:s23+$0xFFFFFFE0]  }
0x1b4: {  	v11 =	vld.idx.msk [tilespmem:v8+s15+$0x0], $0xffff  }
0x1b5: {  	v44 =	vld.idx.msk [tilespmem:v8+s17+$0x0], $0xffff  }
0x1b6: {  	v45 =	vld.idx.msk [tilespmem:v8+s19+$0x0], $0xffff;
	_ =	sdelay $0x2  }
0x1b7: {  	v11 =	vmul.f32 v11, v10  }
0x1b8: {  	v12 =	vmul.f32 v44, v10  }
0x1b9: {  	v13 =	vmul.f32 v45, v10;
	v11 =	vsub.f32 $0.0e+00, v11  }
0x1ba: {  	v12 =	vsub.f32 $0.0e+00, v12  }
0x1bb: {  	v13 =	vsub.f32 $0.0e+00, v13;
	v11 =	vmul.f32 $1.442695020e+00, v11  }
0x1bc: {  	v12 =	vmul.f32 $1.442695020e+00, v12  }
0x1bd: {  	v13 =	vmul.f32 $1.442695020e+00, v13;
	(erf) = vpow2.f32 v11  }
0x1be: {  	(erf) = vpow2.f32 v12  }
0x1bf: {  	(erf) = vpow2.f32 v13;
	_ =	sdelay $0x6  }
0x1c0: {  	v11 =	vpop (erf)  }
0x1c1: {  	v11 =	vadd.f32 $1.000000000e+00, v11;
	v12 =	vpop (erf)  }
0x1c2: {  	v12 =	vadd.f32 $1.000000000e+00, v12;
	v13 =	vpop (erf)  }
0x1c3: {  	v13 =	vadd.f32 $1.000000000e+00, v13;
	(erf) = vrcp.f32 v11  }
0x1c4: {  	(erf) = vrcp.f32 v12  }
0x1c5: {  	v11 =	vmov s10;
	(erf) = vrcp.f32 v13  }
0x1c6: {  	v46 =	vshll.u32 v11, $0x2  }
0x1c7: {  	v47 =	vand.u32 $0x48, v9;
	v9 =	vand.u32 v6, v9;
	v14 =	vand.u32 $0xE00, v46  }
0x1c8: {  	v8 =	vld.idx.msk [tilespmem:v8+s21+$0x0], $0xffff;
	v15 =	vor.u32 v14, v47;
	v14 =	vor.u32 v14, v9  }
0x1c9: {  	v11 =	vand.u32 $0x380, v11;
	v12 =	vor.u32 v47, v46;
	v48 =	vor.u32 v4, v15  }
0x1ca: {  	v12 =	vor.u32 v5, v12  }
0x1cb: {  	v9 =	vor.u32 v11, v9  }
0x1cc: {  	v11 =	vpop (erf)  }
0x1cd: {  	v8 =	vmul.f32 v8, v10;
	[tilespmem:v14+s0+$0x0] =	vst.idx.msk $0xffff, v11;
	v10 =	vpop (erf)  }
0x1ce: {  	[tilespmem:v48+s0+$0x0] =	vst.idx.msk $0xffff, v10;
	v10 =	vpop (erf)  }
0x1cf: {  	v8 =	vmax.f32 v8, $0.0e+00;
	[tilespmem:v12+s0+$0x0] =	vst.idx.msk $0xffff, v10  }
0x1d0: {  	[tilespmem:v9+s7+$0x0] =	vst.idx.msk $0xffff, v8  }
0x1d1: {  	v8 =	vld [tilespmem:s25+$0xFFFFFFF0];
	_ =	sdelay $0x2  }
0x1d2: {  	s28 =	simm.s32 $0x10  }
0x1d3: {  	v9 =	vor.u32 s28, v0  }
0x1d4: {  	v11 =	vshll.u32 v9, $0x3;
	v10 =	vand.u32 $0xFFFFFFF8, v8  }
0x1d5: {  	v8 =	vand.u32 $0x7, v8;
	v10 =	vadd.s32 v11, v10  }
0x1d6: {  	v8 =	vor.u32 v8, v10;
	_ =	sdelay $0x3  }
0x1d7: {  	v10 =	vld [tilespmem:s23+$0xFFFFFFF0]  }
0x1d8: {  	v11 =	vld.idx.msk [tilespmem:v8+s15+$0x0], $0xffff  }
0x1d9: {  	v12 =	vld.idx.msk [tilespmem:v8+s17+$0x0], $0xffff  }
0x1da: {  	v13 =	vld.idx.msk [tilespmem:v8+s19+$0x0], $0xffff;
	_ =	sdelay $0x2  }
0x1db: {  	v11 =	vmul.f32 v11, v10  }
0x1dc: {  	v12 =	vmul.f32 v12, v10  }
0x1dd: {  	v13 =	vmul.f32 v13, v10;
	v11 =	vsub.f32 $0.0e+00, v11  }
0x1de: {  	v12 =	vsub.f32 $0.0e+00, v12  }
0x1df: {  	v13 =	vsub.f32 $0.0e+00, v13;
	v11 =	vmul.f32 $1.442695020e+00, v11  }
0x1e0: {  	v12 =	vmul.f32 $1.442695020e+00, v12  }
0x1e1: {  	v13 =	vmul.f32 $1.442695020e+00, v13;
	(erf) = vpow2.f32 v11  }
0x1e2: {  	(erf) = vpow2.f32 v12  }
0x1e3: {  	(erf) = vpow2.f32 v13;
	_ =	sdelay $0x6  }
0x1e4: {  	v11 =	vpop (erf)  }
0x1e5: {  	v11 =	vadd.f32 $1.000000000e+00, v11;
	v12 =	vpop (erf)  }
0x1e6: {  	v12 =	vadd.f32 $1.000000000e+00, v12;
	v13 =	vpop (erf)  }
0x1e7: {  	v13 =	vadd.f32 $1.000000000e+00, v13;
	(erf) = vrcp.f32 v11  }
0x1e8: {  	(erf) = vrcp.f32 v12  }
0x1e9: {  	v11 =	vmov s28;
	(erf) = vrcp.f32 v13  }
0x1ea: {  	v49 =	vshll.u32 v11, $0x2  }
0x1eb: {  	v50 =	vand.u32 $0x58, v9;
	v9 =	vand.u32 v7, v9;
	v12 =	vand.u32 $0xE00, v49  }
0x1ec: {  	v8 =	vld.idx.msk [tilespmem:v8+s21+$0x0], $0xffff;
	v13 =	vor.u32 v12, v50;
	v12 =	vor.u32 v12, v9  }
0x1ed: {  	v11 =	vand.u32 $0x380, v11;
	v51 =	vor.u32 v4, v13  }
0x1ee: {  	v13 =	vor.u32 v5, v13  }
0x1ef: {  	v9 =	vor.u32 v11, v9  }
0x1f0: {  	v11 =	vpop (erf)  }
0x1f1: {  	v8 =	vmul.f32 v8, v10;
	[tilespmem:v12+s0+$0x0] =	vst.idx.msk $0xffff, v11;
	v10 =	vpop (erf)  }
0x1f2: {  	[tilespmem:v51+s0+$0x0] =	vst.idx.msk $0xffff, v10;
	v10 =	vpop (erf)  }
0x1f3: {  	v8 =	vmax.f32 v8, $0.0e+00;
	[tilespmem:v13+s0+$0x0] =	vst.idx.msk $0xffff, v10  }
0x1f4: {  	[tilespmem:v9+s7+$0x0] =	vst.idx.msk $0xffff, v8  }
0x1f5: {  	v8 =	vld [tilespmem:s25+$0x0];
	_ =	sdelay $0x2  }
0x1f6: {  	s28 =	simm.s32 $0x20  }
0x1f7: {  	v9 =	vor.u32 s28, v0  }
0x1f8: {  	v11 =	vshll.u32 v9, $0x3;
	v10 =	vand.u32 $0xFFFFFFF8, v8  }
0x1f9: {  	v8 =	vand.u32 $0x7, v8;
	v10 =	vadd.s32 v11, v10  }
0x1fa: {  	v10 =	vor.u32 v8, v10;
	_ =	sdelay $0x3  }
0x1fb: {  	v11 =	vld [tilespmem:s23+$0x0]  }
0x1fc: {  	v8 =	vld.idx.msk [tilespmem:v10+s15+$0x0], $0xffff  }
0x1fd: {  	v12 =	vld.idx.msk [tilespmem:v10+s17+$0x0], $0xffff  }
0x1fe: {  	v13 =	vld.idx.msk [tilespmem:v10+s19+$0x0], $0xffff;
	_ =	sdelay $0x2  }
0x1ff: {  	v8 =	vmul.f32 v8, v11  }
0x200: {  	v12 =	vmul.f32 v12, v11  }
0x201: {  	v13 =	vmul.f32 v13, v11;
	v8 =	vsub.f32 $0.0e+00, v8  }
0x202: {  	v12 =	vsub.f32 $0.0e+00, v12  }
0x203: {  	v13 =	vsub.f32 $0.0e+00, v13;
	v8 =	vmul.f32 $1.442695020e+00, v8  }
0x204: {  	v12 =	vmul.f32 $1.442695020e+00, v12  }
0x205: {  	v13 =	vmul.f32 $1.442695020e+00, v13;
	(erf) = vpow2.f32 v8  }
0x206: {  	(erf) = vpow2.f32 v12  }
0x207: {  	(erf) = vpow2.f32 v13;
	_ =	sdelay $0x6  }
0x208: {  	v8 =	vpop (erf)  }
0x209: {  	v8 =	vadd.f32 $1.000000000e+00, v8;
	v12 =	vpop (erf)  }
0x20a: {  	v12 =	vadd.f32 $1.000000000e+00, v12;
	v13 =	vpop (erf)  }
0x20b: {  	v13 =	vadd.f32 $1.000000000e+00, v13;
	(erf) = vrcp.f32 v8  }
0x20c: {  	(erf) = vrcp.f32 v12  }
0x20d: {  	v52 =	vmov s28;
	(erf) = vrcp.f32 v13  }
0x20e: {  	v53 =	vshll.u32 v52, $0x2;
	v8 =	vor.u32 $0x68, v0  }
0x20f: {  	v54 =	vand.u32 $0x68, v9;
	v9 =	vand.u32 v8, v9;
	v13 =	vand.u32 $0xE00, v53  }
0x210: {  	v10 =	vld.idx.msk [tilespmem:v10+s21+$0x0], $0xffff;
	v14 =	vor.u32 v13, v54;
	v13 =	vor.u32 v13, v9  }
0x211: {  	v55 =	vor.u32 v4, v14  }
0x212: {  	v12 =	vand.u32 $0x380, v52;
	v14 =	vor.u32 v5, v14  }
0x213: {  	v9 =	vor.u32 v12, v9  }
0x214: {  	v56 =	vpop (erf)  }
0x215: {  	v10 =	vmul.f32 v10, v11;
	[tilespmem:v13+s0+$0x0] =	vst.idx.msk $0xffff, v56;
	v11 =	vpop (erf)  }
0x216: {  	[tilespmem:v55+s0+$0x0] =	vst.idx.msk $0xffff, v11;
	v11 =	vpop (erf)  }
0x217: {  	v10 =	vmax.f32 v10, $0.0e+00;
	[tilespmem:v14+s0+$0x0] =	vst.idx.msk $0xffff, v11  }
0x218: {  	[tilespmem:v9+s7+$0x0] =	vst.idx.msk $0xffff, v10  }
0x219: {  	v9 =	vld [tilespmem:s25+$0x10];
	_ =	sdelay $0x2  }
0x21a: {  	s30 =	simm.s32 $0x30  }
0x21b: {  	v10 =	vor.u32 s30, v0  }
0x21c: {  	v57 =	vshll.u32 v10, $0x3;
	v11 =	vand.u32 $0xFFFFFFF8, v9  }
0x21d: {  	v9 =	vand.u32 $0x7, v9;
	v11 =	vadd.s32 v57, v11  }
0x21e: {  	v11 =	vor.u32 v9, v11;
	_ =	sdelay $0x3  }
0x21f: {  	v58 =	vld [tilespmem:s23+$0x10]  }
0x220: {  	v9 =	vld.idx.msk [tilespmem:v11+s15+$0x0], $0xffff  }
0x221: {  	v13 =	vld.idx.msk [tilespmem:v11+s17+$0x0], $0xffff  }
0x222: {  	v14 =	vld.idx.msk [tilespmem:v11+s19+$0x0], $0xffff;
	_ =	sdelay $0x2  }
0x223: {  	v9 =	vmul.f32 v9, v58  }
0x224: {  	v13 =	vmul.f32 v13, v58  }
0x225: {  	v14 =	vmul.f32 v14, v58;
	v9 =	vsub.f32 $0.0e+00, v9  }
0x226: {  	v13 =	vsub.f32 $0.0e+00, v13  }
0x227: {  	v14 =	vsub.f32 $0.0e+00, v14;
	v9 =	vmul.f32 $1.442695020e+00, v9  }
0x228: {  	v13 =	vmul.f32 $1.442695020e+00, v13  }
0x229: {  	v14 =	vmul.f32 $1.442695020e+00, v14;
	(erf) = vpow2.f32 v9  }
0x22a: {  	(erf) = vpow2.f32 v13  }
0x22b: {  	(erf) = vpow2.f32 v14;
	_ =	sdelay $0x6  }
0x22c: {  	v9 =	vpop (erf)  }
0x22d: {  	v9 =	vadd.f32 $1.000000000e+00, v9;
	v13 =	vpop (erf)  }
0x22e: {  	v13 =	vadd.f32 $1.000000000e+00, v13;
	v14 =	vpop (erf)  }
0x22f: {  	v14 =	vadd.f32 $1.000000000e+00, v14;
	(erf) = vrcp.f32 v9  }
0x230: {  	(erf) = vrcp.f32 v13  }
0x231: {  	v59 =	vmov s30;
	(erf) = vrcp.f32 v14  }
0x232: {  	v60 =	vshll.u32 v59, $0x2;
	v9 =	vor.u32 $0x78, v0  }
0x233: {  	v61 =	vand.u32 $0x78, v10;
	v10 =	vand.u32 v9, v10;
	v14 =	vand.u32 $0xE00, v60  }
0x234: {  	v11 =	vld.idx.msk [tilespmem:v11+s21+$0x0], $0xffff;
	v15 =	vor.u32 v14, v61;
	v14 =	vor.u32 v14, v10  }
0x235: {  	v16 =	vor.u32 v4, v15  }
0x236: {  	v13 =	vand.u32 $0x380, v59;
	v15 =	vor.u32 v5, v15  }
0x237: {  	v10 =	vor.u32 v13, v10  }
0x238: {  	v17 =	vpop (erf)  }
0x239: {  	v11 =	vmul.f32 v11, v58;
	[tilespmem:v14+s0+$0x0] =	vst.idx.msk $0xffff, v17;
	v62 =	vpop (erf)  }
0x23a: {  	[tilespmem:v16+s0+$0x0] =	vst.idx.msk $0xffff, v62;
	v63 =	vpop (erf)  }
0x23b: {  	s28 =	simm.s32 $0x1C60;
	s25 =	simm.s32 $0x0;
	v11 =	vmax.f32 v11, $0.0e+00;
	[tilespmem:v15+s0+$0x0] =	vst.idx.msk $0xffff, v63  }
.LBB2_7:
0x23c: {  	s25 =	sadd.s32 $0x4, s25;
	[tilespmem:v10+s7+$0x0] =	vst.idx.msk $0xffff, v11;
	s10 =	sadd.s32 $0x40, s10;
	s23 =	sadd.s32 $0x40, s23  }
0x23d: {  	v10 =	vld [tilespmem:s28+$0xFFFFFFE0];
	p0 =	slt.u32 s25, $0x3C;
	_ =	sdelay $0x2  }
0x23e: {  	v11 =	vmov s10  }
0x23f: {  	v12 =	vor.u32 s10, v0;
	v13 =	vshll.u32 v11, $0x2  }
0x240: {  	v15 =	vshll.u32 v12, $0x3;
	v16 =	vand.u32 $0x48, v12;
	v14 =	vand.u32 $0xFFFFFFF8, v10  }
0x241: {  	v10 =	vand.u32 $0x7, v10;
	v14 =	vadd.s32 v15, v14;
	v15 =	vand.u32 $0xE00, v13  }
0x242: {  	v13 =	vor.u32 v16, v13;
	v10 =	vor.u32 v10, v14;
	v14 =	vor.u32 v15, v16;
	_ =	sdelay $0x3  }
0x243: {  	v16 =	vld [tilespmem:s23+$0xFFFFFFE0]  }
0x244: {  	v17 =	vld.idx.msk [tilespmem:v10+s15+$0x0], $0xffff  }
0x245: {  	v18 =	vld.idx.msk [tilespmem:v10+s17+$0x0], $0xffff  }
0x246: {  	v19 =	vld.idx.msk [tilespmem:v10+s19+$0x0], $0xffff;
	_ =	sdelay $0x3  }
0x247: {  	v17 =	vmul.f32 v17, v16  }
0x248: {  	v18 =	vmul.f32 v18, v16  }
0x249: {  	v19 =	vmul.f32 v19, v16;
	v17 =	vsub.f32 $0.0e+00, v17  }
0x24a: {  	v18 =	vsub.f32 $0.0e+00, v18  }
0x24b: {  	v17 =	vmul.f32 $1.442695020e+00, v17;
	v19 =	vsub.f32 $0.0e+00, v19  }
0x24c: {  	v18 =	vmul.f32 $1.442695020e+00, v18  }
0x24d: {  	v19 =	vmul.f32 $1.442695020e+00, v19;
	(erf) = vpow2.f32 v17  }
0x24e: {  	(erf) = vpow2.f32 v18  }
0x24f: {  	(erf) = vpow2.f32 v19;
	_ =	sdelay $0x6  }
0x250: {  	v17 =	vpop (erf)  }
0x251: {  	v17 =	vadd.f32 $1.000000000e+00, v17;
	v18 =	vpop (erf)  }
0x252: {  	v18 =	vadd.f32 $1.000000000e+00, v18;
	v19 =	vpop (erf)  }
0x253: {  	v19 =	vadd.f32 $1.000000000e+00, v19;
	(erf) = vrcp.f32 v17  }
0x254: {  	(erf) = vrcp.f32 v18  }
0x255: {  	(erf) = vrcp.f32 v19;
	_ =	sdelay $0x1  }
0x256: {  	v12 =	vand.u32 v6, v12;
	v10 =	vld.idx.msk [tilespmem:v10+s21+$0x0], $0xffff  }
0x257: {  	v15 =	vor.u32 v15, v12  }
0x258: {  	v14 =	vor.u32 v4, v14  }
0x259: {  	v11 =	vand.u32 $0x380, v11;
	v13 =	vor.u32 v5, v13  }
0x25a: {  	v11 =	vor.u32 v11, v12  }
0x25b: {  	v12 =	vpop (erf)  }
0x25c: {  	v10 =	vmul.f32 v10, v16;
	[tilespmem:v15+s0+$0x0] =	vst.idx.msk $0xffff, v12;
	v12 =	vpop (erf)  }
0x25d: {  	[tilespmem:v14+s0+$0x0] =	vst.idx.msk $0xffff, v12;
	v12 =	vpop (erf)  }
0x25e: {  	v10 =	vmax.f32 v10, $0.0e+00;
	[tilespmem:v13+s0+$0x0] =	vst.idx.msk $0xffff, v12  }
0x25f: {  	[tilespmem:v11+s7+$0x0] =	vst.idx.msk $0xffff, v10  }
0x260: {  	v10 =	vld [tilespmem:s28+$0xFFFFFFF0];
	_ =	sdelay $0x2  }
0x261: {  	s30 =	sadd.s32 $0x10, s10  }
0x262: {  	v12 =	vor.u32 s30, v0;
	v11 =	vmov s30  }
0x263: {  	v14 =	vshll.u32 v12, $0x3;
	v15 =	vshll.u32 v11, $0x2;
	v13 =	vand.u32 $0xFFFFFFF8, v10  }
0x264: {  	v10 =	vand.u32 $0x7, v10;
	v13 =	vadd.s32 v14, v13;
	v14 =	vand.u32 $0xE00, v15  }
0x265: {  	v11 =	vand.u32 $0x380, v11;
	v10 =	vor.u32 v10, v13;
	v13 =	vand.u32 $0x58, v12  }
0x266: {  	v13 =	vor.u32 v14, v13;
	_ =	sdelay $0x2  }
0x267: {  	v15 =	vld [tilespmem:s23+$0xFFFFFFF0]  }
0x268: {  	v16 =	vld.idx.msk [tilespmem:v10+s15+$0x0], $0xffff  }
0x269: {  	v17 =	vld.idx.msk [tilespmem:v10+s17+$0x0], $0xffff  }
0x26a: {  	v18 =	vld.idx.msk [tilespmem:v10+s19+$0x0], $0xffff;
	_ =	sdelay $0x3  }
0x26b: {  	v16 =	vmul.f32 v16, v15  }
0x26c: {  	v17 =	vmul.f32 v17, v15  }
0x26d: {  	v18 =	vmul.f32 v18, v15;
	v16 =	vsub.f32 $0.0e+00, v16  }
0x26e: {  	v17 =	vsub.f32 $0.0e+00, v17  }
0x26f: {  	v16 =	vmul.f32 $1.442695020e+00, v16;
	v18 =	vsub.f32 $0.0e+00, v18  }
0x270: {  	v17 =	vmul.f32 $1.442695020e+00, v17  }
0x271: {  	v18 =	vmul.f32 $1.442695020e+00, v18;
	(erf) = vpow2.f32 v16  }
0x272: {  	(erf) = vpow2.f32 v17  }
0x273: {  	(erf) = vpow2.f32 v18;
	_ =	sdelay $0x6  }
0x274: {  	v16 =	vpop (erf)  }
0x275: {  	v16 =	vadd.f32 $1.000000000e+00, v16;
	v17 =	vpop (erf)  }
0x276: {  	v17 =	vadd.f32 $1.000000000e+00, v17;
	v18 =	vpop (erf)  }
0x277: {  	v18 =	vadd.f32 $1.000000000e+00, v18;
	(erf) = vrcp.f32 v16  }
0x278: {  	(erf) = vrcp.f32 v17  }
0x279: {  	(erf) = vrcp.f32 v18;
	_ =	sdelay $0x1  }
0x27a: {  	v12 =	vand.u32 v7, v12;
	v10 =	vld.idx.msk [tilespmem:v10+s21+$0x0], $0xffff  }
0x27b: {  	v14 =	vor.u32 v14, v12;
	v11 =	vor.u32 v11, v12  }
0x27c: {  	v12 =	vor.u32 v4, v13  }
0x27d: {  	v13 =	vor.u32 v5, v13;
	_ =	sdelay $0x1  }
0x27e: {  	v16 =	vpop (erf)  }
0x27f: {  	v10 =	vmul.f32 v10, v15;
	[tilespmem:v14+s0+$0x0] =	vst.idx.msk $0xffff, v16;
	v14 =	vpop (erf)  }
0x280: {  	[tilespmem:v12+s0+$0x0] =	vst.idx.msk $0xffff, v14;
	v12 =	vpop (erf)  }
0x281: {  	v10 =	vmax.f32 v10, $0.0e+00;
	[tilespmem:v13+s0+$0x0] =	vst.idx.msk $0xffff, v12  }
0x282: {  	[tilespmem:v11+s7+$0x0] =	vst.idx.msk $0xffff, v10  }
0x283: {  	v10 =	vld [tilespmem:s28+$0x0];
	_ =	sdelay $0x2  }
0x284: {  	s30 =	sadd.s32 $0x20, s10  }
0x285: {  	v12 =	vor.u32 s30, v0;
	v11 =	vmov s30  }
0x286: {  	v14 =	vshll.u32 v12, $0x3;
	v15 =	vshll.u32 v11, $0x2;
	v13 =	vand.u32 $0xFFFFFFF8, v10  }
0x287: {  	v10 =	vand.u32 $0x7, v10;
	v13 =	vadd.s32 v14, v13;
	v14 =	vand.u32 $0xE00, v15  }
0x288: {  	v11 =	vand.u32 $0x380, v11;
	v10 =	vor.u32 v10, v13;
	v13 =	vand.u32 $0x68, v12  }
0x289: {  	v13 =	vor.u32 v14, v13;
	_ =	sdelay $0x2  }
0x28a: {  	v15 =	vld [tilespmem:s23+$0x0]  }
0x28b: {  	v16 =	vld.idx.msk [tilespmem:v10+s15+$0x0], $0xffff  }
0x28c: {  	v17 =	vld.idx.msk [tilespmem:v10+s17+$0x0], $0xffff  }
0x28d: {  	v18 =	vld.idx.msk [tilespmem:v10+s19+$0x0], $0xffff  }
0x28e: {  	v10 =	vld.idx.msk [tilespmem:v10+s21+$0x0], $0xffff;
	_ =	sdelay $0x2  }
0x28f: {  	v16 =	vmul.f32 v16, v15  }
0x290: {  	v17 =	vmul.f32 v17, v15  }
0x291: {  	v18 =	vmul.f32 v18, v15;
	v16 =	vsub.f32 $0.0e+00, v16  }
0x292: {  	v10 =	vmul.f32 v10, v15;
	v15 =	vsub.f32 $0.0e+00, v17  }
0x293: {  	v16 =	vmul.f32 $1.442695020e+00, v16;
	v17 =	vsub.f32 $0.0e+00, v18  }
0x294: {  	v15 =	vmul.f32 $1.442695020e+00, v15  }
0x295: {  	v17 =	vmul.f32 $1.442695020e+00, v17;
	(erf) = vpow2.f32 v16  }
0x296: {  	(erf) = vpow2.f32 v15  }
0x297: {  	(erf) = vpow2.f32 v17;
	_ =	sdelay $0x6  }
0x298: {  	v15 =	vpop (erf)  }
0x299: {  	v15 =	vadd.f32 $1.000000000e+00, v15;
	v16 =	vpop (erf)  }
0x29a: {  	v16 =	vadd.f32 $1.000000000e+00, v16;
	v17 =	vpop (erf)  }
0x29b: {  	v17 =	vadd.f32 $1.000000000e+00, v17;
	(erf) = vrcp.f32 v15  }
0x29c: {  	(erf) = vrcp.f32 v16  }
0x29d: {  	(erf) = vrcp.f32 v17;
	_ =	sdelay $0x1  }
0x29e: {  	v12 =	vand.u32 v8, v12  }
0x29f: {  	v14 =	vor.u32 v14, v12;
	v11 =	vor.u32 v11, v12  }
0x2a0: {  	v12 =	vor.u32 v4, v13  }
0x2a1: {  	v13 =	vor.u32 v5, v13;
	_ =	sdelay $0x1  }
0x2a2: {  	v15 =	vpop (erf)  }
0x2a3: {  	[tilespmem:v14+s0+$0x0] =	vst.idx.msk $0xffff, v15;
	v14 =	vpop (erf)  }
0x2a4: {  	[tilespmem:v12+s0+$0x0] =	vst.idx.msk $0xffff, v14;
	v12 =	vpop (erf)  }
0x2a5: {  	v10 =	vmax.f32 v10, $0.0e+00;
	[tilespmem:v13+s0+$0x0] =	vst.idx.msk $0xffff, v12  }
0x2a6: {  	[tilespmem:v11+s7+$0x0] =	vst.idx.msk $0xffff, v10  }
0x2a7: {  	v10 =	vld [tilespmem:s28+$0x10]  }
0x2a8: {  	v11 =	vld [tilespmem:s23+$0x10];
	_ =	sdelay $0x1  }
0x2a9: {  	s30 =	sadd.s32 $0x30, s10  }
0x2aa: {  	v12 =	vmov s30;
	v13 =	vor.u32 s30, v0  }
0x2ab: {  	v15 =	vshll.u32 v13, $0x3;
	v16 =	vshll.u32 v12, $0x2;
	v14 =	vand.u32 $0xFFFFFFF8, v10  }
0x2ac: {  	v10 =	vand.u32 $0x7, v10;
	v14 =	vadd.s32 v15, v14;
	v15 =	vand.u32 $0xE00, v16  }
0x2ad: {  	v12 =	vand.u32 $0x380, v12;
	v10 =	vor.u32 v10, v14;
	v14 =	vand.u32 $0x78, v13  }
0x2ae: {  	v14 =	vor.u32 v15, v14;
	_ =	sdelay $0x3  }
0x2af: {  	v16 =	vld.idx.msk [tilespmem:v10+s15+$0x0], $0xffff  }
0x2b0: {  	v17 =	vld.idx.msk [tilespmem:v10+s17+$0x0], $0xffff  }
0x2b1: {  	v18 =	vld.idx.msk [tilespmem:v10+s19+$0x0], $0xffff  }
0x2b2: {  	v10 =	vld.idx.msk [tilespmem:v10+s21+$0x0], $0xffff;
	_ =	sdelay $0x2  }
0x2b3: {  	v16 =	vmul.f32 v16, v11  }
0x2b4: {  	v17 =	vmul.f32 v17, v11  }
0x2b5: {  	v18 =	vmul.f32 v18, v11;
	v16 =	vsub.f32 $0.0e+00, v16  }
0x2b6: {  	v11 =	vmul.f32 v10, v11;
	v10 =	vsub.f32 $0.0e+00, v17  }
0x2b7: {  	v16 =	vmul.f32 $1.442695020e+00, v16;
	v17 =	vsub.f32 $0.0e+00, v18  }
0x2b8: {  	v10 =	vmul.f32 $1.442695020e+00, v10  }
0x2b9: {  	v17 =	vmul.f32 $1.442695020e+00, v17;
	(erf) = vpow2.f32 v16  }
0x2ba: {  	(erf) = vpow2.f32 v10  }
0x2bb: {  	(erf) = vpow2.f32 v17;
	_ =	sdelay $0x6  }
0x2bc: {  	v10 =	vpop (erf)  }
0x2bd: {  	v10 =	vadd.f32 $1.000000000e+00, v10;
	v16 =	vpop (erf)  }
0x2be: {  	v16 =	vadd.f32 $1.000000000e+00, v16;
	v17 =	vpop (erf)  }
0x2bf: {  	v17 =	vadd.f32 $1.000000000e+00, v17;
	(erf) = vrcp.f32 v10  }
0x2c0: {  	(erf) = vrcp.f32 v16  }
0x2c1: {  	(erf) = vrcp.f32 v17;
	_ =	sdelay $0x1  }
0x2c2: {  	v10 =	vand.u32 v9, v13  }
0x2c3: {  	v13 =	vor.u32 v15, v10;
	v10 =	vor.u32 v12, v10  }
0x2c4: {  	v12 =	vor.u32 v4, v14  }
0x2c5: {  	v14 =	vor.u32 v5, v14  }
.Ltmp2:
0x2c6: {  	(pc) =	sbr.rel @p0 .LBB2_7-.Ltmp2, $4  }
0x2c7: {  	v15 =	vpop (erf)  }
0x2c8: {  	[tilespmem:v13+s0+$0x0] =	vst.idx.msk $0xffff, v15;
	v13 =	vpop (erf)  }
0x2c9: {  	[tilespmem:v12+s0+$0x0] =	vst.idx.msk $0xffff, v13;
	v12 =	vpop (erf)  }
0x2ca: {  	s28 =	sadd.s32 $0x40, s28;
	v11 =	vmax.f32 v11, $0.0e+00;
	[tilespmem:v14+s0+$0x0] =	vst.idx.msk $0xffff, v12  }
0x2cb: {  	_ =	sdelay $0x1  }
0x2cc: {  	s10 =	sor.u32 s8, s20  }
0x2cd: {  	s23 =	sshll.u32 s10, $0x6  }
0x2ce: {  	[tilespmem:v10+s7+$0x0] =	vst.idx.msk $0xffff, v11;
	s23 =	sadd.s32 s6, s23  }
0x2cf: {  	[hbm4b:s23+s5] =	stream.linear.scatter [tilespmem:s0], [sflag:$0x3], $0x1000, $0x38;
	[tilespmem:$0x15C00] =	vst v63  }
0x2d0: {  	_ =	swait.ge [sflag:s12], $0x1000  }
0x2d1: {  	p0 =	seq.s32 s16, $0x1F;
	s10 =	sshll.u32 s10, $0x4;
	[sflag:s12] =	ssyncset.done $0x0  }
.Ltmp3:
0x2d2: {  	s10 =	sadd.s32 s4, s10;
	[sflag:s12] =	ssyncadd.s32 $0xFFFFF000;
	(pc) =	sbr.rel @p0 .LBB2_12-.Ltmp3, $4  }
0x2d3: {  	[hbm4b:s10+s5] =	stream.linear.scatter [tilespmem:s7], [sflag:$0x3], $0x400, $0x38;
	[tilespmem:$0x15C00] =	vst v63  }
0x2d4: {  	_ =	swait.ge [sflag:s12], $0x400  }
0x2d5: {  	[sflag:s12] =	ssyncset.done $0x0  }
0x2d6: {  	[sflag:s12] =	ssyncadd.s32 $0xFFFFFC00  }
0x2d7: {  	s10 =	simm.s32 $0x0  }
0x2d8: {  	v10 =	vmov s10  }
0x2d9: {  	s23 =	rddreg [dreg:$0x6];
	v10 =	vshrl.u32 v10, $0x7  }
0x2da: {  	s20 =	sadd.s32 s20, s23;
	v11 =	vor.u32 s10, v2;
	v10 =	vmul.u32 $0x180, v10  }
0x2db: {  	s20 =	smul.u32 $0x30, s20;
	v11 =	vand.u32 $0x48, v11  }
0x2dc: {  	v10 =	vor.u32 v10, v11  }
0x2dd: {  	s20 =	sadd.s32 s1, s20;
	v10 =	vor.u32 v1, v10  }
0x2de: {  	[tilespmem:s10], [sflag:$0x3] =	stream.linear.gather [hbm4b:s20+s10], $0xC00, $0x38;
	v11 =	vadd.s32 $0x80, v10;
	[tilespmem:$0x15C00] =	vst v63  }
0x2df: {  	_ =	swait.ge [sflag:s12], $0xC00;
	v12 =	vadd.s32 $0x100, v10  }
0x2e0: {  	[sflag:s12] =	ssyncset.done $0x0  }
0x2e1: {  	[sflag:s12] =	ssyncadd.s32 $0xFFFFF400  }
0x2e2: {  	v10 =	vld.idx.msk [tilespmem:v10+s5+$0x0], $0xffff  }
0x2e3: {  	v11 =	vld.idx.msk [tilespmem:v11+s5+$0x0], $0xffff  }
0x2e4: {  	v12 =	vld.idx.msk [tilespmem:v12+s5+$0x0], $0xffff;
	_ =	sdelay $0x2  }
0x2e5: {  	v13 =	vmul.f32 $2.560000000e+02, v10  }
0x2e6: {  	v14 =	vmul.f32 $2.560000000e+02, v11  }
0x2e7: {  	v10 =	vand.u32 $0x7FFFFFFF, v10;
	v15 =	vmul.f32 $2.560000000e+02, v12;
	v13 =	vadd.f32 $1.280000000e+02, v13  }
0x2e8: {  	v11 =	vand.u32 $0x7FFFFFFF, v11;
	vm0 =	vlt.f32 v10, $5.000000000e-01;
	v10 =	vadd.f32 $1.280000000e+02, v14  }
0x2e9: {  	vm1 =	vlt.f32 v11, $5.000000000e-01;
	v11 =	vtrunc.f32 v13;
	v13 =	vadd.f32 $1.280000000e+02, v15  }
0x2ea: {  	v11 =	vcvt.f32.s32 v11;
	v10 =	vtrunc.f32 v10  }
0x2eb: {  	v12 =	vand.u32 $0x7FFFFFFF, v12;
	v13 =	vtrunc.f32 v13;
	v10 =	vcvt.f32.s32 v10  }
0x2ec: {  	vm0 =	vmand vm0, vm1;
	vm1 =	vlt.f32 v12, $5.000000000e-01;
	v12 =	vcvt.f32.s32 v13  }
0x2ed: {  	vm0 =	vmand vm0, vm1;
	v11 =	vshll.u32 v11, $0xF;
	v10 =	vshll.u32 v10, $0x7  }
0x2ee: {  	s25 =	simm.s32 $0x10;
	v13 =	vshrl.u32 v12, $0x3;
	v14 =	vshrl.u32 v12, $0x1;
	v10 =	vadd.s32 v11, v10  }
0x2ef: {  	v12 =	vand.u32 $0x7, v12;
	v11 =	vand.u32 $0x40, v14;
	v14 =	vmov s25  }
0x2f0: {  	v13 =	vand.u32 $0xF, v13;
	v10 =	vor.u32 v10, v11;
	v11 =	vshrl.u32 v14, $0x7  }
0x2f1: {  	v14 =	vor.u32 s25, v2;
	v10 =	vor.u32 v13, v10;
	v11 =	vmul.u32 $0x180, v11  }
0x2f2: {  	s20 =	simm.s32 $0x0;
	v13 =	vsel vm0, $0x3F800000, v3;
	v14 =	vand.u32 $0x58, v14;
	vm0 =	vgt.s32 v10, $0x0  }
0x2f3: {  	[tilespmem:s20+$0x1C00] =	vst v12;
	v10 =	vnsel vm0, $0x0, v10;
	v11 =	vor.u32 v11, v14  }
0x2f4: {  	[tilespmem:s20+$0x2000] =	vst v13;
	v10 =	vmin.u32 v10, $0x7FFFCF;
	v12 =	vadd.s32 v5, v11  }
0x2f5: {  	v13 =	vadd.s32 v4, v11;
	[tilespmem:s20+$0xC00] =	vst v10;
	v14 =	vor.u32 $0x30, v10  }
0x2f6: {  	v11 =	vor.u32 v1, v11;
	v15 =	vor.u32 $0x10, v10;
	[tilespmem:s20+$0x1800] =	vst v14  }
0x2f7: {  	v10 =	vor.u32 $0x20, v10;
	[tilespmem:s20+$0x1000] =	vst v15  }
0x2f8: {  	[tilespmem:s20+$0x1400] =	vst v10  }
0x2f9: {  	v10 =	vld.idx.msk [tilespmem:v12+s5+$0x0], $0xffff  }
0x2fa: {  	v12 =	vld.idx.msk [tilespmem:v13+s5+$0x0], $0xffff  }
0x2fb: {  	v11 =	vld.idx.msk [tilespmem:v11+s5+$0x0], $0xffff;
	_ =	sdelay $0x3  }
0x2fc: {  	v13 =	vmul.f32 $2.560000000e+02, v10;
	v14 =	vmul.f32 $2.560000000e+02, v12  }
0x2fd: {  	v10 =	vand.u32 $0x7FFFFFFF, v10;
	v15 =	vmul.f32 $2.560000000e+02, v11  }
0x2fe: {  	v12 =	vand.u32 $0x7FFFFFFF, v12;
	v13 =	vadd.f32 $1.280000000e+02, v13;
	v14 =	vadd.f32 $1.280000000e+02, v14  }
0x2ff: {  	vm0 =	vlt.f32 v10, $5.000000000e-01;
	v10 =	vand.u32 $0x7FFFFFFF, v11;
	v11 =	vadd.f32 $1.280000000e+02, v15  }
0x300: {  	vm1 =	vlt.f32 v10, $5.000000000e-01;
	v10 =	vtrunc.f32 v13;
	v13 =	vtrunc.f32 v14  }
0x301: {  	vm2 =	vlt.f32 v12, $5.000000000e-01;
	v11 =	vtrunc.f32 v11;
	v10 =	vcvt.f32.s32 v10  }
0x302: {  	vm1 =	vmand vm1, vm2;
	v12 =	vcvt.f32.s32 v13;
	v11 =	vcvt.f32.s32 v11  }
0x303: {  	vm0 =	vmand vm1, vm0;
	v13 =	vshrl.u32 v10, $0x3;
	v14 =	vshrl.u32 v10, $0x1  }
0x304: {  	s28 =	simm.s32 $0x20;
	v12 =	vshll.u32 v12, $0x7;
	v11 =	vshll.u32 v11, $0xF;
	v10 =	vand.u32 $0x7, v10  }
0x305: {  	v11 =	vadd.s32 v11, v12;
	v12 =	vand.u32 $0x40, v14;
	v14 =	vmov s28  }
0x306: {  	v11 =	vor.u32 v11, v12;
	v12 =	vand.u32 $0xF, v13;
	v13 =	vshrl.u32 v14, $0x7  }
0x307: {  	v11 =	vor.u32 v12, v11;
	v12 =	vor.u32 s28, v2;
	v13 =	vmul.u32 $0x180, v13  }
0x308: {  	v14 =	vsel vm0, $0x3F800000, v3;
	vm0 =	vgt.s32 v11, $0x0;
	v12 =	vand.u32 $0x68, v12  }
0x309: {  	[tilespmem:s20+$0x1C10] =	vst v10;
	v11 =	vnsel vm0, $0x0, v11;
	v12 =	vor.u32 v13, v12  }
0x30a: {  	[tilespmem:s20+$0x2010] =	vst v14;
	v10 =	vmin.u32 v11, $0x7FFFCF;
	v11 =	vadd.s32 v5, v12  }
0x30b: {  	v13 =	vor.u32 v1, v12;
	[tilespmem:s20+$0xC10] =	vst v10;
	v14 =	vor.u32 $0x10, v10  }
0x30c: {  	v12 =	vadd.s32 v4, v12;
	v15 =	vor.u32 $0x30, v10;
	[tilespmem:s20+$0x1010] =	vst v14  }
0x30d: {  	v10 =	vor.u32 $0x20, v10;
	[tilespmem:s20+$0x1810] =	vst v15  }
0x30e: {  	[tilespmem:s20+$0x1410] =	vst v10  }
0x30f: {  	v10 =	vld.idx.msk [tilespmem:v11+s5+$0x0], $0xffff  }
0x310: {  	v11 =	vld.idx.msk [tilespmem:v13+s5+$0x0], $0xffff  }
0x311: {  	v12 =	vld.idx.msk [tilespmem:v12+s5+$0x0], $0xffff;
	_ =	sdelay $0x3  }
0x312: {  	v13 =	vmul.f32 $2.560000000e+02, v10;
	v14 =	vmul.f32 $2.560000000e+02, v11  }
0x313: {  	v10 =	vand.u32 $0x7FFFFFFF, v10;
	v15 =	vmul.f32 $2.560000000e+02, v12  }
0x314: {  	v11 =	vand.u32 $0x7FFFFFFF, v11;
	v13 =	vadd.f32 $1.280000000e+02, v13;
	v14 =	vadd.f32 $1.280000000e+02, v14  }
0x315: {  	vm0 =	vlt.f32 v10, $5.000000000e-01;
	v10 =	vand.u32 $0x7FFFFFFF, v12;
	v12 =	vadd.f32 $1.280000000e+02, v15  }
0x316: {  	vm1 =	vlt.f32 v11, $5.000000000e-01;
	v11 =	vtrunc.f32 v13;
	v13 =	vtrunc.f32 v14  }
0x317: {  	vm2 =	vlt.f32 v10, $5.000000000e-01;
	v10 =	vcvt.f32.s32 v11;
	v11 =	vtrunc.f32 v12  }
0x318: {  	vm1 =	vmand vm1, vm2;
	v12 =	vcvt.f32.s32 v13;
	v11 =	vcvt.f32.s32 v11  }
0x319: {  	vm0 =	vmand vm1, vm0;
	v13 =	vshrl.u32 v10, $0x3;
	v14 =	vshrl.u32 v10, $0x1  }
0x31a: {  	s30 =	simm.s32 $0x30;
	v12 =	vshll.u32 v12, $0xF;
	v10 =	vand.u32 $0x7, v10;
	v11 =	vshll.u32 v11, $0x7  }
0x31b: {  	v11 =	vadd.s32 v12, v11;
	v12 =	vand.u32 $0x40, v14;
	v14 =	vmov s30  }
0x31c: {  	v11 =	vor.u32 v11, v12;
	v12 =	vand.u32 $0xF, v13;
	v13 =	vshrl.u32 v14, $0x7  }
0x31d: {  	v11 =	vor.u32 v12, v11;
	v12 =	vor.u32 s30, v2;
	v13 =	vmul.u32 $0x180, v13  }
0x31e: {  	v14 =	vsel vm0, $0x3F800000, v3;
	vm0 =	vgt.s32 v11, $0x0;
	v12 =	vand.u32 $0x78, v12  }
0x31f: {  	[tilespmem:s20+$0x1C20] =	vst v10;
	v11 =	vnsel vm0, $0x0, v11;
	v12 =	vor.u32 v13, v12  }
0x320: {  	[tilespmem:s20+$0x2020] =	vst v14;
	v10 =	vmin.u32 v11, $0x7FFFCF;
	v11 =	vadd.s32 v4, v12  }
0x321: {  	v13 =	vor.u32 v1, v12;
	[tilespmem:s20+$0xC20] =	vst v10;
	v14 =	vor.u32 $0x10, v10  }
0x322: {  	v12 =	vadd.s32 v5, v12;
	v15 =	vor.u32 $0x30, v10;
	[tilespmem:s20+$0x1020] =	vst v14  }
0x323: {  	v10 =	vor.u32 $0x20, v10;
	[tilespmem:s20+$0x1820] =	vst v15  }
0x324: {  	[tilespmem:s20+$0x1420] =	vst v10  }
0x325: {  	v10 =	vld.idx.msk [tilespmem:v11+s5+$0x0], $0xffff  }
0x326: {  	v11 =	vld.idx.msk [tilespmem:v13+s5+$0x0], $0xffff  }
0x327: {  	v12 =	vld.idx.msk [tilespmem:v12+s5+$0x0], $0xffff;
	_ =	sdelay $0x2  }
0x328: {  	v14 =	vand.u32 $0x7FFFFFFF, v10  }
0x329: {  	v13 =	vmul.f32 $2.560000000e+02, v11;
	v15 =	vmul.f32 $2.560000000e+02, v10;
	v10 =	vand.u32 $0x7FFFFFFF, v11  }
0x32a: {  	v11 =	vmul.f32 $2.560000000e+02, v12;
	vm0 =	vlt.f32 v10, $5.000000000e-01;
	v10 =	vand.u32 $0x7FFFFFFF, v12  }
0x32b: {  	s23 =	simm.s32 $0x0;
	s25 =	simm.s32 $0x0;
	vm1 =	vlt.f32 v14, $5.000000000e-01;
	v12 =	vadd.f32 $1.280000000e+02, v13;
	v13 =	vadd.f32 $1.280000000e+02, v15  }
.LBB2_10:
0x32c: {  	s23 =	sadd.s32 $0x4, s23;
	v11 =	vadd.f32 $1.280000000e+02, v11;
	vm0 =	vmand vm0, vm1;
	vm1 =	vlt.f32 v10, $5.000000000e-01;
	s10 =	sadd.s32 $0x40, s10;
	s25 =	sadd.s32 $0x100, s25  }
0x32d: {  	p0 =	slt.u32 s23, $0x3C;
	v10 =	vtrunc.f32 v12;
	v12 =	vtrunc.f32 v13;
	vm0 =	vmand vm0, vm1  }
0x32e: {  	v12 =	vcvt.f32.s32 v12;
	v11 =	vtrunc.f32 v11;
	v13 =	vsel vm0, $0x3F800000, v3  }
0x32f: {  	v10 =	vcvt.f32.s32 v10;
	v11 =	vcvt.f32.s32 v11;
	[tilespmem:s20+$0x2030] =	vst v13  }
0x330: {  	v12 =	vshll.u32 v12, $0x7  }
0x331: {  	v10 =	vshll.u32 v10, $0xF;
	v13 =	vshrl.u32 v11, $0x1;
	v14 =	vand.u32 $0x7, v11  }
0x332: {  	v11 =	vshrl.u32 v11, $0x3;
	v10 =	vadd.s32 v10, v12;
	v12 =	vand.u32 $0x40, v13;
	[tilespmem:s20+$0x1C30] =	vst v14  }
0x333: {  	v13 =	vmov s10;
	v11 =	vand.u32 $0xF, v11;
	v10 =	vor.u32 v10, v12  }
0x334: {  	v12 =	vshrl.u32 v13, $0x7;
	v10 =	vor.u32 v11, v10  }
0x335: {  	v11 =	vor.u32 s10, v2;
	v12 =	vmul.u32 $0x180, v12;
	vm0 =	vgt.s32 v10, $0x0  }
0x336: {  	v11 =	vand.u32 $0x48, v11;
	v10 =	vnsel vm0, $0x0, v10  }
0x337: {  	v11 =	vor.u32 v12, v11;
	v10 =	vmin.u32 v10, $0x7FFFCF  }
0x338: {  	v11 =	vor.u32 v1, v11;
	[tilespmem:s20+$0xC30] =	vst v10;
	v12 =	vor.u32 $0x10, v10;
	v13 =	vor.u32 $0x20, v10  }
0x339: {  	v14 =	vadd.s32 $0x80, v11;
	v15 =	vadd.s32 $0x100, v11;
	v10 =	vor.u32 $0x30, v10;
	[tilespmem:s20+$0x1030] =	vst v12  }
0x33a: {  	[tilespmem:s20+$0x1830] =	vst v10  }
0x33b: {  	[tilespmem:s20+$0x1430] =	vst v13;
	_ =	sdelay $0x1  }
0x33c: {  	v10 =	vld.idx.msk [tilespmem:v11+s5+$0x0], $0xffff  }
0x33d: {  	v11 =	vld.idx.msk [tilespmem:v14+s5+$0x0], $0xffff  }
0x33e: {  	v12 =	vld.idx.msk [tilespmem:v15+s5+$0x0], $0xffff;
	_ =	sdelay $0x3  }
0x33f: {  	v13 =	vmul.f32 $2.560000000e+02, v10;
	v10 =	vand.u32 $0x7FFFFFFF, v10  }
0x340: {  	v14 =	vmul.f32 $2.560000000e+02, v11;
	vm0 =	vlt.f32 v10, $5.000000000e-01;
	v10 =	vand.u32 $0x7FFFFFFF, v11  }
0x341: {  	v11 =	vadd.f32 $1.280000000e+02, v13;
	v13 =	vmul.f32 $2.560000000e+02, v12;
	vm1 =	vlt.f32 v10, $5.000000000e-01  }
0x342: {  	v12 =	vand.u32 $0x7FFFFFFF, v12;
	v10 =	vadd.f32 $1.280000000e+02, v14;
	vm0 =	vmand vm0, vm1  }
0x343: {  	vm1 =	vlt.f32 v12, $5.000000000e-01;
	v11 =	vtrunc.f32 v11;
	v13 =	vadd.f32 $1.280000000e+02, v13  }
0x344: {  	vm0 =	vmand vm0, vm1;
	v11 =	vcvt.f32.s32 v11;
	v10 =	vtrunc.f32 v10  }
0x345: {  	v10 =	vcvt.f32.s32 v10;
	v12 =	vtrunc.f32 v13;
	v13 =	vsel vm0, $0x3F800000, v3  }
0x346: {  	v12 =	vcvt.f32.s32 v12  }
0x347: {  	v11 =	vshll.u32 v11, $0xF;
	v10 =	vshll.u32 v10, $0x7  }
0x348: {  	s20 =	sadd.s32 $0x10, s10;
	v14 =	vshrl.u32 v12, $0x3;
	v10 =	vadd.s32 v11, v10;
	v11 =	vshrl.u32 v12, $0x1  }
0x349: {  	v15 =	vmov s20;
	v11 =	vand.u32 $0x40, v11;
	v14 =	vand.u32 $0xF, v14  }
0x34a: {  	v10 =	vor.u32 v10, v11;
	v11 =	vshrl.u32 v15, $0x7;
	v15 =	vor.u32 s20, v2  }
0x34b: {  	v10 =	vor.u32 v14, v10;
	v11 =	vmul.u32 $0x180, v11  }
0x34c: {  	s20 =	sshra.s32 s25, $0x2;
	v14 =	vand.u32 $0x58, v15;
	vm0 =	vgt.s32 v10, $0x0  }
0x34d: {  	v12 =	vand.u32 $0x7, v12;
	v10 =	vnsel vm0, $0x0, v10;
	v11 =	vor.u32 v11, v14;
	[tilespmem:s20+$0x2000] =	vst v13  }
0x34e: {  	v10 =	vmin.u32 v10, $0x7FFFCF;
	v13 =	vadd.s32 v5, v11;
	[tilespmem:s20+$0x1C00] =	vst v12;
	v12 =	vadd.s32 v4, v11  }
0x34f: {  	v14 =	vor.u32 $0x10, v10;
	v15 =	vor.u32 $0x20, v10;
	[tilespmem:s20+$0xC00] =	vst v10;
	v10 =	vor.u32 $0x30, v10  }
0x350: {  	[tilespmem:s20+$0x1800] =	vst v10;
	v10 =	vor.u32 v1, v11  }
0x351: {  	[tilespmem:s20+$0x1000] =	vst v14  }
0x352: {  	[tilespmem:s20+$0x1400] =	vst v15  }
0x353: {  	v11 =	vld.idx.msk [tilespmem:v13+s5+$0x0], $0xffff  }
0x354: {  	v12 =	vld.idx.msk [tilespmem:v12+s5+$0x0], $0xffff  }
0x355: {  	v10 =	vld.idx.msk [tilespmem:v10+s5+$0x0], $0xffff;
	_ =	sdelay $0x3  }
0x356: {  	v13 =	vmul.f32 $2.560000000e+02, v11;
	v11 =	vand.u32 $0x7FFFFFFF, v11  }
0x357: {  	v14 =	vmul.f32 $2.560000000e+02, v12;
	v12 =	vand.u32 $0x7FFFFFFF, v12;
	vm0 =	vlt.f32 v11, $5.000000000e-01  }
0x358: {  	v11 =	vmul.f32 $2.560000000e+02, v10;
	v13 =	vadd.f32 $1.280000000e+02, v13;
	v10 =	vand.u32 $0x7FFFFFFF, v10  }
0x359: {  	vm2 =	vlt.f32 v12, $5.000000000e-01;
	v14 =	vadd.f32 $1.280000000e+02, v14;
	vm1 =	vlt.f32 v10, $5.000000000e-01  }
0x35a: {  	v10 =	vadd.f32 $1.280000000e+02, v11;
	v11 =	vtrunc.f32 v13;
	vm1 =	vmand vm1, vm2  }
0x35b: {  	v12 =	vtrunc.f32 v14;
	v11 =	vcvt.f32.s32 v11;
	vm0 =	vmand vm1, vm0  }
0x35c: {  	v10 =	vtrunc.f32 v10;
	v12 =	vcvt.f32.s32 v12;
	v13 =	vsel vm0, $0x3F800000, v3  }
0x35d: {  	v10 =	vcvt.f32.s32 v10;
	v14 =	vshrl.u32 v11, $0x3;
	v15 =	vshrl.u32 v11, $0x1;
	[tilespmem:s20+$0x2010] =	vst v13  }
0x35e: {  	v11 =	vand.u32 $0x7, v11;
	v12 =	vshll.u32 v12, $0x7  }
0x35f: {  	s28 =	sadd.s32 $0x20, s10;
	v10 =	vshll.u32 v10, $0xF;
	[tilespmem:s20+$0x1C10] =	vst v11  }
0x360: {  	v10 =	vadd.s32 v10, v12;
	v11 =	vand.u32 $0x40, v15;
	v12 =	vmov s28  }
0x361: {  	v10 =	vor.u32 v10, v11;
	v11 =	vand.u32 $0xF, v14;
	v12 =	vshrl.u32 v12, $0x7  }
0x362: {  	v10 =	vor.u32 v11, v10;
	v11 =	vor.u32 s28, v2;
	v12 =	vmul.u32 $0x180, v12  }
0x363: {  	vm0 =	vgt.s32 v10, $0x0;
	v11 =	vand.u32 $0x68, v11  }
0x364: {  	v10 =	vnsel vm0, $0x0, v10;
	v11 =	vor.u32 v12, v11  }
0x365: {  	v10 =	vmin.u32 v10, $0x7FFFCF;
	v12 =	vor.u32 v1, v11;
	v13 =	vadd.s32 v5, v11  }
0x366: {  	v14 =	vor.u32 $0x10, v10;
	v15 =	vor.u32 $0x20, v10;
	[tilespmem:s20+$0xC10] =	vst v10;
	v10 =	vor.u32 $0x30, v10  }
0x367: {  	v11 =	vadd.s32 v4, v11;
	[tilespmem:s20+$0x1010] =	vst v14  }
0x368: {  	[tilespmem:s20+$0x1810] =	vst v10  }
0x369: {  	[tilespmem:s20+$0x1410] =	vst v15  }
0x36a: {  	v10 =	vld.idx.msk [tilespmem:v13+s5+$0x0], $0xffff  }
0x36b: {  	v12 =	vld.idx.msk [tilespmem:v12+s5+$0x0], $0xffff  }
0x36c: {  	v11 =	vld.idx.msk [tilespmem:v11+s5+$0x0], $0xffff;
	_ =	sdelay $0x3  }
0x36d: {  	v13 =	vmul.f32 $2.560000000e+02, v10;
	v10 =	vand.u32 $0x7FFFFFFF, v10  }
0x36e: {  	v14 =	vmul.f32 $2.560000000e+02, v12;
	v12 =	vand.u32 $0x7FFFFFFF, v12;
	vm0 =	vlt.f32 v10, $5.000000000e-01  }
0x36f: {  	v10 =	vmul.f32 $2.560000000e+02, v11;
	v13 =	vadd.f32 $1.280000000e+02, v13;
	v11 =	vand.u32 $0x7FFFFFFF, v11  }
0x370: {  	vm1 =	vlt.f32 v12, $5.000000000e-01;
	v14 =	vadd.f32 $1.280000000e+02, v14;
	vm2 =	vlt.f32 v11, $5.000000000e-01  }
0x371: {  	v10 =	vadd.f32 $1.280000000e+02, v10;
	v11 =	vtrunc.f32 v13;
	vm1 =	vmand vm1, vm2  }
0x372: {  	v12 =	vtrunc.f32 v14;
	v11 =	vcvt.f32.s32 v11;
	vm0 =	vmand vm1, vm0  }
0x373: {  	v12 =	vcvt.f32.s32 v12;
	v10 =	vtrunc.f32 v10;
	v13 =	vsel vm0, $0x3F800000, v3  }
0x374: {  	v10 =	vcvt.f32.s32 v10;
	v14 =	vshrl.u32 v11, $0x3;
	v15 =	vshrl.u32 v11, $0x1;
	[tilespmem:s20+$0x2020] =	vst v13  }
0x375: {  	v11 =	vand.u32 $0x7, v11;
	v12 =	vshll.u32 v12, $0xF  }
0x376: {  	s28 =	sadd.s32 $0x30, s10;
	v10 =	vshll.u32 v10, $0x7;
	[tilespmem:s20+$0x1C20] =	vst v11  }
0x377: {  	v10 =	vadd.s32 v12, v10;
	v11 =	vand.u32 $0x40, v15;
	v12 =	vmov s28  }
0x378: {  	v10 =	vor.u32 v10, v11;
	v11 =	vand.u32 $0xF, v14;
	v12 =	vshrl.u32 v12, $0x7  }
0x379: {  	v10 =	vor.u32 v11, v10;
	v11 =	vor.u32 s28, v2;
	v12 =	vmul.u32 $0x180, v12  }
0x37a: {  	vm0 =	vgt.s32 v10, $0x0;
	v11 =	vand.u32 $0x78, v11  }
0x37b: {  	v10 =	vnsel vm0, $0x0, v10;
	v11 =	vor.u32 v12, v11  }
0x37c: {  	v10 =	vmin.u32 v10, $0x7FFFCF;
	v12 =	vor.u32 v1, v11;
	v13 =	vadd.s32 v4, v11  }
0x37d: {  	v14 =	vor.u32 $0x10, v10;
	v15 =	vor.u32 $0x20, v10;
	[tilespmem:s20+$0xC20] =	vst v10;
	v10 =	vor.u32 $0x30, v10  }
0x37e: {  	v11 =	vadd.s32 v5, v11;
	[tilespmem:s20+$0x1020] =	vst v14  }
0x37f: {  	[tilespmem:s20+$0x1820] =	vst v10  }
0x380: {  	[tilespmem:s20+$0x1420] =	vst v15  }
0x381: {  	v10 =	vld.idx.msk [tilespmem:v13+s5+$0x0], $0xffff  }
0x382: {  	v12 =	vld.idx.msk [tilespmem:v12+s5+$0x0], $0xffff  }
0x383: {  	v13 =	vld.idx.msk [tilespmem:v11+s5+$0x0], $0xffff;
	_ =	sdelay $0x2  }
.Ltmp4:
0x384: {  	(pc) =	sbr.rel @p0 .LBB2_10-.Ltmp4, $4  }
0x385: {  	v14 =	vand.u32 $0x7FFFFFFF, v10  }
0x386: {  	v16 =	vmul.f32 $2.560000000e+02, v10;
	v15 =	vmul.f32 $2.560000000e+02, v12;
	v10 =	vand.u32 $0x7FFFFFFF, v12  }
0x387: {  	v11 =	vmul.f32 $2.560000000e+02, v13;
	vm0 =	vlt.f32 v10, $5.000000000e-01;
	v10 =	vand.u32 $0x7FFFFFFF, v13  }
0x388: {  	vm1 =	vlt.f32 v14, $5.000000000e-01;
	v13 =	vadd.f32 $1.280000000e+02, v16;
	v12 =	vadd.f32 $1.280000000e+02, v15  }
0x389: {  	v11 =	vadd.f32 $1.280000000e+02, v11  }
0x38a: {  	v12 =	vtrunc.f32 v12;
	v13 =	vtrunc.f32 v13  }
0x38b: {  	v13 =	vcvt.f32.s32 v13;
	v11 =	vtrunc.f32 v11  }
0x38c: {  	v12 =	vcvt.f32.s32 v12;
	v11 =	vcvt.f32.s32 v11  }
0x38d: {  	vm0 =	vmand vm0, vm1  }
0x38e: {  	v13 =	vshll.u32 v13, $0x7;
	v12 =	vshll.u32 v12, $0xF;
	v14 =	vshrl.u32 v11, $0x1  }
0x38f: {  	v12 =	vadd.s32 v12, v13;
	v61 =	vshrl.u32 v11, $0x3;
	v14 =	vand.u32 $0x40, v14  }
0x390: {  	vm14 =	vlt.f32 v10, $5.000000000e-01;
	v62 =	vand.u32 $0xF, v61;
	v10 =	vor.u32 v12, v14  }
0x391: {  	vm0 =	vmand vm0, vm14;
	v10 =	vor.u32 v62, v10  }
0x392: {  	v63 =	vsel vm0, $0x3F800000, v3;
	vm15 =	vgt.s32 v10, $0x0  }
0x393: {  	[tilespmem:s20+$0x2030] =	vst v63;
	v11 =	vand.u32 $0x7, v11;
	v10 =	vnsel vm15, $0x0, v10  }
0x394: {  	[tilespmem:s20+$0x1C30] =	vst v11;
	v10 =	vmin.u32 v10, $0x7FFFCF  }
0x395: {  	[tilespmem:s20+$0xC30] =	vst v10;
	v11 =	vor.u32 $0x10, v10  }
0x396: {  	[tilespmem:s20+$0x1030] =	vst v11;
	v11 =	vor.u32 $0x30, v10  }
0x397: {  	v10 =	vor.u32 $0x20, v10;
	[tilespmem:s20+$0x1830] =	vst v11  }
0x398: {  	s10 =	simm.s32 $0xC00;
	[tilespmem:s20+$0x1430] =	vst v10  }
0x399: {  	[tilespmem:s15], [sflag:$0x1] =	stream.indirect.gather [hbm4b:s2+s13], $0x8, s10, s13, $0xb8;
	[tilespmem:$0x15C00] =	vst v63  }
0x39a: {  	s25 =	simm.s32 $0x1000  }
0x39b: {  	[tilespmem:s17], [sflag:$0x1] =	stream.indirect.gather [hbm4b:s2+s13], $0x8, s25, s13, $0xb8;
	[tilespmem:$0x15C00] =	vst v63  }
0x39c: {  	s28 =	simm.s32 $0x1400  }
0x39d: {  	[tilespmem:s19], [sflag:$0x1] =	stream.indirect.gather [hbm4b:s2+s13], $0x8, s28, s13, $0xb8;
	[tilespmem:$0x15C00] =	vst v63  }
0x39e: {  	s30 =	simm.s32 $0x1800  }
0x39f: {  	[tilespmem:s21], [sflag:$0x1] =	stream.indirect.gather [hbm4b:s2+s13], $0x8, s30, s13, $0xb8;
	[tilespmem:$0x15C00] =	vst v63  }
.LBB2_12:
0x3a0: {  	_ =	swait.ge [sflag:s11], $0x2000  }
0x3a1: {  	[sflag:s11] =	ssyncset.done $0x0  }
0x3a2: {  	[sflag:s11] =	ssyncadd.s32 $0xFFFFE000  }
0x3a3: {  	_ =	swait.ge [sflag:s11], $0x2000  }
0x3a4: {  	[sflag:s11] =	ssyncset.done $0x0  }
0x3a5: {  	[sflag:s11] =	ssyncadd.s32 $0xFFFFE000  }
0x3a6: {  	_ =	swait.ge [sflag:s11], $0x2000  }
0x3a7: {  	[sflag:s11] =	ssyncset.done $0x0  }
0x3a8: {  	[sflag:s11] =	ssyncadd.s32 $0xFFFFE000  }
0x3a9: {  	_ =	swait.ge [sflag:s11], $0x2000  }
0x3aa: {  	[sflag:s11] =	ssyncset.done $0x0  }
0x3ab: {  	s23 =	simm.s32 $0xC020;
	[sflag:s11] =	ssyncadd.s32 $0xFFFFE000  }
0x3ac: {  	v10 =	vld [tilespmem:s23+$0xFFFFFFE0];
	_ =	sdelay $0x2  }
0x3ad: {  	s10 =	simm.s32 $0x0  }
0x3ae: {  	v11 =	vor.u32 s10, v0  }
0x3af: {  	v13 =	vshll.u32 v11, $0x3;
	v12 =	vand.u32 $0xFFFFFFF8, v10  }
0x3b0: {  	v10 =	vand.u32 $0x7, v10;
	v12 =	vadd.s32 v13, v12  }
0x3b1: {  	v10 =	vor.u32 v10, v12;
	_ =	sdelay $0x2  }
0x3b2: {  	s20 =	simm.s32 $0xC420  }
0x3b3: {  	v23 =	vld [tilespmem:s20+$0xFFFFFFE0]  }
0x3b4: {  	v24 =	vld.idx.msk [tilespmem:v10+s24+$0x0], $0xffff  }
0x3b5: {  	v14 =	vld.idx.msk [tilespmem:v10+s26+$0x0], $0xffff  }
0x3b6: {  	v15 =	vld.idx.msk [tilespmem:v10+s29+$0x0], $0xffff;
	_ =	sdelay $0x2  }
0x3b7: {  	v13 =	vmul.f32 v24, v23  }
0x3b8: {  	v14 =	vmul.f32 v14, v23  }
0x3b9: {  	v15 =	vmul.f32 v15, v23;
	v13 =	vsub.f32 $0.0e+00, v13  }
0x3ba: {  	v14 =	vsub.f32 $0.0e+00, v14  }
0x3bb: {  	v15 =	vsub.f32 $0.0e+00, v15;
	v13 =	vmul.f32 $1.442695020e+00, v13  }
0x3bc: {  	v14 =	vmul.f32 $1.442695020e+00, v14  }
0x3bd: {  	v15 =	vmul.f32 $1.442695020e+00, v15;
	(erf) = vpow2.f32 v13  }
0x3be: {  	(erf) = vpow2.f32 v14  }
0x3bf: {  	(erf) = vpow2.f32 v15;
	_ =	sdelay $0x6  }
0x3c0: {  	v13 =	vpop (erf)  }
0x3c1: {  	v13 =	vadd.f32 $1.000000000e+00, v13;
	v14 =	vpop (erf)  }
0x3c2: {  	v14 =	vadd.f32 $1.000000000e+00, v14;
	v15 =	vpop (erf)  }
0x3c3: {  	v15 =	vadd.f32 $1.000000000e+00, v15;
	(erf) = vrcp.f32 v13  }
0x3c4: {  	(erf) = vrcp.f32 v14  }
0x3c5: {  	v25 =	vmov s10;
	(erf) = vrcp.f32 v15  }
0x3c6: {  	v26 =	vshll.u32 v25, $0x2  }
0x3c7: {  	v27 =	vand.u32 $0x48, v11;
	v11 =	vand.u32 v6, v11;
	v16 =	vand.u32 $0xE00, v26  }
0x3c8: {  	v17 =	vor.u32 v16, v27;
	v16 =	vor.u32 v16, v11;
	v10 =	vld.idx.msk [tilespmem:v10+s31+$0x0], $0xffff  }
0x3c9: {  	v28 =	vor.u32 v4, v17;
	v14 =	vor.u32 v27, v26  }
0x3ca: {  	v13 =	vand.u32 $0x380, v25;
	v14 =	vor.u32 v5, v14  }
0x3cb: {  	v11 =	vor.u32 v13, v11  }
0x3cc: {  	v29 =	vpop (erf)  }
0x3cd: {  	v10 =	vmul.f32 v10, v23;
	[tilespmem:v16+s0+$0x0] =	vst.idx.msk $0xffff, v29;
	v30 =	vpop (erf)  }
0x3ce: {  	[tilespmem:v28+s0+$0x0] =	vst.idx.msk $0xffff, v30;
	v31 =	vpop (erf)  }
0x3cf: {  	v10 =	vmax.f32 v10, $0.0e+00;
	[tilespmem:v14+s0+$0x0] =	vst.idx.msk $0xffff, v31  }
0x3d0: {  	[tilespmem:v11+s7+$0x0] =	vst.idx.msk $0xffff, v10  }
0x3d1: {  	v10 =	vld [tilespmem:s23+$0xFFFFFFF0];
	_ =	sdelay $0x2  }
0x3d2: {  	s25 =	simm.s32 $0x10  }
0x3d3: {  	v11 =	vor.u32 s25, v0  }
0x3d4: {  	v33 =	vshll.u32 v11, $0x3;
	v32 =	vand.u32 $0xFFFFFFF8, v10  }
0x3d5: {  	v10 =	vand.u32 $0x7, v10;
	v12 =	vadd.s32 v33, v32  }
0x3d6: {  	v10 =	vor.u32 v10, v12;
	_ =	sdelay $0x3  }
0x3d7: {  	v34 =	vld [tilespmem:s20+$0xFFFFFFF0]  }
0x3d8: {  	v35 =	vld.idx.msk [tilespmem:v10+s24+$0x0], $0xffff  }
0x3d9: {  	v14 =	vld.idx.msk [tilespmem:v10+s26+$0x0], $0xffff  }
0x3da: {  	v15 =	vld.idx.msk [tilespmem:v10+s29+$0x0], $0xffff;
	_ =	sdelay $0x2  }
0x3db: {  	v13 =	vmul.f32 v35, v34  }
0x3dc: {  	v14 =	vmul.f32 v14, v34  }
0x3dd: {  	v15 =	vmul.f32 v15, v34;
	v13 =	vsub.f32 $0.0e+00, v13  }
0x3de: {  	v14 =	vsub.f32 $0.0e+00, v14  }
0x3df: {  	v15 =	vsub.f32 $0.0e+00, v15;
	v13 =	vmul.f32 $1.442695020e+00, v13  }
0x3e0: {  	v14 =	vmul.f32 $1.442695020e+00, v14  }
0x3e1: {  	v15 =	vmul.f32 $1.442695020e+00, v15;
	(erf) = vpow2.f32 v13  }
0x3e2: {  	(erf) = vpow2.f32 v14  }
0x3e3: {  	(erf) = vpow2.f32 v15;
	_ =	sdelay $0x6  }
0x3e4: {  	v13 =	vpop (erf)  }
0x3e5: {  	v13 =	vadd.f32 $1.000000000e+00, v13;
	v14 =	vpop (erf)  }
0x3e6: {  	v14 =	vadd.f32 $1.000000000e+00, v14;
	v15 =	vpop (erf)  }
0x3e7: {  	v15 =	vadd.f32 $1.000000000e+00, v15;
	(erf) = vrcp.f32 v13  }
0x3e8: {  	(erf) = vrcp.f32 v14  }
0x3e9: {  	v36 =	vmov s25;
	(erf) = vrcp.f32 v15  }
0x3ea: {  	v37 =	vshll.u32 v36, $0x2  }
0x3eb: {  	v38 =	vand.u32 $0x58, v11;
	v11 =	vand.u32 v7, v11;
	v14 =	vand.u32 $0xE00, v37  }
0x3ec: {  	v10 =	vld.idx.msk [tilespmem:v10+s31+$0x0], $0xffff;
	v15 =	vor.u32 v14, v38;
	v14 =	vor.u32 v14, v11  }
0x3ed: {  	v39 =	vor.u32 v4, v15  }
0x3ee: {  	v13 =	vand.u32 $0x380, v36;
	v15 =	vor.u32 v5, v15  }
0x3ef: {  	v11 =	vor.u32 v13, v11  }
0x3f0: {  	v40 =	vpop (erf)  }
0x3f1: {  	v10 =	vmul.f32 v10, v34;
	[tilespmem:v14+s0+$0x0] =	vst.idx.msk $0xffff, v40;
	v41 =	vpop (erf)  }
0x3f2: {  	[tilespmem:v39+s0+$0x0] =	vst.idx.msk $0xffff, v41;
	v42 =	vpop (erf)  }
0x3f3: {  	v10 =	vmax.f32 v10, $0.0e+00;
	[tilespmem:v15+s0+$0x0] =	vst.idx.msk $0xffff, v42  }
0x3f4: {  	[tilespmem:v11+s7+$0x0] =	vst.idx.msk $0xffff, v10  }
0x3f5: {  	v10 =	vld [tilespmem:s23+$0x0];
	_ =	sdelay $0x2  }
0x3f6: {  	s28 =	simm.s32 $0x20  }
0x3f7: {  	v11 =	vor.u32 s28, v0  }
0x3f8: {  	v44 =	vshll.u32 v11, $0x3;
	v43 =	vand.u32 $0xFFFFFFF8, v10  }
0x3f9: {  	v10 =	vand.u32 $0x7, v10;
	v12 =	vadd.s32 v44, v43  }
0x3fa: {  	v10 =	vor.u32 v10, v12;
	_ =	sdelay $0x3  }
0x3fb: {  	v45 =	vld [tilespmem:s20+$0x0]  }
0x3fc: {  	v46 =	vld.idx.msk [tilespmem:v10+s24+$0x0], $0xffff  }
0x3fd: {  	v14 =	vld.idx.msk [tilespmem:v10+s26+$0x0], $0xffff  }
0x3fe: {  	v15 =	vld.idx.msk [tilespmem:v10+s29+$0x0], $0xffff;
	_ =	sdelay $0x2  }
0x3ff: {  	v13 =	vmul.f32 v46, v45  }
0x400: {  	v14 =	vmul.f32 v14, v45  }
0x401: {  	v15 =	vmul.f32 v15, v45;
	v13 =	vsub.f32 $0.0e+00, v13  }
0x402: {  	v14 =	vsub.f32 $0.0e+00, v14  }
0x403: {  	v15 =	vsub.f32 $0.0e+00, v15;
	v13 =	vmul.f32 $1.442695020e+00, v13  }
0x404: {  	v14 =	vmul.f32 $1.442695020e+00, v14  }
0x405: {  	v15 =	vmul.f32 $1.442695020e+00, v15;
	(erf) = vpow2.f32 v13  }
0x406: {  	(erf) = vpow2.f32 v14  }
0x407: {  	(erf) = vpow2.f32 v15;
	_ =	sdelay $0x6  }
0x408: {  	v13 =	vpop (erf)  }
0x409: {  	v13 =	vadd.f32 $1.000000000e+00, v13;
	v14 =	vpop (erf)  }
0x40a: {  	v14 =	vadd.f32 $1.000000000e+00, v14;
	v15 =	vpop (erf)  }
0x40b: {  	v15 =	vadd.f32 $1.000000000e+00, v15;
	(erf) = vrcp.f32 v13  }
0x40c: {  	(erf) = vrcp.f32 v14  }
0x40d: {  	v47 =	vmov s28;
	(erf) = vrcp.f32 v15  }
0x40e: {  	v48 =	vshll.u32 v47, $0x2  }
0x40f: {  	v49 =	vand.u32 $0x68, v11;
	v11 =	vand.u32 v8, v11;
	v14 =	vand.u32 $0xE00, v48  }
0x410: {  	v10 =	vld.idx.msk [tilespmem:v10+s31+$0x0], $0xffff;
	v15 =	vor.u32 v14, v49;
	v14 =	vor.u32 v14, v11  }
0x411: {  	v50 =	vor.u32 v4, v15  }
0x412: {  	v13 =	vand.u32 $0x380, v47;
	v15 =	vor.u32 v5, v15  }
0x413: {  	v11 =	vor.u32 v13, v11  }
0x414: {  	v51 =	vpop (erf)  }
0x415: {  	v10 =	vmul.f32 v10, v45;
	[tilespmem:v14+s0+$0x0] =	vst.idx.msk $0xffff, v51;
	v52 =	vpop (erf)  }
0x416: {  	[tilespmem:v50+s0+$0x0] =	vst.idx.msk $0xffff, v52;
	v53 =	vpop (erf)  }
0x417: {  	v10 =	vmax.f32 v10, $0.0e+00;
	[tilespmem:v15+s0+$0x0] =	vst.idx.msk $0xffff, v53  }
0x418: {  	[tilespmem:v11+s7+$0x0] =	vst.idx.msk $0xffff, v10  }
0x419: {  	v10 =	vld [tilespmem:s23+$0x10];
	_ =	sdelay $0x2  }
0x41a: {  	s30 =	simm.s32 $0x30  }
0x41b: {  	v11 =	vor.u32 s30, v0  }
0x41c: {  	v55 =	vshll.u32 v11, $0x3;
	v54 =	vand.u32 $0xFFFFFFF8, v10  }
0x41d: {  	v10 =	vand.u32 $0x7, v10;
	v12 =	vadd.s32 v55, v54  }
0x41e: {  	v10 =	vor.u32 v10, v12;
	_ =	sdelay $0x3  }
0x41f: {  	v56 =	vld [tilespmem:s20+$0x10]  }
0x420: {  	v57 =	vld.idx.msk [tilespmem:v10+s24+$0x0], $0xffff  }
0x421: {  	v14 =	vld.idx.msk [tilespmem:v10+s26+$0x0], $0xffff;
	_ =	sdelay $0x3  }
0x422: {  	v15 =	vld.idx.msk [tilespmem:v10+s29+$0x0], $0xffff;
	v13 =	vmul.f32 v57, v56  }
0x423: {  	v14 =	vmul.f32 v14, v56  }
0x424: {  	v13 =	vsub.f32 $0.0e+00, v13  }
0x425: {  	v14 =	vsub.f32 $0.0e+00, v14  }
0x426: {  	v13 =	vmul.f32 $1.442695020e+00, v13  }
0x427: {  	v15 =	vmul.f32 v15, v56;
	v14 =	vmul.f32 $1.442695020e+00, v14  }
0x428: {  	(erf) = vpow2.f32 v13  }
0x429: {  	v15 =	vsub.f32 $0.0e+00, v15;
	(erf) = vpow2.f32 v14;
	_ =	sdelay $0x1  }
0x42a: {  	v15 =	vmul.f32 $1.442695020e+00, v15;
	_ =	sdelay $0x1  }
0x42b: {  	(erf) = vpow2.f32 v15;
	_ =	sdelay $0x3  }
0x42c: {  	v13 =	vpop (erf)  }
0x42d: {  	v13 =	vadd.f32 $1.000000000e+00, v13;
	v14 =	vpop (erf)  }
0x42e: {  	v14 =	vadd.f32 $1.000000000e+00, v14  }
0x42f: {  	(erf) = vrcp.f32 v13  }
0x430: {  	(erf) = vrcp.f32 v14  }
0x431: {  	v58 =	vmov s30;
	v15 =	vpop (erf)  }
0x432: {  	v59 =	vshll.u32 v58, $0x2;
	v15 =	vadd.f32 $1.000000000e+00, v15  }
0x433: {  	v60 =	vand.u32 $0x78, v11;
	v11 =	vand.u32 v9, v11;
	v14 =	vand.u32 $0xE00, v59  }
0x434: {  	v10 =	vld.idx.msk [tilespmem:v10+s31+$0x0], $0xffff;
	(erf) = vrcp.f32 v15;
	v15 =	vor.u32 v14, v60;
	v14 =	vor.u32 v14, v11  }
0x435: {  	v61 =	vor.u32 v4, v15;
	_ =	sdelay $0x2  }
0x436: {  	v62 =	vpop (erf)  }
0x437: {  	v12 =	vmul.f32 v10, v56;
	v13 =	vand.u32 $0x380, v58;
	v15 =	vor.u32 v5, v15;
	[tilespmem:v14+s0+$0x0] =	vst.idx.msk $0xffff, v62;
	v10 =	vpop (erf)  }
0x438: {  	[tilespmem:v61+s0+$0x0] =	vst.idx.msk $0xffff, v10;
	v10 =	vor.u32 v13, v11;
	_ =	sdelay $0x2  }
0x439: {  	v63 =	vpop (erf)  }
0x43a: {  	s25 =	simm.s32 $0xC060;
	s23 =	simm.s32 $0x0;
	v11 =	vmax.f32 v12, $0.0e+00;
	[tilespmem:v15+s0+$0x0] =	vst.idx.msk $0xffff, v63  }
.LBB2_13:
0x43b: {  	s23 =	sadd.s32 $0x4, s23;
	[tilespmem:v10+s7+$0x0] =	vst.idx.msk $0xffff, v11;
	s10 =	sadd.s32 $0x40, s10;
	s20 =	sadd.s32 $0x40, s20  }
0x43c: {  	v10 =	vld [tilespmem:s25+$0xFFFFFFE0];
	p0 =	slt.u32 s23, $0x3C;
	_ =	sdelay $0x3  }
0x43d: {  	v11 =	vmov s10;
	v12 =	vor.u32 s10, v0  }
0x43e: {  	v14 =	vshll.u32 v12, $0x3;
	v15 =	vand.u32 $0x48, v12;
	v13 =	vand.u32 $0xFFFFFFF8, v10  }
0x43f: {  	v10 =	vand.u32 $0x7, v10;
	v13 =	vadd.s32 v14, v13;
	v14 =	vshll.u32 v11, $0x2  }
0x440: {  	v10 =	vor.u32 v10, v13;
	v13 =	vand.u32 $0xE00, v14;
	v14 =	vor.u32 v15, v14  }
0x441: {  	v15 =	vor.u32 v13, v15;
	_ =	sdelay $0x2  }
0x442: {  	v16 =	vld [tilespmem:s20+$0xFFFFFFE0]  }
0x443: {  	v17 =	vld.idx.msk [tilespmem:v10+s24+$0x0], $0xffff  }
0x444: {  	v18 =	vld.idx.msk [tilespmem:v10+s26+$0x0], $0xffff  }
0x445: {  	v19 =	vld.idx.msk [tilespmem:v10+s29+$0x0], $0xffff;
	_ =	sdelay $0x3  }
0x446: {  	v17 =	vmul.f32 v17, v16  }
0x447: {  	v18 =	vmul.f32 v18, v16  }
0x448: {  	v19 =	vmul.f32 v19, v16;
	v17 =	vsub.f32 $0.0e+00, v17  }
0x449: {  	v18 =	vsub.f32 $0.0e+00, v18  }
0x44a: {  	v17 =	vmul.f32 $1.442695020e+00, v17;
	v19 =	vsub.f32 $0.0e+00, v19  }
0x44b: {  	v18 =	vmul.f32 $1.442695020e+00, v18  }
0x44c: {  	v19 =	vmul.f32 $1.442695020e+00, v19;
	(erf) = vpow2.f32 v17  }
0x44d: {  	(erf) = vpow2.f32 v18  }
0x44e: {  	(erf) = vpow2.f32 v19;
	_ =	sdelay $0x6  }
0x44f: {  	v17 =	vpop (erf)  }
0x450: {  	v17 =	vadd.f32 $1.000000000e+00, v17;
	v18 =	vpop (erf)  }
0x451: {  	v18 =	vadd.f32 $1.000000000e+00, v18;
	v19 =	vpop (erf)  }
0x452: {  	v19 =	vadd.f32 $1.000000000e+00, v19;
	(erf) = vrcp.f32 v17  }
0x453: {  	(erf) = vrcp.f32 v18  }
0x454: {  	(erf) = vrcp.f32 v19;
	_ =	sdelay $0x1  }
0x455: {  	v12 =	vand.u32 v6, v12;
	v10 =	vld.idx.msk [tilespmem:v10+s31+$0x0], $0xffff  }
0x456: {  	v13 =	vor.u32 v13, v12  }
0x457: {  	v15 =	vor.u32 v4, v15  }
0x458: {  	v11 =	vand.u32 $0x380, v11;
	v14 =	vor.u32 v5, v14  }
0x459: {  	v11 =	vor.u32 v11, v12  }
0x45a: {  	v12 =	vpop (erf)  }
0x45b: {  	v10 =	vmul.f32 v10, v16;
	[tilespmem:v13+s0+$0x0] =	vst.idx.msk $0xffff, v12;
	v12 =	vpop (erf)  }
0x45c: {  	[tilespmem:v15+s0+$0x0] =	vst.idx.msk $0xffff, v12;
	v12 =	vpop (erf)  }
0x45d: {  	v10 =	vmax.f32 v10, $0.0e+00;
	[tilespmem:v14+s0+$0x0] =	vst.idx.msk $0xffff, v12  }
0x45e: {  	[tilespmem:v11+s7+$0x0] =	vst.idx.msk $0xffff, v10  }
0x45f: {  	v10 =	vld [tilespmem:s25+$0xFFFFFFF0];
	_ =	sdelay $0x2  }
0x460: {  	s28 =	sadd.s32 $0x10, s10  }
0x461: {  	v12 =	vor.u32 s28, v0;
	v11 =	vmov s28  }
0x462: {  	v14 =	vshll.u32 v12, $0x3;
	v15 =	vshll.u32 v11, $0x2;
	v13 =	vand.u32 $0xFFFFFFF8, v10  }
0x463: {  	v10 =	vand.u32 $0x7, v10;
	v13 =	vadd.s32 v14, v13;
	v14 =	vand.u32 $0xE00, v15  }
0x464: {  	v10 =	vor.u32 v10, v13;
	v13 =	vand.u32 $0x58, v12  }
0x465: {  	v13 =	vor.u32 v14, v13;
	_ =	sdelay $0x2  }
0x466: {  	v15 =	vld [tilespmem:s20+$0xFFFFFFF0]  }
0x467: {  	v16 =	vld.idx.msk [tilespmem:v10+s24+$0x0], $0xffff  }
0x468: {  	v17 =	vld.idx.msk [tilespmem:v10+s26+$0x0], $0xffff  }
0x469: {  	v18 =	vld.idx.msk [tilespmem:v10+s29+$0x0], $0xffff;
	_ =	sdelay $0x3  }
0x46a: {  	v16 =	vmul.f32 v16, v15  }
0x46b: {  	v17 =	vmul.f32 v17, v15  }
0x46c: {  	v18 =	vmul.f32 v18, v15;
	v16 =	vsub.f32 $0.0e+00, v16  }
0x46d: {  	v17 =	vsub.f32 $0.0e+00, v17  }
0x46e: {  	v16 =	vmul.f32 $1.442695020e+00, v16;
	v18 =	vsub.f32 $0.0e+00, v18  }
0x46f: {  	v17 =	vmul.f32 $1.442695020e+00, v17  }
0x470: {  	v18 =	vmul.f32 $1.442695020e+00, v18;
	(erf) = vpow2.f32 v16  }
0x471: {  	(erf) = vpow2.f32 v17  }
0x472: {  	(erf) = vpow2.f32 v18;
	_ =	sdelay $0x6  }
0x473: {  	v16 =	vpop (erf)  }
0x474: {  	v16 =	vadd.f32 $1.000000000e+00, v16;
	v17 =	vpop (erf)  }
0x475: {  	v17 =	vadd.f32 $1.000000000e+00, v17;
	v18 =	vpop (erf)  }
0x476: {  	v18 =	vadd.f32 $1.000000000e+00, v18;
	(erf) = vrcp.f32 v16  }
0x477: {  	(erf) = vrcp.f32 v17  }
0x478: {  	(erf) = vrcp.f32 v18;
	_ =	sdelay $0x1  }
0x479: {  	v12 =	vand.u32 v7, v12;
	v10 =	vld.idx.msk [tilespmem:v10+s31+$0x0], $0xffff  }
0x47a: {  	v14 =	vor.u32 v14, v12  }
0x47b: {  	v16 =	vor.u32 v4, v13  }
0x47c: {  	v11 =	vand.u32 $0x380, v11;
	v13 =	vor.u32 v5, v13  }
0x47d: {  	v11 =	vor.u32 v11, v12  }
0x47e: {  	v12 =	vpop (erf)  }
0x47f: {  	v10 =	vmul.f32 v10, v15;
	[tilespmem:v14+s0+$0x0] =	vst.idx.msk $0xffff, v12;
	v12 =	vpop (erf)  }
0x480: {  	[tilespmem:v16+s0+$0x0] =	vst.idx.msk $0xffff, v12;
	v12 =	vpop (erf)  }
0x481: {  	v10 =	vmax.f32 v10, $0.0e+00;
	[tilespmem:v13+s0+$0x0] =	vst.idx.msk $0xffff, v12  }
0x482: {  	[tilespmem:v11+s7+$0x0] =	vst.idx.msk $0xffff, v10  }
0x483: {  	v10 =	vld [tilespmem:s25+$0x0];
	_ =	sdelay $0x2  }
0x484: {  	s28 =	sadd.s32 $0x20, s10  }
0x485: {  	v12 =	vor.u32 s28, v0;
	v11 =	vmov s28  }
0x486: {  	v14 =	vshll.u32 v12, $0x3;
	v15 =	vshll.u32 v11, $0x2;
	v13 =	vand.u32 $0xFFFFFFF8, v10  }
0x487: {  	v10 =	vand.u32 $0x7, v10;
	v13 =	vadd.s32 v14, v13;
	v14 =	vand.u32 $0xE00, v15  }
0x488: {  	v11 =	vand.u32 $0x380, v11;
	v10 =	vor.u32 v10, v13;
	v13 =	vand.u32 $0x68, v12  }
0x489: {  	v13 =	vor.u32 v14, v13;
	_ =	sdelay $0x2  }
0x48a: {  	v15 =	vld [tilespmem:s20+$0x0]  }
0x48b: {  	v16 =	vld.idx.msk [tilespmem:v10+s24+$0x0], $0xffff  }
0x48c: {  	v17 =	vld.idx.msk [tilespmem:v10+s26+$0x0], $0xffff  }
0x48d: {  	v18 =	vld.idx.msk [tilespmem:v10+s29+$0x0], $0xffff  }
0x48e: {  	v10 =	vld.idx.msk [tilespmem:v10+s31+$0x0], $0xffff;
	_ =	sdelay $0x2  }
0x48f: {  	v16 =	vmul.f32 v16, v15  }
0x490: {  	v17 =	vmul.f32 v17, v15  }
0x491: {  	v18 =	vmul.f32 v18, v15;
	v16 =	vsub.f32 $0.0e+00, v16  }
0x492: {  	v10 =	vmul.f32 v10, v15;
	v15 =	vsub.f32 $0.0e+00, v17  }
0x493: {  	v16 =	vmul.f32 $1.442695020e+00, v16;
	v17 =	vsub.f32 $0.0e+00, v18  }
0x494: {  	v15 =	vmul.f32 $1.442695020e+00, v15  }
0x495: {  	v17 =	vmul.f32 $1.442695020e+00, v17;
	(erf) = vpow2.f32 v16  }
0x496: {  	(erf) = vpow2.f32 v15  }
0x497: {  	(erf) = vpow2.f32 v17;
	_ =	sdelay $0x6  }
0x498: {  	v15 =	vpop (erf)  }
0x499: {  	v15 =	vadd.f32 $1.000000000e+00, v15;
	v16 =	vpop (erf)  }
0x49a: {  	v16 =	vadd.f32 $1.000000000e+00, v16;
	v17 =	vpop (erf)  }
0x49b: {  	v17 =	vadd.f32 $1.000000000e+00, v17;
	(erf) = vrcp.f32 v15  }
0x49c: {  	(erf) = vrcp.f32 v16  }
0x49d: {  	(erf) = vrcp.f32 v17;
	_ =	sdelay $0x1  }
0x49e: {  	v12 =	vand.u32 v8, v12  }
0x49f: {  	v14 =	vor.u32 v14, v12;
	v11 =	vor.u32 v11, v12  }
0x4a0: {  	v12 =	vor.u32 v4, v13  }
0x4a1: {  	v13 =	vor.u32 v5, v13;
	_ =	sdelay $0x1  }
0x4a2: {  	v15 =	vpop (erf)  }
0x4a3: {  	[tilespmem:v14+s0+$0x0] =	vst.idx.msk $0xffff, v15;
	v14 =	vpop (erf)  }
0x4a4: {  	[tilespmem:v12+s0+$0x0] =	vst.idx.msk $0xffff, v14;
	v12 =	vpop (erf)  }
0x4a5: {  	v10 =	vmax.f32 v10, $0.0e+00;
	[tilespmem:v13+s0+$0x0] =	vst.idx.msk $0xffff, v12  }
0x4a6: {  	[tilespmem:v11+s7+$0x0] =	vst.idx.msk $0xffff, v10  }
0x4a7: {  	v10 =	vld [tilespmem:s25+$0x10]  }
0x4a8: {  	v11 =	vld [tilespmem:s20+$0x10];
	_ =	sdelay $0x1  }
0x4a9: {  	s28 =	sadd.s32 $0x30, s10  }
0x4aa: {  	v12 =	vmov s28;
	v13 =	vor.u32 s28, v0  }
0x4ab: {  	v15 =	vshll.u32 v13, $0x3;
	v16 =	vshll.u32 v12, $0x2;
	v14 =	vand.u32 $0xFFFFFFF8, v10  }
0x4ac: {  	v10 =	vand.u32 $0x7, v10;
	v14 =	vadd.s32 v15, v14;
	v15 =	vand.u32 $0xE00, v16  }
0x4ad: {  	v12 =	vand.u32 $0x380, v12;
	v10 =	vor.u32 v10, v14;
	v14 =	vand.u32 $0x78, v13  }
0x4ae: {  	v14 =	vor.u32 v15, v14;
	_ =	sdelay $0x3  }
0x4af: {  	v16 =	vld.idx.msk [tilespmem:v10+s24+$0x0], $0xffff  }
0x4b0: {  	v17 =	vld.idx.msk [tilespmem:v10+s26+$0x0], $0xffff  }
0x4b1: {  	v18 =	vld.idx.msk [tilespmem:v10+s29+$0x0], $0xffff  }
0x4b2: {  	v10 =	vld.idx.msk [tilespmem:v10+s31+$0x0], $0xffff;
	_ =	sdelay $0x2  }
0x4b3: {  	v16 =	vmul.f32 v16, v11  }
0x4b4: {  	v17 =	vmul.f32 v17, v11  }
0x4b5: {  	v18 =	vmul.f32 v18, v11;
	v16 =	vsub.f32 $0.0e+00, v16  }
0x4b6: {  	v11 =	vmul.f32 v10, v11;
	v10 =	vsub.f32 $0.0e+00, v17  }
0x4b7: {  	v16 =	vmul.f32 $1.442695020e+00, v16;
	v17 =	vsub.f32 $0.0e+00, v18  }
0x4b8: {  	v10 =	vmul.f32 $1.442695020e+00, v10  }
0x4b9: {  	v17 =	vmul.f32 $1.442695020e+00, v17;
	(erf) = vpow2.f32 v16  }
0x4ba: {  	(erf) = vpow2.f32 v10  }
0x4bb: {  	(erf) = vpow2.f32 v17;
	_ =	sdelay $0x6  }
0x4bc: {  	v10 =	vpop (erf)  }
0x4bd: {  	v10 =	vadd.f32 $1.000000000e+00, v10;
	v16 =	vpop (erf)  }
0x4be: {  	v16 =	vadd.f32 $1.000000000e+00, v16;
	v17 =	vpop (erf)  }
0x4bf: {  	v17 =	vadd.f32 $1.000000000e+00, v17;
	(erf) = vrcp.f32 v10  }
0x4c0: {  	(erf) = vrcp.f32 v16  }
0x4c1: {  	(erf) = vrcp.f32 v17;
	_ =	sdelay $0x1  }
0x4c2: {  	v10 =	vand.u32 v9, v13  }
0x4c3: {  	v13 =	vor.u32 v15, v10;
	v10 =	vor.u32 v12, v10  }
0x4c4: {  	v12 =	vor.u32 v4, v14  }
0x4c5: {  	v14 =	vor.u32 v5, v14  }
.Ltmp5:
0x4c6: {  	(pc) =	sbr.rel @p0 .LBB2_13-.Ltmp5, $4  }
0x4c7: {  	v15 =	vpop (erf)  }
0x4c8: {  	[tilespmem:v13+s0+$0x0] =	vst.idx.msk $0xffff, v15;
	v13 =	vpop (erf)  }
0x4c9: {  	[tilespmem:v12+s0+$0x0] =	vst.idx.msk $0xffff, v13;
	v12 =	vpop (erf)  }
0x4ca: {  	s25 =	sadd.s32 $0x40, s25;
	v11 =	vmax.f32 v11, $0.0e+00;
	[tilespmem:v14+s0+$0x0] =	vst.idx.msk $0xffff, v12  }
0x4cb: {  	_ =	sdelay $0x1  }
0x4cc: {  	s10 =	sshll.u32 s18, $0x6  }
0x4cd: {  	s10 =	sand.u32 $0x1FFFFE00, s10  }
0x4ce: {  	[tilespmem:v10+s7+$0x0] =	vst.idx.msk $0xffff, v11;
	s10 =	sadd.s32 s6, s10  }
0x4cf: {  	[hbm4b:s10+s5] =	stream.linear.scatter [tilespmem:s0], [sflag:$0x3], $0x1000, $0x38;
	[tilespmem:$0x15C00] =	vst v63  }
0x4d0: {  	s30 =	sshll.u32 s18, $0x4;
	s16 =	sadd.s32 $0x1, s16;
	_ =	swait.ge [sflag:s12], $0x1000  }
0x4d1: {  	p0 =	sne.s32 s16, $0x20;
	s10 =	sand.u32 $0x1FFFFF80, s30;
	[sflag:s12] =	ssyncset.done $0x0  }
.Ltmp6:
0x4d2: {  	s10 =	sadd.s32 s4, s10;
	[sflag:s12] =	ssyncadd.s32 $0xFFFFF000;
	(pc) =	sbr.rel @p0 .LBB2_4-.Ltmp6, $4  }
0x4d3: {  	[hbm4b:s10+s5] =	stream.linear.scatter [tilespmem:s7], [sflag:$0x3], $0x400, $0x38;
	[tilespmem:$0x15C00] =	vst v63  }
0x4d4: {  	_ =	swait.ge [sflag:s12], $0x400  }
0x4d5: {  	[sflag:s12] =	ssyncset.done $0x0  }
0x4d6: {  	[sflag:s12] =	ssyncadd.s32 $0xFFFFFC00  }
0x4d7: {  	s14 =	rddreg [dreg:$0x8]  }
0x4d8: {  	s10 =	rddreg [dreg:$0x7];
	s14 =	sadd.s32 $0x1, s14  }
0x4d9: {  	p0 =	sne.s32 s14, s10  }
.Ltmp7:
0x4da: {  	_ = 	snop;
	(pc) =	sbr.rel @p0 .LBB2_1-.Ltmp7, $1  }
0x4db: {  	_ =	sdelay $0x3  }
0x4dc: {  	_ =	sfence.sel $0x180000  }
0x4dd: {  	[bflag:$0x0] =	sbarrier.arrive $0xFFFF  }
0x4de: {  	_ =	strace $0x90000047  }
0x4df: {  	s0 =	stileid.u32;
	[bflag:$0x2] =	sbarrier.arrive $0xFFFF  }
0x4e0: {  	p0 =	sne.s32 s0, $0x0;
	s0 =	rddreg [dreg:$0x4]  }
0x4e1: {  	s0 =	sadd.s32 @!p0 $0x100000, s0  }
0x4e2: {  	[sflag:s0] =	ssyncadd.tile.s32 @!p0 $0x1;
	_ =	shalt  }
.Lfunc_end2:
_tile_overlayer_lowered:
.L_overlay_start_2:
0x4e3: {  	(tag) =	ssettag $0x2  }
0x4e4: {  	s0 =	rddreg [dreg:$0x0];
	s2 =	stileid.u32  }
0x4e5: {  	s1 =	rddreg [dreg:$0x1];
	p0 =	sne.s32 s2, $0x0  }
0x4e6: {  	s3 =	rddreg [dreg:$0x2];
	[bflag:$0x3] =	sbarrier.arrive $0xFFFF;
	s2 =	simm.s32 @!p0 $0x1C03  }
0x4e7: {  	[timem:s3], [sflag:s2] =	dma.local @!p0 [hbm:s0], s1  }
0x4e8: {  	s0 =	simm.s32 @!p0 $0x3  }
0x4e9: {  	_ =	swait.ge @!p0 [sflag:s0], s1  }
0x4ea: {  	s1 =	ssub.s32 @!p0 $0x0, s1;
	[sflag:s0] =	ssyncset.done @!p0 $0x0  }
0x4eb: {  	[sflag:s0] =	ssyncadd.s32 @!p0 s1  }
0x4ec: {  	[bflag:$0x3] =	sbarrier.arrive $0xFFFF  }
0x4ed: {  	_ =	shalt  }

</sc_bundles>
